<compile_context>
chip_gen: v7x
topology: tpu7x:2x2x1
jax: 0.10.2.dev20260603
libtpu: 0.0.44.dev20260713+nightly
codegen_flags: <defaults>
</compile_context>

<pallas_src>
import functools

import jax
import jax.numpy as jnp
from jax import lax
from jax.experimental import pallas as pl
from jax.experimental.pallas import tpu as pltpu
from jax.experimental.pallas import tpu_sc as plsc

N = 10000
E = 320000
D = 128

NC = 2
NS = 16
NW = NC * NS
EPW = E // NW
GCH = 80
GNCHUNK = EPW // GCH
CH = 40
NCHUNK = EPW // CH
NRING = 5
NP = 10240
RPT = NP // NS


@functools.cache
def _sc_kernels():
    mesh = plsc.VectorSubcoreMesh(core_axis_name="c", subcore_axis_name="s")

    @functools.partial(
        pl.kernel,
        mesh=mesh,
        out_type=jax.ShapeDtypeStruct((E, D), jnp.float32),
        scratch_types=[pltpu.VMEM((GCH,), jnp.int32) for _ in range(2 * NRING)]
        + [pltpu.VMEM((GCH, D), jnp.float32) for _ in range(2 * NRING)]
        + [pltpu.SemaphoreType.DMA for _ in range(5 * NRING)],
    )
    def sc_gather(xs_hbm, xd_hbm, row_hbm, col_hbm, sum_out, *bufs_and_sems):
        ir = bufs_and_sems[:NRING]
        ic = bufs_and_sems[NRING:2 * NRING]
        bufs = bufs_and_sems[2 * NRING:4 * NRING]
        sems = bufs_and_sems[4 * NRING:]
        bs = bufs[:NRING]
        bd = bufs[NRING:]
        gs = sems[:NRING]
        gd = sems[NRING:2 * NRING]
        ss = sems[2 * NRING:3 * NRING]
        si = sems[3 * NRING:4 * NRING]
        sj = sems[4 * NRING:]

        wid = lax.axis_index("s") * NC + lax.axis_index("c")
        base = wid * EPW

        def load_idx(j, p):
            off = base + j * GCH
            pltpu.async_copy(row_hbm.at[pl.ds(off, GCH)], ir[p], si[p])
            pltpu.async_copy(col_hbm.at[pl.ds(off, GCH)], ic[p], sj[p])

        def wait_idx(p):
            pltpu.make_async_copy(row_hbm.at[pl.ds(base, GCH)], ir[p], si[p]).wait()
            pltpu.make_async_copy(col_hbm.at[pl.ds(base, GCH)], ic[p], sj[p]).wait()

        def gather(p):
            pltpu.async_copy(xs_hbm.at[ir[p]], bs[p], gs[p])
            pltpu.async_copy(xd_hbm.at[ic[p]], bd[p], gd[p])

        for p in range(NRING):
            load_idx(p, p)
        for p in range(NRING):
            wait_idx(p)
            gather(p)

        def body(t, carry):
            for p in range(NRING):
                j = t * NRING + p
                off = base + j * GCH
                pltpu.make_async_copy(xs_hbm.at[ir[p]], bs[p], gs[p]).wait()
                pltpu.make_async_copy(xd_hbm.at[ic[p]], bd[p], gd[p]).wait()

                def add_row(r, carry2, _bs=bs[p], _bd=bd[p]):
                    for c in range(D // 16):
                        sl = pl.ds(c * 16, 16)
                        _bs[r, sl] = _bs[r, sl] + _bd[r, sl]
                    return carry2

                lax.fori_loop(0, GCH, add_row, 0)
                pltpu.async_copy(bs[p], sum_out.at[pl.ds(off, GCH)], ss[p])

                @pl.when(j + NRING < GNCHUNK)
                def _():
                    load_idx(j + NRING, p)
                    pltpu.make_async_copy(bs[p], sum_out.at[pl.ds(base, GCH)], ss[p]).wait()
                    wait_idx(p)
                    gather(p)

            return carry

        lax.fori_loop(0, GNCHUNK // NRING, body, 0)
        for p in range(NRING):
            pltpu.make_async_copy(bs[p], sum_out.at[pl.ds(base, GCH)], ss[p]).wait()

    @functools.partial(
        pl.kernel,
        mesh=mesh,
        out_type=jax.ShapeDtypeStruct((NC * NP, D), jnp.float32),
        scratch_types=[pltpu.VMEM_SHARED((NP, D), jnp.float32)]
        + [pltpu.VMEM((CH,), jnp.int32) for _ in range(NRING)]
        + [pltpu.VMEM((CH, D), jnp.float32) for _ in range(NRING)]
        + [pltpu.SemaphoreType.DMA for _ in range(3 * NRING)],
    )
    def sc_scatter(e_hbm, col_hbm, zeros_hbm, part_out, acc, *bufs_and_sems):
        ib = bufs_and_sems[:NRING]
        rb = bufs_and_sems[NRING:2 * NRING]
        sems = bufs_and_sems[2 * NRING:]
        si = sems[:NRING]
        sr = sems[NRING:2 * NRING]
        sa = sems[2 * NRING:]

        cid = lax.axis_index("c")
        sid = lax.axis_index("s")
        base = (sid * NC + cid) * EPW
        r0 = sid * RPT

        pltpu.sync_copy(zeros_hbm.at[pl.ds(r0, RPT)], acc.at[pl.ds(r0, RPT)])
        plsc.subcore_barrier()

        def load(j, p):
            off = base + j * CH
            pltpu.async_copy(col_hbm.at[pl.ds(off, CH)], ib[p], si[p])
            pltpu.async_copy(e_hbm.at[pl.ds(off, CH)], rb[p], sr[p])

        for p in range(NRING):
            load(p, p)

        def body(t, carry):
            for p in range(NRING):
                j = t * NRING + p
                pltpu.make_async_copy(col_hbm.at[pl.ds(base, CH)], ib[p], si[p]).wait()
                pltpu.make_async_copy(e_hbm.at[pl.ds(base, CH)], rb[p], sr[p]).wait()
                pltpu.async_copy(rb[p], acc.at[ib[p]], sa[p], add=True)

                @pl.when(j + NRING < NCHUNK)
                def _():
                    pltpu.make_async_copy(rb[p], acc.at[ib[p]], sa[p]).wait()
                    load(j + NRING, p)

            return carry

        lax.fori_loop(0, NCHUNK // NRING, body, 0)
        for p in range(NRING):
            pltpu.make_async_copy(rb[p], acc.at[ib[p]], sa[p]).wait()
        plsc.subcore_barrier()
        pltpu.sync_copy(acc.at[pl.ds(r0, RPT)],
                        part_out.at[pl.ds(cid * NP + r0, RPT)])

    return sc_gather, sc_scatter



def _ln(h, g, bb):
    mu = jnp.mean(h, axis=-1, keepdims=True)
    var = jnp.mean((h - mu) ** 2, axis=-1, keepdims=True)
    return (h - mu) * lax.rsqrt(var + 1e-5) * g + bb


def _prep_body(x_ref, ws_ref, wd_ref, xs_ref, xd_ref):
    xv = x_ref[...]
    xs_ref[...] = jnp.dot(xv, ws_ref[...], preferred_element_type=jnp.float32)
    xd_ref[...] = jnp.dot(xv, wd_ref[...], preferred_element_type=jnp.float32)


def _edge_body(sum_ref, e_ref, w0_ref, b0_ref, w1_ref, b1_ref,
               w2_ref, b2_ref, g_ref, bb_ref, out_ref):
    h = (sum_ref[...] + b0_ref[...]
         + jnp.dot(e_ref[...], w0_ref[...], preferred_element_type=jnp.float32))
    h = jnp.maximum(h, 0.0)
    h = jnp.maximum(
        jnp.dot(h, w1_ref[...], preferred_element_type=jnp.float32) + b1_ref[...], 0.0)
    h = jnp.dot(h, w2_ref[...], preferred_element_type=jnp.float32) + b2_ref[...]
    out_ref[...] = _ln(h, g_ref[...], bb_ref[...])


def _node_body(x_ref, p0_ref, p1_ref, wx_ref, wa_ref, b0_ref, w1_ref, b1_ref,
               w2_ref, b2_ref, g_ref, bb_ref, out_ref):
    agg = p0_ref[...] + p1_ref[...]
    h = (jnp.dot(x_ref[...], wx_ref[...], preferred_element_type=jnp.float32)
         + jnp.dot(agg, wa_ref[...], preferred_element_type=jnp.float32)
         + b0_ref[...])
    h = jnp.maximum(h, 0.0)
    h = jnp.maximum(
        jnp.dot(h, w1_ref[...], preferred_element_type=jnp.float32) + b1_ref[...], 0.0)
    h = jnp.dot(h, w2_ref[...], preferred_element_type=jnp.float32) + b2_ref[...]
    out_ref[...] = _ln(h, g_ref[...], bb_ref[...])


BN = 1000
BE = 2000

_w = pl.BlockSpec((D, D), lambda i: (0, 0))
_v = pl.BlockSpec((1, D), lambda i: (0, 0))
_nblk = pl.BlockSpec((BN, D), lambda i: (i, 0))
_eblk = pl.BlockSpec((BE, D), lambda i: (i, 0))


def _prep(x, ws, wd):
    return pl.pallas_call(
        _prep_body,
        grid=(N // BN,),
        in_specs=[_nblk, _w, _w],
        out_specs=(_nblk, _nblk),
        out_shape=(jax.ShapeDtypeStruct((N, D), jnp.float32),
                   jax.ShapeDtypeStruct((N, D), jnp.float32)),
    )(x, ws, wd)


def _edge_mlp(sumb, e, w0, b0, w1, b1, w2, b2, g, bb):
    return pl.pallas_call(
        _edge_body,
        grid=(E // BE,),
        in_specs=[_eblk, _eblk, _w, _v, _w, _v, _w, _v, _v, _v],
        out_specs=_eblk,
        out_shape=jax.ShapeDtypeStruct((E, D), jnp.float32),
    )(sumb, e, w0, b0, w1, b1, w2, b2, g, bb)


def _node_mlp(x, p0, p1, wx, wa, b0, w1, b1, w2, b2, g, bb):
    return pl.pallas_call(
        _node_body,
        grid=(N // BN,),
        in_specs=[_nblk, _nblk, _nblk, _w, _w, _v, _w, _v, _w, _v, _v, _v],
        out_specs=_nblk,
        out_shape=jax.ShapeDtypeStruct((N, D), jnp.float32),
    )(x, p0, p1, wx, wa, b0, w1, b1, w2, b2, g, bb)



def kernel(x, edge_attr, edge_index, eW0, eb0, eW1, eb1, eW2, eb2, eg, ebb,
           nW0, nb0, nW1, nb1, nW2, nb2, ng, nbb):
    row = edge_index[0]
    col = edge_index[1]
    zeros = jnp.zeros((NP, D), jnp.float32)
    r1 = lambda a: a.reshape(1, D)
    _sc_gather, _sc_scatter = _sc_kernels()

    for i in range(eW0.shape[0]):
        ws, wd, we = eW0[i, :D], eW0[i, D:2 * D], eW0[i, 2 * D:]
        xs, xd = _prep(x, ws, wd)
        sumb = _sc_gather(xs, xd, row, col)
        edge_attr = _edge_mlp(sumb, edge_attr, we, r1(eb0[i]),
                              eW1[i], r1(eb1[i]), eW2[i], r1(eb2[i]),
                              r1(eg[i]), r1(ebb[i]))
        parts = _sc_scatter(edge_attr, col, zeros)
        x = _node_mlp(x, parts[:N], parts[NP:NP + N], nW0[i, :D], nW0[i, D:],
                      r1(nb0[i]), nW1[i], r1(nb1[i]), nW2[i], r1(nb2[i]),
                      r1(ng[i]), r1(nbb[i]))
    return x, edge_attr

# --- scband reference (transcript-rebuilt; emitter-appended) ---
"""Pipeline reference for scband-graph-processor-39247411151377 (READ-ONLY COPY).

The authoritative reference and input builder live on the scoring server;
editing this copy changes nothing except your own understanding.
"""

import jax, jax.numpy as jnp
import numpy as np

N = 10000
E = 320000
D = 128
NBLK = 2  # mp_iterations


def _mlp(h, W0, b0, W1, b1, W2, b2, g, beta):
    h = jax.nn.relu(h @ W0 + b0)
    h = jax.nn.relu(h @ W1 + b1)
    h = h @ W2 + b2
    mu = jnp.mean(h, axis=-1, keepdims=True)
    var = jnp.var(h, axis=-1, keepdims=True)
    return (h - mu) / jnp.sqrt(var + 1e-5) * g + beta


def setup_inputs(seed: int = 0) -> dict:
    key = jax.random.key(seed)
    ks = jax.random.split(key, 16)
    x = jax.random.normal(ks[0], (N, D), dtype=jnp.float32)
    edge_attr = jax.random.normal(ks[1], (E, D), dtype=jnp.float32)
    edge_index = jax.random.randint(ks[2], (2, E), 0, N, dtype=jnp.int32)

    def lin(k, fi, fo):
        return (jax.random.normal(k, (NBLK, fi, fo), dtype=jnp.float32) / np.sqrt(fi)).astype(jnp.float32)

    e_in = 3 * D  # 2*in_dim_node + in_dim_edge
    n_in = 2 * D  # in_dim_node + in_dim_edge
    inp = {
        "x": x,
        "edge_attr": edge_attr,
        "edge_index": edge_index,
        "eW0": lin(ks[3], e_in, D), "eb0": jnp.zeros((NBLK, D), jnp.float32),
        "eW1": lin(ks[4], D, D),    "eb1": jnp.zeros((NBLK, D), jnp.float32),
        "eW2": lin(ks[5], D, D),    "eb2": jnp.zeros((NBLK, D), jnp.float32),
        "eg": jnp.ones((NBLK, D), jnp.float32), "ebb": jnp.zeros((NBLK, D), jnp.float32),
        "nW0": lin(ks[6], n_in, D), "nb0": jnp.zeros((NBLK, D), jnp.float32),
        "nW1": lin(ks[7], D, D),    "nb1": jnp.zeros((NBLK, D), jnp.float32),
        "nW2": lin(ks[8], D, D),    "nb2": jnp.zeros((NBLK, D), jnp.float32),
        "ng": jnp.ones((NBLK, D), jnp.float32), "nbb": jnp.zeros((NBLK, D), jnp.float32),
    }
    return inp


def reference(x, edge_attr, edge_index, eW0, eb0, eW1, eb1, eW2, eb2, eg, ebb,
              nW0, nb0, nW1, nb1, nW2, nb2, ng, nbb):
    row = edge_index[0]
    col = edge_index[1]
    n_nodes = x.shape[0]
    for i in range(NBLK):
        # MetaLayer edge model: EdgeProcessor(x[row], x[col], edge_attr)
        src = x[row]
        dst = x[col]
        e_h = jnp.concatenate([src, dst, edge_attr], axis=-1)
        edge_attr = _mlp(e_h, eW0[i], eb0[i], eW1[i], eb1[i], eW2[i], eb2[i], eg[i], ebb[i])
        # MetaLayer node model: NodeProcessor -> scatter_sum over dst, concat, MLP
        agg = jax.ops.segment_sum(edge_attr, col, num_segments=n_nodes)
        n_h = jnp.concatenate([x, agg], axis=-1)
        x = _mlp(n_h, nW0[i], nb0[i], nW1[i], nb1[i], nW2[i], nb2[i], ng[i], nbb[i])
    return x, edge_attr

if __name__ == "__main__":
    import jax
    _d = setup_inputs()
    print(jax.jit(kernel)(*tuple(_d.values())))

</pallas_src>

<mosaic_0001>
#map = affine_map<(d0, d1) -> (0, 0)>
#map1 = affine_map<(d0, d1) -> (0)>
module attributes {stable_mosaic.version = 14 : i64} {
  func.func @sc_scatter(%arg0: i32, %arg1: i32, %arg2: memref<320000x128xf32, #tpu.memory_space<hbm>>, %arg3: memref<320000xi32, #tpu.memory_space<hbm>>, %arg4: memref<10240x128xf32, #tpu.memory_space<hbm>>, %arg5: memref<20480x128xf32, #tpu.memory_space<hbm>>, %arg6: memref<10240x128xf32, #tpu.memory_space<vmem_shared>>, %arg7: memref<40xi32, #tpu.memory_space<vmem>>, %arg8: memref<40xi32, #tpu.memory_space<vmem>>, %arg9: memref<40xi32, #tpu.memory_space<vmem>>, %arg10: memref<40xi32, #tpu.memory_space<vmem>>, %arg11: memref<40xi32, #tpu.memory_space<vmem>>, %arg12: memref<40x128xf32, #tpu.memory_space<vmem>>, %arg13: memref<40x128xf32, #tpu.memory_space<vmem>>, %arg14: memref<40x128xf32, #tpu.memory_space<vmem>>, %arg15: memref<40x128xf32, #tpu.memory_space<vmem>>, %arg16: memref<40x128xf32, #tpu.memory_space<vmem>>, %arg17: memref<!tpu.dma_semaphore, #tpu.memory_space<semaphore_mem>>, %arg18: memref<!tpu.dma_semaphore, #tpu.memory_space<semaphore_mem>>, %arg19: memref<!tpu.dma_semaphore, #tpu.memory_space<semaphore_mem>>, %arg20: memref<!tpu.dma_semaphore, #tpu.memory_space<semaphore_mem>>, %arg21: memref<!tpu.dma_semaphore, #tpu.memory_space<semaphore_mem>>, %arg22: memref<!tpu.dma_semaphore, #tpu.memory_space<semaphore_mem>>, %arg23: memref<!tpu.dma_semaphore, #tpu.memory_space<semaphore_mem>>, %arg24: memref<!tpu.dma_semaphore, #tpu.memory_space<semaphore_mem>>, %arg25: memref<!tpu.dma_semaphore, #tpu.memory_space<semaphore_mem>>, %arg26: memref<!tpu.dma_semaphore, #tpu.memory_space<semaphore_mem>>, %arg27: memref<!tpu.dma_semaphore, #tpu.memory_space<semaphore_mem>>, %arg28: memref<!tpu.dma_semaphore, #tpu.memory_space<semaphore_mem>>, %arg29: memref<!tpu.dma_semaphore, #tpu.memory_space<semaphore_mem>>, %arg30: memref<!tpu.dma_semaphore, #tpu.memory_space<semaphore_mem>>, %arg31: memref<!tpu.dma_semaphore, #tpu.memory_space<semaphore_mem>>) attributes {dimension_semantics = [#tpu.dimension_semantics<core_parallel>, #tpu.dimension_semantics<subcore_parallel>], iteration_bounds = array<i64: 2, 16>, scalar_prefetch = 0 : i64, scratch_operands = 26 : i64, tpu.core_type = #tpu.core_type<sc_vector_subcore>, window_params = [{transform_indices = #map}, {transform_indices = #map1}, {transform_indices = #map}, {transform_indices = #map}]} {
    %mul3A = arith.constant 2 : i32
    %mul3A_0 = arith.muli %arg1, %mul3A : i32
    %add3A = arith.addi %mul3A_0, %arg0 : i32
    %mul3A_1 = arith.constant 10000 : i32
    %mul3A_2 = arith.muli %add3A, %mul3A_1 : i32
    %mul3A_3 = arith.constant 640 : i32
    %mul3A_4 = arith.muli %arg1, %mul3A_3 : i32
    "tpu.region"() ({
      %run_scoped3A = tpu.sem_alloc : memref<!tpu.dma_semaphore, #tpu.memory_space<semaphore_mem>>
      %dma_start3A_67 = arith.constant 0 : i32
      %dma_start3A_68 = tpu.memref_slice %arg6[%mul3A_4, %dma_start3A_67] : memref<10240x128xf32, #tpu.memory_space<vmem_shared>> -> memref<640x128xf32, #tpu.memory_space<vmem_shared>>
      %dma_start3A_69 = arith.constant 0 : i32
      %dma_start3A_70 = tpu.memref_slice %arg4[%mul3A_4, %dma_start3A_69] : memref<10240x128xf32, #tpu.memory_space<hbm>> -> memref<640x128xf32, #tpu.memory_space<hbm>>
      tpu.enqueue_dma source(%dma_start3A_70 : memref<640x128xf32, #tpu.memory_space<hbm>>) target(%dma_start3A_68 : memref<640x128xf32, #tpu.memory_space<vmem_shared>>) target_semaphore(%run_scoped3A : memref<!tpu.dma_semaphore, #tpu.memory_space<semaphore_mem>>)
      %dma_wait3A_71 = arith.constant 0 : i32
      %dma_wait3A_72 = tpu.memref_slice %arg6[%mul3A_4, %dma_wait3A_71] : memref<10240x128xf32, #tpu.memory_space<vmem_shared>> -> memref<640x128xf32, #tpu.memory_space<vmem_shared>>
      %dma_wait3A_73 = arith.constant 0 : i32
      %dma_wait3A_74 = tpu.memref_slice %arg4[%mul3A_4, %dma_wait3A_73] : memref<10240x128xf32, #tpu.memory_space<hbm>> -> memref<640x128xf32, #tpu.memory_space<hbm>>
      tpu.wait_dma2 semaphore(%run_scoped3A : memref<!tpu.dma_semaphore, #tpu.memory_space<semaphore_mem>>) src(%dma_wait3A_74 : memref<640x128xf32, #tpu.memory_space<hbm>>) dst(%dma_wait3A_72 : memref<640x128xf32, #tpu.memory_space<vmem_shared>>)
      tpu.yield
    }) : () -> ()
    %barrier3A = arith.constant 0 : index
    tpu.barrier barrier_id(%barrier3A)
    %add3A_5 = arith.constant 0 : i32
    %add3A_6 = arith.addi %mul3A_2, %add3A_5 : i32
    %dma_start3A = tpu.memref_slice %arg3[%add3A_6] : memref<320000xi32, #tpu.memory_space<hbm>> -> memref<40xi32, #tpu.memory_space<hbm>>
    %dma_start3A_7 = tpu.memref_slice %arg3[%add3A_6] : memref<320000xi32, #tpu.memory_space<hbm>> -> memref<40xi32, #tpu.memory_space<hbm>>
    tpu.enqueue_dma source(%dma_start3A_7 : memref<40xi32, #tpu.memory_space<hbm>>) target(%arg7 : memref<40xi32, #tpu.memory_space<vmem>>) target_semaphore(%arg17 : memref<!tpu.dma_semaphore, #tpu.memory_space<semaphore_mem>>)
    %dma_start3A_8 = arith.constant 0 : i32
    %dma_start3A_9 = tpu.memref_slice %arg2[%add3A_6, %dma_start3A_8] : memref<320000x128xf32, #tpu.memory_space<hbm>> -> memref<40x128xf32, #tpu.memory_space<hbm>>
    %dma_start3A_10 = arith.constant 0 : i32
    %dma_start3A_11 = tpu.memref_slice %arg2[%add3A_6, %dma_start3A_10] : memref<320000x128xf32, #tpu.memory_space<hbm>> -> memref<40x128xf32, #tpu.memory_space<hbm>>
    tpu.enqueue_dma source(%dma_start3A_11 : memref<40x128xf32, #tpu.memory_space<hbm>>) target(%arg12 : memref<40x128xf32, #tpu.memory_space<vmem>>) target_semaphore(%arg22 : memref<!tpu.dma_semaphore, #tpu.memory_space<semaphore_mem>>)
    %add3A_12 = arith.constant 40 : i32
    %add3A_13 = arith.addi %mul3A_2, %add3A_12 : i32
    %dma_start3A_14 = tpu.memref_slice %arg3[%add3A_13] : memref<320000xi32, #tpu.memory_space<hbm>> -> memref<40xi32, #tpu.memory_space<hbm>>
    %dma_start3A_15 = tpu.memref_slice %arg3[%add3A_13] : memref<320000xi32, #tpu.memory_space<hbm>> -> memref<40xi32, #tpu.memory_space<hbm>>
    tpu.enqueue_dma source(%dma_start3A_15 : memref<40xi32, #tpu.memory_space<hbm>>) target(%arg8 : memref<40xi32, #tpu.memory_space<vmem>>) target_semaphore(%arg18 : memref<!tpu.dma_semaphore, #tpu.memory_space<semaphore_mem>>)
    %dma_start3A_16 = arith.constant 0 : i32
    %dma_start3A_17 = tpu.memref_slice %arg2[%add3A_13, %dma_start3A_16] : memref<320000x128xf32, #tpu.memory_space<hbm>> -> memref<40x128xf32, #tpu.memory_space<hbm>>
    %dma_start3A_18 = arith.constant 0 : i32
    %dma_start3A_19 = tpu.memref_slice %arg2[%add3A_13, %dma_start3A_18] : memref<320000x128xf32, #tpu.memory_space<hbm>> -> memref<40x128xf32, #tpu.memory_space<hbm>>
    tpu.enqueue_dma source(%dma_start3A_19 : memref<40x128xf32, #tpu.memory_space<hbm>>) target(%arg13 : memref<40x128xf32, #tpu.memory_space<vmem>>) target_semaphore(%arg23 : memref<!tpu.dma_semaphore, #tpu.memory_space<semaphore_mem>>)
    %add3A_20 = arith.constant 80 : i32
    %add3A_21 = arith.addi %mul3A_2, %add3A_20 : i32
    %dma_start3A_22 = tpu.memref_slice %arg3[%add3A_21] : memref<320000xi32, #tpu.memory_space<hbm>> -> memref<40xi32, #tpu.memory_space<hbm>>
    %dma_start3A_23 = tpu.memref_slice %arg3[%add3A_21] : memref<320000xi32, #tpu.memory_space<hbm>> -> memref<40xi32, #tpu.memory_space<hbm>>
    tpu.enqueue_dma source(%dma_start3A_23 : memref<40xi32, #tpu.memory_space<hbm>>) target(%arg9 : memref<40xi32, #tpu.memory_space<vmem>>) target_semaphore(%arg19 : memref<!tpu.dma_semaphore, #tpu.memory_space<semaphore_mem>>)
    %dma_start3A_24 = arith.constant 0 : i32
    %dma_start3A_25 = tpu.memref_slice %arg2[%add3A_21, %dma_start3A_24] : memref<320000x128xf32, #tpu.memory_space<hbm>> -> memref<40x128xf32, #tpu.memory_space<hbm>>
    %dma_start3A_26 = arith.constant 0 : i32
    %dma_start3A_27 = tpu.memref_slice %arg2[%add3A_21, %dma_start3A_26] : memref<320000x128xf32, #tpu.memory_space<hbm>> -> memref<40x128xf32, #tpu.memory_space<hbm>>
    tpu.enqueue_dma source(%dma_start3A_27 : memref<40x128xf32, #tpu.memory_space<hbm>>) target(%arg14 : memref<40x128xf32, #tpu.memory_space<vmem>>) target_semaphore(%arg24 : memref<!tpu.dma_semaphore, #tpu.memory_space<semaphore_mem>>)
    %add3A_28 = arith.constant 120 : i32
    %add3A_29 = arith.addi %mul3A_2, %add3A_28 : i32
    %dma_start3A_30 = tpu.memref_slice %arg3[%add3A_29] : memref<320000xi32, #tpu.memory_space<hbm>> -> memref<40xi32, #tpu.memory_space<hbm>>
    %dma_start3A_31 = tpu.memref_slice %arg3[%add3A_29] : memref<320000xi32, #tpu.memory_space<hbm>> -> memref<40xi32, #tpu.memory_space<hbm>>
    tpu.enqueue_dma source(%dma_start3A_31 : memref<40xi32, #tpu.memory_space<hbm>>) target(%arg10 : memref<40xi32, #tpu.memory_space<vmem>>) target_semaphore(%arg20 : memref<!tpu.dma_semaphore, #tpu.memory_space<semaphore_mem>>)
    %dma_start3A_32 = arith.constant 0 : i32
    %dma_start3A_33 = tpu.memref_slice %arg2[%add3A_29, %dma_start3A_32] : memref<320000x128xf32, #tpu.memory_space<hbm>> -> memref<40x128xf32, #tpu.memory_space<hbm>>
    %dma_start3A_34 = arith.constant 0 : i32
    %dma_start3A_35 = tpu.memref_slice %arg2[%add3A_29, %dma_start3A_34] : memref<320000x128xf32, #tpu.memory_space<hbm>> -> memref<40x128xf32, #tpu.memory_space<hbm>>
    tpu.enqueue_dma source(%dma_start3A_35 : memref<40x128xf32, #tpu.memory_space<hbm>>) target(%arg15 : memref<40x128xf32, #tpu.memory_space<vmem>>) target_semaphore(%arg25 : memref<!tpu.dma_semaphore, #tpu.memory_space<semaphore_mem>>)
    %add3A_36 = arith.constant 160 : i32
    %add3A_37 = arith.addi %mul3A_2, %add3A_36 : i32
    %dma_start3A_38 = tpu.memref_slice %arg3[%add3A_37] : memref<320000xi32, #tpu.memory_space<hbm>> -> memref<40xi32, #tpu.memory_space<hbm>>
    %dma_start3A_39 = tpu.memref_slice %arg3[%add3A_37] : memref<320000xi32, #tpu.memory_space<hbm>> -> memref<40xi32, #tpu.memory_space<hbm>>
    tpu.enqueue_dma source(%dma_start3A_39 : memref<40xi32, #tpu.memory_space<hbm>>) target(%arg11 : memref<40xi32, #tpu.memory_space<vmem>>) target_semaphore(%arg21 : memref<!tpu.dma_semaphore, #tpu.memory_space<semaphore_mem>>)
    %dma_start3A_40 = arith.constant 0 : i32
    %dma_start3A_41 = tpu.memref_slice %arg2[%add3A_37, %dma_start3A_40] : memref<320000x128xf32, #tpu.memory_space<hbm>> -> memref<40x128xf32, #tpu.memory_space<hbm>>
    %dma_start3A_42 = arith.constant 0 : i32
    %dma_start3A_43 = tpu.memref_slice %arg2[%add3A_37, %dma_start3A_42] : memref<320000x128xf32, #tpu.memory_space<hbm>> -> memref<40x128xf32, #tpu.memory_space<hbm>>
    tpu.enqueue_dma source(%dma_start3A_43 : memref<40x128xf32, #tpu.memory_space<hbm>>) target(%arg16 : memref<40x128xf32, #tpu.memory_space<vmem>>) target_semaphore(%arg26 : memref<!tpu.dma_semaphore, #tpu.memory_space<semaphore_mem>>)
    %scan3A = arith.constant 0 : i32
    %scan3A_44 = arith.constant 0 : i32
    %scan3A_45 = arith.constant 50 : i32
    %scan3A_46 = arith.addi %scan3A_44, %scan3A_45 : i32
    %scan3A_47 = arith.constant 1 : i32
    scf.for %scan3A_67 = %scan3A_44 to %scan3A_46 step %scan3A_47  : i32 {
      %mul3A_68 = arith.constant 5 : i32
      %mul3A_69 = arith.muli %scan3A_67, %mul3A_68 : i32
      %add3A_70 = arith.constant 0 : i32
      %add3A_71 = arith.addi %mul3A_69, %add3A_70 : i32
      %dma_wait3A_72 = tpu.memref_slice %arg3[%mul3A_2] : memref<320000xi32, #tpu.memory_space<hbm>> -> memref<40xi32, #tpu.memory_space<hbm>>
      %dma_wait3A_73 = tpu.memref_slice %arg3[%mul3A_2] : memref<320000xi32, #tpu.memory_space<hbm>> -> memref<40xi32, #tpu.memory_space<hbm>>
      tpu.wait_dma2 semaphore(%arg17 : memref<!tpu.dma_semaphore, #tpu.memory_space<semaphore_mem>>) src(%dma_wait3A_73 : memref<40xi32, #tpu.memory_space<hbm>>) dst(%arg7 : memref<40xi32, #tpu.memory_space<vmem>>)
      %dma_wait3A_74 = arith.constant 0 : i32
      %dma_wait3A_75 = tpu.memref_slice %arg2[%mul3A_2, %dma_wait3A_74] : memref<320000x128xf32, #tpu.memory_space<hbm>> -> memref<40x128xf32, #tpu.memory_space<hbm>>
      %dma_wait3A_76 = arith.constant 0 : i32
      %dma_wait3A_77 = tpu.memref_slice %arg2[%mul3A_2, %dma_wait3A_76] : memref<320000x128xf32, #tpu.memory_space<hbm>> -> memref<40x128xf32, #tpu.memory_space<hbm>>
      tpu.wait_dma2 semaphore(%arg22 : memref<!tpu.dma_semaphore, #tpu.memory_space<semaphore_mem>>) src(%dma_wait3A_77 : memref<40x128xf32, #tpu.memory_space<hbm>>) dst(%arg12 : memref<40x128xf32, #tpu.memory_space<vmem>>)
      %dma_start3A_78 = arith.constant 0 : i32
      %dma_start3A_79 = arith.constant 0 : i32
      %dma_start3A_80 = tpu.memref_slice %arg6[%dma_start3A_78, %dma_start3A_79] : memref<10240x128xf32, #tpu.memory_space<vmem_shared>> -> memref<10240x128xf32, #tpu.memory_space<vmem_shared>>
      tpu.enqueue_indirect_dma source(%arg12 : memref<40x128xf32, #tpu.memory_space<vmem>>) target(%dma_start3A_80 : memref<10240x128xf32, #tpu.memory_space<vmem_shared>>) offsets(%arg7 : memref<40xi32, #tpu.memory_space<vmem>>) semaphore(%arg27 : memref<!tpu.dma_semaphore, #tpu.memory_space<semaphore_mem>>) {add = true}
      %add3A_81 = arith.constant 5 : i32
      %add3A_82 = arith.addi %add3A_71, %add3A_81 : i32
      %lt3A = arith.constant 250 : i32
      %lt3A_83 = arith.cmpi slt, %add3A_82, %lt3A : i32
      %convert_element_type3A = arith.extui %lt3A_83 : i1 to i32
      %cond3A = arith.constant 0 : i32
      %cond3A_84 = arith.cmpi ne, %convert_element_type3A, %cond3A : i32
      scf.if %cond3A_84 {
        %dma_wait3A_165 = arith.constant 0 : i32
        %dma_wait3A_166 = arith.constant 0 : i32
        %dma_wait3A_167 = tpu.memref_slice %arg6[%dma_wait3A_165, %dma_wait3A_166] : memref<10240x128xf32, #tpu.memory_space<vmem_shared>> -> memref<10240x128xf32, #tpu.memory_space<vmem_shared>>
        tpu.wait_indirect_dma semaphore(%arg27 : memref<!tpu.dma_semaphore, #tpu.memory_space<semaphore_mem>>) src(%arg12 : memref<40x128xf32, #tpu.memory_space<vmem>>) dst(%dma_wait3A_167 : memref<10240x128xf32, #tpu.memory_space<vmem_shared>>)
        %add3A_168 = arith.constant 5 : i32
        %add3A_169 = arith.addi %add3A_71, %add3A_168 : i32
        %mul3A_170 = arith.constant 40 : i32
        %mul3A_171 = arith.muli %add3A_169, %mul3A_170 : i32
        %add3A_172 = arith.addi %mul3A_2, %mul3A_171 : i32
        %dma_start3A_173 = tpu.memref_slice %arg3[%add3A_172] : memref<320000xi32, #tpu.memory_space<hbm>> -> memref<40xi32, #tpu.memory_space<hbm>>
        %dma_start3A_174 = tpu.memref_slice %arg3[%add3A_172] : memref<320000xi32, #tpu.memory_space<hbm>> -> memref<40xi32, #tpu.memory_space<hbm>>
        tpu.enqueue_dma source(%dma_start3A_174 : memref<40xi32, #tpu.memory_space<hbm>>) target(%arg7 : memref<40xi32, #tpu.memory_space<vmem>>) target_semaphore(%arg17 : memref<!tpu.dma_semaphore, #tpu.memory_space<semaphore_mem>>)
        %dma_start3A_175 = arith.constant 0 : i32
        %dma_start3A_176 = tpu.memref_slice %arg2[%add3A_172, %dma_start3A_175] : memref<320000x128xf32, #tpu.memory_space<hbm>> -> memref<40x128xf32, #tpu.memory_space<hbm>>
        %dma_start3A_177 = arith.constant 0 : i32
        %dma_start3A_178 = tpu.memref_slice %arg2[%add3A_172, %dma_start3A_177] : memref<320000x128xf32, #tpu.memory_space<hbm>> -> memref<40x128xf32, #tpu.memory_space<hbm>>
        tpu.enqueue_dma source(%dma_start3A_178 : memref<40x128xf32, #tpu.memory_space<hbm>>) target(%arg12 : memref<40x128xf32, #tpu.memory_space<vmem>>) target_semaphore(%arg22 : memref<!tpu.dma_semaphore, #tpu.memory_space<semaphore_mem>>)
      } else {
      }
      %mul3A_85 = arith.constant 5 : i32
      %mul3A_86 = arith.muli %scan3A_67, %mul3A_85 : i32
      %add3A_87 = arith.constant 1 : i32
      %add3A_88 = arith.addi %mul3A_86, %add3A_87 : i32
      %dma_wait3A_89 = tpu.memref_slice %arg3[%mul3A_2] : memref<320000xi32, #tpu.memory_space<hbm>> -> memref<40xi32, #tpu.memory_space<hbm>>
      %dma_wait3A_90 = tpu.memref_slice %arg3[%mul3A_2] : memref<320000xi32, #tpu.memory_space<hbm>> -> memref<40xi32, #tpu.memory_space<hbm>>
      tpu.wait_dma2 semaphore(%arg18 : memref<!tpu.dma_semaphore, #tpu.memory_space<semaphore_mem>>) src(%dma_wait3A_90 : memref<40xi32, #tpu.memory_space<hbm>>) dst(%arg8 : memref<40xi32, #tpu.memory_space<vmem>>)
      %dma_wait3A_91 = arith.constant 0 : i32
      %dma_wait3A_92 = tpu.memref_slice %arg2[%mul3A_2, %dma_wait3A_91] : memref<320000x128xf32, #tpu.memory_space<hbm>> -> memref<40x128xf32, #tpu.memory_space<hbm>>
      %dma_wait3A_93 = arith.constant 0 : i32
      %dma_wait3A_94 = tpu.memref_slice %arg2[%mul3A_2, %dma_wait3A_93] : memref<320000x128xf32, #tpu.memory_space<hbm>> -> memref<40x128xf32, #tpu.memory_space<hbm>>
      tpu.wait_dma2 semaphore(%arg23 : memref<!tpu.dma_semaphore, #tpu.memory_space<semaphore_mem>>) src(%dma_wait3A_94 : memref<40x128xf32, #tpu.memory_space<hbm>>) dst(%arg13 : memref<40x128xf32, #tpu.memory_space<vmem>>)
      %dma_start3A_95 = arith.constant 0 : i32
      %dma_start3A_96 = arith.constant 0 : i32
      %dma_start3A_97 = tpu.memref_slice %arg6[%dma_start3A_95, %dma_start3A_96] : memref<10240x128xf32, #tpu.memory_space<vmem_shared>> -> memref<10240x128xf32, #tpu.memory_space<vmem_shared>>
      tpu.enqueue_indirect_dma source(%arg13 : memref<40x128xf32, #tpu.memory_space<vmem>>) target(%dma_start3A_97 : memref<10240x128xf32, #tpu.memory_space<vmem_shared>>) offsets(%arg8 : memref<40xi32, #tpu.memory_space<vmem>>) semaphore(%arg28 : memref<!tpu.dma_semaphore, #tpu.memory_space<semaphore_mem>>) {add = true}
      %add3A_98 = arith.constant 5 : i32
      %add3A_99 = arith.addi %add3A_88, %add3A_98 : i32
      %lt3A_100 = arith.constant 250 : i32
      %lt3A_101 = arith.cmpi slt, %add3A_99, %lt3A_100 : i32
      %convert_element_type3A_102 = arith.extui %lt3A_101 : i1 to i32
      %cond3A_103 = arith.constant 0 : i32
      %cond3A_104 = arith.cmpi ne, %convert_element_type3A_102, %cond3A_103 : i32
      scf.if %cond3A_104 {
        %dma_wait3A_165 = arith.constant 0 : i32
        %dma_wait3A_166 = arith.constant 0 : i32
        %dma_wait3A_167 = tpu.memref_slice %arg6[%dma_wait3A_165, %dma_wait3A_166] : memref<10240x128xf32, #tpu.memory_space<vmem_shared>> -> memref<10240x128xf32, #tpu.memory_space<vmem_shared>>
        tpu.wait_indirect_dma semaphore(%arg28 : memref<!tpu.dma_semaphore, #tpu.memory_space<semaphore_mem>>) src(%arg13 : memref<40x128xf32, #tpu.memory_space<vmem>>) dst(%dma_wait3A_167 : memref<10240x128xf32, #tpu.memory_space<vmem_shared>>)
        %add3A_168 = arith.constant 5 : i32
        %add3A_169 = arith.addi %add3A_88, %add3A_168 : i32
        %mul3A_170 = arith.constant 40 : i32
        %mul3A_171 = arith.muli %add3A_169, %mul3A_170 : i32
        %add3A_172 = arith.addi %mul3A_2, %mul3A_171 : i32
        %dma_start3A_173 = tpu.memref_slice %arg3[%add3A_172] : memref<320000xi32, #tpu.memory_space<hbm>> -> memref<40xi32, #tpu.memory_space<hbm>>
        %dma_start3A_174 = tpu.memref_slice %arg3[%add3A_172] : memref<320000xi32, #tpu.memory_space<hbm>> -> memref<40xi32, #tpu.memory_space<hbm>>
        tpu.enqueue_dma source(%dma_start3A_174 : memref<40xi32, #tpu.memory_space<hbm>>) target(%arg8 : memref<40xi32, #tpu.memory_space<vmem>>) target_semaphore(%arg18 : memref<!tpu.dma_semaphore, #tpu.memory_space<semaphore_mem>>)
        %dma_start3A_175 = arith.constant 0 : i32
        %dma_start3A_176 = tpu.memref_slice %arg2[%add3A_172, %dma_start3A_175] : memref<320000x128xf32, #tpu.memory_space<hbm>> -> memref<40x128xf32, #tpu.memory_space<hbm>>
        %dma_start3A_177 = arith.constant 0 : i32
        %dma_start3A_178 = tpu.memref_slice %arg2[%add3A_172, %dma_start3A_177] : memref<320000x128xf32, #tpu.memory_space<hbm>> -> memref<40x128xf32, #tpu.memory_space<hbm>>
        tpu.enqueue_dma source(%dma_start3A_178 : memref<40x128xf32, #tpu.memory_space<hbm>>) target(%arg13 : memref<40x128xf32, #tpu.memory_space<vmem>>) target_semaphore(%arg23 : memref<!tpu.dma_semaphore, #tpu.memory_space<semaphore_mem>>)
      } else {
      }
      %mul3A_105 = arith.constant 5 : i32
      %mul3A_106 = arith.muli %scan3A_67, %mul3A_105 : i32
      %add3A_107 = arith.constant 2 : i32
      %add3A_108 = arith.addi %mul3A_106, %add3A_107 : i32
      %dma_wait3A_109 = tpu.memref_slice %arg3[%mul3A_2] : memref<320000xi32, #tpu.memory_space<hbm>> -> memref<40xi32, #tpu.memory_space<hbm>>
      %dma_wait3A_110 = tpu.memref_slice %arg3[%mul3A_2] : memref<320000xi32, #tpu.memory_space<hbm>> -> memref<40xi32, #tpu.memory_space<hbm>>
      tpu.wait_dma2 semaphore(%arg19 : memref<!tpu.dma_semaphore, #tpu.memory_space<semaphore_mem>>) src(%dma_wait3A_110 : memref<40xi32, #tpu.memory_space<hbm>>) dst(%arg9 : memref<40xi32, #tpu.memory_space<vmem>>)
      %dma_wait3A_111 = arith.constant 0 : i32
      %dma_wait3A_112 = tpu.memref_slice %arg2[%mul3A_2, %dma_wait3A_111] : memref<320000x128xf32, #tpu.memory_space<hbm>> -> memref<40x128xf32, #tpu.memory_space<hbm>>
      %dma_wait3A_113 = arith.constant 0 : i32
      %dma_wait3A_114 = tpu.memref_slice %arg2[%mul3A_2, %dma_wait3A_113] : memref<320000x128xf32, #tpu.memory_space<hbm>> -> memref<40x128xf32, #tpu.memory_space<hbm>>
      tpu.wait_dma2 semaphore(%arg24 : memref<!tpu.dma_semaphore, #tpu.memory_space<semaphore_mem>>) src(%dma_wait3A_114 : memref<40x128xf32, #tpu.memory_space<hbm>>) dst(%arg14 : memref<40x128xf32, #tpu.memory_space<vmem>>)
      %dma_start3A_115 = arith.constant 0 : i32
      %dma_start3A_116 = arith.constant 0 : i32
      %dma_start3A_117 = tpu.memref_slice %arg6[%dma_start3A_115, %dma_start3A_116] : memref<10240x128xf32, #tpu.memory_space<vmem_shared>> -> memref<10240x128xf32, #tpu.memory_space<vmem_shared>>
      tpu.enqueue_indirect_dma source(%arg14 : memref<40x128xf32, #tpu.memory_space<vmem>>) target(%dma_start3A_117 : memref<10240x128xf32, #tpu.memory_space<vmem_shared>>) offsets(%arg9 : memref<40xi32, #tpu.memory_space<vmem>>) semaphore(%arg29 : memref<!tpu.dma_semaphore, #tpu.memory_space<semaphore_mem>>) {add = true}
      %add3A_118 = arith.constant 5 : i32
      %add3A_119 = arith.addi %add3A_108, %add3A_118 : i32
      %lt3A_120 = arith.constant 250 : i32
      %lt3A_121 = arith.cmpi slt, %add3A_119, %lt3A_120 : i32
      %convert_element_type3A_122 = arith.extui %lt3A_121 : i1 to i32
      %cond3A_123 = arith.constant 0 : i32
      %cond3A_124 = arith.cmpi ne, %convert_element_type3A_122, %cond3A_123 : i32
      scf.if %cond3A_124 {
        %dma_wait3A_165 = arith.constant 0 : i32
        %dma_wait3A_166 = arith.constant 0 : i32
        %dma_wait3A_167 = tpu.memref_slice %arg6[%dma_wait3A_165, %dma_wait3A_166] : memref<10240x128xf32, #tpu.memory_space<vmem_shared>> -> memref<10240x128xf32, #tpu.memory_space<vmem_shared>>
        tpu.wait_indirect_dma semaphore(%arg29 : memref<!tpu.dma_semaphore, #tpu.memory_space<semaphore_mem>>) src(%arg14 : memref<40x128xf32, #tpu.memory_space<vmem>>) dst(%dma_wait3A_167 : memref<10240x128xf32, #tpu.memory_space<vmem_shared>>)
        %add3A_168 = arith.constant 5 : i32
        %add3A_169 = arith.addi %add3A_108, %add3A_168 : i32
        %mul3A_170 = arith.constant 40 : i32
        %mul3A_171 = arith.muli %add3A_169, %mul3A_170 : i32
        %add3A_172 = arith.addi %mul3A_2, %mul3A_171 : i32
        %dma_start3A_173 = tpu.memref_slice %arg3[%add3A_172] : memref<320000xi32, #tpu.memory_space<hbm>> -> memref<40xi32, #tpu.memory_space<hbm>>
        %dma_start3A_174 = tpu.memref_slice %arg3[%add3A_172] : memref<320000xi32, #tpu.memory_space<hbm>> -> memref<40xi32, #tpu.memory_space<hbm>>
        tpu.enqueue_dma source(%dma_start3A_174 : memref<40xi32, #tpu.memory_space<hbm>>) target(%arg9 : memref<40xi32, #tpu.memory_space<vmem>>) target_semaphore(%arg19 : memref<!tpu.dma_semaphore, #tpu.memory_space<semaphore_mem>>)
        %dma_start3A_175 = arith.constant 0 : i32
        %dma_start3A_176 = tpu.memref_slice %arg2[%add3A_172, %dma_start3A_175] : memref<320000x128xf32, #tpu.memory_space<hbm>> -> memref<40x128xf32, #tpu.memory_space<hbm>>
        %dma_start3A_177 = arith.constant 0 : i32
        %dma_start3A_178 = tpu.memref_slice %arg2[%add3A_172, %dma_start3A_177] : memref<320000x128xf32, #tpu.memory_space<hbm>> -> memref<40x128xf32, #tpu.memory_space<hbm>>
        tpu.enqueue_dma source(%dma_start3A_178 : memref<40x128xf32, #tpu.memory_space<hbm>>) target(%arg14 : memref<40x128xf32, #tpu.memory_space<vmem>>) target_semaphore(%arg24 : memref<!tpu.dma_semaphore, #tpu.memory_space<semaphore_mem>>)
      } else {
      }
      %mul3A_125 = arith.constant 5 : i32
      %mul3A_126 = arith.muli %scan3A_67, %mul3A_125 : i32
      %add3A_127 = arith.constant 3 : i32
      %add3A_128 = arith.addi %mul3A_126, %add3A_127 : i32
      %dma_wait3A_129 = tpu.memref_slice %arg3[%mul3A_2] : memref<320000xi32, #tpu.memory_space<hbm>> -> memref<40xi32, #tpu.memory_space<hbm>>
      %dma_wait3A_130 = tpu.memref_slice %arg3[%mul3A_2] : memref<320000xi32, #tpu.memory_space<hbm>> -> memref<40xi32, #tpu.memory_space<hbm>>
      tpu.wait_dma2 semaphore(%arg20 : memref<!tpu.dma_semaphore, #tpu.memory_space<semaphore_mem>>) src(%dma_wait3A_130 : memref<40xi32, #tpu.memory_space<hbm>>) dst(%arg10 : memref<40xi32, #tpu.memory_space<vmem>>)
      %dma_wait3A_131 = arith.constant 0 : i32
      %dma_wait3A_132 = tpu.memref_slice %arg2[%mul3A_2, %dma_wait3A_131] : memref<320000x128xf32, #tpu.memory_space<hbm>> -> memref<40x128xf32, #tpu.memory_space<hbm>>
      %dma_wait3A_133 = arith.constant 0 : i32
      %dma_wait3A_134 = tpu.memref_slice %arg2[%mul3A_2, %dma_wait3A_133] : memref<320000x128xf32, #tpu.memory_space<hbm>> -> memref<40x128xf32, #tpu.memory_space<hbm>>
      tpu.wait_dma2 semaphore(%arg25 : memref<!tpu.dma_semaphore, #tpu.memory_space<semaphore_mem>>) src(%dma_wait3A_134 : memref<40x128xf32, #tpu.memory_space<hbm>>) dst(%arg15 : memref<40x128xf32, #tpu.memory_space<vmem>>)
      %dma_start3A_135 = arith.constant 0 : i32
      %dma_start3A_136 = arith.constant 0 : i32
      %dma_start3A_137 = tpu.memref_slice %arg6[%dma_start3A_135, %dma_start3A_136] : memref<10240x128xf32, #tpu.memory_space<vmem_shared>> -> memref<10240x128xf32, #tpu.memory_space<vmem_shared>>
      tpu.enqueue_indirect_dma source(%arg15 : memref<40x128xf32, #tpu.memory_space<vmem>>) target(%dma_start3A_137 : memref<10240x128xf32, #tpu.memory_space<vmem_shared>>) offsets(%arg10 : memref<40xi32, #tpu.memory_space<vmem>>) semaphore(%arg30 : memref<!tpu.dma_semaphore, #tpu.memory_space<semaphore_mem>>) {add = true}
      %add3A_138 = arith.constant 5 : i32
      %add3A_139 = arith.addi %add3A_128, %add3A_138 : i32
      %lt3A_140 = arith.constant 250 : i32
      %lt3A_141 = arith.cmpi slt, %add3A_139, %lt3A_140 : i32
      %convert_element_type3A_142 = arith.extui %lt3A_141 : i1 to i32
      %cond3A_143 = arith.constant 0 : i32
      %cond3A_144 = arith.cmpi ne, %convert_element_type3A_142, %cond3A_143 : i32
      scf.if %cond3A_144 {
        %dma_wait3A_165 = arith.constant 0 : i32
        %dma_wait3A_166 = arith.constant 0 : i32
        %dma_wait3A_167 = tpu.memref_slice %arg6[%dma_wait3A_165, %dma_wait3A_166] : memref<10240x128xf32, #tpu.memory_space<vmem_shared>> -> memref<10240x128xf32, #tpu.memory_space<vmem_shared>>
        tpu.wait_indirect_dma semaphore(%arg30 : memref<!tpu.dma_semaphore, #tpu.memory_space<semaphore_mem>>) src(%arg15 : memref<40x128xf32, #tpu.memory_space<vmem>>) dst(%dma_wait3A_167 : memref<10240x128xf32, #tpu.memory_space<vmem_shared>>)
        %add3A_168 = arith.constant 5 : i32
        %add3A_169 = arith.addi %add3A_128, %add3A_168 : i32
        %mul3A_170 = arith.constant 40 : i32
        %mul3A_171 = arith.muli %add3A_169, %mul3A_170 : i32
        %add3A_172 = arith.addi %mul3A_2, %mul3A_171 : i32
        %dma_start3A_173 = tpu.memref_slice %arg3[%add3A_172] : memref<320000xi32, #tpu.memory_space<hbm>> -> memref<40xi32, #tpu.memory_space<hbm>>
        %dma_start3A_174 = tpu.memref_slice %arg3[%add3A_172] : memref<320000xi32, #tpu.memory_space<hbm>> -> memref<40xi32, #tpu.memory_space<hbm>>
        tpu.enqueue_dma source(%dma_start3A_174 : memref<40xi32, #tpu.memory_space<hbm>>) target(%arg10 : memref<40xi32, #tpu.memory_space<vmem>>) target_semaphore(%arg20 : memref<!tpu.dma_semaphore, #tpu.memory_space<semaphore_mem>>)
        %dma_start3A_175 = arith.constant 0 : i32
        %dma_start3A_176 = tpu.memref_slice %arg2[%add3A_172, %dma_start3A_175] : memref<320000x128xf32, #tpu.memory_space<hbm>> -> memref<40x128xf32, #tpu.memory_space<hbm>>
        %dma_start3A_177 = arith.constant 0 : i32
        %dma_start3A_178 = tpu.memref_slice %arg2[%add3A_172, %dma_start3A_177] : memref<320000x128xf32, #tpu.memory_space<hbm>> -> memref<40x128xf32, #tpu.memory_space<hbm>>
        tpu.enqueue_dma source(%dma_start3A_178 : memref<40x128xf32, #tpu.memory_space<hbm>>) target(%arg15 : memref<40x128xf32, #tpu.memory_space<vmem>>) target_semaphore(%arg25 : memref<!tpu.dma_semaphore, #tpu.memory_space<semaphore_mem>>)
      } else {
      }
      %mul3A_145 = arith.constant 5 : i32
      %mul3A_146 = arith.muli %scan3A_67, %mul3A_145 : i32
      %add3A_147 = arith.constant 4 : i32
      %add3A_148 = arith.addi %mul3A_146, %add3A_147 : i32
      %dma_wait3A_149 = tpu.memref_slice %arg3[%mul3A_2] : memref<320000xi32, #tpu.memory_space<hbm>> -> memref<40xi32, #tpu.memory_space<hbm>>
      %dma_wait3A_150 = tpu.memref_slice %arg3[%mul3A_2] : memref<320000xi32, #tpu.memory_space<hbm>> -> memref<40xi32, #tpu.memory_space<hbm>>
      tpu.wait_dma2 semaphore(%arg21 : memref<!tpu.dma_semaphore, #tpu.memory_space<semaphore_mem>>) src(%dma_wait3A_150 : memref<40xi32, #tpu.memory_space<hbm>>) dst(%arg11 : memref<40xi32, #tpu.memory_space<vmem>>)
      %dma_wait3A_151 = arith.constant 0 : i32
      %dma_wait3A_152 = tpu.memref_slice %arg2[%mul3A_2, %dma_wait3A_151] : memref<320000x128xf32, #tpu.memory_space<hbm>> -> memref<40x128xf32, #tpu.memory_space<hbm>>
      %dma_wait3A_153 = arith.constant 0 : i32
      %dma_wait3A_154 = tpu.memref_slice %arg2[%mul3A_2, %dma_wait3A_153] : memref<320000x128xf32, #tpu.memory_space<hbm>> -> memref<40x128xf32, #tpu.memory_space<hbm>>
      tpu.wait_dma2 semaphore(%arg26 : memref<!tpu.dma_semaphore, #tpu.memory_space<semaphore_mem>>) src(%dma_wait3A_154 : memref<40x128xf32, #tpu.memory_space<hbm>>) dst(%arg16 : memref<40x128xf32, #tpu.memory_space<vmem>>)
      %dma_start3A_155 = arith.constant 0 : i32
      %dma_start3A_156 = arith.constant 0 : i32
      %dma_start3A_157 = tpu.memref_slice %arg6[%dma_start3A_155, %dma_start3A_156] : memref<10240x128xf32, #tpu.memory_space<vmem_shared>> -> memref<10240x128xf32, #tpu.memory_space<vmem_shared>>
      tpu.enqueue_indirect_dma source(%arg16 : memref<40x128xf32, #tpu.memory_space<vmem>>) target(%dma_start3A_157 : memref<10240x128xf32, #tpu.memory_space<vmem_shared>>) offsets(%arg11 : memref<40xi32, #tpu.memory_space<vmem>>) semaphore(%arg31 : memref<!tpu.dma_semaphore, #tpu.memory_space<semaphore_mem>>) {add = true}
      %add3A_158 = arith.constant 5 : i32
      %add3A_159 = arith.addi %add3A_148, %add3A_158 : i32
      %lt3A_160 = arith.constant 250 : i32
      %lt3A_161 = arith.cmpi slt, %add3A_159, %lt3A_160 : i32
      %convert_element_type3A_162 = arith.extui %lt3A_161 : i1 to i32
      %cond3A_163 = arith.constant 0 : i32
      %cond3A_164 = arith.cmpi ne, %convert_element_type3A_162, %cond3A_163 : i32
      scf.if %cond3A_164 {
        %dma_wait3A_165 = arith.constant 0 : i32
        %dma_wait3A_166 = arith.constant 0 : i32
        %dma_wait3A_167 = tpu.memref_slice %arg6[%dma_wait3A_165, %dma_wait3A_166] : memref<10240x128xf32, #tpu.memory_space<vmem_shared>> -> memref<10240x128xf32, #tpu.memory_space<vmem_shared>>
        tpu.wait_indirect_dma semaphore(%arg31 : memref<!tpu.dma_semaphore, #tpu.memory_space<semaphore_mem>>) src(%arg16 : memref<40x128xf32, #tpu.memory_space<vmem>>) dst(%dma_wait3A_167 : memref<10240x128xf32, #tpu.memory_space<vmem_shared>>)
        %add3A_168 = arith.constant 5 : i32
        %add3A_169 = arith.addi %add3A_148, %add3A_168 : i32
        %mul3A_170 = arith.constant 40 : i32
        %mul3A_171 = arith.muli %add3A_169, %mul3A_170 : i32
        %add3A_172 = arith.addi %mul3A_2, %mul3A_171 : i32
        %dma_start3A_173 = tpu.memref_slice %arg3[%add3A_172] : memref<320000xi32, #tpu.memory_space<hbm>> -> memref<40xi32, #tpu.memory_space<hbm>>
        %dma_start3A_174 = tpu.memref_slice %arg3[%add3A_172] : memref<320000xi32, #tpu.memory_space<hbm>> -> memref<40xi32, #tpu.memory_space<hbm>>
        tpu.enqueue_dma source(%dma_start3A_174 : memref<40xi32, #tpu.memory_space<hbm>>) target(%arg11 : memref<40xi32, #tpu.memory_space<vmem>>) target_semaphore(%arg21 : memref<!tpu.dma_semaphore, #tpu.memory_space<semaphore_mem>>)
        %dma_start3A_175 = arith.constant 0 : i32
        %dma_start3A_176 = tpu.memref_slice %arg2[%add3A_172, %dma_start3A_175] : memref<320000x128xf32, #tpu.memory_space<hbm>> -> memref<40x128xf32, #tpu.memory_space<hbm>>
        %dma_start3A_177 = arith.constant 0 : i32
        %dma_start3A_178 = tpu.memref_slice %arg2[%add3A_172, %dma_start3A_177] : memref<320000x128xf32, #tpu.memory_space<hbm>> -> memref<40x128xf32, #tpu.memory_space<hbm>>
        tpu.enqueue_dma source(%dma_start3A_178 : memref<40x128xf32, #tpu.memory_space<hbm>>) target(%arg16 : memref<40x128xf32, #tpu.memory_space<vmem>>) target_semaphore(%arg26 : memref<!tpu.dma_semaphore, #tpu.memory_space<semaphore_mem>>)
      } else {
      }
    }
    %scan3A_48 = arith.constant 50 : i32
    %dma_wait3A = arith.constant 0 : i32
    %dma_wait3A_49 = arith.constant 0 : i32
    %dma_wait3A_50 = tpu.memref_slice %arg6[%dma_wait3A, %dma_wait3A_49] : memref<10240x128xf32, #tpu.memory_space<vmem_shared>> -> memref<10240x128xf32, #tpu.memory_space<vmem_shared>>
    tpu.wait_indirect_dma semaphore(%arg27 : memref<!tpu.dma_semaphore, #tpu.memory_space<semaphore_mem>>) src(%arg12 : memref<40x128xf32, #tpu.memory_space<vmem>>) dst(%dma_wait3A_50 : memref<10240x128xf32, #tpu.memory_space<vmem_shared>>)
    %dma_wait3A_51 = arith.constant 0 : i32
    %dma_wait3A_52 = arith.constant 0 : i32
    %dma_wait3A_53 = tpu.memref_slice %arg6[%dma_wait3A_51, %dma_wait3A_52] : memref<10240x128xf32, #tpu.memory_space<vmem_shared>> -> memref<10240x128xf32, #tpu.memory_space<vmem_shared>>
    tpu.wait_indirect_dma semaphore(%arg28 : memref<!tpu.dma_semaphore, #tpu.memory_space<semaphore_mem>>) src(%arg13 : memref<40x128xf32, #tpu.memory_space<vmem>>) dst(%dma_wait3A_53 : memref<10240x128xf32, #tpu.memory_space<vmem_shared>>)
    %dma_wait3A_54 = arith.constant 0 : i32
    %dma_wait3A_55 = arith.constant 0 : i32
    %dma_wait3A_56 = tpu.memref_slice %arg6[%dma_wait3A_54, %dma_wait3A_55] : memref<10240x128xf32, #tpu.memory_space<vmem_shared>> -> memref<10240x128xf32, #tpu.memory_space<vmem_shared>>
    tpu.wait_indirect_dma semaphore(%arg29 : memref<!tpu.dma_semaphore, #tpu.memory_space<semaphore_mem>>) src(%arg14 : memref<40x128xf32, #tpu.memory_space<vmem>>) dst(%dma_wait3A_56 : memref<10240x128xf32, #tpu.memory_space<vmem_shared>>)
    %dma_wait3A_57 = arith.constant 0 : i32
    %dma_wait3A_58 = arith.constant 0 : i32
    %dma_wait3A_59 = tpu.memref_slice %arg6[%dma_wait3A_57, %dma_wait3A_58] : memref<10240x128xf32, #tpu.memory_space<vmem_shared>> -> memref<10240x128xf32, #tpu.memory_space<vmem_shared>>
    tpu.wait_indirect_dma semaphore(%arg30 : memref<!tpu.dma_semaphore, #tpu.memory_space<semaphore_mem>>) src(%arg15 : memref<40x128xf32, #tpu.memory_space<vmem>>) dst(%dma_wait3A_59 : memref<10240x128xf32, #tpu.memory_space<vmem_shared>>)
    %dma_wait3A_60 = arith.constant 0 : i32
    %dma_wait3A_61 = arith.constant 0 : i32
    %dma_wait3A_62 = tpu.memref_slice %arg6[%dma_wait3A_60, %dma_wait3A_61] : memref<10240x128xf32, #tpu.memory_space<vmem_shared>> -> memref<10240x128xf32, #tpu.memory_space<vmem_shared>>
    tpu.wait_indirect_dma semaphore(%arg31 : memref<!tpu.dma_semaphore, #tpu.memory_space<semaphore_mem>>) src(%arg16 : memref<40x128xf32, #tpu.memory_space<vmem>>) dst(%dma_wait3A_62 : memref<10240x128xf32, #tpu.memory_space<vmem_shared>>)
    %barrier3A_63 = arith.constant 0 : index
    tpu.barrier barrier_id(%barrier3A_63)
    %mul3A_64 = arith.constant 10240 : i32
    %mul3A_65 = arith.muli %arg0, %mul3A_64 : i32
    %add3A_66 = arith.addi %mul3A_65, %mul3A_4 : i32
    "tpu.region"() ({
      %run_scoped3A = tpu.sem_alloc : memref<!tpu.dma_semaphore, #tpu.memory_space<semaphore_mem>>
      %dma_start3A_67 = arith.constant 0 : i32
      %dma_start3A_68 = tpu.memref_slice %arg5[%add3A_66, %dma_start3A_67] : memref<20480x128xf32, #tpu.memory_space<hbm>> -> memref<640x128xf32, #tpu.memory_space<hbm>>
      %dma_start3A_69 = arith.constant 0 : i32
      %dma_start3A_70 = tpu.memref_slice %arg6[%mul3A_4, %dma_start3A_69] : memref<10240x128xf32, #tpu.memory_space<vmem_shared>> -> memref<640x128xf32, #tpu.memory_space<vmem_shared>>
      tpu.enqueue_dma source(%dma_start3A_70 : memref<640x128xf32, #tpu.memory_space<vmem_shared>>) target(%dma_start3A_68 : memref<640x128xf32, #tpu.memory_space<hbm>>) target_semaphore(%run_scoped3A : memref<!tpu.dma_semaphore, #tpu.memory_space<semaphore_mem>>)
      %dma_wait3A_71 = arith.constant 0 : i32
      %dma_wait3A_72 = tpu.memref_slice %arg5[%add3A_66, %dma_wait3A_71] : memref<20480x128xf32, #tpu.memory_space<hbm>> -> memref<640x128xf32, #tpu.memory_space<hbm>>
      %dma_wait3A_73 = arith.constant 0 : i32
      %dma_wait3A_74 = tpu.memref_slice %arg6[%mul3A_4, %dma_wait3A_73] : memref<10240x128xf32, #tpu.memory_space<vmem_shared>> -> memref<640x128xf32, #tpu.memory_space<vmem_shared>>
      tpu.wait_dma2 semaphore(%run_scoped3A : memref<!tpu.dma_semaphore, #tpu.memory_space<semaphore_mem>>) src(%dma_wait3A_74 : memref<640x128xf32, #tpu.memory_space<vmem_shared>>) dst(%dma_wait3A_72 : memref<640x128xf32, #tpu.memory_space<hbm>>)
      tpu.yield
    }) : () -> ()
    return
  }
}

#map = affine_map<(d0, d1) -> (0, 0)>
#map1 = affine_map<(d0, d1) -> (0)>
module attributes {stable_mosaic.version = 14 : i64} {
  func.func @sc_gather(%arg0: i32, %arg1: i32, %arg2: memref<10000x128xf32, #tpu.memory_space<hbm>>, %arg3: memref<10000x128xf32, #tpu.memory_space<hbm>>, %arg4: memref<320000xi32, #tpu.memory_space<hbm>>, %arg5: memref<320000xi32, #tpu.memory_space<hbm>>, %arg6: memref<320000x128xf32, #tpu.memory_space<hbm>>, %arg7: memref<80xi32, #tpu.memory_space<vmem>>, %arg8: memref<80xi32, #tpu.memory_space<vmem>>, %arg9: memref<80xi32, #tpu.memory_space<vmem>>, %arg10: memref<80xi32, #tpu.memory_space<vmem>>, %arg11: memref<80xi32, #tpu.memory_space<vmem>>, %arg12: memref<80xi32, #tpu.memory_space<vmem>>, %arg13: memref<80xi32, #tpu.memory_space<vmem>>, %arg14: memref<80xi32, #tpu.memory_space<vmem>>, %arg15: memref<80xi32, #tpu.memory_space<vmem>>, %arg16: memref<80xi32, #tpu.memory_space<vmem>>, %arg17: memref<80x128xf32, #tpu.memory_space<vmem>>, %arg18: memref<80x128xf32, #tpu.memory_space<vmem>>, %arg19: memref<80x128xf32, #tpu.memory_space<vmem>>, %arg20: memref<80x128xf32, #tpu.memory_space<vmem>>, %arg21: memref<80x128xf32, #tpu.memory_space<vmem>>, %arg22: memref<80x128xf32, #tpu.memory_space<vmem>>, %arg23: memref<80x128xf32, #tpu.memory_space<vmem>>, %arg24: memref<80x128xf32, #tpu.memory_space<vmem>>, %arg25: memref<80x128xf32, #tpu.memory_space<vmem>>, %arg26: memref<80x128xf32, #tpu.memory_space<vmem>>, %arg27: memref<!tpu.dma_semaphore, #tpu.memory_space<semaphore_mem>>, %arg28: memref<!tpu.dma_semaphore, #tpu.memory_space<semaphore_mem>>, %arg29: memref<!tpu.dma_semaphore, #tpu.memory_space<semaphore_mem>>, %arg30: memref<!tpu.dma_semaphore, #tpu.memory_space<semaphore_mem>>, %arg31: memref<!tpu.dma_semaphore, #tpu.memory_space<semaphore_mem>>, %arg32: memref<!tpu.dma_semaphore, #tpu.memory_space<semaphore_mem>>, %arg33: memref<!tpu.dma_semaphore, #tpu.memory_space<semaphore_mem>>, %arg34: memref<!tpu.dma_semaphore, #tpu.memory_space<semaphore_mem>>, %arg35: memref<!tpu.dma_semaphore, #tpu.memory_space<semaphore_mem>>, %arg36: memref<!tpu.dma_semaphore, #tpu.memory_space<semaphore_mem>>, %arg37: memref<!tpu.dma_semaphore, #tpu.memory_space<semaphore_mem>>, %arg38: memref<!tpu.dma_semaphore, #tpu.memory_space<semaphore_mem>>, %arg39: memref<!tpu.dma_semaphore, #tpu.memory_space<semaphore_mem>>, %arg40: memref<!tpu.dma_semaphore, #tpu.memory_space<semaphore_mem>>, %arg41: memref<!tpu.dma_semaphore, #tpu.memory_space<semaphore_mem>>, %arg42: memref<!tpu.dma_semaphore, #tpu.memory_space<semaphore_mem>>, %arg43: memref<!tpu.dma_semaphore, #tpu.memory_space<semaphore_mem>>, %arg44: memref<!tpu.dma_semaphore, #tpu.memory_space<semaphore_mem>>, %arg45: memref<!tpu.dma_semaphore, #tpu.memory_space<semaphore_mem>>, %arg46: memref<!tpu.dma_semaphore, #tpu.memory_space<semaphore_mem>>, %arg47: memref<!tpu.dma_semaphore, #tpu.memory_space<semaphore_mem>>, %arg48: memref<!tpu.dma_semaphore, #tpu.memory_space<semaphore_mem>>, %arg49: memref<!tpu.dma_semaphore, #tpu.memory_space<semaphore_mem>>, %arg50: memref<!tpu.dma_semaphore, #tpu.memory_space<semaphore_mem>>, %arg51: memref<!tpu.dma_semaphore, #tpu.memory_space<semaphore_mem>>) attributes {dimension_semantics = [#tpu.dimension_semantics<core_parallel>, #tpu.dimension_semantics<subcore_parallel>], iteration_bounds = array<i64: 2, 16>, scalar_prefetch = 0 : i64, scratch_operands = 45 : i64, tpu.core_type = #tpu.core_type<sc_vector_subcore>, window_params = [{transform_indices = #map}, {transform_indices = #map}, {transform_indices = #map1}, {transform_indices = #map1}, {transform_indices = #map}]} {
    %mul3A = arith.constant 2 : i32
    %mul3A_0 = arith.muli %arg1, %mul3A : i32
    %add3A = arith.addi %mul3A_0, %arg0 : i32
    %mul3A_1 = arith.constant 10000 : i32
    %mul3A_2 = arith.muli %add3A, %mul3A_1 : i32
    %add3A_3 = arith.constant 0 : i32
    %add3A_4 = arith.addi %mul3A_2, %add3A_3 : i32
    %dma_start3A = tpu.memref_slice %arg4[%add3A_4] : memref<320000xi32, #tpu.memory_space<hbm>> -> memref<80xi32, #tpu.memory_space<hbm>>
    %dma_start3A_5 = tpu.memref_slice %arg4[%add3A_4] : memref<320000xi32, #tpu.memory_space<hbm>> -> memref<80xi32, #tpu.memory_space<hbm>>
    tpu.enqueue_dma source(%dma_start3A_5 : memref<80xi32, #tpu.memory_space<hbm>>) target(%arg7 : memref<80xi32, #tpu.memory_space<vmem>>) target_semaphore(%arg42 : memref<!tpu.dma_semaphore, #tpu.memory_space<semaphore_mem>>)
    %dma_start3A_6 = tpu.memref_slice %arg5[%add3A_4] : memref<320000xi32, #tpu.memory_space<hbm>> -> memref<80xi32, #tpu.memory_space<hbm>>
    %dma_start3A_7 = tpu.memref_slice %arg5[%add3A_4] : memref<320000xi32, #tpu.memory_space<hbm>> -> memref<80xi32, #tpu.memory_space<hbm>>
    tpu.enqueue_dma source(%dma_start3A_7 : memref<80xi32, #tpu.memory_space<hbm>>) target(%arg12 : memref<80xi32, #tpu.memory_space<vmem>>) target_semaphore(%arg47 : memref<!tpu.dma_semaphore, #tpu.memory_space<semaphore_mem>>)
    %add3A_8 = arith.constant 80 : i32
    %add3A_9 = arith.addi %mul3A_2, %add3A_8 : i32
    %dma_start3A_10 = tpu.memref_slice %arg4[%add3A_9] : memref<320000xi32, #tpu.memory_space<hbm>> -> memref<80xi32, #tpu.memory_space<hbm>>
    %dma_start3A_11 = tpu.memref_slice %arg4[%add3A_9] : memref<320000xi32, #tpu.memory_space<hbm>> -> memref<80xi32, #tpu.memory_space<hbm>>
    tpu.enqueue_dma source(%dma_start3A_11 : memref<80xi32, #tpu.memory_space<hbm>>) target(%arg8 : memref<80xi32, #tpu.memory_space<vmem>>) target_semaphore(%arg43 : memref<!tpu.dma_semaphore, #tpu.memory_space<semaphore_mem>>)
    %dma_start3A_12 = tpu.memref_slice %arg5[%add3A_9] : memref<320000xi32, #tpu.memory_space<hbm>> -> memref<80xi32, #tpu.memory_space<hbm>>
    %dma_start3A_13 = tpu.memref_slice %arg5[%add3A_9] : memref<320000xi32, #tpu.memory_space<hbm>> -> memref<80xi32, #tpu.memory_space<hbm>>
    tpu.enqueue_dma source(%dma_start3A_13 : memref<80xi32, #tpu.memory_space<hbm>>) target(%arg13 : memref<80xi32, #tpu.memory_space<vmem>>) target_semaphore(%arg48 : memref<!tpu.dma_semaphore, #tpu.memory_space<semaphore_mem>>)
    %add3A_14 = arith.constant 160 : i32
    %add3A_15 = arith.addi %mul3A_2, %add3A_14 : i32
    %dma_start3A_16 = tpu.memref_slice %arg4[%add3A_15] : memref<320000xi32, #tpu.memory_space<hbm>> -> memref<80xi32, #tpu.memory_space<hbm>>
    %dma_start3A_17 = tpu.memref_slice %arg4[%add3A_15] : memref<320000xi32, #tpu.memory_space<hbm>> -> memref<80xi32, #tpu.memory_space<hbm>>
    tpu.enqueue_dma source(%dma_start3A_17 : memref<80xi32, #tpu.memory_space<hbm>>) target(%arg9 : memref<80xi32, #tpu.memory_space<vmem>>) target_semaphore(%arg44 : memref<!tpu.dma_semaphore, #tpu.memory_space<semaphore_mem>>)
    %dma_start3A_18 = tpu.memref_slice %arg5[%add3A_15] : memref<320000xi32, #tpu.memory_space<hbm>> -> memref<80xi32, #tpu.memory_space<hbm>>
    %dma_start3A_19 = tpu.memref_slice %arg5[%add3A_15] : memref<320000xi32, #tpu.memory_space<hbm>> -> memref<80xi32, #tpu.memory_space<hbm>>
    tpu.enqueue_dma source(%dma_start3A_19 : memref<80xi32, #tpu.memory_space<hbm>>) target(%arg14 : memref<80xi32, #tpu.memory_space<vmem>>) target_semaphore(%arg49 : memref<!tpu.dma_semaphore, #tpu.memory_space<semaphore_mem>>)
    %add3A_20 = arith.constant 240 : i32
    %add3A_21 = arith.addi %mul3A_2, %add3A_20 : i32
    %dma_start3A_22 = tpu.memref_slice %arg4[%add3A_21] : memref<320000xi32, #tpu.memory_space<hbm>> -> memref<80xi32, #tpu.memory_space<hbm>>
    %dma_start3A_23 = tpu.memref_slice %arg4[%add3A_21] : memref<320000xi32, #tpu.memory_space<hbm>> -> memref<80xi32, #tpu.memory_space<hbm>>
    tpu.enqueue_dma source(%dma_start3A_23 : memref<80xi32, #tpu.memory_space<hbm>>) target(%arg10 : memref<80xi32, #tpu.memory_space<vmem>>) target_semaphore(%arg45 : memref<!tpu.dma_semaphore, #tpu.memory_space<semaphore_mem>>)
    %dma_start3A_24 = tpu.memref_slice %arg5[%add3A_21] : memref<320000xi32, #tpu.memory_space<hbm>> -> memref<80xi32, #tpu.memory_space<hbm>>
    %dma_start3A_25 = tpu.memref_slice %arg5[%add3A_21] : memref<320000xi32, #tpu.memory_space<hbm>> -> memref<80xi32, #tpu.memory_space<hbm>>
    tpu.enqueue_dma source(%dma_start3A_25 : memref<80xi32, #tpu.memory_space<hbm>>) target(%arg15 : memref<80xi32, #tpu.memory_space<vmem>>) target_semaphore(%arg50 : memref<!tpu.dma_semaphore, #tpu.memory_space<semaphore_mem>>)
    %add3A_26 = arith.constant 320 : i32
    %add3A_27 = arith.addi %mul3A_2, %add3A_26 : i32
    %dma_start3A_28 = tpu.memref_slice %arg4[%add3A_27] : memref<320000xi32, #tpu.memory_space<hbm>> -> memref<80xi32, #tpu.memory_space<hbm>>
    %dma_start3A_29 = tpu.memref_slice %arg4[%add3A_27] : memref<320000xi32, #tpu.memory_space<hbm>> -> memref<80xi32, #tpu.memory_space<hbm>>
    tpu.enqueue_dma source(%dma_start3A_29 : memref<80xi32, #tpu.memory_space<hbm>>) target(%arg11 : memref<80xi32, #tpu.memory_space<vmem>>) target_semaphore(%arg46 : memref<!tpu.dma_semaphore, #tpu.memory_space<semaphore_mem>>)
    %dma_start3A_30 = tpu.memref_slice %arg5[%add3A_27] : memref<320000xi32, #tpu.memory_space<hbm>> -> memref<80xi32, #tpu.memory_space<hbm>>
    %dma_start3A_31 = tpu.memref_slice %arg5[%add3A_27] : memref<320000xi32, #tpu.memory_space<hbm>> -> memref<80xi32, #tpu.memory_space<hbm>>
    tpu.enqueue_dma source(%dma_start3A_31 : memref<80xi32, #tpu.memory_space<hbm>>) target(%arg16 : memref<80xi32, #tpu.memory_space<vmem>>) target_semaphore(%arg51 : memref<!tpu.dma_semaphore, #tpu.memory_space<semaphore_mem>>)
    %dma_wait3A = tpu.memref_slice %arg4[%mul3A_2] : memref<320000xi32, #tpu.memory_space<hbm>> -> memref<80xi32, #tpu.memory_space<hbm>>
    %dma_wait3A_32 = tpu.memref_slice %arg4[%mul3A_2] : memref<320000xi32, #tpu.memory_space<hbm>> -> memref<80xi32, #tpu.memory_space<hbm>>
    tpu.wait_dma2 semaphore(%arg42 : memref<!tpu.dma_semaphore, #tpu.memory_space<semaphore_mem>>) src(%dma_wait3A_32 : memref<80xi32, #tpu.memory_space<hbm>>) dst(%arg7 : memref<80xi32, #tpu.memory_space<vmem>>)
    %dma_wait3A_33 = tpu.memref_slice %arg5[%mul3A_2] : memref<320000xi32, #tpu.memory_space<hbm>> -> memref<80xi32, #tpu.memory_space<hbm>>
    %dma_wait3A_34 = tpu.memref_slice %arg5[%mul3A_2] : memref<320000xi32, #tpu.memory_space<hbm>> -> memref<80xi32, #tpu.memory_space<hbm>>
    tpu.wait_dma2 semaphore(%arg47 : memref<!tpu.dma_semaphore, #tpu.memory_space<semaphore_mem>>) src(%dma_wait3A_34 : memref<80xi32, #tpu.memory_space<hbm>>) dst(%arg12 : memref<80xi32, #tpu.memory_space<vmem>>)
    %dma_start3A_35 = arith.constant 0 : i32
    %dma_start3A_36 = arith.constant 0 : i32
    %dma_start3A_37 = tpu.memref_slice %arg2[%dma_start3A_35, %dma_start3A_36] : memref<10000x128xf32, #tpu.memory_space<hbm>> -> memref<10000x128xf32, #tpu.memory_space<hbm>>
    tpu.enqueue_indirect_dma source(%dma_start3A_37 : memref<10000x128xf32, #tpu.memory_space<hbm>>) target(%arg17 : memref<80x128xf32, #tpu.memory_space<vmem>>) offsets(%arg7 : memref<80xi32, #tpu.memory_space<vmem>>) semaphore(%arg27 : memref<!tpu.dma_semaphore, #tpu.memory_space<semaphore_mem>>)
    %dma_start3A_38 = arith.constant 0 : i32
    %dma_start3A_39 = arith.constant 0 : i32
    %dma_start3A_40 = tpu.memref_slice %arg3[%dma_start3A_38, %dma_start3A_39] : memref<10000x128xf32, #tpu.memory_space<hbm>> -> memref<10000x128xf32, #tpu.memory_space<hbm>>
    tpu.enqueue_indirect_dma source(%dma_start3A_40 : memref<10000x128xf32, #tpu.memory_space<hbm>>) target(%arg22 : memref<80x128xf32, #tpu.memory_space<vmem>>) offsets(%arg12 : memref<80xi32, #tpu.memory_space<vmem>>) semaphore(%arg32 : memref<!tpu.dma_semaphore, #tpu.memory_space<semaphore_mem>>)
    %dma_wait3A_41 = tpu.memref_slice %arg4[%mul3A_2] : memref<320000xi32, #tpu.memory_space<hbm>> -> memref<80xi32, #tpu.memory_space<hbm>>
    %dma_wait3A_42 = tpu.memref_slice %arg4[%mul3A_2] : memref<320000xi32, #tpu.memory_space<hbm>> -> memref<80xi32, #tpu.memory_space<hbm>>
    tpu.wait_dma2 semaphore(%arg43 : memref<!tpu.dma_semaphore, #tpu.memory_space<semaphore_mem>>) src(%dma_wait3A_42 : memref<80xi32, #tpu.memory_space<hbm>>) dst(%arg8 : memref<80xi32, #tpu.memory_space<vmem>>)
    %dma_wait3A_43 = tpu.memref_slice %arg5[%mul3A_2] : memref<320000xi32, #tpu.memory_space<hbm>> -> memref<80xi32, #tpu.memory_space<hbm>>
    %dma_wait3A_44 = tpu.memref_slice %arg5[%mul3A_2] : memref<320000xi32, #tpu.memory_space<hbm>> -> memref<80xi32, #tpu.memory_space<hbm>>
    tpu.wait_dma2 semaphore(%arg48 : memref<!tpu.dma_semaphore, #tpu.memory_space<semaphore_mem>>) src(%dma_wait3A_44 : memref<80xi32, #tpu.memory_space<hbm>>) dst(%arg13 : memref<80xi32, #tpu.memory_space<vmem>>)
    %dma_start3A_45 = arith.constant 0 : i32
    %dma_start3A_46 = arith.constant 0 : i32
    %dma_start3A_47 = tpu.memref_slice %arg2[%dma_start3A_45, %dma_start3A_46] : memref<10000x128xf32, #tpu.memory_space<hbm>> -> memref<10000x128xf32, #tpu.memory_space<hbm>>
    tpu.enqueue_indirect_dma source(%dma_start3A_47 : memref<10000x128xf32, #tpu.memory_space<hbm>>) target(%arg18 : memref<80x128xf32, #tpu.memory_space<vmem>>) offsets(%arg8 : memref<80xi32, #tpu.memory_space<vmem>>) semaphore(%arg28 : memref<!tpu.dma_semaphore, #tpu.memory_space<semaphore_mem>>)
    %dma_start3A_48 = arith.constant 0 : i32
    %dma_start3A_49 = arith.constant 0 : i32
    %dma_start3A_50 = tpu.memref_slice %arg3[%dma_start3A_48, %dma_start3A_49] : memref<10000x128xf32, #tpu.memory_space<hbm>> -> memref<10000x128xf32, #tpu.memory_space<hbm>>
    tpu.enqueue_indirect_dma source(%dma_start3A_50 : memref<10000x128xf32, #tpu.memory_space<hbm>>) target(%arg23 : memref<80x128xf32, #tpu.memory_space<vmem>>) offsets(%arg13 : memref<80xi32, #tpu.memory_space<vmem>>) semaphore(%arg33 : memref<!tpu.dma_semaphore, #tpu.memory_space<semaphore_mem>>)
    %dma_wait3A_51 = tpu.memref_slice %arg4[%mul3A_2] : memref<320000xi32, #tpu.memory_space<hbm>> -> memref<80xi32, #tpu.memory_space<hbm>>
    %dma_wait3A_52 = tpu.memref_slice %arg4[%mul3A_2] : memref<320000xi32, #tpu.memory_space<hbm>> -> memref<80xi32, #tpu.memory_space<hbm>>
    tpu.wait_dma2 semaphore(%arg44 : memref<!tpu.dma_semaphore, #tpu.memory_space<semaphore_mem>>) src(%dma_wait3A_52 : memref<80xi32, #tpu.memory_space<hbm>>) dst(%arg9 : memref<80xi32, #tpu.memory_space<vmem>>)
    %dma_wait3A_53 = tpu.memref_slice %arg5[%mul3A_2] : memref<320000xi32, #tpu.memory_space<hbm>> -> memref<80xi32, #tpu.memory_space<hbm>>
    %dma_wait3A_54 = tpu.memref_slice %arg5[%mul3A_2] : memref<320000xi32, #tpu.memory_space<hbm>> -> memref<80xi32, #tpu.memory_space<hbm>>
    tpu.wait_dma2 semaphore(%arg49 : memref<!tpu.dma_semaphore, #tpu.memory_space<semaphore_mem>>) src(%dma_wait3A_54 : memref<80xi32, #tpu.memory_space<hbm>>) dst(%arg14 : memref<80xi32, #tpu.memory_space<vmem>>)
    %dma_start3A_55 = arith.constant 0 : i32
    %dma_start3A_56 = arith.constant 0 : i32
    %dma_start3A_57 = tpu.memref_slice %arg2[%dma_start3A_55, %dma_start3A_56] : memref<10000x128xf32, #tpu.memory_space<hbm>> -> memref<10000x128xf32, #tpu.memory_space<hbm>>
    tpu.enqueue_indirect_dma source(%dma_start3A_57 : memref<10000x128xf32, #tpu.memory_space<hbm>>) target(%arg19 : memref<80x128xf32, #tpu.memory_space<vmem>>) offsets(%arg9 : memref<80xi32, #tpu.memory_space<vmem>>) semaphore(%arg29 : memref<!tpu.dma_semaphore, #tpu.memory_space<semaphore_mem>>)
    %dma_start3A_58 = arith.constant 0 : i32
    %dma_start3A_59 = arith.constant 0 : i32
    %dma_start3A_60 = tpu.memref_slice %arg3[%dma_start3A_58, %dma_start3A_59] : memref<10000x128xf32, #tpu.memory_space<hbm>> -> memref<10000x128xf32, #tpu.memory_space<hbm>>
    tpu.enqueue_indirect_dma source(%dma_start3A_60 : memref<10000x128xf32, #tpu.memory_space<hbm>>) target(%arg24 : memref<80x128xf32, #tpu.memory_space<vmem>>) offsets(%arg14 : memref<80xi32, #tpu.memory_space<vmem>>) semaphore(%arg34 : memref<!tpu.dma_semaphore, #tpu.memory_space<semaphore_mem>>)
    %dma_wait3A_61 = tpu.memref_slice %arg4[%mul3A_2] : memref<320000xi32, #tpu.memory_space<hbm>> -> memref<80xi32, #tpu.memory_space<hbm>>
    %dma_wait3A_62 = tpu.memref_slice %arg4[%mul3A_2] : memref<320000xi32, #tpu.memory_space<hbm>> -> memref<80xi32, #tpu.memory_space<hbm>>
    tpu.wait_dma2 semaphore(%arg45 : memref<!tpu.dma_semaphore, #tpu.memory_space<semaphore_mem>>) src(%dma_wait3A_62 : memref<80xi32, #tpu.memory_space<hbm>>) dst(%arg10 : memref<80xi32, #tpu.memory_space<vmem>>)
    %dma_wait3A_63 = tpu.memref_slice %arg5[%mul3A_2] : memref<320000xi32, #tpu.memory_space<hbm>> -> memref<80xi32, #tpu.memory_space<hbm>>
    %dma_wait3A_64 = tpu.memref_slice %arg5[%mul3A_2] : memref<320000xi32, #tpu.memory_space<hbm>> -> memref<80xi32, #tpu.memory_space<hbm>>
    tpu.wait_dma2 semaphore(%arg50 : memref<!tpu.dma_semaphore, #tpu.memory_space<semaphore_mem>>) src(%dma_wait3A_64 : memref<80xi32, #tpu.memory_space<hbm>>) dst(%arg15 : memref<80xi32, #tpu.memory_space<vmem>>)
    %dma_start3A_65 = arith.constant 0 : i32
    %dma_start3A_66 = arith.constant 0 : i32
    %dma_start3A_67 = tpu.memref_slice %arg2[%dma_start3A_65, %dma_start3A_66] : memref<10000x128xf32, #tpu.memory_space<hbm>> -> memref<10000x128xf32, #tpu.memory_space<hbm>>
    tpu.enqueue_indirect_dma source(%dma_start3A_67 : memref<10000x128xf32, #tpu.memory_space<hbm>>) target(%arg20 : memref<80x128xf32, #tpu.memory_space<vmem>>) offsets(%arg10 : memref<80xi32, #tpu.memory_space<vmem>>) semaphore(%arg30 : memref<!tpu.dma_semaphore, #tpu.memory_space<semaphore_mem>>)
    %dma_start3A_68 = arith.constant 0 : i32
    %dma_start3A_69 = arith.constant 0 : i32
    %dma_start3A_70 = tpu.memref_slice %arg3[%dma_start3A_68, %dma_start3A_69] : memref<10000x128xf32, #tpu.memory_space<hbm>> -> memref<10000x128xf32, #tpu.memory_space<hbm>>
    tpu.enqueue_indirect_dma source(%dma_start3A_70 : memref<10000x128xf32, #tpu.memory_space<hbm>>) target(%arg25 : memref<80x128xf32, #tpu.memory_space<vmem>>) offsets(%arg15 : memref<80xi32, #tpu.memory_space<vmem>>) semaphore(%arg35 : memref<!tpu.dma_semaphore, #tpu.memory_space<semaphore_mem>>)
    %dma_wait3A_71 = tpu.memref_slice %arg4[%mul3A_2] : memref<320000xi32, #tpu.memory_space<hbm>> -> memref<80xi32, #tpu.memory_space<hbm>>
    %dma_wait3A_72 = tpu.memref_slice %arg4[%mul3A_2] : memref<320000xi32, #tpu.memory_space<hbm>> -> memref<80xi32, #tpu.memory_space<hbm>>
    tpu.wait_dma2 semaphore(%arg46 : memref<!tpu.dma_semaphore, #tpu.memory_space<semaphore_mem>>) src(%dma_wait3A_72 : memref<80xi32, #tpu.memory_space<hbm>>) dst(%arg11 : memref<80xi32, #tpu.memory_space<vmem>>)
    %dma_wait3A_73 = tpu.memref_slice %arg5[%mul3A_2] : memref<320000xi32, #tpu.memory_space<hbm>> -> memref<80xi32, #tpu.memory_space<hbm>>
    %dma_wait3A_74 = tpu.memref_slice %arg5[%mul3A_2] : memref<320000xi32, #tpu.memory_space<hbm>> -> memref<80xi32, #tpu.memory_space<hbm>>
    tpu.wait_dma2 semaphore(%arg51 : memref<!tpu.dma_semaphore, #tpu.memory_space<semaphore_mem>>) src(%dma_wait3A_74 : memref<80xi32, #tpu.memory_space<hbm>>) dst(%arg16 : memref<80xi32, #tpu.memory_space<vmem>>)
    %dma_start3A_75 = arith.constant 0 : i32
    %dma_start3A_76 = arith.constant 0 : i32
    %dma_start3A_77 = tpu.memref_slice %arg2[%dma_start3A_75, %dma_start3A_76] : memref<10000x128xf32, #tpu.memory_space<hbm>> -> memref<10000x128xf32, #tpu.memory_space<hbm>>
    tpu.enqueue_indirect_dma source(%dma_start3A_77 : memref<10000x128xf32, #tpu.memory_space<hbm>>) target(%arg21 : memref<80x128xf32, #tpu.memory_space<vmem>>) offsets(%arg11 : memref<80xi32, #tpu.memory_space<vmem>>) semaphore(%arg31 : memref<!tpu.dma_semaphore, #tpu.memory_space<semaphore_mem>>)
    %dma_start3A_78 = arith.constant 0 : i32
    %dma_start3A_79 = arith.constant 0 : i32
    %dma_start3A_80 = tpu.memref_slice %arg3[%dma_start3A_78, %dma_start3A_79] : memref<10000x128xf32, #tpu.memory_space<hbm>> -> memref<10000x128xf32, #tpu.memory_space<hbm>>
    tpu.enqueue_indirect_dma source(%dma_start3A_80 : memref<10000x128xf32, #tpu.memory_space<hbm>>) target(%arg26 : memref<80x128xf32, #tpu.memory_space<vmem>>) offsets(%arg16 : memref<80xi32, #tpu.memory_space<vmem>>) semaphore(%arg36 : memref<!tpu.dma_semaphore, #tpu.memory_space<semaphore_mem>>)
    %scan3A = arith.constant 0 : i32
    %scan3A_81 = arith.constant 0 : i32
    %scan3A_82 = arith.constant 25 : i32
    %scan3A_83 = arith.addi %scan3A_81, %scan3A_82 : i32
    %scan3A_84 = arith.constant 1 : i32
    scf.for %scan3A_106 = %scan3A_81 to %scan3A_83 step %scan3A_84  : i32 {
      %mul3A_107 = arith.constant 5 : i32
      %mul3A_108 = arith.muli %scan3A_106, %mul3A_107 : i32
      %add3A_109 = arith.constant 0 : i32
      %add3A_110 = arith.addi %mul3A_108, %add3A_109 : i32
      %mul3A_111 = arith.constant 80 : i32
      %mul3A_112 = arith.muli %add3A_110, %mul3A_111 : i32
      %add3A_113 = arith.addi %mul3A_2, %mul3A_112 : i32
      %dma_wait3A_114 = arith.constant 0 : i32
      %dma_wait3A_115 = arith.constant 0 : i32
      %dma_wait3A_116 = tpu.memref_slice %arg2[%dma_wait3A_114, %dma_wait3A_115] : memref<10000x128xf32, #tpu.memory_space<hbm>> -> memref<10000x128xf32, #tpu.memory_space<hbm>>
      tpu.wait_indirect_dma semaphore(%arg27 : memref<!tpu.dma_semaphore, #tpu.memory_space<semaphore_mem>>) src(%dma_wait3A_116 : memref<10000x128xf32, #tpu.memory_space<hbm>>) dst(%arg17 : memref<80x128xf32, #tpu.memory_space<vmem>>)
      %dma_wait3A_117 = arith.constant 0 : i32
      %dma_wait3A_118 = arith.constant 0 : i32
      %dma_wait3A_119 = tpu.memref_slice %arg3[%dma_wait3A_117, %dma_wait3A_118] : memref<10000x128xf32, #tpu.memory_space<hbm>> -> memref<10000x128xf32, #tpu.memory_space<hbm>>
      tpu.wait_indirect_dma semaphore(%arg32 : memref<!tpu.dma_semaphore, #tpu.memory_space<semaphore_mem>>) src(%dma_wait3A_119 : memref<10000x128xf32, #tpu.memory_space<hbm>>) dst(%arg22 : memref<80x128xf32, #tpu.memory_space<vmem>>)
      %scan3A_120 = arith.constant 0 : i32
      %scan3A_121 = arith.constant 0 : i32
      %scan3A_122 = arith.constant 80 : i32
      %scan3A_123 = arith.addi %scan3A_121, %scan3A_122 : i32
      %scan3A_124 = arith.constant 1 : i32
      scf.for %scan3A_254 = %scan3A_121 to %scan3A_123 step %scan3A_124  : i32 {
        %get3A = arith.index_cast %scan3A_254 : i32 to index
        %get3A_255 = arith.constant 0 : index
        %get3A_256 = tpu.vector_load %arg17[%get3A, %get3A_255] {strides = array<i32>} : memref<80x128xf32, #tpu.memory_space<vmem>>, vector<1x16xf32>,
        %get3A_257 = vector.shape_cast %get3A_256 : vector<1x16xf32> to vector<16xf32>
        %get3A_258 = arith.index_cast %scan3A_254 : i32 to index
        %get3A_259 = arith.constant 0 : index
        %get3A_260 = tpu.vector_load %arg22[%get3A_258, %get3A_259] {strides = array<i32>} : memref<80x128xf32, #tpu.memory_space<vmem>>, vector<1x16xf32>,
        %get3A_261 = vector.shape_cast %get3A_260 : vector<1x16xf32> to vector<16xf32>
        %add3A_262 = arith.addf %get3A_257, %get3A_261 : vector<16xf32>
        %swap3A = arith.index_cast %scan3A_254 : i32 to index
        %swap3A_263 = arith.constant 0 : index
        %swap3A_264 = tpu.vector_load %arg17[%swap3A, %swap3A_263] {strides = array<i32>} : memref<80x128xf32, #tpu.memory_space<vmem>>, vector<1x16xf32>,
        %swap3A_265 = vector.shape_cast %swap3A_264 : vector<1x16xf32> to vector<16xf32>
        %swap3A_266 = vector.shape_cast %add3A_262 : vector<16xf32> to vector<1x16xf32>
        tpu.vector_store %arg17[%swap3A, %swap3A_263], %swap3A_266 {strides = array<i32>} : memref<80x128xf32, #tpu.memory_space<vmem>>, vector<1x16xf32>,
        %get3A_267 = arith.index_cast %scan3A_254 : i32 to index
        %get3A_268 = arith.constant 16 : index
        %get3A_269 = tpu.vector_load %arg17[%get3A_267, %get3A_268] {strides = array<i32>} : memref<80x128xf32, #tpu.memory_space<vmem>>, vector<1x16xf32>,
        %get3A_270 = vector.shape_cast %get3A_269 : vector<1x16xf32> to vector<16xf32>
        %get3A_271 = arith.index_cast %scan3A_254 : i32 to index
        %get3A_272 = arith.constant 16 : index
        %get3A_273 = tpu.vector_load %arg22[%get3A_271, %get3A_272] {strides = array<i32>} : memref<80x128xf32, #tpu.memory_space<vmem>>, vector<1x16xf32>,
        %get3A_274 = vector.shape_cast %get3A_273 : vector<1x16xf32> to vector<16xf32>
        %add3A_275 = arith.addf %get3A_270, %get3A_274 : vector<16xf32>
        %swap3A_276 = arith.index_cast %scan3A_254 : i32 to index
        %swap3A_277 = arith.constant 16 : index
        %swap3A_278 = tpu.vector_load %arg17[%swap3A_276, %swap3A_277] {strides = array<i32>} : memref<80x128xf32, #tpu.memory_space<vmem>>, vector<1x16xf32>,
        %swap3A_279 = vector.shape_cast %swap3A_278 : vector<1x16xf32> to vector<16xf32>
        %swap3A_280 = vector.shape_cast %add3A_275 : vector<16xf32> to vector<1x16xf32>
        tpu.vector_store %arg17[%swap3A_276, %swap3A_277], %swap3A_280 {strides = array<i32>} : memref<80x128xf32, #tpu.memory_space<vmem>>, vector<1x16xf32>,
        %get3A_281 = arith.index_cast %scan3A_254 : i32 to index
        %get3A_282 = arith.constant 32 : index
        %get3A_283 = tpu.vector_load %arg17[%get3A_281, %get3A_282] {strides = array<i32>} : memref<80x128xf32, #tpu.memory_space<vmem>>, vector<1x16xf32>,
        %get3A_284 = vector.shape_cast %get3A_283 : vector<1x16xf32> to vector<16xf32>
        %get3A_285 = arith.index_cast %scan3A_254 : i32 to index
        %get3A_286 = arith.constant 32 : index
        %get3A_287 = tpu.vector_load %arg22[%get3A_285, %get3A_286] {strides = array<i32>} : memref<80x128xf32, #tpu.memory_space<vmem>>, vector<1x16xf32>,
        %get3A_288 = vector.shape_cast %get3A_287 : vector<1x16xf32> to vector<16xf32>
        %add3A_289 = arith.addf %get3A_284, %get3A_288 : vector<16xf32>
        %swap3A_290 = arith.index_cast %scan3A_254 : i32 to index
        %swap3A_291 = arith.constant 32 : index
        %swap3A_292 = tpu.vector_load %arg17[%swap3A_290, %swap3A_291] {strides = array<i32>} : memref<80x128xf32, #tpu.memory_space<vmem>>, vector<1x16xf32>,
        %swap3A_293 = vector.shape_cast %swap3A_292 : vector<1x16xf32> to vector<16xf32>
        %swap3A_294 = vector.shape_cast %add3A_289 : vector<16xf32> to vector<1x16xf32>
        tpu.vector_store %arg17[%swap3A_290, %swap3A_291], %swap3A_294 {strides = array<i32>} : memref<80x128xf32, #tpu.memory_space<vmem>>, vector<1x16xf32>,
        %get3A_295 = arith.index_cast %scan3A_254 : i32 to index
        %get3A_296 = arith.constant 48 : index
        %get3A_297 = tpu.vector_load %arg17[%get3A_295, %get3A_296] {strides = array<i32>} : memref<80x128xf32, #tpu.memory_space<vmem>>, vector<1x16xf32>,
        %get3A_298 = vector.shape_cast %get3A_297 : vector<1x16xf32> to vector<16xf32>
        %get3A_299 = arith.index_cast %scan3A_254 : i32 to index
        %get3A_300 = arith.constant 48 : index
        %get3A_301 = tpu.vector_load %arg22[%get3A_299, %get3A_300] {strides = array<i32>} : memref<80x128xf32, #tpu.memory_space<vmem>>, vector<1x16xf32>,
        %get3A_302 = vector.shape_cast %get3A_301 : vector<1x16xf32> to vector<16xf32>
        %add3A_303 = arith.addf %get3A_298, %get3A_302 : vector<16xf32>
        %swap3A_304 = arith.index_cast %scan3A_254 : i32 to index
        %swap3A_305 = arith.constant 48 : index
        %swap3A_306 = tpu.vector_load %arg17[%swap3A_304, %swap3A_305] {strides = array<i32>} : memref<80x128xf32, #tpu.memory_space<vmem>>, vector<1x16xf32>,
        %swap3A_307 = vector.shape_cast %swap3A_306 : vector<1x16xf32> to vector<16xf32>
        %swap3A_308 = vector.shape_cast %add3A_303 : vector<16xf32> to vector<1x16xf32>
        tpu.vector_store %arg17[%swap3A_304, %swap3A_305], %swap3A_308 {strides = array<i32>} : memref<80x128xf32, #tpu.memory_space<vmem>>, vector<1x16xf32>,
        %get3A_309 = arith.index_cast %scan3A_254 : i32 to index
        %get3A_310 = arith.constant 64 : index
        %get3A_311 = tpu.vector_load %arg17[%get3A_309, %get3A_310] {strides = array<i32>} : memref<80x128xf32, #tpu.memory_space<vmem>>, vector<1x16xf32>,
        %get3A_312 = vector.shape_cast %get3A_311 : vector<1x16xf32> to vector<16xf32>
        %get3A_313 = arith.index_cast %scan3A_254 : i32 to index
        %get3A_314 = arith.constant 64 : index
        %get3A_315 = tpu.vector_load %arg22[%get3A_313, %get3A_314] {strides = array<i32>} : memref<80x128xf32, #tpu.memory_space<vmem>>, vector<1x16xf32>,
        %get3A_316 = vector.shape_cast %get3A_315 : vector<1x16xf32> to vector<16xf32>
        %add3A_317 = arith.addf %get3A_312, %get3A_316 : vector<16xf32>
        %swap3A_318 = arith.index_cast %scan3A_254 : i32 to index
        %swap3A_319 = arith.constant 64 : index
        %swap3A_320 = tpu.vector_load %arg17[%swap3A_318, %swap3A_319] {strides = array<i32>} : memref<80x128xf32, #tpu.memory_space<vmem>>, vector<1x16xf32>,
        %swap3A_321 = vector.shape_cast %swap3A_320 : vector<1x16xf32> to vector<16xf32>
        %swap3A_322 = vector.shape_cast %add3A_317 : vector<16xf32> to vector<1x16xf32>
        tpu.vector_store %arg17[%swap3A_318, %swap3A_319], %swap3A_322 {strides = array<i32>} : memref<80x128xf32, #tpu.memory_space<vmem>>, vector<1x16xf32>,
        %get3A_323 = arith.index_cast %scan3A_254 : i32 to index
        %get3A_324 = arith.constant 80 : index
        %get3A_325 = tpu.vector_load %arg17[%get3A_323, %get3A_324] {strides = array<i32>} : memref<80x128xf32, #tpu.memory_space<vmem>>, vector<1x16xf32>,
        %get3A_326 = vector.shape_cast %get3A_325 : vector<1x16xf32> to vector<16xf32>
        %get3A_327 = arith.index_cast %scan3A_254 : i32 to index
        %get3A_328 = arith.constant 80 : index
        %get3A_329 = tpu.vector_load %arg22[%get3A_327, %get3A_328] {strides = array<i32>} : memref<80x128xf32, #tpu.memory_space<vmem>>, vector<1x16xf32>,
        %get3A_330 = vector.shape_cast %get3A_329 : vector<1x16xf32> to vector<16xf32>
        %add3A_331 = arith.addf %get3A_326, %get3A_330 : vector<16xf32>
        %swap3A_332 = arith.index_cast %scan3A_254 : i32 to index
        %swap3A_333 = arith.constant 80 : index
        %swap3A_334 = tpu.vector_load %arg17[%swap3A_332, %swap3A_333] {strides = array<i32>} : memref<80x128xf32, #tpu.memory_space<vmem>>, vector<1x16xf32>,
        %swap3A_335 = vector.shape_cast %swap3A_334 : vector<1x16xf32> to vector<16xf32>
        %swap3A_336 = vector.shape_cast %add3A_331 : vector<16xf32> to vector<1x16xf32>
        tpu.vector_store %arg17[%swap3A_332, %swap3A_333], %swap3A_336 {strides = array<i32>} : memref<80x128xf32, #tpu.memory_space<vmem>>, vector<1x16xf32>,
        %get3A_337 = arith.index_cast %scan3A_254 : i32 to index
        %get3A_338 = arith.constant 96 : index
        %get3A_339 = tpu.vector_load %arg17[%get3A_337, %get3A_338] {strides = array<i32>} : memref<80x128xf32, #tpu.memory_space<vmem>>, vector<1x16xf32>,
        %get3A_340 = vector.shape_cast %get3A_339 : vector<1x16xf32> to vector<16xf32>
        %get3A_341 = arith.index_cast %scan3A_254 : i32 to index
        %get3A_342 = arith.constant 96 : index
        %get3A_343 = tpu.vector_load %arg22[%get3A_341, %get3A_342] {strides = array<i32>} : memref<80x128xf32, #tpu.memory_space<vmem>>, vector<1x16xf32>,
        %get3A_344 = vector.shape_cast %get3A_343 : vector<1x16xf32> to vector<16xf32>
        %add3A_345 = arith.addf %get3A_340, %get3A_344 : vector<16xf32>
        %swap3A_346 = arith.index_cast %scan3A_254 : i32 to index
        %swap3A_347 = arith.constant 96 : index
        %swap3A_348 = tpu.vector_load %arg17[%swap3A_346, %swap3A_347] {strides = array<i32>} : memref<80x128xf32, #tpu.memory_space<vmem>>, vector<1x16xf32>,
        %swap3A_349 = vector.shape_cast %swap3A_348 : vector<1x16xf32> to vector<16xf32>
        %swap3A_350 = vector.shape_cast %add3A_345 : vector<16xf32> to vector<1x16xf32>
        tpu.vector_store %arg17[%swap3A_346, %swap3A_347], %swap3A_350 {strides = array<i32>} : memref<80x128xf32, #tpu.memory_space<vmem>>, vector<1x16xf32>,
        %get3A_351 = arith.index_cast %scan3A_254 : i32 to index
        %get3A_352 = arith.constant 112 : index
        %get3A_353 = tpu.vector_load %arg17[%get3A_351, %get3A_352] {strides = array<i32>} : memref<80x128xf32, #tpu.memory_space<vmem>>, vector<1x16xf32>,
        %get3A_354 = vector.shape_cast %get3A_353 : vector<1x16xf32> to vector<16xf32>
        %get3A_355 = arith.index_cast %scan3A_254 : i32 to index
        %get3A_356 = arith.constant 112 : index
        %get3A_357 = tpu.vector_load %arg22[%get3A_355, %get3A_356] {strides = array<i32>} : memref<80x128xf32, #tpu.memory_space<vmem>>, vector<1x16xf32>,
        %get3A_358 = vector.shape_cast %get3A_357 : vector<1x16xf32> to vector<16xf32>
        %add3A_359 = arith.addf %get3A_354, %get3A_358 : vector<16xf32>
        %swap3A_360 = arith.index_cast %scan3A_254 : i32 to index
        %swap3A_361 = arith.constant 112 : index
        %swap3A_362 = tpu.vector_load %arg17[%swap3A_360, %swap3A_361] {strides = array<i32>} : memref<80x128xf32, #tpu.memory_space<vmem>>, vector<1x16xf32>,
        %swap3A_363 = vector.shape_cast %swap3A_362 : vector<1x16xf32> to vector<16xf32>
        %swap3A_364 = vector.shape_cast %add3A_359 : vector<16xf32> to vector<1x16xf32>
        tpu.vector_store %arg17[%swap3A_360, %swap3A_361], %swap3A_364 {strides = array<i32>} : memref<80x128xf32, #tpu.memory_space<vmem>>, vector<1x16xf32>,
      }
      %scan3A_125 = arith.constant 80 : i32
      %dma_start3A_126 = arith.constant 0 : i32
      %dma_start3A_127 = tpu.memref_slice %arg6[%add3A_113, %dma_start3A_126] : memref<320000x128xf32, #tpu.memory_space<hbm>> -> memref<80x128xf32, #tpu.memory_space<hbm>>
      %dma_start3A_128 = arith.constant 0 : i32
      %dma_start3A_129 = tpu.memref_slice %arg6[%add3A_113, %dma_start3A_128] : memref<320000x128xf32, #tpu.memory_space<hbm>> -> memref<80x128xf32, #tpu.memory_space<hbm>>
      tpu.enqueue_dma source(%arg17 : memref<80x128xf32, #tpu.memory_space<vmem>>) target(%dma_start3A_129 : memref<80x128xf32, #tpu.memory_space<hbm>>) target_semaphore(%arg37 : memref<!tpu.dma_semaphore, #tpu.memory_space<semaphore_mem>>)
      %add3A_130 = arith.constant 5 : i32
      %add3A_131 = arith.addi %add3A_110, %add3A_130 : i32
      %lt3A = arith.constant 125 : i32
      %lt3A_132 = arith.cmpi slt, %add3A_131, %lt3A : i32
      %convert_element_type3A = arith.extui %lt3A_132 : i1 to i32
      %cond3A = arith.constant 0 : i32
      %cond3A_133 = arith.cmpi ne, %convert_element_type3A, %cond3A : i32
      scf.if %cond3A_133 {
        %add3A_254 = arith.constant 5 : i32
        %add3A_255 = arith.addi %add3A_110, %add3A_254 : i32
        %mul3A_256 = arith.constant 80 : i32
        %mul3A_257 = arith.muli %add3A_255, %mul3A_256 : i32
        %add3A_258 = arith.addi %mul3A_2, %mul3A_257 : i32
        %dma_start3A_259 = tpu.memref_slice %arg4[%add3A_258] : memref<320000xi32, #tpu.memory_space<hbm>> -> memref<80xi32, #tpu.memory_space<hbm>>
        %dma_start3A_260 = tpu.memref_slice %arg4[%add3A_258] : memref<320000xi32, #tpu.memory_space<hbm>> -> memref<80xi32, #tpu.memory_space<hbm>>
        tpu.enqueue_dma source(%dma_start3A_260 : memref<80xi32, #tpu.memory_space<hbm>>) target(%arg7 : memref<80xi32, #tpu.memory_space<vmem>>) target_semaphore(%arg42 : memref<!tpu.dma_semaphore, #tpu.memory_space<semaphore_mem>>)
        %dma_start3A_261 = tpu.memref_slice %arg5[%add3A_258] : memref<320000xi32, #tpu.memory_space<hbm>> -> memref<80xi32, #tpu.memory_space<hbm>>
        %dma_start3A_262 = tpu.memref_slice %arg5[%add3A_258] : memref<320000xi32, #tpu.memory_space<hbm>> -> memref<80xi32, #tpu.memory_space<hbm>>
        tpu.enqueue_dma source(%dma_start3A_262 : memref<80xi32, #tpu.memory_space<hbm>>) target(%arg12 : memref<80xi32, #tpu.memory_space<vmem>>) target_semaphore(%arg47 : memref<!tpu.dma_semaphore, #tpu.memory_space<semaphore_mem>>)
        %dma_wait3A_263 = arith.constant 0 : i32
        %dma_wait3A_264 = tpu.memref_slice %arg6[%mul3A_2, %dma_wait3A_263] : memref<320000x128xf32, #tpu.memory_space<hbm>> -> memref<80x128xf32, #tpu.memory_space<hbm>>
        %dma_wait3A_265 = arith.constant 0 : i32
        %dma_wait3A_266 = tpu.memref_slice %arg6[%mul3A_2, %dma_wait3A_265] : memref<320000x128xf32, #tpu.memory_space<hbm>> -> memref<80x128xf32, #tpu.memory_space<hbm>>
        tpu.wait_dma2 semaphore(%arg37 : memref<!tpu.dma_semaphore, #tpu.memory_space<semaphore_mem>>) src(%arg17 : memref<80x128xf32, #tpu.memory_space<vmem>>) dst(%dma_wait3A_266 : memref<80x128xf32, #tpu.memory_space<hbm>>)
        %dma_wait3A_267 = tpu.memref_slice %arg4[%mul3A_2] : memref<320000xi32, #tpu.memory_space<hbm>> -> memref<80xi32, #tpu.memory_space<hbm>>
        %dma_wait3A_268 = tpu.memref_slice %arg4[%mul3A_2] : memref<320000xi32, #tpu.memory_space<hbm>> -> memref<80xi32, #tpu.memory_space<hbm>>
        tpu.wait_dma2 semaphore(%arg42 : memref<!tpu.dma_semaphore, #tpu.memory_space<semaphore_mem>>) src(%dma_wait3A_268 : memref<80xi32, #tpu.memory_space<hbm>>) dst(%arg7 : memref<80xi32, #tpu.memory_space<vmem>>)
        %dma_wait3A_269 = tpu.memref_slice %arg5[%mul3A_2] : memref<320000xi32, #tpu.memory_space<hbm>> -> memref<80xi32, #tpu.memory_space<hbm>>
        %dma_wait3A_270 = tpu.memref_slice %arg5[%mul3A_2] : memref<320000xi32, #tpu.memory_space<hbm>> -> memref<80xi32, #tpu.memory_space<hbm>>
        tpu.wait_dma2 semaphore(%arg47 : memref<!tpu.dma_semaphore, #tpu.memory_space<semaphore_mem>>) src(%dma_wait3A_270 : memref<80xi32, #tpu.memory_space<hbm>>) dst(%arg12 : memref<80xi32, #tpu.memory_space<vmem>>)
        %dma_start3A_271 = arith.constant 0 : i32
        %dma_start3A_272 = arith.constant 0 : i32
        %dma_start3A_273 = tpu.memref_slice %arg2[%dma_start3A_271, %dma_start3A_272] : memref<10000x128xf32, #tpu.memory_space<hbm>> -> memref<10000x128xf32, #tpu.memory_space<hbm>>
        tpu.enqueue_indirect_dma source(%dma_start3A_273 : memref<10000x128xf32, #tpu.memory_space<hbm>>) target(%arg17 : memref<80x128xf32, #tpu.memory_space<vmem>>) offsets(%arg7 : memref<80xi32, #tpu.memory_space<vmem>>) semaphore(%arg27 : memref<!tpu.dma_semaphore, #tpu.memory_space<semaphore_mem>>)
        %dma_start3A_274 = arith.constant 0 : i32
        %dma_start3A_275 = arith.constant 0 : i32
        %dma_start3A_276 = tpu.memref_slice %arg3[%dma_start3A_274, %dma_start3A_275] : memref<10000x128xf32, #tpu.memory_space<hbm>> -> memref<10000x128xf32, #tpu.memory_space<hbm>>
        tpu.enqueue_indirect_dma source(%dma_start3A_276 : memref<10000x128xf32, #tpu.memory_space<hbm>>) target(%arg22 : memref<80x128xf32, #tpu.memory_space<vmem>>) offsets(%arg12 : memref<80xi32, #tpu.memory_space<vmem>>) semaphore(%arg32 : memref<!tpu.dma_semaphore, #tpu.memory_space<semaphore_mem>>)
      } else {
      }
      %mul3A_134 = arith.constant 5 : i32
      %mul3A_135 = arith.muli %scan3A_106, %mul3A_134 : i32
      %add3A_136 = arith.constant 1 : i32
      %add3A_137 = arith.addi %mul3A_135, %add3A_136 : i32
      %mul3A_138 = arith.constant 80 : i32
      %mul3A_139 = arith.muli %add3A_137, %mul3A_138 : i32
      %add3A_140 = arith.addi %mul3A_2, %mul3A_139 : i32
      %dma_wait3A_141 = arith.constant 0 : i32
      %dma_wait3A_142 = arith.constant 0 : i32
      %dma_wait3A_143 = tpu.memref_slice %arg2[%dma_wait3A_141, %dma_wait3A_142] : memref<10000x128xf32, #tpu.memory_space<hbm>> -> memref<10000x128xf32, #tpu.memory_space<hbm>>
      tpu.wait_indirect_dma semaphore(%arg28 : memref<!tpu.dma_semaphore, #tpu.memory_space<semaphore_mem>>) src(%dma_wait3A_143 : memref<10000x128xf32, #tpu.memory_space<hbm>>) dst(%arg18 : memref<80x128xf32, #tpu.memory_space<vmem>>)
      %dma_wait3A_144 = arith.constant 0 : i32
      %dma_wait3A_145 = arith.constant 0 : i32
      %dma_wait3A_146 = tpu.memref_slice %arg3[%dma_wait3A_144, %dma_wait3A_145] : memref<10000x128xf32, #tpu.memory_space<hbm>> -> memref<10000x128xf32, #tpu.memory_space<hbm>>
      tpu.wait_indirect_dma semaphore(%arg33 : memref<!tpu.dma_semaphore, #tpu.memory_space<semaphore_mem>>) src(%dma_wait3A_146 : memref<10000x128xf32, #tpu.memory_space<hbm>>) dst(%arg23 : memref<80x128xf32, #tpu.memory_space<vmem>>)
      %scan3A_147 = arith.constant 0 : i32
      %scan3A_148 = arith.constant 0 : i32
      %scan3A_149 = arith.constant 80 : i32
      %scan3A_150 = arith.addi %scan3A_148, %scan3A_149 : i32
      %scan3A_151 = arith.constant 1 : i32
      scf.for %scan3A_254 = %scan3A_148 to %scan3A_150 step %scan3A_151  : i32 {
        %get3A = arith.index_cast %scan3A_254 : i32 to index
        %get3A_255 = arith.constant 0 : index
        %get3A_256 = tpu.vector_load %arg18[%get3A, %get3A_255] {strides = array<i32>} : memref<80x128xf32, #tpu.memory_space<vmem>>, vector<1x16xf32>,
        %get3A_257 = vector.shape_cast %get3A_256 : vector<1x16xf32> to vector<16xf32>
        %get3A_258 = arith.index_cast %scan3A_254 : i32 to index
        %get3A_259 = arith.constant 0 : index
        %get3A_260 = tpu.vector_load %arg23[%get3A_258, %get3A_259] {strides = array<i32>} : memref<80x128xf32, #tpu.memory_space<vmem>>, vector<1x16xf32>,
        %get3A_261 = vector.shape_cast %get3A_260 : vector<1x16xf32> to vector<16xf32>
        %add3A_262 = arith.addf %get3A_257, %get3A_261 : vector<16xf32>
        %swap3A = arith.index_cast %scan3A_254 : i32 to index
        %swap3A_263 = arith.constant 0 : index
        %swap3A_264 = tpu.vector_load %arg18[%swap3A, %swap3A_263] {strides = array<i32>} : memref<80x128xf32, #tpu.memory_space<vmem>>, vector<1x16xf32>,
        %swap3A_265 = vector.shape_cast %swap3A_264 : vector<1x16xf32> to vector<16xf32>
        %swap3A_266 = vector.shape_cast %add3A_262 : vector<16xf32> to vector<1x16xf32>
        tpu.vector_store %arg18[%swap3A, %swap3A_263], %swap3A_266 {strides = array<i32>} : memref<80x128xf32, #tpu.memory_space<vmem>>, vector<1x16xf32>,
        %get3A_267 = arith.index_cast %scan3A_254 : i32 to index
        %get3A_268 = arith.constant 16 : index
        %get3A_269 = tpu.vector_load %arg18[%get3A_267, %get3A_268] {strides = array<i32>} : memref<80x128xf32, #tpu.memory_space<vmem>>, vector<1x16xf32>,
        %get3A_270 = vector.shape_cast %get3A_269 : vector<1x16xf32> to vector<16xf32>
        %get3A_271 = arith.index_cast %scan3A_254 : i32 to index
        %get3A_272 = arith.constant 16 : index
        %get3A_273 = tpu.vector_load %arg23[%get3A_271, %get3A_272] {strides = array<i32>} : memref<80x128xf32, #tpu.memory_space<vmem>>, vector<1x16xf32>,
        %get3A_274 = vector.shape_cast %get3A_273 : vector<1x16xf32> to vector<16xf32>
        %add3A_275 = arith.addf %get3A_270, %get3A_274 : vector<16xf32>
        %swap3A_276 = arith.index_cast %scan3A_254 : i32 to index
        %swap3A_277 = arith.constant 16 : index
        %swap3A_278 = tpu.vector_load %arg18[%swap3A_276, %swap3A_277] {strides = array<i32>} : memref<80x128xf32, #tpu.memory_space<vmem>>, vector<1x16xf32>,
        %swap3A_279 = vector.shape_cast %swap3A_278 : vector<1x16xf32> to vector<16xf32>
        %swap3A_280 = vector.shape_cast %add3A_275 : vector<16xf32> to vector<1x16xf32>
        tpu.vector_store %arg18[%swap3A_276, %swap3A_277], %swap3A_280 {strides = array<i32>} : memref<80x128xf32, #tpu.memory_space<vmem>>, vector<1x16xf32>,
        %get3A_281 = arith.index_cast %scan3A_254 : i32 to index
        %get3A_282 = arith.constant 32 : index
        %get3A_283 = tpu.vector_load %arg18[%get3A_281, %get3A_282] {strides = array<i32>} : memref<80x128xf32, #tpu.memory_space<vmem>>, vector<1x16xf32>,
        %get3A_284 = vector.shape_cast %get3A_283 : vector<1x16xf32> to vector<16xf32>
        %get3A_285 = arith.index_cast %scan3A_254 : i32 to index
        %get3A_286 = arith.constant 32 : index
        %get3A_287 = tpu.vector_load %arg23[%get3A_285, %get3A_286] {strides = array<i32>} : memref<80x128xf32, #tpu.memory_space<vmem>>, vector<1x16xf32>,
        %get3A_288 = vector.shape_cast %get3A_287 : vector<1x16xf32> to vector<16xf32>
        %add3A_289 = arith.addf %get3A_284, %get3A_288 : vector<16xf32>
        %swap3A_290 = arith.index_cast %scan3A_254 : i32 to index
        %swap3A_291 = arith.constant 32 : index
        %swap3A_292 = tpu.vector_load %arg18[%swap3A_290, %swap3A_291] {strides = array<i32>} : memref<80x128xf32, #tpu.memory_space<vmem>>, vector<1x16xf32>,
        %swap3A_293 = vector.shape_cast %swap3A_292 : vector<1x16xf32> to vector<16xf32>
        %swap3A_294 = vector.shape_cast %add3A_289 : vector<16xf32> to vector<1x16xf32>
        tpu.vector_store %arg18[%swap3A_290, %swap3A_291], %swap3A_294 {strides = array<i32>} : memref<80x128xf32, #tpu.memory_space<vmem>>, vector<1x16xf32>,
        %get3A_295 = arith.index_cast %scan3A_254 : i32 to index
        %get3A_296 = arith.constant 48 : index
        %get3A_297 = tpu.vector_load %arg18[%get3A_295, %get3A_296] {strides = array<i32>} : memref<80x128xf32, #tpu.memory_space<vmem>>, vector<1x16xf32>,
        %get3A_298 = vector.shape_cast %get3A_297 : vector<1x16xf32> to vector<16xf32>
        %get3A_299 = arith.index_cast %scan3A_254 : i32 to index
        %get3A_300 = arith.constant 48 : index
        %get3A_301 = tpu.vector_load %arg23[%get3A_299, %get3A_300] {strides = array<i32>} : memref<80x128xf32, #tpu.memory_space<vmem>>, vector<1x16xf32>,
        %get3A_302 = vector.shape_cast %get3A_301 : vector<1x16xf32> to vector<16xf32>
        %add3A_303 = arith.addf %get3A_298, %get3A_302 : vector<16xf32>
        %swap3A_304 = arith.index_cast %scan3A_254 : i32 to index
        %swap3A_305 = arith.constant 48 : index
        %swap3A_306 = tpu.vector_load %arg18[%swap3A_304, %swap3A_305] {strides = array<i32>} : memref<80x128xf32, #tpu.memory_space<vmem>>, vector<1x16xf32>,
        %swap3A_307 = vector.shape_cast %swap3A_306 : vector<1x16xf32> to vector<16xf32>
        %swap3A_308 = vector.shape_cast %add3A_303 : vector<16xf32> to vector<1x16xf32>
        tpu.vector_store %arg18[%swap3A_304, %swap3A_305], %swap3A_308 {strides = array<i32>} : memref<80x128xf32, #tpu.memory_space<vmem>>, vector<1x16xf32>,
        %get3A_309 = arith.index_cast %scan3A_254 : i32 to index
        %get3A_310 = arith.constant 64 : index
        %get3A_311 = tpu.vector_load %arg18[%get3A_309, %get3A_310] {strides = array<i32>} : memref<80x128xf32, #tpu.memory_space<vmem>>, vector<1x16xf32>,
        %get3A_312 = vector.shape_cast %get3A_311 : vector<1x16xf32> to vector<16xf32>
        %get3A_313 = arith.index_cast %scan3A_254 : i32 to index
        %get3A_314 = arith.constant 64 : index
        %get3A_315 = tpu.vector_load %arg23[%get3A_313, %get3A_314] {strides = array<i32>} : memref<80x128xf32, #tpu.memory_space<vmem>>, vector<1x16xf32>,
        %get3A_316 = vector.shape_cast %get3A_315 : vector<1x16xf32> to vector<16xf32>
        %add3A_317 = arith.addf %get3A_312, %get3A_316 : vector<16xf32>
        %swap3A_318 = arith.index_cast %scan3A_254 : i32 to index
        %swap3A_319 = arith.constant 64 : index
        %swap3A_320 = tpu.vector_load %arg18[%swap3A_318, %swap3A_319] {strides = array<i32>} : memref<80x128xf32, #tpu.memory_space<vmem>>, vector<1x16xf32>,
        %swap3A_321 = vector.shape_cast %swap3A_320 : vector<1x16xf32> to vector<16xf32>
        %swap3A_322 = vector.shape_cast %add3A_317 : vector<16xf32> to vector<1x16xf32>
        tpu.vector_store %arg18[%swap3A_318, %swap3A_319], %swap3A_322 {strides = array<i32>} : memref<80x128xf32, #tpu.memory_space<vmem>>, vector<1x16xf32>,
        %get3A_323 = arith.index_cast %scan3A_254 : i32 to index
        %get3A_324 = arith.constant 80 : index
        %get3A_325 = tpu.vector_load %arg18[%get3A_323, %get3A_324] {strides = array<i32>} : memref<80x128xf32, #tpu.memory_space<vmem>>, vector<1x16xf32>,
        %get3A_326 = vector.shape_cast %get3A_325 : vector<1x16xf32> to vector<16xf32>
        %get3A_327 = arith.index_cast %scan3A_254 : i32 to index
        %get3A_328 = arith.constant 80 : index
        %get3A_329 = tpu.vector_load %arg23[%get3A_327, %get3A_328] {strides = array<i32>} : memref<80x128xf32, #tpu.memory_space<vmem>>, vector<1x16xf32>,
        %get3A_330 = vector.shape_cast %get3A_329 : vector<1x16xf32> to vector<16xf32>
        %add3A_331 = arith.addf %get3A_326, %get3A_330 : vector<16xf32>
        %swap3A_332 = arith.index_cast %scan3A_254 : i32 to index
        %swap3A_333 = arith.constant 80 : index
        %swap3A_334 = tpu.vector_load %arg18[%swap3A_332, %swap3A_333] {strides = array<i32>} : memref<80x128xf32, #tpu.memory_space<vmem>>, vector<1x16xf32>,
        %swap3A_335 = vector.shape_cast %swap3A_334 : vector<1x16xf32> to vector<16xf32>
        %swap3A_336 = vector.shape_cast %add3A_331 : vector<16xf32> to vector<1x16xf32>
        tpu.vector_store %arg18[%swap3A_332, %swap3A_333], %swap3A_336 {strides = array<i32>} : memref<80x128xf32, #tpu.memory_space<vmem>>, vector<1x16xf32>,
        %get3A_337 = arith.index_cast %scan3A_254 : i32 to index
        %get3A_338 = arith.constant 96 : index
        %get3A_339 = tpu.vector_load %arg18[%get3A_337, %get3A_338] {strides = array<i32>} : memref<80x128xf32, #tpu.memory_space<vmem>>, vector<1x16xf32>,
        %get3A_340 = vector.shape_cast %get3A_339 : vector<1x16xf32> to vector<16xf32>
        %get3A_341 = arith.index_cast %scan3A_254 : i32 to index
        %get3A_342 = arith.constant 96 : index
        %get3A_343 = tpu.vector_load %arg23[%get3A_341, %get3A_342] {strides = array<i32>} : memref<80x128xf32, #tpu.memory_space<vmem>>, vector<1x16xf32>,
        %get3A_344 = vector.shape_cast %get3A_343 : vector<1x16xf32> to vector<16xf32>
        %add3A_345 = arith.addf %get3A_340, %get3A_344 : vector<16xf32>
        %swap3A_346 = arith.index_cast %scan3A_254 : i32 to index
        %swap3A_347 = arith.constant 96 : index
        %swap3A_348 = tpu.vector_load %arg18[%swap3A_346, %swap3A_347] {strides = array<i32>} : memref<80x128xf32, #tpu.memory_space<vmem>>, vector<1x16xf32>,
        %swap3A_349 = vector.shape_cast %swap3A_348 : vector<1x16xf32> to vector<16xf32>
        %swap3A_350 = vector.shape_cast %add3A_345 : vector<16xf32> to vector<1x16xf32>
        tpu.vector_store %arg18[%swap3A_346, %swap3A_347], %swap3A_350 {strides = array<i32>} : memref<80x128xf32, #tpu.memory_space<vmem>>, vector<1x16xf32>,
        %get3A_351 = arith.index_cast %scan3A_254 : i32 to index
        %get3A_352 = arith.constant 112 : index
        %get3A_353 = tpu.vector_load %arg18[%get3A_351, %get3A_352] {strides = array<i32>} : memref<80x128xf32, #tpu.memory_space<vmem>>, vector<1x16xf32>,
        %get3A_354 = vector.shape_cast %get3A_353 : vector<1x16xf32> to vector<16xf32>
        %get3A_355 = arith.index_cast %scan3A_254 : i32 to index
        %get3A_356 = arith.constant 112 : index
        %get3A_357 = tpu.vector_load %arg23[%get3A_355, %get3A_356] {strides = array<i32>} : memref<80x128xf32, #tpu.memory_space<vmem>>, vector<1x16xf32>,
        %get3A_358 = vector.shape_cast %get3A_357 : vector<1x16xf32> to vector<16xf32>
        %add3A_359 = arith.addf %get3A_354, %get3A_358 : vector<16xf32>
        %swap3A_360 = arith.index_cast %scan3A_254 : i32 to index
        %swap3A_361 = arith.constant 112 : index
        %swap3A_362 = tpu.vector_load %arg18[%swap3A_360, %swap3A_361] {strides = array<i32>} : memref<80x128xf32, #tpu.memory_space<vmem>>, vector<1x16xf32>,
        %swap3A_363 = vector.shape_cast %swap3A_362 : vector<1x16xf32> to vector<16xf32>
        %swap3A_364 = vector.shape_cast %add3A_359 : vector<16xf32> to vector<1x16xf32>
        tpu.vector_store %arg18[%swap3A_360, %swap3A_361], %swap3A_364 {strides = array<i32>} : memref<80x128xf32, #tpu.memory_space<vmem>>, vector<1x16xf32>,
      }
      %scan3A_152 = arith.constant 80 : i32
      %dma_start3A_153 = arith.constant 0 : i32
      %dma_start3A_154 = tpu.memref_slice %arg6[%add3A_140, %dma_start3A_153] : memref<320000x128xf32, #tpu.memory_space<hbm>> -> memref<80x128xf32, #tpu.memory_space<hbm>>
      %dma_start3A_155 = arith.constant 0 : i32
      %dma_start3A_156 = tpu.memref_slice %arg6[%add3A_140, %dma_start3A_155] : memref<320000x128xf32, #tpu.memory_space<hbm>> -> memref<80x128xf32, #tpu.memory_space<hbm>>
      tpu.enqueue_dma source(%arg18 : memref<80x128xf32, #tpu.memory_space<vmem>>) target(%dma_start3A_156 : memref<80x128xf32, #tpu.memory_space<hbm>>) target_semaphore(%arg38 : memref<!tpu.dma_semaphore, #tpu.memory_space<semaphore_mem>>)
      %add3A_157 = arith.constant 5 : i32
      %add3A_158 = arith.addi %add3A_137, %add3A_157 : i32
      %lt3A_159 = arith.constant 125 : i32
      %lt3A_160 = arith.cmpi slt, %add3A_158, %lt3A_159 : i32
      %convert_element_type3A_161 = arith.extui %lt3A_160 : i1 to i32
      %cond3A_162 = arith.constant 0 : i32
      %cond3A_163 = arith.cmpi ne, %convert_element_type3A_161, %cond3A_162 : i32
      scf.if %cond3A_163 {
        %add3A_254 = arith.constant 5 : i32
        %add3A_255 = arith.addi %add3A_137, %add3A_254 : i32
        %mul3A_256 = arith.constant 80 : i32
        %mul3A_257 = arith.muli %add3A_255, %mul3A_256 : i32
        %add3A_258 = arith.addi %mul3A_2, %mul3A_257 : i32
        %dma_start3A_259 = tpu.memref_slice %arg4[%add3A_258] : memref<320000xi32, #tpu.memory_space<hbm>> -> memref<80xi32, #tpu.memory_space<hbm>>
        %dma_start3A_260 = tpu.memref_slice %arg4[%add3A_258] : memref<320000xi32, #tpu.memory_space<hbm>> -> memref<80xi32, #tpu.memory_space<hbm>>
        tpu.enqueue_dma source(%dma_start3A_260 : memref<80xi32, #tpu.memory_space<hbm>>) target(%arg8 : memref<80xi32, #tpu.memory_space<vmem>>) target_semaphore(%arg43 : memref<!tpu.dma_semaphore, #tpu.memory_space<semaphore_mem>>)
        %dma_start3A_261 = tpu.memref_slice %arg5[%add3A_258] : memref<320000xi32, #tpu.memory_space<hbm>> -> memref<80xi32, #tpu.memory_space<hbm>>
        %dma_start3A_262 = tpu.memref_slice %arg5[%add3A_258] : memref<320000xi32, #tpu.memory_space<hbm>> -> memref<80xi32, #tpu.memory_space<hbm>>
        tpu.enqueue_dma source(%dma_start3A_262 : memref<80xi32, #tpu.memory_space<hbm>>) target(%arg13 : memref<80xi32, #tpu.memory_space<vmem>>) target_semaphore(%arg48 : memref<!tpu.dma_semaphore, #tpu.memory_space<semaphore_mem>>)
        %dma_wait3A_263 = arith.constant 0 : i32
        %dma_wait3A_264 = tpu.memref_slice %arg6[%mul3A_2, %dma_wait3A_263] : memref<320000x128xf32, #tpu.memory_space<hbm>> -> memref<80x128xf32, #tpu.memory_space<hbm>>
        %dma_wait3A_265 = arith.constant 0 : i32
        %dma_wait3A_266 = tpu.memref_slice %arg6[%mul3A_2, %dma_wait3A_265] : memref<320000x128xf32, #tpu.memory_space<hbm>> -> memref<80x128xf32, #tpu.memory_space<hbm>>
        tpu.wait_dma2 semaphore(%arg38 : memref<!tpu.dma_semaphore, #tpu.memory_space<semaphore_mem>>) src(%arg18 : memref<80x128xf32, #tpu.memory_space<vmem>>) dst(%dma_wait3A_266 : memref<80x128xf32, #tpu.memory_space<hbm>>)
        %dma_wait3A_267 = tpu.memref_slice %arg4[%mul3A_2] : memref<320000xi32, #tpu.memory_space<hbm>> -> memref<80xi32, #tpu.memory_space<hbm>>
        %dma_wait3A_268 = tpu.memref_slice %arg4[%mul3A_2] : memref<320000xi32, #tpu.memory_space<hbm>> -> memref<80xi32, #tpu.memory_space<hbm>>
        tpu.wait_dma2 semaphore(%arg43 : memref<!tpu.dma_semaphore, #tpu.memory_space<semaphore_mem>>) src(%dma_wait3A_268 : memref<80xi32, #tpu.memory_space<hbm>>) dst(%arg8 : memref<80xi32, #tpu.memory_space<vmem>>)
        %dma_wait3A_269 = tpu.memref_slice %arg5[%mul3A_2] : memref<320000xi32, #tpu.memory_space<hbm>> -> memref<80xi32, #tpu.memory_space<hbm>>
        %dma_wait3A_270 = tpu.memref_slice %arg5[%mul3A_2] : memref<320000xi32, #tpu.memory_space<hbm>> -> memref<80xi32, #tpu.memory_space<hbm>>
        tpu.wait_dma2 semaphore(%arg48 : memref<!tpu.dma_semaphore, #tpu.memory_space<semaphore_mem>>) src(%dma_wait3A_270 : memref<80xi32, #tpu.memory_space<hbm>>) dst(%arg13 : memref<80xi32, #tpu.memory_space<vmem>>)
        %dma_start3A_271 = arith.constant 0 : i32
        %dma_start3A_272 = arith.constant 0 : i32
        %dma_start3A_273 = tpu.memref_slice %arg2[%dma_start3A_271, %dma_start3A_272] : memref<10000x128xf32, #tpu.memory_space<hbm>> -> memref<10000x128xf32, #tpu.memory_space<hbm>>
        tpu.enqueue_indirect_dma source(%dma_start3A_273 : memref<10000x128xf32, #tpu.memory_space<hbm>>) target(%arg18 : memref<80x128xf32, #tpu.memory_space<vmem>>) offsets(%arg8 : memref<80xi32, #tpu.memory_space<vmem>>) semaphore(%arg28 : memref<!tpu.dma_semaphore, #tpu.memory_space<semaphore_mem>>)
        %dma_start3A_274 = arith.constant 0 : i32
        %dma_start3A_275 = arith.constant 0 : i32
        %dma_start3A_276 = tpu.memref_slice %arg3[%dma_start3A_274, %dma_start3A_275] : memref<10000x128xf32, #tpu.memory_space<hbm>> -> memref<10000x128xf32, #tpu.memory_space<hbm>>
        tpu.enqueue_indirect_dma source(%dma_start3A_276 : memref<10000x128xf32, #tpu.memory_space<hbm>>) target(%arg23 : memref<80x128xf32, #tpu.memory_space<vmem>>) offsets(%arg13 : memref<80xi32, #tpu.memory_space<vmem>>) semaphore(%arg33 : memref<!tpu.dma_semaphore, #tpu.memory_space<semaphore_mem>>)
      } else {
      }
      %mul3A_164 = arith.constant 5 : i32
      %mul3A_165 = arith.muli %scan3A_106, %mul3A_164 : i32
      %add3A_166 = arith.constant 2 : i32
      %add3A_167 = arith.addi %mul3A_165, %add3A_166 : i32
      %mul3A_168 = arith.constant 80 : i32
      %mul3A_169 = arith.muli %add3A_167, %mul3A_168 : i32
      %add3A_170 = arith.addi %mul3A_2, %mul3A_169 : i32
      %dma_wait3A_171 = arith.constant 0 : i32
      %dma_wait3A_172 = arith.constant 0 : i32
      %dma_wait3A_173 = tpu.memref_slice %arg2[%dma_wait3A_171, %dma_wait3A_172] : memref<10000x128xf32, #tpu.memory_space<hbm>> -> memref<10000x128xf32, #tpu.memory_space<hbm>>
      tpu.wait_indirect_dma semaphore(%arg29 : memref<!tpu.dma_semaphore, #tpu.memory_space<semaphore_mem>>) src(%dma_wait3A_173 : memref<10000x128xf32, #tpu.memory_space<hbm>>) dst(%arg19 : memref<80x128xf32, #tpu.memory_space<vmem>>)
      %dma_wait3A_174 = arith.constant 0 : i32
      %dma_wait3A_175 = arith.constant 0 : i32
      %dma_wait3A_176 = tpu.memref_slice %arg3[%dma_wait3A_174, %dma_wait3A_175] : memref<10000x128xf32, #tpu.memory_space<hbm>> -> memref<10000x128xf32, #tpu.memory_space<hbm>>
      tpu.wait_indirect_dma semaphore(%arg34 : memref<!tpu.dma_semaphore, #tpu.memory_space<semaphore_mem>>) src(%dma_wait3A_176 : memref<10000x128xf32, #tpu.memory_space<hbm>>) dst(%arg24 : memref<80x128xf32, #tpu.memory_space<vmem>>)
      %scan3A_177 = arith.constant 0 : i32
      %scan3A_178 = arith.constant 0 : i32
      %scan3A_179 = arith.constant 80 : i32
      %scan3A_180 = arith.addi %scan3A_178, %scan3A_179 : i32
      %scan3A_181 = arith.constant 1 : i32
      scf.for %scan3A_254 = %scan3A_178 to %scan3A_180 step %scan3A_181  : i32 {
        %get3A = arith.index_cast %scan3A_254 : i32 to index
        %get3A_255 = arith.constant 0 : index
        %get3A_256 = tpu.vector_load %arg19[%get3A, %get3A_255] {strides = array<i32>} : memref<80x128xf32, #tpu.memory_space<vmem>>, vector<1x16xf32>,
        %get3A_257 = vector.shape_cast %get3A_256 : vector<1x16xf32> to vector<16xf32>
        %get3A_258 = arith.index_cast %scan3A_254 : i32 to index
        %get3A_259 = arith.constant 0 : index
        %get3A_260 = tpu.vector_load %arg24[%get3A_258, %get3A_259] {strides = array<i32>} : memref<80x128xf32, #tpu.memory_space<vmem>>, vector<1x16xf32>,
        %get3A_261 = vector.shape_cast %get3A_260 : vector<1x16xf32> to vector<16xf32>
        %add3A_262 = arith.addf %get3A_257, %get3A_261 : vector<16xf32>
        %swap3A = arith.index_cast %scan3A_254 : i32 to index
        %swap3A_263 = arith.constant 0 : index
        %swap3A_264 = tpu.vector_load %arg19[%swap3A, %swap3A_263] {strides = array<i32>} : memref<80x128xf32, #tpu.memory_space<vmem>>, vector<1x16xf32>,
        %swap3A_265 = vector.shape_cast %swap3A_264 : vector<1x16xf32> to vector<16xf32>
        %swap3A_266 = vector.shape_cast %add3A_262 : vector<16xf32> to vector<1x16xf32>
        tpu.vector_store %arg19[%swap3A, %swap3A_263], %swap3A_266 {strides = array<i32>} : memref<80x128xf32, #tpu.memory_space<vmem>>, vector<1x16xf32>,
        %get3A_267 = arith.index_cast %scan3A_254 : i32 to index
        %get3A_268 = arith.constant 16 : index
        %get3A_269 = tpu.vector_load %arg19[%get3A_267, %get3A_268] {strides = array<i32>} : memref<80x128xf32, #tpu.memory_space<vmem>>, vector<1x16xf32>,
        %get3A_270 = vector.shape_cast %get3A_269 : vector<1x16xf32> to vector<16xf32>
        %get3A_271 = arith.index_cast %scan3A_254 : i32 to index
        %get3A_272 = arith.constant 16 : index
        %get3A_273 = tpu.vector_load %arg24[%get3A_271, %get3A_272] {strides = array<i32>} : memref<80x128xf32, #tpu.memory_space<vmem>>, vector<1x16xf32>,
        %get3A_274 = vector.shape_cast %get3A_273 : vector<1x16xf32> to vector<16xf32>
        %add3A_275 = arith.addf %get3A_270, %get3A_274 : vector<16xf32>
        %swap3A_276 = arith.index_cast %scan3A_254 : i32 to index
        %swap3A_277 = arith.constant 16 : index
        %swap3A_278 = tpu.vector_load %arg19[%swap3A_276, %swap3A_277] {strides = array<i32>} : memref<80x128xf32, #tpu.memory_space<vmem>>, vector<1x16xf32>,
        %swap3A_279 = vector.shape_cast %swap3A_278 : vector<1x16xf32> to vector<16xf32>
        %swap3A_280 = vector.shape_cast %add3A_275 : vector<16xf32> to vector<1x16xf32>
        tpu.vector_store %arg19[%swap3A_276, %swap3A_277], %swap3A_280 {strides = array<i32>} : memref<80x128xf32, #tpu.memory_space<vmem>>, vector<1x16xf32>,
        %get3A_281 = arith.index_cast %scan3A_254 : i32 to index
        %get3A_282 = arith.constant 32 : index
        %get3A_283 = tpu.vector_load %arg19[%get3A_281, %get3A_282] {strides = array<i32>} : memref<80x128xf32, #tpu.memory_space<vmem>>, vector<1x16xf32>,
        %get3A_284 = vector.shape_cast %get3A_283 : vector<1x16xf32> to vector<16xf32>
        %get3A_285 = arith.index_cast %scan3A_254 : i32 to index
        %get3A_286 = arith.constant 32 : index
        %get3A_287 = tpu.vector_load %arg24[%get3A_285, %get3A_286] {strides = array<i32>} : memref<80x128xf32, #tpu.memory_space<vmem>>, vector<1x16xf32>,
        %get3A_288 = vector.shape_cast %get3A_287 : vector<1x16xf32> to vector<16xf32>
        %add3A_289 = arith.addf %get3A_284, %get3A_288 : vector<16xf32>
        %swap3A_290 = arith.index_cast %scan3A_254 : i32 to index
        %swap3A_291 = arith.constant 32 : index
        %swap3A_292 = tpu.vector_load %arg19[%swap3A_290, %swap3A_291] {strides = array<i32>} : memref<80x128xf32, #tpu.memory_space<vmem>>, vector<1x16xf32>,
        %swap3A_293 = vector.shape_cast %swap3A_292 : vector<1x16xf32> to vector<16xf32>
        %swap3A_294 = vector.shape_cast %add3A_289 : vector<16xf32> to vector<1x16xf32>
        tpu.vector_store %arg19[%swap3A_290, %swap3A_291], %swap3A_294 {strides = array<i32>} : memref<80x128xf32, #tpu.memory_space<vmem>>, vector<1x16xf32>,
        %get3A_295 = arith.index_cast %scan3A_254 : i32 to index
        %get3A_296 = arith.constant 48 : index
        %get3A_297 = tpu.vector_load %arg19[%get3A_295, %get3A_296] {strides = array<i32>} : memref<80x128xf32, #tpu.memory_space<vmem>>, vector<1x16xf32>,
        %get3A_298 = vector.shape_cast %get3A_297 : vector<1x16xf32> to vector<16xf32>
        %get3A_299 = arith.index_cast %scan3A_254 : i32 to index
        %get3A_300 = arith.constant 48 : index
        %get3A_301 = tpu.vector_load %arg24[%get3A_299, %get3A_300] {strides = array<i32>} : memref<80x128xf32, #tpu.memory_space<vmem>>, vector<1x16xf32>,
        %get3A_302 = vector.shape_cast %get3A_301 : vector<1x16xf32> to vector<16xf32>
        %add3A_303 = arith.addf %get3A_298, %get3A_302 : vector<16xf32>
        %swap3A_304 = arith.index_cast %scan3A_254 : i32 to index
        %swap3A_305 = arith.constant 48 : index
        %swap3A_306 = tpu.vector_load %arg19[%swap3A_304, %swap3A_305] {strides = array<i32>} : memref<80x128xf32, #tpu.memory_space<vmem>>, vector<1x16xf32>,
        %swap3A_307 = vector.shape_cast %swap3A_306 : vector<1x16xf32> to vector<16xf32>
        %swap3A_308 = vector.shape_cast %add3A_303 : vector<16xf32> to vector<1x16xf32>
        tpu.vector_store %arg19[%swap3A_304, %swap3A_305], %swap3A_308 {strides = array<i32>} : memref<80x128xf32, #tpu.memory_space<vmem>>, vector<1x16xf32>,
        %get3A_309 = arith.index_cast %scan3A_254 : i32 to index
        %get3A_310 = arith.constant 64 : index
        %get3A_311 = tpu.vector_load %arg19[%get3A_309, %get3A_310] {strides = array<i32>} : memref<80x128xf32, #tpu.memory_space<vmem>>, vector<1x16xf32>,
        %get3A_312 = vector.shape_cast %get3A_311 : vector<1x16xf32> to vector<16xf32>
        %get3A_313 = arith.index_cast %scan3A_254 : i32 to index
        %get3A_314 = arith.constant 64 : index
        %get3A_315 = tpu.vector_load %arg24[%get3A_313, %get3A_314] {strides = array<i32>} : memref<80x128xf32, #tpu.memory_space<vmem>>, vector<1x16xf32>,
        %get3A_316 = vector.shape_cast %get3A_315 : vector<1x16xf32> to vector<16xf32>
        %add3A_317 = arith.addf %get3A_312, %get3A_316 : vector<16xf32>
        %swap3A_318 = arith.index_cast %scan3A_254 : i32 to index
        %swap3A_319 = arith.constant 64 : index
        %swap3A_320 = tpu.vector_load %arg19[%swap3A_318, %swap3A_319] {strides = array<i32>} : memref<80x128xf32, #tpu.memory_space<vmem>>, vector<1x16xf32>,
        %swap3A_321 = vector.shape_cast %swap3A_320 : vector<1x16xf32> to vector<16xf32>
        %swap3A_322 = vector.shape_cast %add3A_317 : vector<16xf32> to vector<1x16xf32>
        tpu.vector_store %arg19[%swap3A_318, %swap3A_319], %swap3A_322 {strides = array<i32>} : memref<80x128xf32, #tpu.memory_space<vmem>>, vector<1x16xf32>,
        %get3A_323 = arith.index_cast %scan3A_254 : i32 to index
        %get3A_324 = arith.constant 80 : index
        %get3A_325 = tpu.vector_load %arg19[%get3A_323, %get3A_324] {strides = array<i32>} : memref<80x128xf32, #tpu.memory_space<vmem>>, vector<1x16xf32>,
        %get3A_326 = vector.shape_cast %get3A_325 : vector<1x16xf32> to vector<16xf32>
        %get3A_327 = arith.index_cast %scan3A_254 : i32 to index
        %get3A_328 = arith.constant 80 : index
        %get3A_329 = tpu.vector_load %arg24[%get3A_327, %get3A_328] {strides = array<i32>} : memref<80x128xf32, #tpu.memory_space<vmem>>, vector<1x16xf32>,
        %get3A_330 = vector.shape_cast %get3A_329 : vector<1x16xf32> to vector<16xf32>
        %add3A_331 = arith.addf %get3A_326, %get3A_330 : vector<16xf32>
        %swap3A_332 = arith.index_cast %scan3A_254 : i32 to index
        %swap3A_333 = arith.constant 80 : index
        %swap3A_334 = tpu.vector_load %arg19[%swap3A_332, %swap3A_333] {strides = array<i32>} : memref<80x128xf32, #tpu.memory_space<vmem>>, vector<1x16xf32>,
        %swap3A_335 = vector.shape_cast %swap3A_334 : vector<1x16xf32> to vector<16xf32>
        %swap3A_336 = vector.shape_cast %add3A_331 : vector<16xf32> to vector<1x16xf32>
        tpu.vector_store %arg19[%swap3A_332, %swap3A_333], %swap3A_336 {strides = array<i32>} : memref<80x128xf32, #tpu.memory_space<vmem>>, vector<1x16xf32>,
        %get3A_337 = arith.index_cast %scan3A_254 : i32 to index
        %get3A_338 = arith.constant 96 : index
        %get3A_339 = tpu.vector_load %arg19[%get3A_337, %get3A_338] {strides = array<i32>} : memref<80x128xf32, #tpu.memory_space<vmem>>, vector<1x16xf32>,
        %get3A_340 = vector.shape_cast %get3A_339 : vector<1x16xf32> to vector<16xf32>
        %get3A_341 = arith.index_cast %scan3A_254 : i32 to index
        %get3A_342 = arith.constant 96 : index
        %get3A_343 = tpu.vector_load %arg24[%get3A_341, %get3A_342] {strides = array<i32>} : memref<80x128xf32, #tpu.memory_space<vmem>>, vector<1x16xf32>,
        %get3A_344 = vector.shape_cast %get3A_343 : vector<1x16xf32> to vector<16xf32>
        %add3A_345 = arith.addf %get3A_340, %get3A_344 : vector<16xf32>
        %swap3A_346 = arith.index_cast %scan3A_254 : i32 to index
        %swap3A_347 = arith.constant 96 : index
        %swap3A_348 = tpu.vector_load %arg19[%swap3A_346, %swap3A_347] {strides = array<i32>} : memref<80x128xf32, #tpu.memory_space<vmem>>, vector<1x16xf32>,
        %swap3A_349 = vector.shape_cast %swap3A_348 : vector<1x16xf32> to vector<16xf32>
        %swap3A_350 = vector.shape_cast %add3A_345 : vector<16xf32> to vector<1x16xf32>
        tpu.vector_store %arg19[%swap3A_346, %swap3A_347], %swap3A_350 {strides = array<i32>} : memref<80x128xf32, #tpu.memory_space<vmem>>, vector<1x16xf32>,
        %get3A_351 = arith.index_cast %scan3A_254 : i32 to index
        %get3A_352 = arith.constant 112 : index
        %get3A_353 = tpu.vector_load %arg19[%get3A_351, %get3A_352] {strides = array<i32>} : memref<80x128xf32, #tpu.memory_space<vmem>>, vector<1x16xf32>,
        %get3A_354 = vector.shape_cast %get3A_353 : vector<1x16xf32> to vector<16xf32>
        %get3A_355 = arith.index_cast %scan3A_254 : i32 to index
        %get3A_356 = arith.constant 112 : index
        %get3A_357 = tpu.vector_load %arg24[%get3A_355, %get3A_356] {strides = array<i32>} : memref<80x128xf32, #tpu.memory_space<vmem>>, vector<1x16xf32>,
        %get3A_358 = vector.shape_cast %get3A_357 : vector<1x16xf32> to vector<16xf32>
        %add3A_359 = arith.addf %get3A_354, %get3A_358 : vector<16xf32>
        %swap3A_360 = arith.index_cast %scan3A_254 : i32 to index
        %swap3A_361 = arith.constant 112 : index
        %swap3A_362 = tpu.vector_load %arg19[%swap3A_360, %swap3A_361] {strides = array<i32>} : memref<80x128xf32, #tpu.memory_space<vmem>>, vector<1x16xf32>,
        %swap3A_363 = vector.shape_cast %swap3A_362 : vector<1x16xf32> to vector<16xf32>
        %swap3A_364 = vector.shape_cast %add3A_359 : vector<16xf32> to vector<1x16xf32>
        tpu.vector_store %arg19[%swap3A_360, %swap3A_361], %swap3A_364 {strides = array<i32>} : memref<80x128xf32, #tpu.memory_space<vmem>>, vector<1x16xf32>,
      }
      %scan3A_182 = arith.constant 80 : i32
      %dma_start3A_183 = arith.constant 0 : i32
      %dma_start3A_184 = tpu.memref_slice %arg6[%add3A_170, %dma_start3A_183] : memref<320000x128xf32, #tpu.memory_space<hbm>> -> memref<80x128xf32, #tpu.memory_space<hbm>>
      %dma_start3A_185 = arith.constant 0 : i32
      %dma_start3A_186 = tpu.memref_slice %arg6[%add3A_170, %dma_start3A_185] : memref<320000x128xf32, #tpu.memory_space<hbm>> -> memref<80x128xf32, #tpu.memory_space<hbm>>
      tpu.enqueue_dma source(%arg19 : memref<80x128xf32, #tpu.memory_space<vmem>>) target(%dma_start3A_186 : memref<80x128xf32, #tpu.memory_space<hbm>>) target_semaphore(%arg39 : memref<!tpu.dma_semaphore, #tpu.memory_space<semaphore_mem>>)
      %add3A_187 = arith.constant 5 : i32
      %add3A_188 = arith.addi %add3A_167, %add3A_187 : i32
      %lt3A_189 = arith.constant 125 : i32
      %lt3A_190 = arith.cmpi slt, %add3A_188, %lt3A_189 : i32
      %convert_element_type3A_191 = arith.extui %lt3A_190 : i1 to i32
      %cond3A_192 = arith.constant 0 : i32
      %cond3A_193 = arith.cmpi ne, %convert_element_type3A_191, %cond3A_192 : i32
      scf.if %cond3A_193 {
        %add3A_254 = arith.constant 5 : i32
        %add3A_255 = arith.addi %add3A_167, %add3A_254 : i32
        %mul3A_256 = arith.constant 80 : i32
        %mul3A_257 = arith.muli %add3A_255, %mul3A_256 : i32
        %add3A_258 = arith.addi %mul3A_2, %mul3A_257 : i32
        %dma_start3A_259 = tpu.memref_slice %arg4[%add3A_258] : memref<320000xi32, #tpu.memory_space<hbm>> -> memref<80xi32, #tpu.memory_space<hbm>>
        %dma_start3A_260 = tpu.memref_slice %arg4[%add3A_258] : memref<320000xi32, #tpu.memory_space<hbm>> -> memref<80xi32, #tpu.memory_space<hbm>>
        tpu.enqueue_dma source(%dma_start3A_260 : memref<80xi32, #tpu.memory_space<hbm>>) target(%arg9 : memref<80xi32, #tpu.memory_space<vmem>>) target_semaphore(%arg44 : memref<!tpu.dma_semaphore, #tpu.memory_space<semaphore_mem>>)
        %dma_start3A_261 = tpu.memref_slice %arg5[%add3A_258] : memref<320000xi32, #tpu.memory_space<hbm>> -> memref<80xi32, #tpu.memory_space<hbm>>
        %dma_start3A_262 = tpu.memref_slice %arg5[%add3A_258] : memref<320000xi32, #tpu.memory_space<hbm>> -> memref<80xi32, #tpu.memory_space<hbm>>
        tpu.enqueue_dma source(%dma_start3A_262 : memref<80xi32, #tpu.memory_space<hbm>>) target(%arg14 : memref<80xi32, #tpu.memory_space<vmem>>) target_semaphore(%arg49 : memref<!tpu.dma_semaphore, #tpu.memory_space<semaphore_mem>>)
        %dma_wait3A_263 = arith.constant 0 : i32
        %dma_wait3A_264 = tpu.memref_slice %arg6[%mul3A_2, %dma_wait3A_263] : memref<320000x128xf32, #tpu.memory_space<hbm>> -> memref<80x128xf32, #tpu.memory_space<hbm>>
        %dma_wait3A_265 = arith.constant 0 : i32
        %dma_wait3A_266 = tpu.memref_slice %arg6[%mul3A_2, %dma_wait3A_265] : memref<320000x128xf32, #tpu.memory_space<hbm>> -> memref<80x128xf32, #tpu.memory_space<hbm>>
        tpu.wait_dma2 semaphore(%arg39 : memref<!tpu.dma_semaphore, #tpu.memory_space<semaphore_mem>>) src(%arg19 : memref<80x128xf32, #tpu.memory_space<vmem>>) dst(%dma_wait3A_266 : memref<80x128xf32, #tpu.memory_space<hbm>>)
        %dma_wait3A_267 = tpu.memref_slice %arg4[%mul3A_2] : memref<320000xi32, #tpu.memory_space<hbm>> -> memref<80xi32, #tpu.memory_space<hbm>>
        %dma_wait3A_268 = tpu.memref_slice %arg4[%mul3A_2] : memref<320000xi32, #tpu.memory_space<hbm>> -> memref<80xi32, #tpu.memory_space<hbm>>
        tpu.wait_dma2 semaphore(%arg44 : memref<!tpu.dma_semaphore, #tpu.memory_space<semaphore_mem>>) src(%dma_wait3A_268 : memref<80xi32, #tpu.memory_space<hbm>>) dst(%arg9 : memref<80xi32, #tpu.memory_space<vmem>>)
        %dma_wait3A_269 = tpu.memref_slice %arg5[%mul3A_2] : memref<320000xi32, #tpu.memory_space<hbm>> -> memref<80xi32, #tpu.memory_space<hbm>>
        %dma_wait3A_270 = tpu.memref_slice %arg5[%mul3A_2] : memref<320000xi32, #tpu.memory_space<hbm>> -> memref<80xi32, #tpu.memory_space<hbm>>
        tpu.wait_dma2 semaphore(%arg49 : memref<!tpu.dma_semaphore, #tpu.memory_space<semaphore_mem>>) src(%dma_wait3A_270 : memref<80xi32, #tpu.memory_space<hbm>>) dst(%arg14 : memref<80xi32, #tpu.memory_space<vmem>>)
        %dma_start3A_271 = arith.constant 0 : i32
        %dma_start3A_272 = arith.constant 0 : i32
        %dma_start3A_273 = tpu.memref_slice %arg2[%dma_start3A_271, %dma_start3A_272] : memref<10000x128xf32, #tpu.memory_space<hbm>> -> memref<10000x128xf32, #tpu.memory_space<hbm>>
        tpu.enqueue_indirect_dma source(%dma_start3A_273 : memref<10000x128xf32, #tpu.memory_space<hbm>>) target(%arg19 : memref<80x128xf32, #tpu.memory_space<vmem>>) offsets(%arg9 : memref<80xi32, #tpu.memory_space<vmem>>) semaphore(%arg29 : memref<!tpu.dma_semaphore, #tpu.memory_space<semaphore_mem>>)
        %dma_start3A_274 = arith.constant 0 : i32
        %dma_start3A_275 = arith.constant 0 : i32
        %dma_start3A_276 = tpu.memref_slice %arg3[%dma_start3A_274, %dma_start3A_275] : memref<10000x128xf32, #tpu.memory_space<hbm>> -> memref<10000x128xf32, #tpu.memory_space<hbm>>
        tpu.enqueue_indirect_dma source(%dma_start3A_276 : memref<10000x128xf32, #tpu.memory_space<hbm>>) target(%arg24 : memref<80x128xf32, #tpu.memory_space<vmem>>) offsets(%arg14 : memref<80xi32, #tpu.memory_space<vmem>>) semaphore(%arg34 : memref<!tpu.dma_semaphore, #tpu.memory_space<semaphore_mem>>)
      } else {
      }
      %mul3A_194 = arith.constant 5 : i32
      %mul3A_195 = arith.muli %scan3A_106, %mul3A_194 : i32
      %add3A_196 = arith.constant 3 : i32
      %add3A_197 = arith.addi %mul3A_195, %add3A_196 : i32
      %mul3A_198 = arith.constant 80 : i32
      %mul3A_199 = arith.muli %add3A_197, %mul3A_198 : i32
      %add3A_200 = arith.addi %mul3A_2, %mul3A_199 : i32
      %dma_wait3A_201 = arith.constant 0 : i32
      %dma_wait3A_202 = arith.constant 0 : i32
      %dma_wait3A_203 = tpu.memref_slice %arg2[%dma_wait3A_201, %dma_wait3A_202] : memref<10000x128xf32, #tpu.memory_space<hbm>> -> memref<10000x128xf32, #tpu.memory_space<hbm>>
      tpu.wait_indirect_dma semaphore(%arg30 : memref<!tpu.dma_semaphore, #tpu.memory_space<semaphore_mem>>) src(%dma_wait3A_203 : memref<10000x128xf32, #tpu.memory_space<hbm>>) dst(%arg20 : memref<80x128xf32, #tpu.memory_space<vmem>>)
      %dma_wait3A_204 = arith.constant 0 : i32
      %dma_wait3A_205 = arith.constant 0 : i32
      %dma_wait3A_206 = tpu.memref_slice %arg3[%dma_wait3A_204, %dma_wait3A_205] : memref<10000x128xf32, #tpu.memory_space<hbm>> -> memref<10000x128xf32, #tpu.memory_space<hbm>>
      tpu.wait_indirect_dma semaphore(%arg35 : memref<!tpu.dma_semaphore, #tpu.memory_space<semaphore_mem>>) src(%dma_wait3A_206 : memref<10000x128xf32, #tpu.memory_space<hbm>>) dst(%arg25 : memref<80x128xf32, #tpu.memory_space<vmem>>)
      %scan3A_207 = arith.constant 0 : i32
      %scan3A_208 = arith.constant 0 : i32
      %scan3A_209 = arith.constant 80 : i32
      %scan3A_210 = arith.addi %scan3A_208, %scan3A_209 : i32
      %scan3A_211 = arith.constant 1 : i32
      scf.for %scan3A_254 = %scan3A_208 to %scan3A_210 step %scan3A_211  : i32 {
        %get3A = arith.index_cast %scan3A_254 : i32 to index
        %get3A_255 = arith.constant 0 : index
        %get3A_256 = tpu.vector_load %arg20[%get3A, %get3A_255] {strides = array<i32>} : memref<80x128xf32, #tpu.memory_space<vmem>>, vector<1x16xf32>,
        %get3A_257 = vector.shape_cast %get3A_256 : vector<1x16xf32> to vector<16xf32>
        %get3A_258 = arith.index_cast %scan3A_254 : i32 to index
        %get3A_259 = arith.constant 0 : index
        %get3A_260 = tpu.vector_load %arg25[%get3A_258, %get3A_259] {strides = array<i32>} : memref<80x128xf32, #tpu.memory_space<vmem>>, vector<1x16xf32>,
        %get3A_261 = vector.shape_cast %get3A_260 : vector<1x16xf32> to vector<16xf32>
        %add3A_262 = arith.addf %get3A_257, %get3A_261 : vector<16xf32>
        %swap3A = arith.index_cast %scan3A_254 : i32 to index
        %swap3A_263 = arith.constant 0 : index
        %swap3A_264 = tpu.vector_load %arg20[%swap3A, %swap3A_263] {strides = array<i32>} : memref<80x128xf32, #tpu.memory_space<vmem>>, vector<1x16xf32>,
        %swap3A_265 = vector.shape_cast %swap3A_264 : vector<1x16xf32> to vector<16xf32>
        %swap3A_266 = vector.shape_cast %add3A_262 : vector<16xf32> to vector<1x16xf32>
        tpu.vector_store %arg20[%swap3A, %swap3A_263], %swap3A_266 {strides = array<i32>} : memref<80x128xf32, #tpu.memory_space<vmem>>, vector<1x16xf32>,
        %get3A_267 = arith.index_cast %scan3A_254 : i32 to index
        %get3A_268 = arith.constant 16 : index
        %get3A_269 = tpu.vector_load %arg20[%get3A_267, %get3A_268] {strides = array<i32>} : memref<80x128xf32, #tpu.memory_space<vmem>>, vector<1x16xf32>,
        %get3A_270 = vector.shape_cast %get3A_269 : vector<1x16xf32> to vector<16xf32>
        %get3A_271 = arith.index_cast %scan3A_254 : i32 to index
        %get3A_272 = arith.constant 16 : index
        %get3A_273 = tpu.vector_load %arg25[%get3A_271, %get3A_272] {strides = array<i32>} : memref<80x128xf32, #tpu.memory_space<vmem>>, vector<1x16xf32>,
        %get3A_274 = vector.shape_cast %get3A_273 : vector<1x16xf32> to vector<16xf32>
        %add3A_275 = arith.addf %get3A_270, %get3A_274 : vector<16xf32>
        %swap3A_276 = arith.index_cast %scan3A_254 : i32 to index
        %swap3A_277 = arith.constant 16 : index
        %swap3A_278 = tpu.vector_load %arg20[%swap3A_276, %swap3A_277] {strides = array<i32>} : memref<80x128xf32, #tpu.memory_space<vmem>>, vector<1x16xf32>,
        %swap3A_279 = vector.shape_cast %swap3A_278 : vector<1x16xf32> to vector<16xf32>
        %swap3A_280 = vector.shape_cast %add3A_275 : vector<16xf32> to vector<1x16xf32>
        tpu.vector_store %arg20[%swap3A_276, %swap3A_277], %swap3A_280 {strides = array<i32>} : memref<80x128xf32, #tpu.memory_space<vmem>>, vector<1x16xf32>,
        %get3A_281 = arith.index_cast %scan3A_254 : i32 to index
        %get3A_282 = arith.constant 32 : index
        %get3A_283 = tpu.vector_load %arg20[%get3A_281, %get3A_282] {strides = array<i32>} : memref<80x128xf32, #tpu.memory_space<vmem>>, vector<1x16xf32>,
        %get3A_284 = vector.shape_cast %get3A_283 : vector<1x16xf32> to vector<16xf32>
        %get3A_285 = arith.index_cast %scan3A_254 : i32 to index
        %get3A_286 = arith.constant 32 : index
        %get3A_287 = tpu.vector_load %arg25[%get3A_285, %get3A_286] {strides = array<i32>} : memref<80x128xf32, #tpu.memory_space<vmem>>, vector<1x16xf32>,
        %get3A_288 = vector.shape_cast %get3A_287 : vector<1x16xf32> to vector<16xf32>
        %add3A_289 = arith.addf %get3A_284, %get3A_288 : vector<16xf32>
        %swap3A_290 = arith.index_cast %scan3A_254 : i32 to index
        %swap3A_291 = arith.constant 32 : index
        %swap3A_292 = tpu.vector_load %arg20[%swap3A_290, %swap3A_291] {strides = array<i32>} : memref<80x128xf32, #tpu.memory_space<vmem>>, vector<1x16xf32>,
        %swap3A_293 = vector.shape_cast %swap3A_292 : vector<1x16xf32> to vector<16xf32>
        %swap3A_294 = vector.shape_cast %add3A_289 : vector<16xf32> to vector<1x16xf32>
        tpu.vector_store %arg20[%swap3A_290, %swap3A_291], %swap3A_294 {strides = array<i32>} : memref<80x128xf32, #tpu.memory_space<vmem>>, vector<1x16xf32>,
        %get3A_295 = arith.index_cast %scan3A_254 : i32 to index
        %get3A_296 = arith.constant 48 : index
        %get3A_297 = tpu.vector_load %arg20[%get3A_295, %get3A_296] {strides = array<i32>} : memref<80x128xf32, #tpu.memory_space<vmem>>, vector<1x16xf32>,
        %get3A_298 = vector.shape_cast %get3A_297 : vector<1x16xf32> to vector<16xf32>
        %get3A_299 = arith.index_cast %scan3A_254 : i32 to index
        %get3A_300 = arith.constant 48 : index
        %get3A_301 = tpu.vector_load %arg25[%get3A_299, %get3A_300] {strides = array<i32>} : memref<80x128xf32, #tpu.memory_space<vmem>>, vector<1x16xf32>,
        %get3A_302 = vector.shape_cast %get3A_301 : vector<1x16xf32> to vector<16xf32>
        %add3A_303 = arith.addf %get3A_298, %get3A_302 : vector<16xf32>
        %swap3A_304 = arith.index_cast %scan3A_254 : i32 to index
        %swap3A_305 = arith.constant 48 : index
        %swap3A_306 = tpu.vector_load %arg20[%swap3A_304, %swap3A_305] {strides = array<i32>} : memref<80x128xf32, #tpu.memory_space<vmem>>, vector<1x16xf32>,
        %swap3A_307 = vector.shape_cast %swap3A_306 : vector<1x16xf32> to vector<16xf32>
        %swap3A_308 = vector.shape_cast %add3A_303 : vector<16xf32> to vector<1x16xf32>
        tpu.vector_store %arg20[%swap3A_304, %swap3A_305], %swap3A_308 {strides = array<i32>} : memref<80x128xf32, #tpu.memory_space<vmem>>, vector<1x16xf32>,
        %get3A_309 = arith.index_cast %scan3A_254 : i32 to index
        %get3A_310 = arith.constant 64 : index
        %get3A_311 = tpu.vector_load %arg20[%get3A_309, %get3A_310] {strides = array<i32>} : memref<80x128xf32, #tpu.memory_space<vmem>>, vector<1x16xf32>,
        %get3A_312 = vector.shape_cast %get3A_311 : vector<1x16xf32> to vector<16xf32>
        %get3A_313 = arith.index_cast %scan3A_254 : i32 to index
        %get3A_314 = arith.constant 64 : index
        %get3A_315 = tpu.vector_load %arg25[%get3A_313, %get3A_314] {strides = array<i32>} : memref<80x128xf32, #tpu.memory_space<vmem>>, vector<1x16xf32>,
        %get3A_316 = vector.shape_cast %get3A_315 : vector<1x16xf32> to vector<16xf32>
        %add3A_317 = arith.addf %get3A_312, %get3A_316 : vector<16xf32>
        %swap3A_318 = arith.index_cast %scan3A_254 : i32 to index
        %swap3A_319 = arith.constant 64 : index
        %swap3A_320 = tpu.vector_load %arg20[%swap3A_318, %swap3A_319] {strides = array<i32>} : memref<80x128xf32, #tpu.memory_space<vmem>>, vector<1x16xf32>,
        %swap3A_321 = vector.shape_cast %swap3A_320 : vector<1x16xf32> to vector<16xf32>
        %swap3A_322 = vector.shape_cast %add3A_317 : vector<16xf32> to vector<1x16xf32>
        tpu.vector_store %arg20[%swap3A_318, %swap3A_319], %swap3A_322 {strides = array<i32>} : memref<80x128xf32, #tpu.memory_space<vmem>>, vector<1x16xf32>,
        %get3A_323 = arith.index_cast %scan3A_254 : i32 to index
        %get3A_324 = arith.constant 80 : index
        %get3A_325 = tpu.vector_load %arg20[%get3A_323, %get3A_324] {strides = array<i32>} : memref<80x128xf32, #tpu.memory_space<vmem>>, vector<1x16xf32>,
        %get3A_326 = vector.shape_cast %get3A_325 : vector<1x16xf32> to vector<16xf32>
        %get3A_327 = arith.index_cast %scan3A_254 : i32 to index
        %get3A_328 = arith.constant 80 : index
        %get3A_329 = tpu.vector_load %arg25[%get3A_327, %get3A_328] {strides = array<i32>} : memref<80x128xf32, #tpu.memory_space<vmem>>, vector<1x16xf32>,
        %get3A_330 = vector.shape_cast %get3A_329 : vector<1x16xf32> to vector<16xf32>
        %add3A_331 = arith.addf %get3A_326, %get3A_330 : vector<16xf32>
        %swap3A_332 = arith.index_cast %scan3A_254 : i32 to index
        %swap3A_333 = arith.constant 80 : index
        %swap3A_334 = tpu.vector_load %arg20[%swap3A_332, %swap3A_333] {strides = array<i32>} : memref<80x128xf32, #tpu.memory_space<vmem>>, vector<1x16xf32>,
        %swap3A_335 = vector.shape_cast %swap3A_334 : vector<1x16xf32> to vector<16xf32>
        %swap3A_336 = vector.shape_cast %add3A_331 : vector<16xf32> to vector<1x16xf32>
        tpu.vector_store %arg20[%swap3A_332, %swap3A_333], %swap3A_336 {strides = array<i32>} : memref<80x128xf32, #tpu.memory_space<vmem>>, vector<1x16xf32>,
        %get3A_337 = arith.index_cast %scan3A_254 : i32 to index
        %get3A_338 = arith.constant 96 : index
        %get3A_339 = tpu.vector_load %arg20[%get3A_337, %get3A_338] {strides = array<i32>} : memref<80x128xf32, #tpu.memory_space<vmem>>, vector<1x16xf32>,
        %get3A_340 = vector.shape_cast %get3A_339 : vector<1x16xf32> to vector<16xf32>
        %get3A_341 = arith.index_cast %scan3A_254 : i32 to index
        %get3A_342 = arith.constant 96 : index
        %get3A_343 = tpu.vector_load %arg25[%get3A_341, %get3A_342] {strides = array<i32>} : memref<80x128xf32, #tpu.memory_space<vmem>>, vector<1x16xf32>,
        %get3A_344 = vector.shape_cast %get3A_343 : vector<1x16xf32> to vector<16xf32>
        %add3A_345 = arith.addf %get3A_340, %get3A_344 : vector<16xf32>
        %swap3A_346 = arith.index_cast %scan3A_254 : i32 to index
        %swap3A_347 = arith.constant 96 : index
        %swap3A_348 = tpu.vector_load %arg20[%swap3A_346, %swap3A_347] {strides = array<i32>} : memref<80x128xf32, #tpu.memory_space<vmem>>, vector<1x16xf32>,
        %swap3A_349 = vector.shape_cast %swap3A_348 : vector<1x16xf32> to vector<16xf32>
        %swap3A_350 = vector.shape_cast %add3A_345 : vector<16xf32> to vector<1x16xf32>
        tpu.vector_store %arg20[%swap3A_346, %swap3A_347], %swap3A_350 {strides = array<i32>} : memref<80x128xf32, #tpu.memory_space<vmem>>, vector<1x16xf32>,
        %get3A_351 = arith.index_cast %scan3A_254 : i32 to index
        %get3A_352 = arith.constant 112 : index
        %get3A_353 = tpu.vector_load %arg20[%get3A_351, %get3A_352] {strides = array<i32>} : memref<80x128xf32, #tpu.memory_space<vmem>>, vector<1x16xf32>,
        %get3A_354 = vector.shape_cast %get3A_353 : vector<1x16xf32> to vector<16xf32>
        %get3A_355 = arith.index_cast %scan3A_254 : i32 to index
        %get3A_356 = arith.constant 112 : index
        %get3A_357 = tpu.vector_load %arg25[%get3A_355, %get3A_356] {strides = array<i32>} : memref<80x128xf32, #tpu.memory_space<vmem>>, vector<1x16xf32>,
        %get3A_358 = vector.shape_cast %get3A_357 : vector<1x16xf32> to vector<16xf32>
        %add3A_359 = arith.addf %get3A_354, %get3A_358 : vector<16xf32>
        %swap3A_360 = arith.index_cast %scan3A_254 : i32 to index
        %swap3A_361 = arith.constant 112 : index
        %swap3A_362 = tpu.vector_load %arg20[%swap3A_360, %swap3A_361] {strides = array<i32>} : memref<80x128xf32, #tpu.memory_space<vmem>>, vector<1x16xf32>,
        %swap3A_363 = vector.shape_cast %swap3A_362 : vector<1x16xf32> to vector<16xf32>
        %swap3A_364 = vector.shape_cast %add3A_359 : vector<16xf32> to vector<1x16xf32>
        tpu.vector_store %arg20[%swap3A_360, %swap3A_361], %swap3A_364 {strides = array<i32>} : memref<80x128xf32, #tpu.memory_space<vmem>>, vector<1x16xf32>,
      }
      %scan3A_212 = arith.constant 80 : i32
      %dma_start3A_213 = arith.constant 0 : i32
      %dma_start3A_214 = tpu.memref_slice %arg6[%add3A_200, %dma_start3A_213] : memref<320000x128xf32, #tpu.memory_space<hbm>> -> memref<80x128xf32, #tpu.memory_space<hbm>>
      %dma_start3A_215 = arith.constant 0 : i32
      %dma_start3A_216 = tpu.memref_slice %arg6[%add3A_200, %dma_start3A_215] : memref<320000x128xf32, #tpu.memory_space<hbm>> -> memref<80x128xf32, #tpu.memory_space<hbm>>
      tpu.enqueue_dma source(%arg20 : memref<80x128xf32, #tpu.memory_space<vmem>>) target(%dma_start3A_216 : memref<80x128xf32, #tpu.memory_space<hbm>>) target_semaphore(%arg40 : memref<!tpu.dma_semaphore, #tpu.memory_space<semaphore_mem>>)
      %add3A_217 = arith.constant 5 : i32
      %add3A_218 = arith.addi %add3A_197, %add3A_217 : i32
      %lt3A_219 = arith.constant 125 : i32
      %lt3A_220 = arith.cmpi slt, %add3A_218, %lt3A_219 : i32
      %convert_element_type3A_221 = arith.extui %lt3A_220 : i1 to i32
      %cond3A_222 = arith.constant 0 : i32
      %cond3A_223 = arith.cmpi ne, %convert_element_type3A_221, %cond3A_222 : i32
      scf.if %cond3A_223 {
        %add3A_254 = arith.constant 5 : i32
        %add3A_255 = arith.addi %add3A_197, %add3A_254 : i32
        %mul3A_256 = arith.constant 80 : i32
        %mul3A_257 = arith.muli %add3A_255, %mul3A_256 : i32
        %add3A_258 = arith.addi %mul3A_2, %mul3A_257 : i32
        %dma_start3A_259 = tpu.memref_slice %arg4[%add3A_258] : memref<320000xi32, #tpu.memory_space<hbm>> -> memref<80xi32, #tpu.memory_space<hbm>>
        %dma_start3A_260 = tpu.memref_slice %arg4[%add3A_258] : memref<320000xi32, #tpu.memory_space<hbm>> -> memref<80xi32, #tpu.memory_space<hbm>>
        tpu.enqueue_dma source(%dma_start3A_260 : memref<80xi32, #tpu.memory_space<hbm>>) target(%arg10 : memref<80xi32, #tpu.memory_space<vmem>>) target_semaphore(%arg45 : memref<!tpu.dma_semaphore, #tpu.memory_space<semaphore_mem>>)
        %dma_start3A_261 = tpu.memref_slice %arg5[%add3A_258] : memref<320000xi32, #tpu.memory_space<hbm>> -> memref<80xi32, #tpu.memory_space<hbm>>
        %dma_start3A_262 = tpu.memref_slice %arg5[%add3A_258] : memref<320000xi32, #tpu.memory_space<hbm>> -> memref<80xi32, #tpu.memory_space<hbm>>
        tpu.enqueue_dma source(%dma_start3A_262 : memref<80xi32, #tpu.memory_space<hbm>>) target(%arg15 : memref<80xi32, #tpu.memory_space<vmem>>) target_semaphore(%arg50 : memref<!tpu.dma_semaphore, #tpu.memory_space<semaphore_mem>>)
        %dma_wait3A_263 = arith.constant 0 : i32
        %dma_wait3A_264 = tpu.memref_slice %arg6[%mul3A_2, %dma_wait3A_263] : memref<320000x128xf32, #tpu.memory_space<hbm>> -> memref<80x128xf32, #tpu.memory_space<hbm>>
        %dma_wait3A_265 = arith.constant 0 : i32
        %dma_wait3A_266 = tpu.memref_slice %arg6[%mul3A_2, %dma_wait3A_265] : memref<320000x128xf32, #tpu.memory_space<hbm>> -> memref<80x128xf32, #tpu.memory_space<hbm>>
        tpu.wait_dma2 semaphore(%arg40 : memref<!tpu.dma_semaphore, #tpu.memory_space<semaphore_mem>>) src(%arg20 : memref<80x128xf32, #tpu.memory_space<vmem>>) dst(%dma_wait3A_266 : memref<80x128xf32, #tpu.memory_space<hbm>>)
        %dma_wait3A_267 = tpu.memref_slice %arg4[%mul3A_2] : memref<320000xi32, #tpu.memory_space<hbm>> -> memref<80xi32, #tpu.memory_space<hbm>>
        %dma_wait3A_268 = tpu.memref_slice %arg4[%mul3A_2] : memref<320000xi32, #tpu.memory_space<hbm>> -> memref<80xi32, #tpu.memory_space<hbm>>
        tpu.wait_dma2 semaphore(%arg45 : memref<!tpu.dma_semaphore, #tpu.memory_space<semaphore_mem>>) src(%dma_wait3A_268 : memref<80xi32, #tpu.memory_space<hbm>>) dst(%arg10 : memref<80xi32, #tpu.memory_space<vmem>>)
        %dma_wait3A_269 = tpu.memref_slice %arg5[%mul3A_2] : memref<320000xi32, #tpu.memory_space<hbm>> -> memref<80xi32, #tpu.memory_space<hbm>>
        %dma_wait3A_270 = tpu.memref_slice %arg5[%mul3A_2] : memref<320000xi32, #tpu.memory_space<hbm>> -> memref<80xi32, #tpu.memory_space<hbm>>
        tpu.wait_dma2 semaphore(%arg50 : memref<!tpu.dma_semaphore, #tpu.memory_space<semaphore_mem>>) src(%dma_wait3A_270 : memref<80xi32, #tpu.memory_space<hbm>>) dst(%arg15 : memref<80xi32, #tpu.memory_space<vmem>>)
        %dma_start3A_271 = arith.constant 0 : i32
        %dma_start3A_272 = arith.constant 0 : i32
        %dma_start3A_273 = tpu.memref_slice %arg2[%dma_start3A_271, %dma_start3A_272] : memref<10000x128xf32, #tpu.memory_space<hbm>> -> memref<10000x128xf32, #tpu.memory_space<hbm>>
        tpu.enqueue_indirect_dma source(%dma_start3A_273 : memref<10000x128xf32, #tpu.memory_space<hbm>>) target(%arg20 : memref<80x128xf32, #tpu.memory_space<vmem>>) offsets(%arg10 : memref<80xi32, #tpu.memory_space<vmem>>) semaphore(%arg30 : memref<!tpu.dma_semaphore, #tpu.memory_space<semaphore_mem>>)
        %dma_start3A_274 = arith.constant 0 : i32
        %dma_start3A_275 = arith.constant 0 : i32
        %dma_start3A_276 = tpu.memref_slice %arg3[%dma_start3A_274, %dma_start3A_275] : memref<10000x128xf32, #tpu.memory_space<hbm>> -> memref<10000x128xf32, #tpu.memory_space<hbm>>
        tpu.enqueue_indirect_dma source(%dma_start3A_276 : memref<10000x128xf32, #tpu.memory_space<hbm>>) target(%arg25 : memref<80x128xf32, #tpu.memory_space<vmem>>) offsets(%arg15 : memref<80xi32, #tpu.memory_space<vmem>>) semaphore(%arg35 : memref<!tpu.dma_semaphore, #tpu.memory_space<semaphore_mem>>)
      } else {
      }
      %mul3A_224 = arith.constant 5 : i32
      %mul3A_225 = arith.muli %scan3A_106, %mul3A_224 : i32
      %add3A_226 = arith.constant 4 : i32
      %add3A_227 = arith.addi %mul3A_225, %add3A_226 : i32
      %mul3A_228 = arith.constant 80 : i32
      %mul3A_229 = arith.muli %add3A_227, %mul3A_228 : i32
      %add3A_230 = arith.addi %mul3A_2, %mul3A_229 : i32
      %dma_wait3A_231 = arith.constant 0 : i32
      %dma_wait3A_232 = arith.constant 0 : i32
      %dma_wait3A_233 = tpu.memref_slice %arg2[%dma_wait3A_231, %dma_wait3A_232] : memref<10000x128xf32, #tpu.memory_space<hbm>> -> memref<10000x128xf32, #tpu.memory_space<hbm>>
      tpu.wait_indirect_dma semaphore(%arg31 : memref<!tpu.dma_semaphore, #tpu.memory_space<semaphore_mem>>) src(%dma_wait3A_233 : memref<10000x128xf32, #tpu.memory_space<hbm>>) dst(%arg21 : memref<80x128xf32, #tpu.memory_space<vmem>>)
      %dma_wait3A_234 = arith.constant 0 : i32
      %dma_wait3A_235 = arith.constant 0 : i32
      %dma_wait3A_236 = tpu.memref_slice %arg3[%dma_wait3A_234, %dma_wait3A_235] : memref<10000x128xf32, #tpu.memory_space<hbm>> -> memref<10000x128xf32, #tpu.memory_space<hbm>>
      tpu.wait_indirect_dma semaphore(%arg36 : memref<!tpu.dma_semaphore, #tpu.memory_space<semaphore_mem>>) src(%dma_wait3A_236 : memref<10000x128xf32, #tpu.memory_space<hbm>>) dst(%arg26 : memref<80x128xf32, #tpu.memory_space<vmem>>)
      %scan3A_237 = arith.constant 0 : i32
      %scan3A_238 = arith.constant 0 : i32
      %scan3A_239 = arith.constant 80 : i32
      %scan3A_240 = arith.addi %scan3A_238, %scan3A_239 : i32
      %scan3A_241 = arith.constant 1 : i32
      scf.for %scan3A_254 = %scan3A_238 to %scan3A_240 step %scan3A_241  : i32 {
        %get3A = arith.index_cast %scan3A_254 : i32 to index
        %get3A_255 = arith.constant 0 : index
        %get3A_256 = tpu.vector_load %arg21[%get3A, %get3A_255] {strides = array<i32>} : memref<80x128xf32, #tpu.memory_space<vmem>>, vector<1x16xf32>,
        %get3A_257 = vector.shape_cast %get3A_256 : vector<1x16xf32> to vector<16xf32>
        %get3A_258 = arith.index_cast %scan3A_254 : i32 to index
        %get3A_259 = arith.constant 0 : index
        %get3A_260 = tpu.vector_load %arg26[%get3A_258, %get3A_259] {strides = array<i32>} : memref<80x128xf32, #tpu.memory_space<vmem>>, vector<1x16xf32>,
        %get3A_261 = vector.shape_cast %get3A_260 : vector<1x16xf32> to vector<16xf32>
        %add3A_262 = arith.addf %get3A_257, %get3A_261 : vector<16xf32>
        %swap3A = arith.index_cast %scan3A_254 : i32 to index
        %swap3A_263 = arith.constant 0 : index
        %swap3A_264 = tpu.vector_load %arg21[%swap3A, %swap3A_263] {strides = array<i32>} : memref<80x128xf32, #tpu.memory_space<vmem>>, vector<1x16xf32>,
        %swap3A_265 = vector.shape_cast %swap3A_264 : vector<1x16xf32> to vector<16xf32>
        %swap3A_266 = vector.shape_cast %add3A_262 : vector<16xf32> to vector<1x16xf32>
        tpu.vector_store %arg21[%swap3A, %swap3A_263], %swap3A_266 {strides = array<i32>} : memref<80x128xf32, #tpu.memory_space<vmem>>, vector<1x16xf32>,
        %get3A_267 = arith.index_cast %scan3A_254 : i32 to index
        %get3A_268 = arith.constant 16 : index
        %get3A_269 = tpu.vector_load %arg21[%get3A_267, %get3A_268] {strides = array<i32>} : memref<80x128xf32, #tpu.memory_space<vmem>>, vector<1x16xf32>,
        %get3A_270 = vector.shape_cast %get3A_269 : vector<1x16xf32> to vector<16xf32>
        %get3A_271 = arith.index_cast %scan3A_254 : i32 to index
        %get3A_272 = arith.constant 16 : index
        %get3A_273 = tpu.vector_load %arg26[%get3A_271, %get3A_272] {strides = array<i32>} : memref<80x128xf32, #tpu.memory_space<vmem>>, vector<1x16xf32>,
        %get3A_274 = vector.shape_cast %get3A_273 : vector<1x16xf32> to vector<16xf32>
        %add3A_275 = arith.addf %get3A_270, %get3A_274 : vector<16xf32>
        %swap3A_276 = arith.index_cast %scan3A_254 : i32 to index
        %swap3A_277 = arith.constant 16 : index
        %swap3A_278 = tpu.vector_load %arg21[%swap3A_276, %swap3A_277] {strides = array<i32>} : memref<80x128xf32, #tpu.memory_space<vmem>>, vector<1x16xf32>,
        %swap3A_279 = vector.shape_cast %swap3A_278 : vector<1x16xf32> to vector<16xf32>
        %swap3A_280 = vector.shape_cast %add3A_275 : vector<16xf32> to vector<1x16xf32>
        tpu.vector_store %arg21[%swap3A_276, %swap3A_277], %swap3A_280 {strides = array<i32>} : memref<80x128xf32, #tpu.memory_space<vmem>>, vector<1x16xf32>,
        %get3A_281 = arith.index_cast %scan3A_254 : i32 to index
        %get3A_282 = arith.constant 32 : index
        %get3A_283 = tpu.vector_load %arg21[%get3A_281, %get3A_282] {strides = array<i32>} : memref<80x128xf32, #tpu.memory_space<vmem>>, vector<1x16xf32>,
        %get3A_284 = vector.shape_cast %get3A_283 : vector<1x16xf32> to vector<16xf32>
        %get3A_285 = arith.index_cast %scan3A_254 : i32 to index
        %get3A_286 = arith.constant 32 : index
        %get3A_287 = tpu.vector_load %arg26[%get3A_285, %get3A_286] {strides = array<i32>} : memref<80x128xf32, #tpu.memory_space<vmem>>, vector<1x16xf32>,
        %get3A_288 = vector.shape_cast %get3A_287 : vector<1x16xf32> to vector<16xf32>
        %add3A_289 = arith.addf %get3A_284, %get3A_288 : vector<16xf32>
        %swap3A_290 = arith.index_cast %scan3A_254 : i32 to index
        %swap3A_291 = arith.constant 32 : index
        %swap3A_292 = tpu.vector_load %arg21[%swap3A_290, %swap3A_291] {strides = array<i32>} : memref<80x128xf32, #tpu.memory_space<vmem>>, vector<1x16xf32>,
        %swap3A_293 = vector.shape_cast %swap3A_292 : vector<1x16xf32> to vector<16xf32>
        %swap3A_294 = vector.shape_cast %add3A_289 : vector<16xf32> to vector<1x16xf32>
        tpu.vector_store %arg21[%swap3A_290, %swap3A_291], %swap3A_294 {strides = array<i32>} : memref<80x128xf32, #tpu.memory_space<vmem>>, vector<1x16xf32>,
        %get3A_295 = arith.index_cast %scan3A_254 : i32 to index
        %get3A_296 = arith.constant 48 : index
        %get3A_297 = tpu.vector_load %arg21[%get3A_295, %get3A_296] {strides = array<i32>} : memref<80x128xf32, #tpu.memory_space<vmem>>, vector<1x16xf32>,
        %get3A_298 = vector.shape_cast %get3A_297 : vector<1x16xf32> to vector<16xf32>
        %get3A_299 = arith.index_cast %scan3A_254 : i32 to index
        %get3A_300 = arith.constant 48 : index
        %get3A_301 = tpu.vector_load %arg26[%get3A_299, %get3A_300] {strides = array<i32>} : memref<80x128xf32, #tpu.memory_space<vmem>>, vector<1x16xf32>,
        %get3A_302 = vector.shape_cast %get3A_301 : vector<1x16xf32> to vector<16xf32>
        %add3A_303 = arith.addf %get3A_298, %get3A_302 : vector<16xf32>
        %swap3A_304 = arith.index_cast %scan3A_254 : i32 to index
        %swap3A_305 = arith.constant 48 : index
        %swap3A_306 = tpu.vector_load %arg21[%swap3A_304, %swap3A_305] {strides = array<i32>} : memref<80x128xf32, #tpu.memory_space<vmem>>, vector<1x16xf32>,
        %swap3A_307 = vector.shape_cast %swap3A_306 : vector<1x16xf32> to vector<16xf32>
        %swap3A_308 = vector.shape_cast %add3A_303 : vector<16xf32> to vector<1x16xf32>
        tpu.vector_store %arg21[%swap3A_304, %swap3A_305], %swap3A_308 {strides = array<i32>} : memref<80x128xf32, #tpu.memory_space<vmem>>, vector<1x16xf32>,
        %get3A_309 = arith.index_cast %scan3A_254 : i32 to index
        %get3A_310 = arith.constant 64 : index
        %get3A_311 = tpu.vector_load %arg21[%get3A_309, %get3A_310] {strides = array<i32>} : memref<80x128xf32, #tpu.memory_space<vmem>>, vector<1x16xf32>,
        %get3A_312 = vector.shape_cast %get3A_311 : vector<1x16xf32> to vector<16xf32>
        %get3A_313 = arith.index_cast %scan3A_254 : i32 to index
        %get3A_314 = arith.constant 64 : index
        %get3A_315 = tpu.vector_load %arg26[%get3A_313, %get3A_314] {strides = array<i32>} : memref<80x128xf32, #tpu.memory_space<vmem>>, vector<1x16xf32>,
        %get3A_316 = vector.shape_cast %get3A_315 : vector<1x16xf32> to vector<16xf32>
        %add3A_317 = arith.addf %get3A_312, %get3A_316 : vector<16xf32>
        %swap3A_318 = arith.index_cast %scan3A_254 : i32 to index
        %swap3A_319 = arith.constant 64 : index
        %swap3A_320 = tpu.vector_load %arg21[%swap3A_318, %swap3A_319] {strides = array<i32>} : memref<80x128xf32, #tpu.memory_space<vmem>>, vector<1x16xf32>,
        %swap3A_321 = vector.shape_cast %swap3A_320 : vector<1x16xf32> to vector<16xf32>
        %swap3A_322 = vector.shape_cast %add3A_317 : vector<16xf32> to vector<1x16xf32>
        tpu.vector_store %arg21[%swap3A_318, %swap3A_319], %swap3A_322 {strides = array<i32>} : memref<80x128xf32, #tpu.memory_space<vmem>>, vector<1x16xf32>,
        %get3A_323 = arith.index_cast %scan3A_254 : i32 to index
        %get3A_324 = arith.constant 80 : index
        %get3A_325 = tpu.vector_load %arg21[%get3A_323, %get3A_324] {strides = array<i32>} : memref<80x128xf32, #tpu.memory_space<vmem>>, vector<1x16xf32>,
        %get3A_326 = vector.shape_cast %get3A_325 : vector<1x16xf32> to vector<16xf32>
        %get3A_327 = arith.index_cast %scan3A_254 : i32 to index
        %get3A_328 = arith.constant 80 : index
        %get3A_329 = tpu.vector_load %arg26[%get3A_327, %get3A_328] {strides = array<i32>} : memref<80x128xf32, #tpu.memory_space<vmem>>, vector<1x16xf32>,
        %get3A_330 = vector.shape_cast %get3A_329 : vector<1x16xf32> to vector<16xf32>
        %add3A_331 = arith.addf %get3A_326, %get3A_330 : vector<16xf32>
        %swap3A_332 = arith.index_cast %scan3A_254 : i32 to index
        %swap3A_333 = arith.constant 80 : index
        %swap3A_334 = tpu.vector_load %arg21[%swap3A_332, %swap3A_333] {strides = array<i32>} : memref<80x128xf32, #tpu.memory_space<vmem>>, vector<1x16xf32>,
        %swap3A_335 = vector.shape_cast %swap3A_334 : vector<1x16xf32> to vector<16xf32>
        %swap3A_336 = vector.shape_cast %add3A_331 : vector<16xf32> to vector<1x16xf32>
        tpu.vector_store %arg21[%swap3A_332, %swap3A_333], %swap3A_336 {strides = array<i32>} : memref<80x128xf32, #tpu.memory_space<vmem>>, vector<1x16xf32>,
        %get3A_337 = arith.index_cast %scan3A_254 : i32 to index
        %get3A_338 = arith.constant 96 : index
        %get3A_339 = tpu.vector_load %arg21[%get3A_337, %get3A_338] {strides = array<i32>} : memref<80x128xf32, #tpu.memory_space<vmem>>, vector<1x16xf32>,
        %get3A_340 = vector.shape_cast %get3A_339 : vector<1x16xf32> to vector<16xf32>
        %get3A_341 = arith.index_cast %scan3A_254 : i32 to index
        %get3A_342 = arith.constant 96 : index
        %get3A_343 = tpu.vector_load %arg26[%get3A_341, %get3A_342] {strides = array<i32>} : memref<80x128xf32, #tpu.memory_space<vmem>>, vector<1x16xf32>,
        %get3A_344 = vector.shape_cast %get3A_343 : vector<1x16xf32> to vector<16xf32>
        %add3A_345 = arith.addf %get3A_340, %get3A_344 : vector<16xf32>
        %swap3A_346 = arith.index_cast %scan3A_254 : i32 to index
        %swap3A_347 = arith.constant 96 : index
        %swap3A_348 = tpu.vector_load %arg21[%swap3A_346, %swap3A_347] {strides = array<i32>} : memref<80x128xf32, #tpu.memory_space<vmem>>, vector<1x16xf32>,
        %swap3A_349 = vector.shape_cast %swap3A_348 : vector<1x16xf32> to vector<16xf32>
        %swap3A_350 = vector.shape_cast %add3A_345 : vector<16xf32> to vector<1x16xf32>
        tpu.vector_store %arg21[%swap3A_346, %swap3A_347], %swap3A_350 {strides = array<i32>} : memref<80x128xf32, #tpu.memory_space<vmem>>, vector<1x16xf32>,
        %get3A_351 = arith.index_cast %scan3A_254 : i32 to index
        %get3A_352 = arith.constant 112 : index
        %get3A_353 = tpu.vector_load %arg21[%get3A_351, %get3A_352] {strides = array<i32>} : memref<80x128xf32, #tpu.memory_space<vmem>>, vector<1x16xf32>,
        %get3A_354 = vector.shape_cast %get3A_353 : vector<1x16xf32> to vector<16xf32>
        %get3A_355 = arith.index_cast %scan3A_254 : i32 to index
        %get3A_356 = arith.constant 112 : index
        %get3A_357 = tpu.vector_load %arg26[%get3A_355, %get3A_356] {strides = array<i32>} : memref<80x128xf32, #tpu.memory_space<vmem>>, vector<1x16xf32>,
        %get3A_358 = vector.shape_cast %get3A_357 : vector<1x16xf32> to vector<16xf32>
        %add3A_359 = arith.addf %get3A_354, %get3A_358 : vector<16xf32>
        %swap3A_360 = arith.index_cast %scan3A_254 : i32 to index
        %swap3A_361 = arith.constant 112 : index
        %swap3A_362 = tpu.vector_load %arg21[%swap3A_360, %swap3A_361] {strides = array<i32>} : memref<80x128xf32, #tpu.memory_space<vmem>>, vector<1x16xf32>,
        %swap3A_363 = vector.shape_cast %swap3A_362 : vector<1x16xf32> to vector<16xf32>
        %swap3A_364 = vector.shape_cast %add3A_359 : vector<16xf32> to vector<1x16xf32>
        tpu.vector_store %arg21[%swap3A_360, %swap3A_361], %swap3A_364 {strides = array<i32>} : memref<80x128xf32, #tpu.memory_space<vmem>>, vector<1x16xf32>,
      }
      %scan3A_242 = arith.constant 80 : i32
      %dma_start3A_243 = arith.constant 0 : i32
      %dma_start3A_244 = tpu.memref_slice %arg6[%add3A_230, %dma_start3A_243] : memref<320000x128xf32, #tpu.memory_space<hbm>> -> memref<80x128xf32, #tpu.memory_space<hbm>>
      %dma_start3A_245 = arith.constant 0 : i32
      %dma_start3A_246 = tpu.memref_slice %arg6[%add3A_230, %dma_start3A_245] : memref<320000x128xf32, #tpu.memory_space<hbm>> -> memref<80x128xf32, #tpu.memory_space<hbm>>
      tpu.enqueue_dma source(%arg21 : memref<80x128xf32, #tpu.memory_space<vmem>>) target(%dma_start3A_246 : memref<80x128xf32, #tpu.memory_space<hbm>>) target_semaphore(%arg41 : memref<!tpu.dma_semaphore, #tpu.memory_space<semaphore_mem>>)
      %add3A_247 = arith.constant 5 : i32
      %add3A_248 = arith.addi %add3A_227, %add3A_247 : i32
      %lt3A_249 = arith.constant 125 : i32
      %lt3A_250 = arith.cmpi slt, %add3A_248, %lt3A_249 : i32
      %convert_element_type3A_251 = arith.extui %lt3A_250 : i1 to i32
      %cond3A_252 = arith.constant 0 : i32
      %cond3A_253 = arith.cmpi ne, %convert_element_type3A_251, %cond3A_252 : i32
      scf.if %cond3A_253 {
        %add3A_254 = arith.constant 5 : i32
        %add3A_255 = arith.addi %add3A_227, %add3A_254 : i32
        %mul3A_256 = arith.constant 80 : i32
        %mul3A_257 = arith.muli %add3A_255, %mul3A_256 : i32
        %add3A_258 = arith.addi %mul3A_2, %mul3A_257 : i32
        %dma_start3A_259 = tpu.memref_slice %arg4[%add3A_258] : memref<320000xi32, #tpu.memory_space<hbm>> -> memref<80xi32, #tpu.memory_space<hbm>>
        %dma_start3A_260 = tpu.memref_slice %arg4[%add3A_258] : memref<320000xi32, #tpu.memory_space<hbm>> -> memref<80xi32, #tpu.memory_space<hbm>>
        tpu.enqueue_dma source(%dma_start3A_260 : memref<80xi32, #tpu.memory_space<hbm>>) target(%arg11 : memref<80xi32, #tpu.memory_space<vmem>>) target_semaphore(%arg46 : memref<!tpu.dma_semaphore, #tpu.memory_space<semaphore_mem>>)
        %dma_start3A_261 = tpu.memref_slice %arg5[%add3A_258] : memref<320000xi32, #tpu.memory_space<hbm>> -> memref<80xi32, #tpu.memory_space<hbm>>
        %dma_start3A_262 = tpu.memref_slice %arg5[%add3A_258] : memref<320000xi32, #tpu.memory_space<hbm>> -> memref<80xi32, #tpu.memory_space<hbm>>
        tpu.enqueue_dma source(%dma_start3A_262 : memref<80xi32, #tpu.memory_space<hbm>>) target(%arg16 : memref<80xi32, #tpu.memory_space<vmem>>) target_semaphore(%arg51 : memref<!tpu.dma_semaphore, #tpu.memory_space<semaphore_mem>>)
        %dma_wait3A_263 = arith.constant 0 : i32
        %dma_wait3A_264 = tpu.memref_slice %arg6[%mul3A_2, %dma_wait3A_263] : memref<320000x128xf32, #tpu.memory_space<hbm>> -> memref<80x128xf32, #tpu.memory_space<hbm>>
        %dma_wait3A_265 = arith.constant 0 : i32
        %dma_wait3A_266 = tpu.memref_slice %arg6[%mul3A_2, %dma_wait3A_265] : memref<320000x128xf32, #tpu.memory_space<hbm>> -> memref<80x128xf32, #tpu.memory_space<hbm>>
        tpu.wait_dma2 semaphore(%arg41 : memref<!tpu.dma_semaphore, #tpu.memory_space<semaphore_mem>>) src(%arg21 : memref<80x128xf32, #tpu.memory_space<vmem>>) dst(%dma_wait3A_266 : memref<80x128xf32, #tpu.memory_space<hbm>>)
        %dma_wait3A_267 = tpu.memref_slice %arg4[%mul3A_2] : memref<320000xi32, #tpu.memory_space<hbm>> -> memref<80xi32, #tpu.memory_space<hbm>>
        %dma_wait3A_268 = tpu.memref_slice %arg4[%mul3A_2] : memref<320000xi32, #tpu.memory_space<hbm>> -> memref<80xi32, #tpu.memory_space<hbm>>
        tpu.wait_dma2 semaphore(%arg46 : memref<!tpu.dma_semaphore, #tpu.memory_space<semaphore_mem>>) src(%dma_wait3A_268 : memref<80xi32, #tpu.memory_space<hbm>>) dst(%arg11 : memref<80xi32, #tpu.memory_space<vmem>>)
        %dma_wait3A_269 = tpu.memref_slice %arg5[%mul3A_2] : memref<320000xi32, #tpu.memory_space<hbm>> -> memref<80xi32, #tpu.memory_space<hbm>>
        %dma_wait3A_270 = tpu.memref_slice %arg5[%mul3A_2] : memref<320000xi32, #tpu.memory_space<hbm>> -> memref<80xi32, #tpu.memory_space<hbm>>
        tpu.wait_dma2 semaphore(%arg51 : memref<!tpu.dma_semaphore, #tpu.memory_space<semaphore_mem>>) src(%dma_wait3A_270 : memref<80xi32, #tpu.memory_space<hbm>>) dst(%arg16 : memref<80xi32, #tpu.memory_space<vmem>>)
        %dma_start3A_271 = arith.constant 0 : i32
        %dma_start3A_272 = arith.constant 0 : i32
        %dma_start3A_273 = tpu.memref_slice %arg2[%dma_start3A_271, %dma_start3A_272] : memref<10000x128xf32, #tpu.memory_space<hbm>> -> memref<10000x128xf32, #tpu.memory_space<hbm>>
        tpu.enqueue_indirect_dma source(%dma_start3A_273 : memref<10000x128xf32, #tpu.memory_space<hbm>>) target(%arg21 : memref<80x128xf32, #tpu.memory_space<vmem>>) offsets(%arg11 : memref<80xi32, #tpu.memory_space<vmem>>) semaphore(%arg31 : memref<!tpu.dma_semaphore, #tpu.memory_space<semaphore_mem>>)
        %dma_start3A_274 = arith.constant 0 : i32
        %dma_start3A_275 = arith.constant 0 : i32
        %dma_start3A_276 = tpu.memref_slice %arg3[%dma_start3A_274, %dma_start3A_275] : memref<10000x128xf32, #tpu.memory_space<hbm>> -> memref<10000x128xf32, #tpu.memory_space<hbm>>
        tpu.enqueue_indirect_dma source(%dma_start3A_276 : memref<10000x128xf32, #tpu.memory_space<hbm>>) target(%arg26 : memref<80x128xf32, #tpu.memory_space<vmem>>) offsets(%arg16 : memref<80xi32, #tpu.memory_space<vmem>>) semaphore(%arg36 : memref<!tpu.dma_semaphore, #tpu.memory_space<semaphore_mem>>)
      } else {
      }
    }
    %scan3A_85 = arith.constant 25 : i32
    %dma_wait3A_86 = arith.constant 0 : i32
    %dma_wait3A_87 = tpu.memref_slice %arg6[%mul3A_2, %dma_wait3A_86] : memref<320000x128xf32, #tpu.memory_space<hbm>> -> memref<80x128xf32, #tpu.memory_space<hbm>>
    %dma_wait3A_88 = arith.constant 0 : i32
    %dma_wait3A_89 = tpu.memref_slice %arg6[%mul3A_2, %dma_wait3A_88] : memref<320000x128xf32, #tpu.memory_space<hbm>> -> memref<80x128xf32, #tpu.memory_space<hbm>>
    tpu.wait_dma2 semaphore(%arg37 : memref<!tpu.dma_semaphore, #tpu.memory_space<semaphore_mem>>) src(%arg17 : memref<80x128xf32, #tpu.memory_space<vmem>>) dst(%dma_wait3A_89 : memref<80x128xf32, #tpu.memory_space<hbm>>)
    %dma_wait3A_90 = arith.constant 0 : i32
    %dma_wait3A_91 = tpu.memref_slice %arg6[%mul3A_2, %dma_wait3A_90] : memref<320000x128xf32, #tpu.memory_space<hbm>> -> memref<80x128xf32, #tpu.memory_space<hbm>>
    %dma_wait3A_92 = arith.constant 0 : i32
    %dma_wait3A_93 = tpu.memref_slice %arg6[%mul3A_2, %dma_wait3A_92] : memref<320000x128xf32, #tpu.memory_space<hbm>> -> memref<80x128xf32, #tpu.memory_space<hbm>>
    tpu.wait_dma2 semaphore(%arg38 : memref<!tpu.dma_semaphore, #tpu.memory_space<semaphore_mem>>) src(%arg18 : memref<80x128xf32, #tpu.memory_space<vmem>>) dst(%dma_wait3A_93 : memref<80x128xf32, #tpu.memory_space<hbm>>)
    %dma_wait3A_94 = arith.constant 0 : i32
    %dma_wait3A_95 = tpu.memref_slice %arg6[%mul3A_2, %dma_wait3A_94] : memref<320000x128xf32, #tpu.memory_space<hbm>> -> memref<80x128xf32, #tpu.memory_space<hbm>>
    %dma_wait3A_96 = arith.constant 0 : i32
    %dma_wait3A_97 = tpu.memref_slice %arg6[%mul3A_2, %dma_wait3A_96] : memref<320000x128xf32, #tpu.memory_space<hbm>> -> memref<80x128xf32, #tpu.memory_space<hbm>>
    tpu.wait_dma2 semaphore(%arg39 : memref<!tpu.dma_semaphore, #tpu.memory_space<semaphore_mem>>) src(%arg19 : memref<80x128xf32, #tpu.memory_space<vmem>>) dst(%dma_wait3A_97 : memref<80x128xf32, #tpu.memory_space<hbm>>)
    %dma_wait3A_98 = arith.constant 0 : i32
    %dma_wait3A_99 = tpu.memref_slice %arg6[%mul3A_2, %dma_wait3A_98] : memref<320000x128xf32, #tpu.memory_space<hbm>> -> memref<80x128xf32, #tpu.memory_space<hbm>>
    %dma_wait3A_100 = arith.constant 0 : i32
    %dma_wait3A_101 = tpu.memref_slice %arg6[%mul3A_2, %dma_wait3A_100] : memref<320000x128xf32, #tpu.memory_space<hbm>> -> memref<80x128xf32, #tpu.memory_space<hbm>>
    tpu.wait_dma2 semaphore(%arg40 : memref<!tpu.dma_semaphore, #tpu.memory_space<semaphore_mem>>) src(%arg20 : memref<80x128xf32, #tpu.memory_space<vmem>>) dst(%dma_wait3A_101 : memref<80x128xf32, #tpu.memory_space<hbm>>)
    %dma_wait3A_102 = arith.constant 0 : i32
    %dma_wait3A_103 = tpu.memref_slice %arg6[%mul3A_2, %dma_wait3A_102] : memref<320000x128xf32, #tpu.memory_space<hbm>> -> memref<80x128xf32, #tpu.memory_space<hbm>>
    %dma_wait3A_104 = arith.constant 0 : i32
    %dma_wait3A_105 = tpu.memref_slice %arg6[%mul3A_2, %dma_wait3A_104] : memref<320000x128xf32, #tpu.memory_space<hbm>> -> memref<80x128xf32, #tpu.memory_space<hbm>>
    tpu.wait_dma2 semaphore(%arg41 : memref<!tpu.dma_semaphore, #tpu.memory_space<semaphore_mem>>) src(%arg21 : memref<80x128xf32, #tpu.memory_space<vmem>>) dst(%dma_wait3A_105 : memref<80x128xf32, #tpu.memory_space<hbm>>)
    return
  }
}

#map = affine_map<(d0, d1) -> (0, 0)>
#map1 = affine_map<(d0, d1) -> (0)>
module attributes {stable_mosaic.version = 14 : i64} {
  func.func @sc_scatter(%arg0: i32, %arg1: i32, %arg2: memref<320000x128xf32, #tpu.memory_space<hbm>>, %arg3: memref<320000xi32, #tpu.memory_space<hbm>>, %arg4: memref<10240x128xf32, #tpu.memory_space<hbm>>, %arg5: memref<20480x128xf32, #tpu.memory_space<hbm>>, %arg6: memref<10240x128xf32, #tpu.memory_space<vmem_shared>>, %arg7: memref<40xi32, #tpu.memory_space<vmem>>, %arg8: memref<40xi32, #tpu.memory_space<vmem>>, %arg9: memref<40xi32, #tpu.memory_space<vmem>>, %arg10: memref<40xi32, #tpu.memory_space<vmem>>, %arg11: memref<40xi32, #tpu.memory_space<vmem>>, %arg12: memref<40x128xf32, #tpu.memory_space<vmem>>, %arg13: memref<40x128xf32, #tpu.memory_space<vmem>>, %arg14: memref<40x128xf32, #tpu.memory_space<vmem>>, %arg15: memref<40x128xf32, #tpu.memory_space<vmem>>, %arg16: memref<40x128xf32, #tpu.memory_space<vmem>>, %arg17: memref<!tpu.dma_semaphore, #tpu.memory_space<semaphore_mem>>, %arg18: memref<!tpu.dma_semaphore, #tpu.memory_space<semaphore_mem>>, %arg19: memref<!tpu.dma_semaphore, #tpu.memory_space<semaphore_mem>>, %arg20: memref<!tpu.dma_semaphore, #tpu.memory_space<semaphore_mem>>, %arg21: memref<!tpu.dma_semaphore, #tpu.memory_space<semaphore_mem>>, %arg22: memref<!tpu.dma_semaphore, #tpu.memory_space<semaphore_mem>>, %arg23: memref<!tpu.dma_semaphore, #tpu.memory_space<semaphore_mem>>, %arg24: memref<!tpu.dma_semaphore, #tpu.memory_space<semaphore_mem>>, %arg25: memref<!tpu.dma_semaphore, #tpu.memory_space<semaphore_mem>>, %arg26: memref<!tpu.dma_semaphore, #tpu.memory_space<semaphore_mem>>, %arg27: memref<!tpu.dma_semaphore, #tpu.memory_space<semaphore_mem>>, %arg28: memref<!tpu.dma_semaphore, #tpu.memory_space<semaphore_mem>>, %arg29: memref<!tpu.dma_semaphore, #tpu.memory_space<semaphore_mem>>, %arg30: memref<!tpu.dma_semaphore, #tpu.memory_space<semaphore_mem>>, %arg31: memref<!tpu.dma_semaphore, #tpu.memory_space<semaphore_mem>>) attributes {dimension_semantics = [#tpu.dimension_semantics<core_parallel>, #tpu.dimension_semantics<subcore_parallel>], iteration_bounds = array<i64: 2, 16>, scalar_prefetch = 0 : i64, scratch_operands = 26 : i64, tpu.core_type = #tpu.core_type<sc_vector_subcore>, window_params = [{transform_indices = #map}, {transform_indices = #map1}, {transform_indices = #map}, {transform_indices = #map}]} {
    %mul3A = arith.constant 2 : i32
    %mul3A_0 = arith.muli %arg1, %mul3A : i32
    %add3A = arith.addi %mul3A_0, %arg0 : i32
    %mul3A_1 = arith.constant 10000 : i32
    %mul3A_2 = arith.muli %add3A, %mul3A_1 : i32
    %mul3A_3 = arith.constant 640 : i32
    %mul3A_4 = arith.muli %arg1, %mul3A_3 : i32
    "tpu.region"() ({
      %run_scoped3A = tpu.sem_alloc : memref<!tpu.dma_semaphore, #tpu.memory_space<semaphore_mem>>
      %dma_start3A_67 = arith.constant 0 : i32
      %dma_start3A_68 = tpu.memref_slice %arg6[%mul3A_4, %dma_start3A_67] : memref<10240x128xf32, #tpu.memory_space<vmem_shared>> -> memref<640x128xf32, #tpu.memory_space<vmem_shared>>
      %dma_start3A_69 = arith.constant 0 : i32
      %dma_start3A_70 = tpu.memref_slice %arg4[%mul3A_4, %dma_start3A_69] : memref<10240x128xf32, #tpu.memory_space<hbm>> -> memref<640x128xf32, #tpu.memory_space<hbm>>
      tpu.enqueue_dma source(%dma_start3A_70 : memref<640x128xf32, #tpu.memory_space<hbm>>) target(%dma_start3A_68 : memref<640x128xf32, #tpu.memory_space<vmem_shared>>) target_semaphore(%run_scoped3A : memref<!tpu.dma_semaphore, #tpu.memory_space<semaphore_mem>>)
      %dma_wait3A_71 = arith.constant 0 : i32
      %dma_wait3A_72 = tpu.memref_slice %arg6[%mul3A_4, %dma_wait3A_71] : memref<10240x128xf32, #tpu.memory_space<vmem_shared>> -> memref<640x128xf32, #tpu.memory_space<vmem_shared>>
      %dma_wait3A_73 = arith.constant 0 : i32
      %dma_wait3A_74 = tpu.memref_slice %arg4[%mul3A_4, %dma_wait3A_73] : memref<10240x128xf32, #tpu.memory_space<hbm>> -> memref<640x128xf32, #tpu.memory_space<hbm>>
      tpu.wait_dma2 semaphore(%run_scoped3A : memref<!tpu.dma_semaphore, #tpu.memory_space<semaphore_mem>>) src(%dma_wait3A_74 : memref<640x128xf32, #tpu.memory_space<hbm>>) dst(%dma_wait3A_72 : memref<640x128xf32, #tpu.memory_space<vmem_shared>>)
      tpu.yield
    }) : () -> ()
    %barrier3A = arith.constant 0 : index
    tpu.barrier barrier_id(%barrier3A)
    %add3A_5 = arith.constant 0 : i32
    %add3A_6 = arith.addi %mul3A_2, %add3A_5 : i32
    %dma_start3A = tpu.memref_slice %arg3[%add3A_6] : memref<320000xi32, #tpu.memory_space<hbm>> -> memref<40xi32, #tpu.memory_space<hbm>>
    %dma_start3A_7 = tpu.memref_slice %arg3[%add3A_6] : memref<320000xi32, #tpu.memory_space<hbm>> -> memref<40xi32, #tpu.memory_space<hbm>>
    tpu.enqueue_dma source(%dma_start3A_7 : memref<40xi32, #tpu.memory_space<hbm>>) target(%arg7 : memref<40xi32, #tpu.memory_space<vmem>>) target_semaphore(%arg17 : memref<!tpu.dma_semaphore, #tpu.memory_space<semaphore_mem>>)
    %dma_start3A_8 = arith.constant 0 : i32
    %dma_start3A_9 = tpu.memref_slice %arg2[%add3A_6, %dma_start3A_8] : memref<320000x128xf32, #tpu.memory_space<hbm>> -> memref<40x128xf32, #tpu.memory_space<hbm>>
    %dma_start3A_10 = arith.constant 0 : i32
    %dma_start3A_11 = tpu.memref_slice %arg2[%add3A_6, %dma_start3A_10] : memref<320000x128xf32, #tpu.memory_space<hbm>> -> memref<40x128xf32, #tpu.memory_space<hbm>>
    tpu.enqueue_dma source(%dma_start3A_11 : memref<40x128xf32, #tpu.memory_space<hbm>>) target(%arg12 : memref<40x128xf32, #tpu.memory_space<vmem>>) target_semaphore(%arg22 : memref<!tpu.dma_semaphore, #tpu.memory_space<semaphore_mem>>)
    %add3A_12 = arith.constant 40 : i32
    %add3A_13 = arith.addi %mul3A_2, %add3A_12 : i32
    %dma_start3A_14 = tpu.memref_slice %arg3[%add3A_13] : memref<320000xi32, #tpu.memory_space<hbm>> -> memref<40xi32, #tpu.memory_space<hbm>>
    %dma_start3A_15 = tpu.memref_slice %arg3[%add3A_13] : memref<320000xi32, #tpu.memory_space<hbm>> -> memref<40xi32, #tpu.memory_space<hbm>>
    tpu.enqueue_dma source(%dma_start3A_15 : memref<40xi32, #tpu.memory_space<hbm>>) target(%arg8 : memref<40xi32, #tpu.memory_space<vmem>>) target_semaphore(%arg18 : memref<!tpu.dma_semaphore, #tpu.memory_space<semaphore_mem>>)
    %dma_start3A_16 = arith.constant 0 : i32
    %dma_start3A_17 = tpu.memref_slice %arg2[%add3A_13, %dma_start3A_16] : memref<320000x128xf32, #tpu.memory_space<hbm>> -> memref<40x128xf32, #tpu.memory_space<hbm>>
    %dma_start3A_18 = arith.constant 0 : i32
    %dma_start3A_19 = tpu.memref_slice %arg2[%add3A_13, %dma_start3A_18] : memref<320000x128xf32, #tpu.memory_space<hbm>> -> memref<40x128xf32, #tpu.memory_space<hbm>>
    tpu.enqueue_dma source(%dma_start3A_19 : memref<40x128xf32, #tpu.memory_space<hbm>>) target(%arg13 : memref<40x128xf32, #tpu.memory_space<vmem>>) target_semaphore(%arg23 : memref<!tpu.dma_semaphore, #tpu.memory_space<semaphore_mem>>)
    %add3A_20 = arith.constant 80 : i32
    %add3A_21 = arith.addi %mul3A_2, %add3A_20 : i32
    %dma_start3A_22 = tpu.memref_slice %arg3[%add3A_21] : memref<320000xi32, #tpu.memory_space<hbm>> -> memref<40xi32, #tpu.memory_space<hbm>>
    %dma_start3A_23 = tpu.memref_slice %arg3[%add3A_21] : memref<320000xi32, #tpu.memory_space<hbm>> -> memref<40xi32, #tpu.memory_space<hbm>>
    tpu.enqueue_dma source(%dma_start3A_23 : memref<40xi32, #tpu.memory_space<hbm>>) target(%arg9 : memref<40xi32, #tpu.memory_space<vmem>>) target_semaphore(%arg19 : memref<!tpu.dma_semaphore, #tpu.memory_space<semaphore_mem>>)
    %dma_start3A_24 = arith.constant 0 : i32
    %dma_start3A_25 = tpu.memref_slice %arg2[%add3A_21, %dma_start3A_24] : memref<320000x128xf32, #tpu.memory_space<hbm>> -> memref<40x128xf32, #tpu.memory_space<hbm>>
    %dma_start3A_26 = arith.constant 0 : i32
    %dma_start3A_27 = tpu.memref_slice %arg2[%add3A_21, %dma_start3A_26] : memref<320000x128xf32, #tpu.memory_space<hbm>> -> memref<40x128xf32, #tpu.memory_space<hbm>>
    tpu.enqueue_dma source(%dma_start3A_27 : memref<40x128xf32, #tpu.memory_space<hbm>>) target(%arg14 : memref<40x128xf32, #tpu.memory_space<vmem>>) target_semaphore(%arg24 : memref<!tpu.dma_semaphore, #tpu.memory_space<semaphore_mem>>)
    %add3A_28 = arith.constant 120 : i32
    %add3A_29 = arith.addi %mul3A_2, %add3A_28 : i32
    %dma_start3A_30 = tpu.memref_slice %arg3[%add3A_29] : memref<320000xi32, #tpu.memory_space<hbm>> -> memref<40xi32, #tpu.memory_space<hbm>>
    %dma_start3A_31 = tpu.memref_slice %arg3[%add3A_29] : memref<320000xi32, #tpu.memory_space<hbm>> -> memref<40xi32, #tpu.memory_space<hbm>>
    tpu.enqueue_dma source(%dma_start3A_31 : memref<40xi32, #tpu.memory_space<hbm>>) target(%arg10 : memref<40xi32, #tpu.memory_space<vmem>>) target_semaphore(%arg20 : memref<!tpu.dma_semaphore, #tpu.memory_space<semaphore_mem>>)
    %dma_start3A_32 = arith.constant 0 : i32
    %dma_start3A_33 = tpu.memref_slice %arg2[%add3A_29, %dma_start3A_32] : memref<320000x128xf32, #tpu.memory_space<hbm>> -> memref<40x128xf32, #tpu.memory_space<hbm>>
    %dma_start3A_34 = arith.constant 0 : i32
    %dma_start3A_35 = tpu.memref_slice %arg2[%add3A_29, %dma_start3A_34] : memref<320000x128xf32, #tpu.memory_space<hbm>> -> memref<40x128xf32, #tpu.memory_space<hbm>>
    tpu.enqueue_dma source(%dma_start3A_35 : memref<40x128xf32, #tpu.memory_space<hbm>>) target(%arg15 : memref<40x128xf32, #tpu.memory_space<vmem>>) target_semaphore(%arg25 : memref<!tpu.dma_semaphore, #tpu.memory_space<semaphore_mem>>)
    %add3A_36 = arith.constant 160 : i32
    %add3A_37 = arith.addi %mul3A_2, %add3A_36 : i32
    %dma_start3A_38 = tpu.memref_slice %arg3[%add3A_37] : memref<320000xi32, #tpu.memory_space<hbm>> -> memref<40xi32, #tpu.memory_space<hbm>>
    %dma_start3A_39 = tpu.memref_slice %arg3[%add3A_37] : memref<320000xi32, #tpu.memory_space<hbm>> -> memref<40xi32, #tpu.memory_space<hbm>>
    tpu.enqueue_dma source(%dma_start3A_39 : memref<40xi32, #tpu.memory_space<hbm>>) target(%arg11 : memref<40xi32, #tpu.memory_space<vmem>>) target_semaphore(%arg21 : memref<!tpu.dma_semaphore, #tpu.memory_space<semaphore_mem>>)
    %dma_start3A_40 = arith.constant 0 : i32
    %dma_start3A_41 = tpu.memref_slice %arg2[%add3A_37, %dma_start3A_40] : memref<320000x128xf32, #tpu.memory_space<hbm>> -> memref<40x128xf32, #tpu.memory_space<hbm>>
    %dma_start3A_42 = arith.constant 0 : i32
    %dma_start3A_43 = tpu.memref_slice %arg2[%add3A_37, %dma_start3A_42] : memref<320000x128xf32, #tpu.memory_space<hbm>> -> memref<40x128xf32, #tpu.memory_space<hbm>>
    tpu.enqueue_dma source(%dma_start3A_43 : memref<40x128xf32, #tpu.memory_space<hbm>>) target(%arg16 : memref<40x128xf32, #tpu.memory_space<vmem>>) target_semaphore(%arg26 : memref<!tpu.dma_semaphore, #tpu.memory_space<semaphore_mem>>)
    %scan3A = arith.constant 0 : i32
    %scan3A_44 = arith.constant 0 : i32
    %scan3A_45 = arith.constant 50 : i32
    %scan3A_46 = arith.addi %scan3A_44, %scan3A_45 : i32
    %scan3A_47 = arith.constant 1 : i32
    scf.for %scan3A_67 = %scan3A_44 to %scan3A_46 step %scan3A_47  : i32 {
      %mul3A_68 = arith.constant 5 : i32
      %mul3A_69 = arith.muli %scan3A_67, %mul3A_68 : i32
      %add3A_70 = arith.constant 0 : i32
      %add3A_71 = arith.addi %mul3A_69, %add3A_70 : i32
      %dma_wait3A_72 = tpu.memref_slice %arg3[%mul3A_2] : memref<320000xi32, #tpu.memory_space<hbm>> -> memref<40xi32, #tpu.memory_space<hbm>>
      %dma_wait3A_73 = tpu.memref_slice %arg3[%mul3A_2] : memref<320000xi32, #tpu.memory_space<hbm>> -> memref<40xi32, #tpu.memory_space<hbm>>
      tpu.wait_dma2 semaphore(%arg17 : memref<!tpu.dma_semaphore, #tpu.memory_space<semaphore_mem>>) src(%dma_wait3A_73 : memref<40xi32, #tpu.memory_space<hbm>>) dst(%arg7 : memref<40xi32, #tpu.memory_space<vmem>>)
      %dma_wait3A_74 = arith.constant 0 : i32
      %dma_wait3A_75 = tpu.memref_slice %arg2[%mul3A_2, %dma_wait3A_74] : memref<320000x128xf32, #tpu.memory_space<hbm>> -> memref<40x128xf32, #tpu.memory_space<hbm>>
      %dma_wait3A_76 = arith.constant 0 : i32
      %dma_wait3A_77 = tpu.memref_slice %arg2[%mul3A_2, %dma_wait3A_76] : memref<320000x128xf32, #tpu.memory_space<hbm>> -> memref<40x128xf32, #tpu.memory_space<hbm>>
      tpu.wait_dma2 semaphore(%arg22 : memref<!tpu.dma_semaphore, #tpu.memory_space<semaphore_mem>>) src(%dma_wait3A_77 : memref<40x128xf32, #tpu.memory_space<hbm>>) dst(%arg12 : memref<40x128xf32, #tpu.memory_space<vmem>>)
      %dma_start3A_78 = arith.constant 0 : i32
      %dma_start3A_79 = arith.constant 0 : i32
      %dma_start3A_80 = tpu.memref_slice %arg6[%dma_start3A_78, %dma_start3A_79] : memref<10240x128xf32, #tpu.memory_space<vmem_shared>> -> memref<10240x128xf32, #tpu.memory_space<vmem_shared>>
      tpu.enqueue_indirect_dma source(%arg12 : memref<40x128xf32, #tpu.memory_space<vmem>>) target(%dma_start3A_80 : memref<10240x128xf32, #tpu.memory_space<vmem_shared>>) offsets(%arg7 : memref<40xi32, #tpu.memory_space<vmem>>) semaphore(%arg27 : memref<!tpu.dma_semaphore, #tpu.memory_space<semaphore_mem>>) {add = true}
      %add3A_81 = arith.constant 5 : i32
      %add3A_82 = arith.addi %add3A_71, %add3A_81 : i32
      %lt3A = arith.constant 250 : i32
      %lt3A_83 = arith.cmpi slt, %add3A_82, %lt3A : i32
      %convert_element_type3A = arith.extui %lt3A_83 : i1 to i32
      %cond3A = arith.constant 0 : i32
      %cond3A_84 = arith.cmpi ne, %convert_element_type3A, %cond3A : i32
      scf.if %cond3A_84 {
        %dma_wait3A_165 = arith.constant 0 : i32
        %dma_wait3A_166 = arith.constant 0 : i32
        %dma_wait3A_167 = tpu.memref_slice %arg6[%dma_wait3A_165, %dma_wait3A_166] : memref<10240x128xf32, #tpu.memory_space<vmem_shared>> -> memref<10240x128xf32, #tpu.memory_space<vmem_shared>>
        tpu.wait_indirect_dma semaphore(%arg27 : memref<!tpu.dma_semaphore, #tpu.memory_space<semaphore_mem>>) src(%arg12 : memref<40x128xf32, #tpu.memory_space<vmem>>) dst(%dma_wait3A_167 : memref<10240x128xf32, #tpu.memory_space<vmem_shared>>)
        %add3A_168 = arith.constant 5 : i32
        %add3A_169 = arith.addi %add3A_71, %add3A_168 : i32
        %mul3A_170 = arith.constant 40 : i32
        %mul3A_171 = arith.muli %add3A_169, %mul3A_170 : i32
        %add3A_172 = arith.addi %mul3A_2, %mul3A_171 : i32
        %dma_start3A_173 = tpu.memref_slice %arg3[%add3A_172] : memref<320000xi32, #tpu.memory_space<hbm>> -> memref<40xi32, #tpu.memory_space<hbm>>
        %dma_start3A_174 = tpu.memref_slice %arg3[%add3A_172] : memref<320000xi32, #tpu.memory_space<hbm>> -> memref<40xi32, #tpu.memory_space<hbm>>
        tpu.enqueue_dma source(%dma_start3A_174 : memref<40xi32, #tpu.memory_space<hbm>>) target(%arg7 : memref<40xi32, #tpu.memory_space<vmem>>) target_semaphore(%arg17 : memref<!tpu.dma_semaphore, #tpu.memory_space<semaphore_mem>>)
        %dma_start3A_175 = arith.constant 0 : i32
        %dma_start3A_176 = tpu.memref_slice %arg2[%add3A_172, %dma_start3A_175] : memref<320000x128xf32, #tpu.memory_space<hbm>> -> memref<40x128xf32, #tpu.memory_space<hbm>>
        %dma_start3A_177 = arith.constant 0 : i32
        %dma_start3A_178 = tpu.memref_slice %arg2[%add3A_172, %dma_start3A_177] : memref<320000x128xf32, #tpu.memory_space<hbm>> -> memref<40x128xf32, #tpu.memory_space<hbm>>
        tpu.enqueue_dma source(%dma_start3A_178 : memref<40x128xf32, #tpu.memory_space<hbm>>) target(%arg12 : memref<40x128xf32, #tpu.memory_space<vmem>>) target_semaphore(%arg22 : memref<!tpu.dma_semaphore, #tpu.memory_space<semaphore_mem>>)
      } else {
      }
      %mul3A_85 = arith.constant 5 : i32
      %mul3A_86 = arith.muli %scan3A_67, %mul3A_85 : i32
      %add3A_87 = arith.constant 1 : i32
      %add3A_88 = arith.addi %mul3A_86, %add3A_87 : i32
      %dma_wait3A_89 = tpu.memref_slice %arg3[%mul3A_2] : memref<320000xi32, #tpu.memory_space<hbm>> -> memref<40xi32, #tpu.memory_space<hbm>>
      %dma_wait3A_90 = tpu.memref_slice %arg3[%mul3A_2] : memref<320000xi32, #tpu.memory_space<hbm>> -> memref<40xi32, #tpu.memory_space<hbm>>
      tpu.wait_dma2 semaphore(%arg18 : memref<!tpu.dma_semaphore, #tpu.memory_space<semaphore_mem>>) src(%dma_wait3A_90 : memref<40xi32, #tpu.memory_space<hbm>>) dst(%arg8 : memref<40xi32, #tpu.memory_space<vmem>>)
      %dma_wait3A_91 = arith.constant 0 : i32
      %dma_wait3A_92 = tpu.memref_slice %arg2[%mul3A_2, %dma_wait3A_91] : memref<320000x128xf32, #tpu.memory_space<hbm>> -> memref<40x128xf32, #tpu.memory_space<hbm>>
      %dma_wait3A_93 = arith.constant 0 : i32
      %dma_wait3A_94 = tpu.memref_slice %arg2[%mul3A_2, %dma_wait3A_93] : memref<320000x128xf32, #tpu.memory_space<hbm>> -> memref<40x128xf32, #tpu.memory_space<hbm>>
      tpu.wait_dma2 semaphore(%arg23 : memref<!tpu.dma_semaphore, #tpu.memory_space<semaphore_mem>>) src(%dma_wait3A_94 : memref<40x128xf32, #tpu.memory_space<hbm>>) dst(%arg13 : memref<40x128xf32, #tpu.memory_space<vmem>>)
      %dma_start3A_95 = arith.constant 0 : i32
      %dma_start3A_96 = arith.constant 0 : i32
      %dma_start3A_97 = tpu.memref_slice %arg6[%dma_start3A_95, %dma_start3A_96] : memref<10240x128xf32, #tpu.memory_space<vmem_shared>> -> memref<10240x128xf32, #tpu.memory_space<vmem_shared>>
      tpu.enqueue_indirect_dma source(%arg13 : memref<40x128xf32, #tpu.memory_space<vmem>>) target(%dma_start3A_97 : memref<10240x128xf32, #tpu.memory_space<vmem_shared>>) offsets(%arg8 : memref<40xi32, #tpu.memory_space<vmem>>) semaphore(%arg28 : memref<!tpu.dma_semaphore, #tpu.memory_space<semaphore_mem>>) {add = true}
      %add3A_98 = arith.constant 5 : i32
      %add3A_99 = arith.addi %add3A_88, %add3A_98 : i32
      %lt3A_100 = arith.constant 250 : i32
      %lt3A_101 = arith.cmpi slt, %add3A_99, %lt3A_100 : i32
      %convert_element_type3A_102 = arith.extui %lt3A_101 : i1 to i32
      %cond3A_103 = arith.constant 0 : i32
      %cond3A_104 = arith.cmpi ne, %convert_element_type3A_102, %cond3A_103 : i32
      scf.if %cond3A_104 {
        %dma_wait3A_165 = arith.constant 0 : i32
        %dma_wait3A_166 = arith.constant 0 : i32
        %dma_wait3A_167 = tpu.memref_slice %arg6[%dma_wait3A_165, %dma_wait3A_166] : memref<10240x128xf32, #tpu.memory_space<vmem_shared>> -> memref<10240x128xf32, #tpu.memory_space<vmem_shared>>
        tpu.wait_indirect_dma semaphore(%arg28 : memref<!tpu.dma_semaphore, #tpu.memory_space<semaphore_mem>>) src(%arg13 : memref<40x128xf32, #tpu.memory_space<vmem>>) dst(%dma_wait3A_167 : memref<10240x128xf32, #tpu.memory_space<vmem_shared>>)
        %add3A_168 = arith.constant 5 : i32
        %add3A_169 = arith.addi %add3A_88, %add3A_168 : i32
        %mul3A_170 = arith.constant 40 : i32
        %mul3A_171 = arith.muli %add3A_169, %mul3A_170 : i32
        %add3A_172 = arith.addi %mul3A_2, %mul3A_171 : i32
        %dma_start3A_173 = tpu.memref_slice %arg3[%add3A_172] : memref<320000xi32, #tpu.memory_space<hbm>> -> memref<40xi32, #tpu.memory_space<hbm>>
        %dma_start3A_174 = tpu.memref_slice %arg3[%add3A_172] : memref<320000xi32, #tpu.memory_space<hbm>> -> memref<40xi32, #tpu.memory_space<hbm>>
        tpu.enqueue_dma source(%dma_start3A_174 : memref<40xi32, #tpu.memory_space<hbm>>) target(%arg8 : memref<40xi32, #tpu.memory_space<vmem>>) target_semaphore(%arg18 : memref<!tpu.dma_semaphore, #tpu.memory_space<semaphore_mem>>)
        %dma_start3A_175 = arith.constant 0 : i32
        %dma_start3A_176 = tpu.memref_slice %arg2[%add3A_172, %dma_start3A_175] : memref<320000x128xf32, #tpu.memory_space<hbm>> -> memref<40x128xf32, #tpu.memory_space<hbm>>
        %dma_start3A_177 = arith.constant 0 : i32
        %dma_start3A_178 = tpu.memref_slice %arg2[%add3A_172, %dma_start3A_177] : memref<320000x128xf32, #tpu.memory_space<hbm>> -> memref<40x128xf32, #tpu.memory_space<hbm>>
        tpu.enqueue_dma source(%dma_start3A_178 : memref<40x128xf32, #tpu.memory_space<hbm>>) target(%arg13 : memref<40x128xf32, #tpu.memory_space<vmem>>) target_semaphore(%arg23 : memref<!tpu.dma_semaphore, #tpu.memory_space<semaphore_mem>>)
      } else {
      }
      %mul3A_105 = arith.constant 5 : i32
      %mul3A_106 = arith.muli %scan3A_67, %mul3A_105 : i32
      %add3A_107 = arith.constant 2 : i32
      %add3A_108 = arith.addi %mul3A_106, %add3A_107 : i32
      %dma_wait3A_109 = tpu.memref_slice %arg3[%mul3A_2] : memref<320000xi32, #tpu.memory_space<hbm>> -> memref<40xi32, #tpu.memory_space<hbm>>
      %dma_wait3A_110 = tpu.memref_slice %arg3[%mul3A_2] : memref<320000xi32, #tpu.memory_space<hbm>> -> memref<40xi32, #tpu.memory_space<hbm>>
      tpu.wait_dma2 semaphore(%arg19 : memref<!tpu.dma_semaphore, #tpu.memory_space<semaphore_mem>>) src(%dma_wait3A_110 : memref<40xi32, #tpu.memory_space<hbm>>) dst(%arg9 : memref<40xi32, #tpu.memory_space<vmem>>)
      %dma_wait3A_111 = arith.constant 0 : i32
      %dma_wait3A_112 = tpu.memref_slice %arg2[%mul3A_2, %dma_wait3A_111] : memref<320000x128xf32, #tpu.memory_space<hbm>> -> memref<40x128xf32, #tpu.memory_space<hbm>>
      %dma_wait3A_113 = arith.constant 0 : i32
      %dma_wait3A_114 = tpu.memref_slice %arg2[%mul3A_2, %dma_wait3A_113] : memref<320000x128xf32, #tpu.memory_space<hbm>> -> memref<40x128xf32, #tpu.memory_space<hbm>>
      tpu.wait_dma2 semaphore(%arg24 : memref<!tpu.dma_semaphore, #tpu.memory_space<semaphore_mem>>) src(%dma_wait3A_114 : memref<40x128xf32, #tpu.memory_space<hbm>>) dst(%arg14 : memref<40x128xf32, #tpu.memory_space<vmem>>)
      %dma_start3A_115 = arith.constant 0 : i32
      %dma_start3A_116 = arith.constant 0 : i32
      %dma_start3A_117 = tpu.memref_slice %arg6[%dma_start3A_115, %dma_start3A_116] : memref<10240x128xf32, #tpu.memory_space<vmem_shared>> -> memref<10240x128xf32, #tpu.memory_space<vmem_shared>>
      tpu.enqueue_indirect_dma source(%arg14 : memref<40x128xf32, #tpu.memory_space<vmem>>) target(%dma_start3A_117 : memref<10240x128xf32, #tpu.memory_space<vmem_shared>>) offsets(%arg9 : memref<40xi32, #tpu.memory_space<vmem>>) semaphore(%arg29 : memref<!tpu.dma_semaphore, #tpu.memory_space<semaphore_mem>>) {add = true}
      %add3A_118 = arith.constant 5 : i32
      %add3A_119 = arith.addi %add3A_108, %add3A_118 : i32
      %lt3A_120 = arith.constant 250 : i32
      %lt3A_121 = arith.cmpi slt, %add3A_119, %lt3A_120 : i32
      %convert_element_type3A_122 = arith.extui %lt3A_121 : i1 to i32
      %cond3A_123 = arith.constant 0 : i32
      %cond3A_124 = arith.cmpi ne, %convert_element_type3A_122, %cond3A_123 : i32
      scf.if %cond3A_124 {
        %dma_wait3A_165 = arith.constant 0 : i32
        %dma_wait3A_166 = arith.constant 0 : i32
        %dma_wait3A_167 = tpu.memref_slice %arg6[%dma_wait3A_165, %dma_wait3A_166] : memref<10240x128xf32, #tpu.memory_space<vmem_shared>> -> memref<10240x128xf32, #tpu.memory_space<vmem_shared>>
        tpu.wait_indirect_dma semaphore(%arg29 : memref<!tpu.dma_semaphore, #tpu.memory_space<semaphore_mem>>) src(%arg14 : memref<40x128xf32, #tpu.memory_space<vmem>>) dst(%dma_wait3A_167 : memref<10240x128xf32, #tpu.memory_space<vmem_shared>>)
        %add3A_168 = arith.constant 5 : i32
        %add3A_169 = arith.addi %add3A_108, %add3A_168 : i32
        %mul3A_170 = arith.constant 40 : i32
        %mul3A_171 = arith.muli %add3A_169, %mul3A_170 : i32
        %add3A_172 = arith.addi %mul3A_2, %mul3A_171 : i32
        %dma_start3A_173 = tpu.memref_slice %arg3[%add3A_172] : memref<320000xi32, #tpu.memory_space<hbm>> -> memref<40xi32, #tpu.memory_space<hbm>>
        %dma_start3A_174 = tpu.memref_slice %arg3[%add3A_172] : memref<320000xi32, #tpu.memory_space<hbm>> -> memref<40xi32, #tpu.memory_space<hbm>>
        tpu.enqueue_dma source(%dma_start3A_174 : memref<40xi32, #tpu.memory_space<hbm>>) target(%arg9 : memref<40xi32, #tpu.memory_space<vmem>>) target_semaphore(%arg19 : memref<!tpu.dma_semaphore, #tpu.memory_space<semaphore_mem>>)
        %dma_start3A_175 = arith.constant 0 : i32
        %dma_start3A_176 = tpu.memref_slice %arg2[%add3A_172, %dma_start3A_175] : memref<320000x128xf32, #tpu.memory_space<hbm>> -> memref<40x128xf32, #tpu.memory_space<hbm>>
        %dma_start3A_177 = arith.constant 0 : i32
        %dma_start3A_178 = tpu.memref_slice %arg2[%add3A_172, %dma_start3A_177] : memref<320000x128xf32, #tpu.memory_space<hbm>> -> memref<40x128xf32, #tpu.memory_space<hbm>>
        tpu.enqueue_dma source(%dma_start3A_178 : memref<40x128xf32, #tpu.memory_space<hbm>>) target(%arg14 : memref<40x128xf32, #tpu.memory_space<vmem>>) target_semaphore(%arg24 : memref<!tpu.dma_semaphore, #tpu.memory_space<semaphore_mem>>)
      } else {
      }
      %mul3A_125 = arith.constant 5 : i32
      %mul3A_126 = arith.muli %scan3A_67, %mul3A_125 : i32
      %add3A_127 = arith.constant 3 : i32
      %add3A_128 = arith.addi %mul3A_126, %add3A_127 : i32
      %dma_wait3A_129 = tpu.memref_slice %arg3[%mul3A_2] : memref<320000xi32, #tpu.memory_space<hbm>> -> memref<40xi32, #tpu.memory_space<hbm>>
      %dma_wait3A_130 = tpu.memref_slice %arg3[%mul3A_2] : memref<320000xi32, #tpu.memory_space<hbm>> -> memref<40xi32, #tpu.memory_space<hbm>>
      tpu.wait_dma2 semaphore(%arg20 : memref<!tpu.dma_semaphore, #tpu.memory_space<semaphore_mem>>) src(%dma_wait3A_130 : memref<40xi32, #tpu.memory_space<hbm>>) dst(%arg10 : memref<40xi32, #tpu.memory_space<vmem>>)
      %dma_wait3A_131 = arith.constant 0 : i32
      %dma_wait3A_132 = tpu.memref_slice %arg2[%mul3A_2, %dma_wait3A_131] : memref<320000x128xf32, #tpu.memory_space<hbm>> -> memref<40x128xf32, #tpu.memory_space<hbm>>
      %dma_wait3A_133 = arith.constant 0 : i32
      %dma_wait3A_134 = tpu.memref_slice %arg2[%mul3A_2, %dma_wait3A_133] : memref<320000x128xf32, #tpu.memory_space<hbm>> -> memref<40x128xf32, #tpu.memory_space<hbm>>
      tpu.wait_dma2 semaphore(%arg25 : memref<!tpu.dma_semaphore, #tpu.memory_space<semaphore_mem>>) src(%dma_wait3A_134 : memref<40x128xf32, #tpu.memory_space<hbm>>) dst(%arg15 : memref<40x128xf32, #tpu.memory_space<vmem>>)
      %dma_start3A_135 = arith.constant 0 : i32
      %dma_start3A_136 = arith.constant 0 : i32
      %dma_start3A_137 = tpu.memref_slice %arg6[%dma_start3A_135, %dma_start3A_136] : memref<10240x128xf32, #tpu.memory_space<vmem_shared>> -> memref<10240x128xf32, #tpu.memory_space<vmem_shared>>
      tpu.enqueue_indirect_dma source(%arg15 : memref<40x128xf32, #tpu.memory_space<vmem>>) target(%dma_start3A_137 : memref<10240x128xf32, #tpu.memory_space<vmem_shared>>) offsets(%arg10 : memref<40xi32, #tpu.memory_space<vmem>>) semaphore(%arg30 : memref<!tpu.dma_semaphore, #tpu.memory_space<semaphore_mem>>) {add = true}
      %add3A_138 = arith.constant 5 : i32
      %add3A_139 = arith.addi %add3A_128, %add3A_138 : i32
      %lt3A_140 = arith.constant 250 : i32
      %lt3A_141 = arith.cmpi slt, %add3A_139, %lt3A_140 : i32
      %convert_element_type3A_142 = arith.extui %lt3A_141 : i1 to i32
      %cond3A_143 = arith.constant 0 : i32
      %cond3A_144 = arith.cmpi ne, %convert_element_type3A_142, %cond3A_143 : i32
      scf.if %cond3A_144 {
        %dma_wait3A_165 = arith.constant 0 : i32
        %dma_wait3A_166 = arith.constant 0 : i32
        %dma_wait3A_167 = tpu.memref_slice %arg6[%dma_wait3A_165, %dma_wait3A_166] : memref<10240x128xf32, #tpu.memory_space<vmem_shared>> -> memref<10240x128xf32, #tpu.memory_space<vmem_shared>>
        tpu.wait_indirect_dma semaphore(%arg30 : memref<!tpu.dma_semaphore, #tpu.memory_space<semaphore_mem>>) src(%arg15 : memref<40x128xf32, #tpu.memory_space<vmem>>) dst(%dma_wait3A_167 : memref<10240x128xf32, #tpu.memory_space<vmem_shared>>)
        %add3A_168 = arith.constant 5 : i32
        %add3A_169 = arith.addi %add3A_128, %add3A_168 : i32
        %mul3A_170 = arith.constant 40 : i32
        %mul3A_171 = arith.muli %add3A_169, %mul3A_170 : i32
        %add3A_172 = arith.addi %mul3A_2, %mul3A_171 : i32
        %dma_start3A_173 = tpu.memref_slice %arg3[%add3A_172] : memref<320000xi32, #tpu.memory_space<hbm>> -> memref<40xi32, #tpu.memory_space<hbm>>
        %dma_start3A_174 = tpu.memref_slice %arg3[%add3A_172] : memref<320000xi32, #tpu.memory_space<hbm>> -> memref<40xi32, #tpu.memory_space<hbm>>
        tpu.enqueue_dma source(%dma_start3A_174 : memref<40xi32, #tpu.memory_space<hbm>>) target(%arg10 : memref<40xi32, #tpu.memory_space<vmem>>) target_semaphore(%arg20 : memref<!tpu.dma_semaphore, #tpu.memory_space<semaphore_mem>>)
        %dma_start3A_175 = arith.constant 0 : i32
        %dma_start3A_176 = tpu.memref_slice %arg2[%add3A_172, %dma_start3A_175] : memref<320000x128xf32, #tpu.memory_space<hbm>> -> memref<40x128xf32, #tpu.memory_space<hbm>>
        %dma_start3A_177 = arith.constant 0 : i32
        %dma_start3A_178 = tpu.memref_slice %arg2[%add3A_172, %dma_start3A_177] : memref<320000x128xf32, #tpu.memory_space<hbm>> -> memref<40x128xf32, #tpu.memory_space<hbm>>
        tpu.enqueue_dma source(%dma_start3A_178 : memref<40x128xf32, #tpu.memory_space<hbm>>) target(%arg15 : memref<40x128xf32, #tpu.memory_space<vmem>>) target_semaphore(%arg25 : memref<!tpu.dma_semaphore, #tpu.memory_space<semaphore_mem>>)
      } else {
      }
      %mul3A_145 = arith.constant 5 : i32
      %mul3A_146 = arith.muli %scan3A_67, %mul3A_145 : i32
      %add3A_147 = arith.constant 4 : i32
      %add3A_148 = arith.addi %mul3A_146, %add3A_147 : i32
      %dma_wait3A_149 = tpu.memref_slice %arg3[%mul3A_2] : memref<320000xi32, #tpu.memory_space<hbm>> -> memref<40xi32, #tpu.memory_space<hbm>>
      %dma_wait3A_150 = tpu.memref_slice %arg3[%mul3A_2] : memref<320000xi32, #tpu.memory_space<hbm>> -> memref<40xi32, #tpu.memory_space<hbm>>
      tpu.wait_dma2 semaphore(%arg21 : memref<!tpu.dma_semaphore, #tpu.memory_space<semaphore_mem>>) src(%dma_wait3A_150 : memref<40xi32, #tpu.memory_space<hbm>>) dst(%arg11 : memref<40xi32, #tpu.memory_space<vmem>>)
      %dma_wait3A_151 = arith.constant 0 : i32
      %dma_wait3A_152 = tpu.memref_slice %arg2[%mul3A_2, %dma_wait3A_151] : memref<320000x128xf32, #tpu.memory_space<hbm>> -> memref<40x128xf32, #tpu.memory_space<hbm>>
      %dma_wait3A_153 = arith.constant 0 : i32
      %dma_wait3A_154 = tpu.memref_slice %arg2[%mul3A_2, %dma_wait3A_153] : memref<320000x128xf32, #tpu.memory_space<hbm>> -> memref<40x128xf32, #tpu.memory_space<hbm>>
      tpu.wait_dma2 semaphore(%arg26 : memref<!tpu.dma_semaphore, #tpu.memory_space<semaphore_mem>>) src(%dma_wait3A_154 : memref<40x128xf32, #tpu.memory_space<hbm>>) dst(%arg16 : memref<40x128xf32, #tpu.memory_space<vmem>>)
      %dma_start3A_155 = arith.constant 0 : i32
      %dma_start3A_156 = arith.constant 0 : i32
      %dma_start3A_157 = tpu.memref_slice %arg6[%dma_start3A_155, %dma_start3A_156] : memref<10240x128xf32, #tpu.memory_space<vmem_shared>> -> memref<10240x128xf32, #tpu.memory_space<vmem_shared>>
      tpu.enqueue_indirect_dma source(%arg16 : memref<40x128xf32, #tpu.memory_space<vmem>>) target(%dma_start3A_157 : memref<10240x128xf32, #tpu.memory_space<vmem_shared>>) offsets(%arg11 : memref<40xi32, #tpu.memory_space<vmem>>) semaphore(%arg31 : memref<!tpu.dma_semaphore, #tpu.memory_space<semaphore_mem>>) {add = true}
      %add3A_158 = arith.constant 5 : i32
      %add3A_159 = arith.addi %add3A_148, %add3A_158 : i32
      %lt3A_160 = arith.constant 250 : i32
      %lt3A_161 = arith.cmpi slt, %add3A_159, %lt3A_160 : i32
      %convert_element_type3A_162 = arith.extui %lt3A_161 : i1 to i32
      %cond3A_163 = arith.constant 0 : i32
      %cond3A_164 = arith.cmpi ne, %convert_element_type3A_162, %cond3A_163 : i32
      scf.if %cond3A_164 {
        %dma_wait3A_165 = arith.constant 0 : i32
        %dma_wait3A_166 = arith.constant 0 : i32
        %dma_wait3A_167 = tpu.memref_slice %arg6[%dma_wait3A_165, %dma_wait3A_166] : memref<10240x128xf32, #tpu.memory_space<vmem_shared>> -> memref<10240x128xf32, #tpu.memory_space<vmem_shared>>
        tpu.wait_indirect_dma semaphore(%arg31 : memref<!tpu.dma_semaphore, #tpu.memory_space<semaphore_mem>>) src(%arg16 : memref<40x128xf32, #tpu.memory_space<vmem>>) dst(%dma_wait3A_167 : memref<10240x128xf32, #tpu.memory_space<vmem_shared>>)
        %add3A_168 = arith.constant 5 : i32
        %add3A_169 = arith.addi %add3A_148, %add3A_168 : i32
        %mul3A_170 = arith.constant 40 : i32
        %mul3A_171 = arith.muli %add3A_169, %mul3A_170 : i32
        %add3A_172 = arith.addi %mul3A_2, %mul3A_171 : i32
        %dma_start3A_173 = tpu.memref_slice %arg3[%add3A_172] : memref<320000xi32, #tpu.memory_space<hbm>> -> memref<40xi32, #tpu.memory_space<hbm>>
        %dma_start3A_174 = tpu.memref_slice %arg3[%add3A_172] : memref<320000xi32, #tpu.memory_space<hbm>> -> memref<40xi32, #tpu.memory_space<hbm>>
        tpu.enqueue_dma source(%dma_start3A_174 : memref<40xi32, #tpu.memory_space<hbm>>) target(%arg11 : memref<40xi32, #tpu.memory_space<vmem>>) target_semaphore(%arg21 : memref<!tpu.dma_semaphore, #tpu.memory_space<semaphore_mem>>)
        %dma_start3A_175 = arith.constant 0 : i32
        %dma_start3A_176 = tpu.memref_slice %arg2[%add3A_172, %dma_start3A_175] : memref<320000x128xf32, #tpu.memory_space<hbm>> -> memref<40x128xf32, #tpu.memory_space<hbm>>
        %dma_start3A_177 = arith.constant 0 : i32
        %dma_start3A_178 = tpu.memref_slice %arg2[%add3A_172, %dma_start3A_177] : memref<320000x128xf32, #tpu.memory_space<hbm>> -> memref<40x128xf32, #tpu.memory_space<hbm>>
        tpu.enqueue_dma source(%dma_start3A_178 : memref<40x128xf32, #tpu.memory_space<hbm>>) target(%arg16 : memref<40x128xf32, #tpu.memory_space<vmem>>) target_semaphore(%arg26 : memref<!tpu.dma_semaphore, #tpu.memory_space<semaphore_mem>>)
      } else {
      }
    }
    %scan3A_48 = arith.constant 50 : i32
    %dma_wait3A = arith.constant 0 : i32
    %dma_wait3A_49 = arith.constant 0 : i32
    %dma_wait3A_50 = tpu.memref_slice %arg6[%dma_wait3A, %dma_wait3A_49] : memref<10240x128xf32, #tpu.memory_space<vmem_shared>> -> memref<10240x128xf32, #tpu.memory_space<vmem_shared>>
    tpu.wait_indirect_dma semaphore(%arg27 : memref<!tpu.dma_semaphore, #tpu.memory_space<semaphore_mem>>) src(%arg12 : memref<40x128xf32, #tpu.memory_space<vmem>>) dst(%dma_wait3A_50 : memref<10240x128xf32, #tpu.memory_space<vmem_shared>>)
    %dma_wait3A_51 = arith.constant 0 : i32
    %dma_wait3A_52 = arith.constant 0 : i32
    %dma_wait3A_53 = tpu.memref_slice %arg6[%dma_wait3A_51, %dma_wait3A_52] : memref<10240x128xf32, #tpu.memory_space<vmem_shared>> -> memref<10240x128xf32, #tpu.memory_space<vmem_shared>>
    tpu.wait_indirect_dma semaphore(%arg28 : memref<!tpu.dma_semaphore, #tpu.memory_space<semaphore_mem>>) src(%arg13 : memref<40x128xf32, #tpu.memory_space<vmem>>) dst(%dma_wait3A_53 : memref<10240x128xf32, #tpu.memory_space<vmem_shared>>)
    %dma_wait3A_54 = arith.constant 0 : i32
    %dma_wait3A_55 = arith.constant 0 : i32
    %dma_wait3A_56 = tpu.memref_slice %arg6[%dma_wait3A_54, %dma_wait3A_55] : memref<10240x128xf32, #tpu.memory_space<vmem_shared>> -> memref<10240x128xf32, #tpu.memory_space<vmem_shared>>
    tpu.wait_indirect_dma semaphore(%arg29 : memref<!tpu.dma_semaphore, #tpu.memory_space<semaphore_mem>>) src(%arg14 : memref<40x128xf32, #tpu.memory_space<vmem>>) dst(%dma_wait3A_56 : memref<10240x128xf32, #tpu.memory_space<vmem_shared>>)
    %dma_wait3A_57 = arith.constant 0 : i32
    %dma_wait3A_58 = arith.constant 0 : i32
    %dma_wait3A_59 = tpu.memref_slice %arg6[%dma_wait3A_57, %dma_wait3A_58] : memref<10240x128xf32, #tpu.memory_space<vmem_shared>> -> memref<10240x128xf32, #tpu.memory_space<vmem_shared>>
    tpu.wait_indirect_dma semaphore(%arg30 : memref<!tpu.dma_semaphore, #tpu.memory_space<semaphore_mem>>) src(%arg15 : memref<40x128xf32, #tpu.memory_space<vmem>>) dst(%dma_wait3A_59 : memref<10240x128xf32, #tpu.memory_space<vmem_shared>>)
    %dma_wait3A_60 = arith.constant 0 : i32
    %dma_wait3A_61 = arith.constant 0 : i32
    %dma_wait3A_62 = tpu.memref_slice %arg6[%dma_wait3A_60, %dma_wait3A_61] : memref<10240x128xf32, #tpu.memory_space<vmem_shared>> -> memref<10240x128xf32, #tpu.memory_space<vmem_shared>>
    tpu.wait_indirect_dma semaphore(%arg31 : memref<!tpu.dma_semaphore, #tpu.memory_space<semaphore_mem>>) src(%arg16 : memref<40x128xf32, #tpu.memory_space<vmem>>) dst(%dma_wait3A_62 : memref<10240x128xf32, #tpu.memory_space<vmem_shared>>)
    %barrier3A_63 = arith.constant 0 : index
    tpu.barrier barrier_id(%barrier3A_63)
    %mul3A_64 = arith.constant 10240 : i32
    %mul3A_65 = arith.muli %arg0, %mul3A_64 : i32
    %add3A_66 = arith.addi %mul3A_65, %mul3A_4 : i32
    "tpu.region"() ({
      %run_scoped3A = tpu.sem_alloc : memref<!tpu.dma_semaphore, #tpu.memory_space<semaphore_mem>>
      %dma_start3A_67 = arith.constant 0 : i32
      %dma_start3A_68 = tpu.memref_slice %arg5[%add3A_66, %dma_start3A_67] : memref<20480x128xf32, #tpu.memory_space<hbm>> -> memref<640x128xf32, #tpu.memory_space<hbm>>
      %dma_start3A_69 = arith.constant 0 : i32
      %dma_start3A_70 = tpu.memref_slice %arg6[%mul3A_4, %dma_start3A_69] : memref<10240x128xf32, #tpu.memory_space<vmem_shared>> -> memref<640x128xf32, #tpu.memory_space<vmem_shared>>
      tpu.enqueue_dma source(%dma_start3A_70 : memref<640x128xf32, #tpu.memory_space<vmem_shared>>) target(%dma_start3A_68 : memref<640x128xf32, #tpu.memory_space<hbm>>) target_semaphore(%run_scoped3A : memref<!tpu.dma_semaphore, #tpu.memory_space<semaphore_mem>>)
      %dma_wait3A_71 = arith.constant 0 : i32
      %dma_wait3A_72 = tpu.memref_slice %arg5[%add3A_66, %dma_wait3A_71] : memref<20480x128xf32, #tpu.memory_space<hbm>> -> memref<640x128xf32, #tpu.memory_space<hbm>>
      %dma_wait3A_73 = arith.constant 0 : i32
      %dma_wait3A_74 = tpu.memref_slice %arg6[%mul3A_4, %dma_wait3A_73] : memref<10240x128xf32, #tpu.memory_space<vmem_shared>> -> memref<640x128xf32, #tpu.memory_space<vmem_shared>>
      tpu.wait_dma2 semaphore(%run_scoped3A : memref<!tpu.dma_semaphore, #tpu.memory_space<semaphore_mem>>) src(%dma_wait3A_74 : memref<640x128xf32, #tpu.memory_space<vmem_shared>>) dst(%dma_wait3A_72 : memref<640x128xf32, #tpu.memory_space<hbm>>)
      tpu.yield
    }) : () -> ()
    return
  }
}

#map = affine_map<(d0, d1) -> (0, 0)>
#map1 = affine_map<(d0, d1) -> (0)>
module attributes {stable_mosaic.version = 14 : i64} {
  func.func @sc_gather(%arg0: i32, %arg1: i32, %arg2: memref<10000x128xf32, #tpu.memory_space<hbm>>, %arg3: memref<10000x128xf32, #tpu.memory_space<hbm>>, %arg4: memref<320000xi32, #tpu.memory_space<hbm>>, %arg5: memref<320000xi32, #tpu.memory_space<hbm>>, %arg6: memref<320000x128xf32, #tpu.memory_space<hbm>>, %arg7: memref<80xi32, #tpu.memory_space<vmem>>, %arg8: memref<80xi32, #tpu.memory_space<vmem>>, %arg9: memref<80xi32, #tpu.memory_space<vmem>>, %arg10: memref<80xi32, #tpu.memory_space<vmem>>, %arg11: memref<80xi32, #tpu.memory_space<vmem>>, %arg12: memref<80xi32, #tpu.memory_space<vmem>>, %arg13: memref<80xi32, #tpu.memory_space<vmem>>, %arg14: memref<80xi32, #tpu.memory_space<vmem>>, %arg15: memref<80xi32, #tpu.memory_space<vmem>>, %arg16: memref<80xi32, #tpu.memory_space<vmem>>, %arg17: memref<80x128xf32, #tpu.memory_space<vmem>>, %arg18: memref<80x128xf32, #tpu.memory_space<vmem>>, %arg19: memref<80x128xf32, #tpu.memory_space<vmem>>, %arg20: memref<80x128xf32, #tpu.memory_space<vmem>>, %arg21: memref<80x128xf32, #tpu.memory_space<vmem>>, %arg22: memref<80x128xf32, #tpu.memory_space<vmem>>, %arg23: memref<80x128xf32, #tpu.memory_space<vmem>>, %arg24: memref<80x128xf32, #tpu.memory_space<vmem>>, %arg25: memref<80x128xf32, #tpu.memory_space<vmem>>, %arg26: memref<80x128xf32, #tpu.memory_space<vmem>>, %arg27: memref<!tpu.dma_semaphore, #tpu.memory_space<semaphore_mem>>, %arg28: memref<!tpu.dma_semaphore, #tpu.memory_space<semaphore_mem>>, %arg29: memref<!tpu.dma_semaphore, #tpu.memory_space<semaphore_mem>>, %arg30: memref<!tpu.dma_semaphore, #tpu.memory_space<semaphore_mem>>, %arg31: memref<!tpu.dma_semaphore, #tpu.memory_space<semaphore_mem>>, %arg32: memref<!tpu.dma_semaphore, #tpu.memory_space<semaphore_mem>>, %arg33: memref<!tpu.dma_semaphore, #tpu.memory_space<semaphore_mem>>, %arg34: memref<!tpu.dma_semaphore, #tpu.memory_space<semaphore_mem>>, %arg35: memref<!tpu.dma_semaphore, #tpu.memory_space<semaphore_mem>>, %arg36: memref<!tpu.dma_semaphore, #tpu.memory_space<semaphore_mem>>, %arg37: memref<!tpu.dma_semaphore, #tpu.memory_space<semaphore_mem>>, %arg38: memref<!tpu.dma_semaphore, #tpu.memory_space<semaphore_mem>>, %arg39: memref<!tpu.dma_semaphore, #tpu.memory_space<semaphore_mem>>, %arg40: memref<!tpu.dma_semaphore, #tpu.memory_space<semaphore_mem>>, %arg41: memref<!tpu.dma_semaphore, #tpu.memory_space<semaphore_mem>>, %arg42: memref<!tpu.dma_semaphore, #tpu.memory_space<semaphore_mem>>, %arg43: memref<!tpu.dma_semaphore, #tpu.memory_space<semaphore_mem>>, %arg44: memref<!tpu.dma_semaphore, #tpu.memory_space<semaphore_mem>>, %arg45: memref<!tpu.dma_semaphore, #tpu.memory_space<semaphore_mem>>, %arg46: memref<!tpu.dma_semaphore, #tpu.memory_space<semaphore_mem>>, %arg47: memref<!tpu.dma_semaphore, #tpu.memory_space<semaphore_mem>>, %arg48: memref<!tpu.dma_semaphore, #tpu.memory_space<semaphore_mem>>, %arg49: memref<!tpu.dma_semaphore, #tpu.memory_space<semaphore_mem>>, %arg50: memref<!tpu.dma_semaphore, #tpu.memory_space<semaphore_mem>>, %arg51: memref<!tpu.dma_semaphore, #tpu.memory_space<semaphore_mem>>) attributes {dimension_semantics = [#tpu.dimension_semantics<core_parallel>, #tpu.dimension_semantics<subcore_parallel>], iteration_bounds = array<i64: 2, 16>, scalar_prefetch = 0 : i64, scratch_operands = 45 : i64, tpu.core_type = #tpu.core_type<sc_vector_subcore>, window_params = [{transform_indices = #map}, {transform_indices = #map}, {transform_indices = #map1}, {transform_indices = #map1}, {transform_indices = #map}]} {
    %mul3A = arith.constant 2 : i32
    %mul3A_0 = arith.muli %arg1, %mul3A : i32
    %add3A = arith.addi %mul3A_0, %arg0 : i32
    %mul3A_1 = arith.constant 10000 : i32
    %mul3A_2 = arith.muli %add3A, %mul3A_1 : i32
    %add3A_3 = arith.constant 0 : i32
    %add3A_4 = arith.addi %mul3A_2, %add3A_3 : i32
    %dma_start3A = tpu.memref_slice %arg4[%add3A_4] : memref<320000xi32, #tpu.memory_space<hbm>> -> memref<80xi32, #tpu.memory_space<hbm>>
    %dma_start3A_5 = tpu.memref_slice %arg4[%add3A_4] : memref<320000xi32, #tpu.memory_space<hbm>> -> memref<80xi32, #tpu.memory_space<hbm>>
    tpu.enqueue_dma source(%dma_start3A_5 : memref<80xi32, #tpu.memory_space<hbm>>) target(%arg7 : memref<80xi32, #tpu.memory_space<vmem>>) target_semaphore(%arg42 : memref<!tpu.dma_semaphore, #tpu.memory_space<semaphore_mem>>)
    %dma_start3A_6 = tpu.memref_slice %arg5[%add3A_4] : memref<320000xi32, #tpu.memory_space<hbm>> -> memref<80xi32, #tpu.memory_space<hbm>>
    %dma_start3A_7 = tpu.memref_slice %arg5[%add3A_4] : memref<320000xi32, #tpu.memory_space<hbm>> -> memref<80xi32, #tpu.memory_space<hbm>>
    tpu.enqueue_dma source(%dma_start3A_7 : memref<80xi32, #tpu.memory_space<hbm>>) target(%arg12 : memref<80xi32, #tpu.memory_space<vmem>>) target_semaphore(%arg47 : memref<!tpu.dma_semaphore, #tpu.memory_space<semaphore_mem>>)
    %add3A_8 = arith.constant 80 : i32
    %add3A_9 = arith.addi %mul3A_2, %add3A_8 : i32
    %dma_start3A_10 = tpu.memref_slice %arg4[%add3A_9] : memref<320000xi32, #tpu.memory_space<hbm>> -> memref<80xi32, #tpu.memory_space<hbm>>
    %dma_start3A_11 = tpu.memref_slice %arg4[%add3A_9] : memref<320000xi32, #tpu.memory_space<hbm>> -> memref<80xi32, #tpu.memory_space<hbm>>
    tpu.enqueue_dma source(%dma_start3A_11 : memref<80xi32, #tpu.memory_space<hbm>>) target(%arg8 : memref<80xi32, #tpu.memory_space<vmem>>) target_semaphore(%arg43 : memref<!tpu.dma_semaphore, #tpu.memory_space<semaphore_mem>>)
    %dma_start3A_12 = tpu.memref_slice %arg5[%add3A_9] : memref<320000xi32, #tpu.memory_space<hbm>> -> memref<80xi32, #tpu.memory_space<hbm>>
    %dma_start3A_13 = tpu.memref_slice %arg5[%add3A_9] : memref<320000xi32, #tpu.memory_space<hbm>> -> memref<80xi32, #tpu.memory_space<hbm>>
    tpu.enqueue_dma source(%dma_start3A_13 : memref<80xi32, #tpu.memory_space<hbm>>) target(%arg13 : memref<80xi32, #tpu.memory_space<vmem>>) target_semaphore(%arg48 : memref<!tpu.dma_semaphore, #tpu.memory_space<semaphore_mem>>)
    %add3A_14 = arith.constant 160 : i32
    %add3A_15 = arith.addi %mul3A_2, %add3A_14 : i32
    %dma_start3A_16 = tpu.memref_slice %arg4[%add3A_15] : memref<320000xi32, #tpu.memory_space<hbm>> -> memref<80xi32, #tpu.memory_space<hbm>>
    %dma_start3A_17 = tpu.memref_slice %arg4[%add3A_15] : memref<320000xi32, #tpu.memory_space<hbm>> -> memref<80xi32, #tpu.memory_space<hbm>>
    tpu.enqueue_dma source(%dma_start3A_17 : memref<80xi32, #tpu.memory_space<hbm>>) target(%arg9 : memref<80xi32, #tpu.memory_space<vmem>>) target_semaphore(%arg44 : memref<!tpu.dma_semaphore, #tpu.memory_space<semaphore_mem>>)
    %dma_start3A_18 = tpu.memref_slice %arg5[%add3A_15] : memref<320000xi32, #tpu.memory_space<hbm>> -> memref<80xi32, #tpu.memory_space<hbm>>
    %dma_start3A_19 = tpu.memref_slice %arg5[%add3A_15] : memref<320000xi32, #tpu.memory_space<hbm>> -> memref<80xi32, #tpu.memory_space<hbm>>
    tpu.enqueue_dma source(%dma_start3A_19 : memref<80xi32, #tpu.memory_space<hbm>>) target(%arg14 : memref<80xi32, #tpu.memory_space<vmem>>) target_semaphore(%arg49 : memref<!tpu.dma_semaphore, #tpu.memory_space<semaphore_mem>>)
    %add3A_20 = arith.constant 240 : i32
    %add3A_21 = arith.addi %mul3A_2, %add3A_20 : i32
    %dma_start3A_22 = tpu.memref_slice %arg4[%add3A_21] : memref<320000xi32, #tpu.memory_space<hbm>> -> memref<80xi32, #tpu.memory_space<hbm>>
    %dma_start3A_23 = tpu.memref_slice %arg4[%add3A_21] : memref<320000xi32, #tpu.memory_space<hbm>> -> memref<80xi32, #tpu.memory_space<hbm>>
    tpu.enqueue_dma source(%dma_start3A_23 : memref<80xi32, #tpu.memory_space<hbm>>) target(%arg10 : memref<80xi32, #tpu.memory_space<vmem>>) target_semaphore(%arg45 : memref<!tpu.dma_semaphore, #tpu.memory_space<semaphore_mem>>)
    %dma_start3A_24 = tpu.memref_slice %arg5[%add3A_21] : memref<320000xi32, #tpu.memory_space<hbm>> -> memref<80xi32, #tpu.memory_space<hbm>>
    %dma_start3A_25 = tpu.memref_slice %arg5[%add3A_21] : memref<320000xi32, #tpu.memory_space<hbm>> -> memref<80xi32, #tpu.memory_space<hbm>>
    tpu.enqueue_dma source(%dma_start3A_25 : memref<80xi32, #tpu.memory_space<hbm>>) target(%arg15 : memref<80xi32, #tpu.memory_space<vmem>>) target_semaphore(%arg50 : memref<!tpu.dma_semaphore, #tpu.memory_space<semaphore_mem>>)
    %add3A_26 = arith.constant 320 : i32
    %add3A_27 = arith.addi %mul3A_2, %add3A_26 : i32
    %dma_start3A_28 = tpu.memref_slice %arg4[%add3A_27] : memref<320000xi32, #tpu.memory_space<hbm>> -> memref<80xi32, #tpu.memory_space<hbm>>
    %dma_start3A_29 = tpu.memref_slice %arg4[%add3A_27] : memref<320000xi32, #tpu.memory_space<hbm>> -> memref<80xi32, #tpu.memory_space<hbm>>
    tpu.enqueue_dma source(%dma_start3A_29 : memref<80xi32, #tpu.memory_space<hbm>>) target(%arg11 : memref<80xi32, #tpu.memory_space<vmem>>) target_semaphore(%arg46 : memref<!tpu.dma_semaphore, #tpu.memory_space<semaphore_mem>>)
    %dma_start3A_30 = tpu.memref_slice %arg5[%add3A_27] : memref<320000xi32, #tpu.memory_space<hbm>> -> memref<80xi32, #tpu.memory_space<hbm>>
    %dma_start3A_31 = tpu.memref_slice %arg5[%add3A_27] : memref<320000xi32, #tpu.memory_space<hbm>> -> memref<80xi32, #tpu.memory_space<hbm>>
    tpu.enqueue_dma source(%dma_start3A_31 : memref<80xi32, #tpu.memory_space<hbm>>) target(%arg16 : memref<80xi32, #tpu.memory_space<vmem>>) target_semaphore(%arg51 : memref<!tpu.dma_semaphore, #tpu.memory_space<semaphore_mem>>)
    %dma_wait3A = tpu.memref_slice %arg4[%mul3A_2] : memref<320000xi32, #tpu.memory_space<hbm>> -> memref<80xi32, #tpu.memory_space<hbm>>
    %dma_wait3A_32 = tpu.memref_slice %arg4[%mul3A_2] : memref<320000xi32, #tpu.memory_space<hbm>> -> memref<80xi32, #tpu.memory_space<hbm>>
    tpu.wait_dma2 semaphore(%arg42 : memref<!tpu.dma_semaphore, #tpu.memory_space<semaphore_mem>>) src(%dma_wait3A_32 : memref<80xi32, #tpu.memory_space<hbm>>) dst(%arg7 : memref<80xi32, #tpu.memory_space<vmem>>)
    %dma_wait3A_33 = tpu.memref_slice %arg5[%mul3A_2] : memref<320000xi32, #tpu.memory_space<hbm>> -> memref<80xi32, #tpu.memory_space<hbm>>
    %dma_wait3A_34 = tpu.memref_slice %arg5[%mul3A_2] : memref<320000xi32, #tpu.memory_space<hbm>> -> memref<80xi32, #tpu.memory_space<hbm>>
    tpu.wait_dma2 semaphore(%arg47 : memref<!tpu.dma_semaphore, #tpu.memory_space<semaphore_mem>>) src(%dma_wait3A_34 : memref<80xi32, #tpu.memory_space<hbm>>) dst(%arg12 : memref<80xi32, #tpu.memory_space<vmem>>)
    %dma_start3A_35 = arith.constant 0 : i32
    %dma_start3A_36 = arith.constant 0 : i32
    %dma_start3A_37 = tpu.memref_slice %arg2[%dma_start3A_35, %dma_start3A_36] : memref<10000x128xf32, #tpu.memory_space<hbm>> -> memref<10000x128xf32, #tpu.memory_space<hbm>>
    tpu.enqueue_indirect_dma source(%dma_start3A_37 : memref<10000x128xf32, #tpu.memory_space<hbm>>) target(%arg17 : memref<80x128xf32, #tpu.memory_space<vmem>>) offsets(%arg7 : memref<80xi32, #tpu.memory_space<vmem>>) semaphore(%arg27 : memref<!tpu.dma_semaphore, #tpu.memory_space<semaphore_mem>>)
    %dma_start3A_38 = arith.constant 0 : i32
    %dma_start3A_39 = arith.constant 0 : i32
    %dma_start3A_40 = tpu.memref_slice %arg3[%dma_start3A_38, %dma_start3A_39] : memref<10000x128xf32, #tpu.memory_space<hbm>> -> memref<10000x128xf32, #tpu.memory_space<hbm>>
    tpu.enqueue_indirect_dma source(%dma_start3A_40 : memref<10000x128xf32, #tpu.memory_space<hbm>>) target(%arg22 : memref<80x128xf32, #tpu.memory_space<vmem>>) offsets(%arg12 : memref<80xi32, #tpu.memory_space<vmem>>) semaphore(%arg32 : memref<!tpu.dma_semaphore, #tpu.memory_space<semaphore_mem>>)
    %dma_wait3A_41 = tpu.memref_slice %arg4[%mul3A_2] : memref<320000xi32, #tpu.memory_space<hbm>> -> memref<80xi32, #tpu.memory_space<hbm>>
    %dma_wait3A_42 = tpu.memref_slice %arg4[%mul3A_2] : memref<320000xi32, #tpu.memory_space<hbm>> -> memref<80xi32, #tpu.memory_space<hbm>>
    tpu.wait_dma2 semaphore(%arg43 : memref<!tpu.dma_semaphore, #tpu.memory_space<semaphore_mem>>) src(%dma_wait3A_42 : memref<80xi32, #tpu.memory_space<hbm>>) dst(%arg8 : memref<80xi32, #tpu.memory_space<vmem>>)
    %dma_wait3A_43 = tpu.memref_slice %arg5[%mul3A_2] : memref<320000xi32, #tpu.memory_space<hbm>> -> memref<80xi32, #tpu.memory_space<hbm>>
    %dma_wait3A_44 = tpu.memref_slice %arg5[%mul3A_2] : memref<320000xi32, #tpu.memory_space<hbm>> -> memref<80xi32, #tpu.memory_space<hbm>>
    tpu.wait_dma2 semaphore(%arg48 : memref<!tpu.dma_semaphore, #tpu.memory_space<semaphore_mem>>) src(%dma_wait3A_44 : memref<80xi32, #tpu.memory_space<hbm>>) dst(%arg13 : memref<80xi32, #tpu.memory_space<vmem>>)
    %dma_start3A_45 = arith.constant 0 : i32
    %dma_start3A_46 = arith.constant 0 : i32
    %dma_start3A_47 = tpu.memref_slice %arg2[%dma_start3A_45, %dma_start3A_46] : memref<10000x128xf32, #tpu.memory_space<hbm>> -> memref<10000x128xf32, #tpu.memory_space<hbm>>
    tpu.enqueue_indirect_dma source(%dma_start3A_47 : memref<10000x128xf32, #tpu.memory_space<hbm>>) target(%arg18 : memref<80x128xf32, #tpu.memory_space<vmem>>) offsets(%arg8 : memref<80xi32, #tpu.memory_space<vmem>>) semaphore(%arg28 : memref<!tpu.dma_semaphore, #tpu.memory_space<semaphore_mem>>)
    %dma_start3A_48 = arith.constant 0 : i32
    %dma_start3A_49 = arith.constant 0 : i32
    %dma_start3A_50 = tpu.memref_slice %arg3[%dma_start3A_48, %dma_start3A_49] : memref<10000x128xf32, #tpu.memory_space<hbm>> -> memref<10000x128xf32, #tpu.memory_space<hbm>>
    tpu.enqueue_indirect_dma source(%dma_start3A_50 : memref<10000x128xf32, #tpu.memory_space<hbm>>) target(%arg23 : memref<80x128xf32, #tpu.memory_space<vmem>>) offsets(%arg13 : memref<80xi32, #tpu.memory_space<vmem>>) semaphore(%arg33 : memref<!tpu.dma_semaphore, #tpu.memory_space<semaphore_mem>>)
    %dma_wait3A_51 = tpu.memref_slice %arg4[%mul3A_2] : memref<320000xi32, #tpu.memory_space<hbm>> -> memref<80xi32, #tpu.memory_space<hbm>>
    %dma_wait3A_52 = tpu.memref_slice %arg4[%mul3A_2] : memref<320000xi32, #tpu.memory_space<hbm>> -> memref<80xi32, #tpu.memory_space<hbm>>
    tpu.wait_dma2 semaphore(%arg44 : memref<!tpu.dma_semaphore, #tpu.memory_space<semaphore_mem>>) src(%dma_wait3A_52 : memref<80xi32, #tpu.memory_space<hbm>>) dst(%arg9 : memref<80xi32, #tpu.memory_space<vmem>>)
    %dma_wait3A_53 = tpu.memref_slice %arg5[%mul3A_2] : memref<320000xi32, #tpu.memory_space<hbm>> -> memref<80xi32, #tpu.memory_space<hbm>>
    %dma_wait3A_54 = tpu.memref_slice %arg5[%mul3A_2] : memref<320000xi32, #tpu.memory_space<hbm>> -> memref<80xi32, #tpu.memory_space<hbm>>
    tpu.wait_dma2 semaphore(%arg49 : memref<!tpu.dma_semaphore, #tpu.memory_space<semaphore_mem>>) src(%dma_wait3A_54 : memref<80xi32, #tpu.memory_space<hbm>>) dst(%arg14 : memref<80xi32, #tpu.memory_space<vmem>>)
    %dma_start3A_55 = arith.constant 0 : i32
    %dma_start3A_56 = arith.constant 0 : i32
    %dma_start3A_57 = tpu.memref_slice %arg2[%dma_start3A_55, %dma_start3A_56] : memref<10000x128xf32, #tpu.memory_space<hbm>> -> memref<10000x128xf32, #tpu.memory_space<hbm>>
    tpu.enqueue_indirect_dma source(%dma_start3A_57 : memref<10000x128xf32, #tpu.memory_space<hbm>>) target(%arg19 : memref<80x128xf32, #tpu.memory_space<vmem>>) offsets(%arg9 : memref<80xi32, #tpu.memory_space<vmem>>) semaphore(%arg29 : memref<!tpu.dma_semaphore, #tpu.memory_space<semaphore_mem>>)
    %dma_start3A_58 = arith.constant 0 : i32
    %dma_start3A_59 = arith.constant 0 : i32
    %dma_start3A_60 = tpu.memref_slice %arg3[%dma_start3A_58, %dma_start3A_59] : memref<10000x128xf32, #tpu.memory_space<hbm>> -> memref<10000x128xf32, #tpu.memory_space<hbm>>
    tpu.enqueue_indirect_dma source(%dma_start3A_60 : memref<10000x128xf32, #tpu.memory_space<hbm>>) target(%arg24 : memref<80x128xf32, #tpu.memory_space<vmem>>) offsets(%arg14 : memref<80xi32, #tpu.memory_space<vmem>>) semaphore(%arg34 : memref<!tpu.dma_semaphore, #tpu.memory_space<semaphore_mem>>)
    %dma_wait3A_61 = tpu.memref_slice %arg4[%mul3A_2] : memref<320000xi32, #tpu.memory_space<hbm>> -> memref<80xi32, #tpu.memory_space<hbm>>
    %dma_wait3A_62 = tpu.memref_slice %arg4[%mul3A_2] : memref<320000xi32, #tpu.memory_space<hbm>> -> memref<80xi32, #tpu.memory_space<hbm>>
    tpu.wait_dma2 semaphore(%arg45 : memref<!tpu.dma_semaphore, #tpu.memory_space<semaphore_mem>>) src(%dma_wait3A_62 : memref<80xi32, #tpu.memory_space<hbm>>) dst(%arg10 : memref<80xi32, #tpu.memory_space<vmem>>)
    %dma_wait3A_63 = tpu.memref_slice %arg5[%mul3A_2] : memref<320000xi32, #tpu.memory_space<hbm>> -> memref<80xi32, #tpu.memory_space<hbm>>
    %dma_wait3A_64 = tpu.memref_slice %arg5[%mul3A_2] : memref<320000xi32, #tpu.memory_space<hbm>> -> memref<80xi32, #tpu.memory_space<hbm>>
    tpu.wait_dma2 semaphore(%arg50 : memref<!tpu.dma_semaphore, #tpu.memory_space<semaphore_mem>>) src(%dma_wait3A_64 : memref<80xi32, #tpu.memory_space<hbm>>) dst(%arg15 : memref<80xi32, #tpu.memory_space<vmem>>)
    %dma_start3A_65 = arith.constant 0 : i32
    %dma_start3A_66 = arith.constant 0 : i32
    %dma_start3A_67 = tpu.memref_slice %arg2[%dma_start3A_65, %dma_start3A_66] : memref<10000x128xf32, #tpu.memory_space<hbm>> -> memref<10000x128xf32, #tpu.memory_space<hbm>>
    tpu.enqueue_indirect_dma source(%dma_start3A_67 : memref<10000x128xf32, #tpu.memory_space<hbm>>) target(%arg20 : memref<80x128xf32, #tpu.memory_space<vmem>>) offsets(%arg10 : memref<80xi32, #tpu.memory_space<vmem>>) semaphore(%arg30 : memref<!tpu.dma_semaphore, #tpu.memory_space<semaphore_mem>>)
    %dma_start3A_68 = arith.constant 0 : i32
    %dma_start3A_69 = arith.constant 0 : i32
    %dma_start3A_70 = tpu.memref_slice %arg3[%dma_start3A_68, %dma_start3A_69] : memref<10000x128xf32, #tpu.memory_space<hbm>> -> memref<10000x128xf32, #tpu.memory_space<hbm>>
    tpu.enqueue_indirect_dma source(%dma_start3A_70 : memref<10000x128xf32, #tpu.memory_space<hbm>>) target(%arg25 : memref<80x128xf32, #tpu.memory_space<vmem>>) offsets(%arg15 : memref<80xi32, #tpu.memory_space<vmem>>) semaphore(%arg35 : memref<!tpu.dma_semaphore, #tpu.memory_space<semaphore_mem>>)
    %dma_wait3A_71 = tpu.memref_slice %arg4[%mul3A_2] : memref<320000xi32, #tpu.memory_space<hbm>> -> memref<80xi32, #tpu.memory_space<hbm>>
    %dma_wait3A_72 = tpu.memref_slice %arg4[%mul3A_2] : memref<320000xi32, #tpu.memory_space<hbm>> -> memref<80xi32, #tpu.memory_space<hbm>>
    tpu.wait_dma2 semaphore(%arg46 : memref<!tpu.dma_semaphore, #tpu.memory_space<semaphore_mem>>) src(%dma_wait3A_72 : memref<80xi32, #tpu.memory_space<hbm>>) dst(%arg11 : memref<80xi32, #tpu.memory_space<vmem>>)
    %dma_wait3A_73 = tpu.memref_slice %arg5[%mul3A_2] : memref<320000xi32, #tpu.memory_space<hbm>> -> memref<80xi32, #tpu.memory_space<hbm>>
    %dma_wait3A_74 = tpu.memref_slice %arg5[%mul3A_2] : memref<320000xi32, #tpu.memory_space<hbm>> -> memref<80xi32, #tpu.memory_space<hbm>>
    tpu.wait_dma2 semaphore(%arg51 : memref<!tpu.dma_semaphore, #tpu.memory_space<semaphore_mem>>) src(%dma_wait3A_74 : memref<80xi32, #tpu.memory_space<hbm>>) dst(%arg16 : memref<80xi32, #tpu.memory_space<vmem>>)
    %dma_start3A_75 = arith.constant 0 : i32
    %dma_start3A_76 = arith.constant 0 : i32
    %dma_start3A_77 = tpu.memref_slice %arg2[%dma_start3A_75, %dma_start3A_76] : memref<10000x128xf32, #tpu.memory_space<hbm>> -> memref<10000x128xf32, #tpu.memory_space<hbm>>
    tpu.enqueue_indirect_dma source(%dma_start3A_77 : memref<10000x128xf32, #tpu.memory_space<hbm>>) target(%arg21 : memref<80x128xf32, #tpu.memory_space<vmem>>) offsets(%arg11 : memref<80xi32, #tpu.memory_space<vmem>>) semaphore(%arg31 : memref<!tpu.dma_semaphore, #tpu.memory_space<semaphore_mem>>)
    %dma_start3A_78 = arith.constant 0 : i32
    %dma_start3A_79 = arith.constant 0 : i32
    %dma_start3A_80 = tpu.memref_slice %arg3[%dma_start3A_78, %dma_start3A_79] : memref<10000x128xf32, #tpu.memory_space<hbm>> -> memref<10000x128xf32, #tpu.memory_space<hbm>>
    tpu.enqueue_indirect_dma source(%dma_start3A_80 : memref<10000x128xf32, #tpu.memory_space<hbm>>) target(%arg26 : memref<80x128xf32, #tpu.memory_space<vmem>>) offsets(%arg16 : memref<80xi32, #tpu.memory_space<vmem>>) semaphore(%arg36 : memref<!tpu.dma_semaphore, #tpu.memory_space<semaphore_mem>>)
    %scan3A = arith.constant 0 : i32
    %scan3A_81 = arith.constant 0 : i32
    %scan3A_82 = arith.constant 25 : i32
    %scan3A_83 = arith.addi %scan3A_81, %scan3A_82 : i32
    %scan3A_84 = arith.constant 1 : i32
    scf.for %scan3A_106 = %scan3A_81 to %scan3A_83 step %scan3A_84  : i32 {
      %mul3A_107 = arith.constant 5 : i32
      %mul3A_108 = arith.muli %scan3A_106, %mul3A_107 : i32
      %add3A_109 = arith.constant 0 : i32
      %add3A_110 = arith.addi %mul3A_108, %add3A_109 : i32
      %mul3A_111 = arith.constant 80 : i32
      %mul3A_112 = arith.muli %add3A_110, %mul3A_111 : i32
      %add3A_113 = arith.addi %mul3A_2, %mul3A_112 : i32
      %dma_wait3A_114 = arith.constant 0 : i32
      %dma_wait3A_115 = arith.constant 0 : i32
      %dma_wait3A_116 = tpu.memref_slice %arg2[%dma_wait3A_114, %dma_wait3A_115] : memref<10000x128xf32, #tpu.memory_space<hbm>> -> memref<10000x128xf32, #tpu.memory_space<hbm>>
      tpu.wait_indirect_dma semaphore(%arg27 : memref<!tpu.dma_semaphore, #tpu.memory_space<semaphore_mem>>) src(%dma_wait3A_116 : memref<10000x128xf32, #tpu.memory_space<hbm>>) dst(%arg17 : memref<80x128xf32, #tpu.memory_space<vmem>>)
      %dma_wait3A_117 = arith.constant 0 : i32
      %dma_wait3A_118 = arith.constant 0 : i32
      %dma_wait3A_119 = tpu.memref_slice %arg3[%dma_wait3A_117, %dma_wait3A_118] : memref<10000x128xf32, #tpu.memory_space<hbm>> -> memref<10000x128xf32, #tpu.memory_space<hbm>>
      tpu.wait_indirect_dma semaphore(%arg32 : memref<!tpu.dma_semaphore, #tpu.memory_space<semaphore_mem>>) src(%dma_wait3A_119 : memref<10000x128xf32, #tpu.memory_space<hbm>>) dst(%arg22 : memref<80x128xf32, #tpu.memory_space<vmem>>)
      %scan3A_120 = arith.constant 0 : i32
      %scan3A_121 = arith.constant 0 : i32
      %scan3A_122 = arith.constant 80 : i32
      %scan3A_123 = arith.addi %scan3A_121, %scan3A_122 : i32
      %scan3A_124 = arith.constant 1 : i32
      scf.for %scan3A_254 = %scan3A_121 to %scan3A_123 step %scan3A_124  : i32 {
        %get3A = arith.index_cast %scan3A_254 : i32 to index
        %get3A_255 = arith.constant 0 : index
        %get3A_256 = tpu.vector_load %arg17[%get3A, %get3A_255] {strides = array<i32>} : memref<80x128xf32, #tpu.memory_space<vmem>>, vector<1x16xf32>,
        %get3A_257 = vector.shape_cast %get3A_256 : vector<1x16xf32> to vector<16xf32>
        %get3A_258 = arith.index_cast %scan3A_254 : i32 to index
        %get3A_259 = arith.constant 0 : index
        %get3A_260 = tpu.vector_load %arg22[%get3A_258, %get3A_259] {strides = array<i32>} : memref<80x128xf32, #tpu.memory_space<vmem>>, vector<1x16xf32>,
        %get3A_261 = vector.shape_cast %get3A_260 : vector<1x16xf32> to vector<16xf32>
        %add3A_262 = arith.addf %get3A_257, %get3A_261 : vector<16xf32>
        %swap3A = arith.index_cast %scan3A_254 : i32 to index
        %swap3A_263 = arith.constant 0 : index
        %swap3A_264 = tpu.vector_load %arg17[%swap3A, %swap3A_263] {strides = array<i32>} : memref<80x128xf32, #tpu.memory_space<vmem>>, vector<1x16xf32>,
        %swap3A_265 = vector.shape_cast %swap3A_264 : vector<1x16xf32> to vector<16xf32>
        %swap3A_266 = vector.shape_cast %add3A_262 : vector<16xf32> to vector<1x16xf32>
        tpu.vector_store %arg17[%swap3A, %swap3A_263], %swap3A_266 {strides = array<i32>} : memref<80x128xf32, #tpu.memory_space<vmem>>, vector<1x16xf32>,
        %get3A_267 = arith.index_cast %scan3A_254 : i32 to index
        %get3A_268 = arith.constant 16 : index
        %get3A_269 = tpu.vector_load %arg17[%get3A_267, %get3A_268] {strides = array<i32>} : memref<80x128xf32, #tpu.memory_space<vmem>>, vector<1x16xf32>,
        %get3A_270 = vector.shape_cast %get3A_269 : vector<1x16xf32> to vector<16xf32>
        %get3A_271 = arith.index_cast %scan3A_254 : i32 to index
        %get3A_272 = arith.constant 16 : index
        %get3A_273 = tpu.vector_load %arg22[%get3A_271, %get3A_272] {strides = array<i32>} : memref<80x128xf32, #tpu.memory_space<vmem>>, vector<1x16xf32>,
        %get3A_274 = vector.shape_cast %get3A_273 : vector<1x16xf32> to vector<16xf32>
        %add3A_275 = arith.addf %get3A_270, %get3A_274 : vector<16xf32>
        %swap3A_276 = arith.index_cast %scan3A_254 : i32 to index
        %swap3A_277 = arith.constant 16 : index
        %swap3A_278 = tpu.vector_load %arg17[%swap3A_276, %swap3A_277] {strides = array<i32>} : memref<80x128xf32, #tpu.memory_space<vmem>>, vector<1x16xf32>,
        %swap3A_279 = vector.shape_cast %swap3A_278 : vector<1x16xf32> to vector<16xf32>
        %swap3A_280 = vector.shape_cast %add3A_275 : vector<16xf32> to vector<1x16xf32>
        tpu.vector_store %arg17[%swap3A_276, %swap3A_277], %swap3A_280 {strides = array<i32>} : memref<80x128xf32, #tpu.memory_space<vmem>>, vector<1x16xf32>,
        %get3A_281 = arith.index_cast %scan3A_254 : i32 to index
        %get3A_282 = arith.constant 32 : index
        %get3A_283 = tpu.vector_load %arg17[%get3A_281, %get3A_282] {strides = array<i32>} : memref<80x128xf32, #tpu.memory_space<vmem>>, vector<1x16xf32>,
        %get3A_284 = vector.shape_cast %get3A_283 : vector<1x16xf32> to vector<16xf32>
        %get3A_285 = arith.index_cast %scan3A_254 : i32 to index
        %get3A_286 = arith.constant 32 : index
        %get3A_287 = tpu.vector_load %arg22[%get3A_285, %get3A_286] {strides = array<i32>} : memref<80x128xf32, #tpu.memory_space<vmem>>, vector<1x16xf32>,
        %get3A_288 = vector.shape_cast %get3A_287 : vector<1x16xf32> to vector<16xf32>
        %add3A_289 = arith.addf %get3A_284, %get3A_288 : vector<16xf32>
        %swap3A_290 = arith.index_cast %scan3A_254 : i32 to index
        %swap3A_291 = arith.constant 32 : index
        %swap3A_292 = tpu.vector_load %arg17[%swap3A_290, %swap3A_291] {strides = array<i32>} : memref<80x128xf32, #tpu.memory_space<vmem>>, vector<1x16xf32>,
        %swap3A_293 = vector.shape_cast %swap3A_292 : vector<1x16xf32> to vector<16xf32>
        %swap3A_294 = vector.shape_cast %add3A_289 : vector<16xf32> to vector<1x16xf32>
        tpu.vector_store %arg17[%swap3A_290, %swap3A_291], %swap3A_294 {strides = array<i32>} : memref<80x128xf32, #tpu.memory_space<vmem>>, vector<1x16xf32>,
        %get3A_295 = arith.index_cast %scan3A_254 : i32 to index
        %get3A_296 = arith.constant 48 : index
        %get3A_297 = tpu.vector_load %arg17[%get3A_295, %get3A_296] {strides = array<i32>} : memref<80x128xf32, #tpu.memory_space<vmem>>, vector<1x16xf32>,
        %get3A_298 = vector.shape_cast %get3A_297 : vector<1x16xf32> to vector<16xf32>
        %get3A_299 = arith.index_cast %scan3A_254 : i32 to index
        %get3A_300 = arith.constant 48 : index
        %get3A_301 = tpu.vector_load %arg22[%get3A_299, %get3A_300] {strides = array<i32>} : memref<80x128xf32, #tpu.memory_space<vmem>>, vector<1x16xf32>,
        %get3A_302 = vector.shape_cast %get3A_301 : vector<1x16xf32> to vector<16xf32>
        %add3A_303 = arith.addf %get3A_298, %get3A_302 : vector<16xf32>
        %swap3A_304 = arith.index_cast %scan3A_254 : i32 to index
        %swap3A_305 = arith.constant 48 : index
        %swap3A_306 = tpu.vector_load %arg17[%swap3A_304, %swap3A_305] {strides = array<i32>} : memref<80x128xf32, #tpu.memory_space<vmem>>, vector<1x16xf32>,
        %swap3A_307 = vector.shape_cast %swap3A_306 : vector<1x16xf32> to vector<16xf32>
        %swap3A_308 = vector.shape_cast %add3A_303 : vector<16xf32> to vector<1x16xf32>
        tpu.vector_store %arg17[%swap3A_304, %swap3A_305], %swap3A_308 {strides = array<i32>} : memref<80x128xf32, #tpu.memory_space<vmem>>, vector<1x16xf32>,
        %get3A_309 = arith.index_cast %scan3A_254 : i32 to index
        %get3A_310 = arith.constant 64 : index
        %get3A_311 = tpu.vector_load %arg17[%get3A_309, %get3A_310] {strides = array<i32>} : memref<80x128xf32, #tpu.memory_space<vmem>>, vector<1x16xf32>,
        %get3A_312 = vector.shape_cast %get3A_311 : vector<1x16xf32> to vector<16xf32>
        %get3A_313 = arith.index_cast %scan3A_254 : i32 to index
        %get3A_314 = arith.constant 64 : index
        %get3A_315 = tpu.vector_load %arg22[%get3A_313, %get3A_314] {strides = array<i32>} : memref<80x128xf32, #tpu.memory_space<vmem>>, vector<1x16xf32>,
        %get3A_316 = vector.shape_cast %get3A_315 : vector<1x16xf32> to vector<16xf32>
        %add3A_317 = arith.addf %get3A_312, %get3A_316 : vector<16xf32>
        %swap3A_318 = arith.index_cast %scan3A_254 : i32 to index
        %swap3A_319 = arith.constant 64 : index
        %swap3A_320 = tpu.vector_load %arg17[%swap3A_318, %swap3A_319] {strides = array<i32>} : memref<80x128xf32, #tpu.memory_space<vmem>>, vector<1x16xf32>,
        %swap3A_321 = vector.shape_cast %swap3A_320 : vector<1x16xf32> to vector<16xf32>
        %swap3A_322 = vector.shape_cast %add3A_317 : vector<16xf32> to vector<1x16xf32>
        tpu.vector_store %arg17[%swap3A_318, %swap3A_319], %swap3A_322 {strides = array<i32>} : memref<80x128xf32, #tpu.memory_space<vmem>>, vector<1x16xf32>,
        %get3A_323 = arith.index_cast %scan3A_254 : i32 to index
        %get3A_324 = arith.constant 80 : index
        %get3A_325 = tpu.vector_load %arg17[%get3A_323, %get3A_324] {strides = array<i32>} : memref<80x128xf32, #tpu.memory_space<vmem>>, vector<1x16xf32>,
        %get3A_326 = vector.shape_cast %get3A_325 : vector<1x16xf32> to vector<16xf32>
        %get3A_327 = arith.index_cast %scan3A_254 : i32 to index
        %get3A_328 = arith.constant 80 : index
        %get3A_329 = tpu.vector_load %arg22[%get3A_327, %get3A_328] {strides = array<i32>} : memref<80x128xf32, #tpu.memory_space<vmem>>, vector<1x16xf32>,
        %get3A_330 = vector.shape_cast %get3A_329 : vector<1x16xf32> to vector<16xf32>
        %add3A_331 = arith.addf %get3A_326, %get3A_330 : vector<16xf32>
        %swap3A_332 = arith.index_cast %scan3A_254 : i32 to index
        %swap3A_333 = arith.constant 80 : index
        %swap3A_334 = tpu.vector_load %arg17[%swap3A_332, %swap3A_333] {strides = array<i32>} : memref<80x128xf32, #tpu.memory_space<vmem>>, vector<1x16xf32>,
        %swap3A_335 = vector.shape_cast %swap3A_334 : vector<1x16xf32> to vector<16xf32>
        %swap3A_336 = vector.shape_cast %add3A_331 : vector<16xf32> to vector<1x16xf32>
        tpu.vector_store %arg17[%swap3A_332, %swap3A_333], %swap3A_336 {strides = array<i32>} : memref<80x128xf32, #tpu.memory_space<vmem>>, vector<1x16xf32>,
        %get3A_337 = arith.index_cast %scan3A_254 : i32 to index
        %get3A_338 = arith.constant 96 : index
        %get3A_339 = tpu.vector_load %arg17[%get3A_337, %get3A_338] {strides = array<i32>} : memref<80x128xf32, #tpu.memory_space<vmem>>, vector<1x16xf32>,
        %get3A_340 = vector.shape_cast %get3A_339 : vector<1x16xf32> to vector<16xf32>
        %get3A_341 = arith.index_cast %scan3A_254 : i32 to index
        %get3A_342 = arith.constant 96 : index
        %get3A_343 = tpu.vector_load %arg22[%get3A_341, %get3A_342] {strides = array<i32>} : memref<80x128xf32, #tpu.memory_space<vmem>>, vector<1x16xf32>,
        %get3A_344 = vector.shape_cast %get3A_343 : vector<1x16xf32> to vector<16xf32>
        %add3A_345 = arith.addf %get3A_340, %get3A_344 : vector<16xf32>
        %swap3A_346 = arith.index_cast %scan3A_254 : i32 to index
        %swap3A_347 = arith.constant 96 : index
        %swap3A_348 = tpu.vector_load %arg17[%swap3A_346, %swap3A_347] {strides = array<i32>} : memref<80x128xf32, #tpu.memory_space<vmem>>, vector<1x16xf32>,
        %swap3A_349 = vector.shape_cast %swap3A_348 : vector<1x16xf32> to vector<16xf32>
        %swap3A_350 = vector.shape_cast %add3A_345 : vector<16xf32> to vector<1x16xf32>
        tpu.vector_store %arg17[%swap3A_346, %swap3A_347], %swap3A_350 {strides = array<i32>} : memref<80x128xf32, #tpu.memory_space<vmem>>, vector<1x16xf32>,
        %get3A_351 = arith.index_cast %scan3A_254 : i32 to index
        %get3A_352 = arith.constant 112 : index
        %get3A_353 = tpu.vector_load %arg17[%get3A_351, %get3A_352] {strides = array<i32>} : memref<80x128xf32, #tpu.memory_space<vmem>>, vector<1x16xf32>,
        %get3A_354 = vector.shape_cast %get3A_353 : vector<1x16xf32> to vector<16xf32>
        %get3A_355 = arith.index_cast %scan3A_254 : i32 to index
        %get3A_356 = arith.constant 112 : index
        %get3A_357 = tpu.vector_load %arg22[%get3A_355, %get3A_356] {strides = array<i32>} : memref<80x128xf32, #tpu.memory_space<vmem>>, vector<1x16xf32>,
        %get3A_358 = vector.shape_cast %get3A_357 : vector<1x16xf32> to vector<16xf32>
        %add3A_359 = arith.addf %get3A_354, %get3A_358 : vector<16xf32>
        %swap3A_360 = arith.index_cast %scan3A_254 : i32 to index
        %swap3A_361 = arith.constant 112 : index
        %swap3A_362 = tpu.vector_load %arg17[%swap3A_360, %swap3A_361] {strides = array<i32>} : memref<80x128xf32, #tpu.memory_space<vmem>>, vector<1x16xf32>,
        %swap3A_363 = vector.shape_cast %swap3A_362 : vector<1x16xf32> to vector<16xf32>
        %swap3A_364 = vector.shape_cast %add3A_359 : vector<16xf32> to vector<1x16xf32>
        tpu.vector_store %arg17[%swap3A_360, %swap3A_361], %swap3A_364 {strides = array<i32>} : memref<80x128xf32, #tpu.memory_space<vmem>>, vector<1x16xf32>,
      }
      %scan3A_125 = arith.constant 80 : i32
      %dma_start3A_126 = arith.constant 0 : i32
      %dma_start3A_127 = tpu.memref_slice %arg6[%add3A_113, %dma_start3A_126] : memref<320000x128xf32, #tpu.memory_space<hbm>> -> memref<80x128xf32, #tpu.memory_space<hbm>>
      %dma_start3A_128 = arith.constant 0 : i32
      %dma_start3A_129 = tpu.memref_slice %arg6[%add3A_113, %dma_start3A_128] : memref<320000x128xf32, #tpu.memory_space<hbm>> -> memref<80x128xf32, #tpu.memory_space<hbm>>
      tpu.enqueue_dma source(%arg17 : memref<80x128xf32, #tpu.memory_space<vmem>>) target(%dma_start3A_129 : memref<80x128xf32, #tpu.memory_space<hbm>>) target_semaphore(%arg37 : memref<!tpu.dma_semaphore, #tpu.memory_space<semaphore_mem>>)
      %add3A_130 = arith.constant 5 : i32
      %add3A_131 = arith.addi %add3A_110, %add3A_130 : i32
      %lt3A = arith.constant 125 : i32
      %lt3A_132 = arith.cmpi slt, %add3A_131, %lt3A : i32
      %convert_element_type3A = arith.extui %lt3A_132 : i1 to i32
      %cond3A = arith.constant 0 : i32
      %cond3A_133 = arith.cmpi ne, %convert_element_type3A, %cond3A : i32
      scf.if %cond3A_133 {
        %add3A_254 = arith.constant 5 : i32
        %add3A_255 = arith.addi %add3A_110, %add3A_254 : i32
        %mul3A_256 = arith.constant 80 : i32
        %mul3A_257 = arith.muli %add3A_255, %mul3A_256 : i32
        %add3A_258 = arith.addi %mul3A_2, %mul3A_257 : i32
        %dma_start3A_259 = tpu.memref_slice %arg4[%add3A_258] : memref<320000xi32, #tpu.memory_space<hbm>> -> memref<80xi32, #tpu.memory_space<hbm>>
        %dma_start3A_260 = tpu.memref_slice %arg4[%add3A_258] : memref<320000xi32, #tpu.memory_space<hbm>> -> memref<80xi32, #tpu.memory_space<hbm>>
        tpu.enqueue_dma source(%dma_start3A_260 : memref<80xi32, #tpu.memory_space<hbm>>) target(%arg7 : memref<80xi32, #tpu.memory_space<vmem>>) target_semaphore(%arg42 : memref<!tpu.dma_semaphore, #tpu.memory_space<semaphore_mem>>)
        %dma_start3A_261 = tpu.memref_slice %arg5[%add3A_258] : memref<320000xi32, #tpu.memory_space<hbm>> -> memref<80xi32, #tpu.memory_space<hbm>>
        %dma_start3A_262 = tpu.memref_slice %arg5[%add3A_258] : memref<320000xi32, #tpu.memory_space<hbm>> -> memref<80xi32, #tpu.memory_space<hbm>>
        tpu.enqueue_dma source(%dma_start3A_262 : memref<80xi32, #tpu.memory_space<hbm>>) target(%arg12 : memref<80xi32, #tpu.memory_space<vmem>>) target_semaphore(%arg47 : memref<!tpu.dma_semaphore, #tpu.memory_space<semaphore_mem>>)
        %dma_wait3A_263 = arith.constant 0 : i32
        %dma_wait3A_264 = tpu.memref_slice %arg6[%mul3A_2, %dma_wait3A_263] : memref<320000x128xf32, #tpu.memory_space<hbm>> -> memref<80x128xf32, #tpu.memory_space<hbm>>
        %dma_wait3A_265 = arith.constant 0 : i32
        %dma_wait3A_266 = tpu.memref_slice %arg6[%mul3A_2, %dma_wait3A_265] : memref<320000x128xf32, #tpu.memory_space<hbm>> -> memref<80x128xf32, #tpu.memory_space<hbm>>
        tpu.wait_dma2 semaphore(%arg37 : memref<!tpu.dma_semaphore, #tpu.memory_space<semaphore_mem>>) src(%arg17 : memref<80x128xf32, #tpu.memory_space<vmem>>) dst(%dma_wait3A_266 : memref<80x128xf32, #tpu.memory_space<hbm>>)
        %dma_wait3A_267 = tpu.memref_slice %arg4[%mul3A_2] : memref<320000xi32, #tpu.memory_space<hbm>> -> memref<80xi32, #tpu.memory_space<hbm>>
        %dma_wait3A_268 = tpu.memref_slice %arg4[%mul3A_2] : memref<320000xi32, #tpu.memory_space<hbm>> -> memref<80xi32, #tpu.memory_space<hbm>>
        tpu.wait_dma2 semaphore(%arg42 : memref<!tpu.dma_semaphore, #tpu.memory_space<semaphore_mem>>) src(%dma_wait3A_268 : memref<80xi32, #tpu.memory_space<hbm>>) dst(%arg7 : memref<80xi32, #tpu.memory_space<vmem>>)
        %dma_wait3A_269 = tpu.memref_slice %arg5[%mul3A_2] : memref<320000xi32, #tpu.memory_space<hbm>> -> memref<80xi32, #tpu.memory_space<hbm>>
        %dma_wait3A_270 = tpu.memref_slice %arg5[%mul3A_2] : memref<320000xi32, #tpu.memory_space<hbm>> -> memref<80xi32, #tpu.memory_space<hbm>>
        tpu.wait_dma2 semaphore(%arg47 : memref<!tpu.dma_semaphore, #tpu.memory_space<semaphore_mem>>) src(%dma_wait3A_270 : memref<80xi32, #tpu.memory_space<hbm>>) dst(%arg12 : memref<80xi32, #tpu.memory_space<vmem>>)
        %dma_start3A_271 = arith.constant 0 : i32
        %dma_start3A_272 = arith.constant 0 : i32
        %dma_start3A_273 = tpu.memref_slice %arg2[%dma_start3A_271, %dma_start3A_272] : memref<10000x128xf32, #tpu.memory_space<hbm>> -> memref<10000x128xf32, #tpu.memory_space<hbm>>
        tpu.enqueue_indirect_dma source(%dma_start3A_273 : memref<10000x128xf32, #tpu.memory_space<hbm>>) target(%arg17 : memref<80x128xf32, #tpu.memory_space<vmem>>) offsets(%arg7 : memref<80xi32, #tpu.memory_space<vmem>>) semaphore(%arg27 : memref<!tpu.dma_semaphore, #tpu.memory_space<semaphore_mem>>)
        %dma_start3A_274 = arith.constant 0 : i32
        %dma_start3A_275 = arith.constant 0 : i32
        %dma_start3A_276 = tpu.memref_slice %arg3[%dma_start3A_274, %dma_start3A_275] : memref<10000x128xf32, #tpu.memory_space<hbm>> -> memref<10000x128xf32, #tpu.memory_space<hbm>>
        tpu.enqueue_indirect_dma source(%dma_start3A_276 : memref<10000x128xf32, #tpu.memory_space<hbm>>) target(%arg22 : memref<80x128xf32, #tpu.memory_space<vmem>>) offsets(%arg12 : memref<80xi32, #tpu.memory_space<vmem>>) semaphore(%arg32 : memref<!tpu.dma_semaphore, #tpu.memory_space<semaphore_mem>>)
      } else {
      }
      %mul3A_134 = arith.constant 5 : i32
      %mul3A_135 = arith.muli %scan3A_106, %mul3A_134 : i32
      %add3A_136 = arith.constant 1 : i32
      %add3A_137 = arith.addi %mul3A_135, %add3A_136 : i32
      %mul3A_138 = arith.constant 80 : i32
      %mul3A_139 = arith.muli %add3A_137, %mul3A_138 : i32
      %add3A_140 = arith.addi %mul3A_2, %mul3A_139 : i32
      %dma_wait3A_141 = arith.constant 0 : i32
      %dma_wait3A_142 = arith.constant 0 : i32
      %dma_wait3A_143 = tpu.memref_slice %arg2[%dma_wait3A_141, %dma_wait3A_142] : memref<10000x128xf32, #tpu.memory_space<hbm>> -> memref<10000x128xf32, #tpu.memory_space<hbm>>
      tpu.wait_indirect_dma semaphore(%arg28 : memref<!tpu.dma_semaphore, #tpu.memory_space<semaphore_mem>>) src(%dma_wait3A_143 : memref<10000x128xf32, #tpu.memory_space<hbm>>) dst(%arg18 : memref<80x128xf32, #tpu.memory_space<vmem>>)
      %dma_wait3A_144 = arith.constant 0 : i32
      %dma_wait3A_145 = arith.constant 0 : i32
      %dma_wait3A_146 = tpu.memref_slice %arg3[%dma_wait3A_144, %dma_wait3A_145] : memref<10000x128xf32, #tpu.memory_space<hbm>> -> memref<10000x128xf32, #tpu.memory_space<hbm>>
      tpu.wait_indirect_dma semaphore(%arg33 : memref<!tpu.dma_semaphore, #tpu.memory_space<semaphore_mem>>) src(%dma_wait3A_146 : memref<10000x128xf32, #tpu.memory_space<hbm>>) dst(%arg23 : memref<80x128xf32, #tpu.memory_space<vmem>>)
      %scan3A_147 = arith.constant 0 : i32
      %scan3A_148 = arith.constant 0 : i32
      %scan3A_149 = arith.constant 80 : i32
      %scan3A_150 = arith.addi %scan3A_148, %scan3A_149 : i32
      %scan3A_151 = arith.constant 1 : i32
      scf.for %scan3A_254 = %scan3A_148 to %scan3A_150 step %scan3A_151  : i32 {
        %get3A = arith.index_cast %scan3A_254 : i32 to index
        %get3A_255 = arith.constant 0 : index
        %get3A_256 = tpu.vector_load %arg18[%get3A, %get3A_255] {strides = array<i32>} : memref<80x128xf32, #tpu.memory_space<vmem>>, vector<1x16xf32>,
        %get3A_257 = vector.shape_cast %get3A_256 : vector<1x16xf32> to vector<16xf32>
        %get3A_258 = arith.index_cast %scan3A_254 : i32 to index
        %get3A_259 = arith.constant 0 : index
        %get3A_260 = tpu.vector_load %arg23[%get3A_258, %get3A_259] {strides = array<i32>} : memref<80x128xf32, #tpu.memory_space<vmem>>, vector<1x16xf32>,
        %get3A_261 = vector.shape_cast %get3A_260 : vector<1x16xf32> to vector<16xf32>
        %add3A_262 = arith.addf %get3A_257, %get3A_261 : vector<16xf32>
        %swap3A = arith.index_cast %scan3A_254 : i32 to index
        %swap3A_263 = arith.constant 0 : index
        %swap3A_264 = tpu.vector_load %arg18[%swap3A, %swap3A_263] {strides = array<i32>} : memref<80x128xf32, #tpu.memory_space<vmem>>, vector<1x16xf32>,
        %swap3A_265 = vector.shape_cast %swap3A_264 : vector<1x16xf32> to vector<16xf32>
        %swap3A_266 = vector.shape_cast %add3A_262 : vector<16xf32> to vector<1x16xf32>
        tpu.vector_store %arg18[%swap3A, %swap3A_263], %swap3A_266 {strides = array<i32>} : memref<80x128xf32, #tpu.memory_space<vmem>>, vector<1x16xf32>,
        %get3A_267 = arith.index_cast %scan3A_254 : i32 to index
        %get3A_268 = arith.constant 16 : index
        %get3A_269 = tpu.vector_load %arg18[%get3A_267, %get3A_268] {strides = array<i32>} : memref<80x128xf32, #tpu.memory_space<vmem>>, vector<1x16xf32>,
        %get3A_270 = vector.shape_cast %get3A_269 : vector<1x16xf32> to vector<16xf32>
        %get3A_271 = arith.index_cast %scan3A_254 : i32 to index
        %get3A_272 = arith.constant 16 : index
        %get3A_273 = tpu.vector_load %arg23[%get3A_271, %get3A_272] {strides = array<i32>} : memref<80x128xf32, #tpu.memory_space<vmem>>, vector<1x16xf32>,
        %get3A_274 = vector.shape_cast %get3A_273 : vector<1x16xf32> to vector<16xf32>
        %add3A_275 = arith.addf %get3A_270, %get3A_274 : vector<16xf32>
        %swap3A_276 = arith.index_cast %scan3A_254 : i32 to index
        %swap3A_277 = arith.constant 16 : index
        %swap3A_278 = tpu.vector_load %arg18[%swap3A_276, %swap3A_277] {strides = array<i32>} : memref<80x128xf32, #tpu.memory_space<vmem>>, vector<1x16xf32>,
        %swap3A_279 = vector.shape_cast %swap3A_278 : vector<1x16xf32> to vector<16xf32>
        %swap3A_280 = vector.shape_cast %add3A_275 : vector<16xf32> to vector<1x16xf32>
        tpu.vector_store %arg18[%swap3A_276, %swap3A_277], %swap3A_280 {strides = array<i32>} : memref<80x128xf32, #tpu.memory_space<vmem>>, vector<1x16xf32>,
        %get3A_281 = arith.index_cast %scan3A_254 : i32 to index
        %get3A_282 = arith.constant 32 : index
        %get3A_283 = tpu.vector_load %arg18[%get3A_281, %get3A_282] {strides = array<i32>} : memref<80x128xf32, #tpu.memory_space<vmem>>, vector<1x16xf32>,
        %get3A_284 = vector.shape_cast %get3A_283 : vector<1x16xf32> to vector<16xf32>
        %get3A_285 = arith.index_cast %scan3A_254 : i32 to index
        %get3A_286 = arith.constant 32 : index
        %get3A_287 = tpu.vector_load %arg23[%get3A_285, %get3A_286] {strides = array<i32>} : memref<80x128xf32, #tpu.memory_space<vmem>>, vector<1x16xf32>,
        %get3A_288 = vector.shape_cast %get3A_287 : vector<1x16xf32> to vector<16xf32>
        %add3A_289 = arith.addf %get3A_284, %get3A_288 : vector<16xf32>
        %swap3A_290 = arith.index_cast %scan3A_254 : i32 to index
        %swap3A_291 = arith.constant 32 : index
        %swap3A_292 = tpu.vector_load %arg18[%swap3A_290, %swap3A_291] {strides = array<i32>} : memref<80x128xf32, #tpu.memory_space<vmem>>, vector<1x16xf32>,
        %swap3A_293 = vector.shape_cast %swap3A_292 : vector<1x16xf32> to vector<16xf32>
        %swap3A_294 = vector.shape_cast %add3A_289 : vector<16xf32> to vector<1x16xf32>
        tpu.vector_store %arg18[%swap3A_290, %swap3A_291], %swap3A_294 {strides = array<i32>} : memref<80x128xf32, #tpu.memory_space<vmem>>, vector<1x16xf32>,
        %get3A_295 = arith.index_cast %scan3A_254 : i32 to index
        %get3A_296 = arith.constant 48 : index
        %get3A_297 = tpu.vector_load %arg18[%get3A_295, %get3A_296] {strides = array<i32>} : memref<80x128xf32, #tpu.memory_space<vmem>>, vector<1x16xf32>,
        %get3A_298 = vector.shape_cast %get3A_297 : vector<1x16xf32> to vector<16xf32>
        %get3A_299 = arith.index_cast %scan3A_254 : i32 to index
        %get3A_300 = arith.constant 48 : index
        %get3A_301 = tpu.vector_load %arg23[%get3A_299, %get3A_300] {strides = array<i32>} : memref<80x128xf32, #tpu.memory_space<vmem>>, vector<1x16xf32>,
        %get3A_302 = vector.shape_cast %get3A_301 : vector<1x16xf32> to vector<16xf32>
        %add3A_303 = arith.addf %get3A_298, %get3A_302 : vector<16xf32>
        %swap3A_304 = arith.index_cast %scan3A_254 : i32 to index
        %swap3A_305 = arith.constant 48 : index
        %swap3A_306 = tpu.vector_load %arg18[%swap3A_304, %swap3A_305] {strides = array<i32>} : memref<80x128xf32, #tpu.memory_space<vmem>>, vector<1x16xf32>,
        %swap3A_307 = vector.shape_cast %swap3A_306 : vector<1x16xf32> to vector<16xf32>
        %swap3A_308 = vector.shape_cast %add3A_303 : vector<16xf32> to vector<1x16xf32>
        tpu.vector_store %arg18[%swap3A_304, %swap3A_305], %swap3A_308 {strides = array<i32>} : memref<80x128xf32, #tpu.memory_space<vmem>>, vector<1x16xf32>,
        %get3A_309 = arith.index_cast %scan3A_254 : i32 to index
        %get3A_310 = arith.constant 64 : index
        %get3A_311 = tpu.vector_load %arg18[%get3A_309, %get3A_310] {strides = array<i32>} : memref<80x128xf32, #tpu.memory_space<vmem>>, vector<1x16xf32>,
        %get3A_312 = vector.shape_cast %get3A_311 : vector<1x16xf32> to vector<16xf32>
        %get3A_313 = arith.index_cast %scan3A_254 : i32 to index
        %get3A_314 = arith.constant 64 : index
        %get3A_315 = tpu.vector_load %arg23[%get3A_313, %get3A_314] {strides = array<i32>} : memref<80x128xf32, #tpu.memory_space<vmem>>, vector<1x16xf32>,
        %get3A_316 = vector.shape_cast %get3A_315 : vector<1x16xf32> to vector<16xf32>
        %add3A_317 = arith.addf %get3A_312, %get3A_316 : vector<16xf32>
        %swap3A_318 = arith.index_cast %scan3A_254 : i32 to index
        %swap3A_319 = arith.constant 64 : index
        %swap3A_320 = tpu.vector_load %arg18[%swap3A_318, %swap3A_319] {strides = array<i32>} : memref<80x128xf32, #tpu.memory_space<vmem>>, vector<1x16xf32>,
        %swap3A_321 = vector.shape_cast %swap3A_320 : vector<1x16xf32> to vector<16xf32>
        %swap3A_322 = vector.shape_cast %add3A_317 : vector<16xf32> to vector<1x16xf32>
        tpu.vector_store %arg18[%swap3A_318, %swap3A_319], %swap3A_322 {strides = array<i32>} : memref<80x128xf32, #tpu.memory_space<vmem>>, vector<1x16xf32>,
        %get3A_323 = arith.index_cast %scan3A_254 : i32 to index
        %get3A_324 = arith.constant 80 : index
        %get3A_325 = tpu.vector_load %arg18[%get3A_323, %get3A_324] {strides = array<i32>} : memref<80x128xf32, #tpu.memory_space<vmem>>, vector<1x16xf32>,
        %get3A_326 = vector.shape_cast %get3A_325 : vector<1x16xf32> to vector<16xf32>
        %get3A_327 = arith.index_cast %scan3A_254 : i32 to index
        %get3A_328 = arith.constant 80 : index
        %get3A_329 = tpu.vector_load %arg23[%get3A_327, %get3A_328] {strides = array<i32>} : memref<80x128xf32, #tpu.memory_space<vmem>>, vector<1x16xf32>,
        %get3A_330 = vector.shape_cast %get3A_329 : vector<1x16xf32> to vector<16xf32>
        %add3A_331 = arith.addf %get3A_326, %get3A_330 : vector<16xf32>
        %swap3A_332 = arith.index_cast %scan3A_254 : i32 to index
        %swap3A_333 = arith.constant 80 : index
        %swap3A_334 = tpu.vector_load %arg18[%swap3A_332, %swap3A_333] {strides = array<i32>} : memref<80x128xf32, #tpu.memory_space<vmem>>, vector<1x16xf32>,
        %swap3A_335 = vector.shape_cast %swap3A_334 : vector<1x16xf32> to vector<16xf32>
        %swap3A_336 = vector.shape_cast %add3A_331 : vector<16xf32> to vector<1x16xf32>
        tpu.vector_store %arg18[%swap3A_332, %swap3A_333], %swap3A_336 {strides = array<i32>} : memref<80x128xf32, #tpu.memory_space<vmem>>, vector<1x16xf32>,
        %get3A_337 = arith.index_cast %scan3A_254 : i32 to index
        %get3A_338 = arith.constant 96 : index
        %get3A_339 = tpu.vector_load %arg18[%get3A_337, %get3A_338] {strides = array<i32>} : memref<80x128xf32, #tpu.memory_space<vmem>>, vector<1x16xf32>,
        %get3A_340 = vector.shape_cast %get3A_339 : vector<1x16xf32> to vector<16xf32>
        %get3A_341 = arith.index_cast %scan3A_254 : i32 to index
        %get3A_342 = arith.constant 96 : index
        %get3A_343 = tpu.vector_load %arg23[%get3A_341, %get3A_342] {strides = array<i32>} : memref<80x128xf32, #tpu.memory_space<vmem>>, vector<1x16xf32>,
        %get3A_344 = vector.shape_cast %get3A_343 : vector<1x16xf32> to vector<16xf32>
        %add3A_345 = arith.addf %get3A_340, %get3A_344 : vector<16xf32>
        %swap3A_346 = arith.index_cast %scan3A_254 : i32 to index
        %swap3A_347 = arith.constant 96 : index
        %swap3A_348 = tpu.vector_load %arg18[%swap3A_346, %swap3A_347] {strides = array<i32>} : memref<80x128xf32, #tpu.memory_space<vmem>>, vector<1x16xf32>,
        %swap3A_349 = vector.shape_cast %swap3A_348 : vector<1x16xf32> to vector<16xf32>
        %swap3A_350 = vector.shape_cast %add3A_345 : vector<16xf32> to vector<1x16xf32>
        tpu.vector_store %arg18[%swap3A_346, %swap3A_347], %swap3A_350 {strides = array<i32>} : memref<80x128xf32, #tpu.memory_space<vmem>>, vector<1x16xf32>,
        %get3A_351 = arith.index_cast %scan3A_254 : i32 to index
        %get3A_352 = arith.constant 112 : index
        %get3A_353 = tpu.vector_load %arg18[%get3A_351, %get3A_352] {strides = array<i32>} : memref<80x128xf32, #tpu.memory_space<vmem>>, vector<1x16xf32>,
        %get3A_354 = vector.shape_cast %get3A_353 : vector<1x16xf32> to vector<16xf32>
        %get3A_355 = arith.index_cast %scan3A_254 : i32 to index
        %get3A_356 = arith.constant 112 : index
        %get3A_357 = tpu.vector_load %arg23[%get3A_355, %get3A_356] {strides = array<i32>} : memref<80x128xf32, #tpu.memory_space<vmem>>, vector<1x16xf32>,
        %get3A_358 = vector.shape_cast %get3A_357 : vector<1x16xf32> to vector<16xf32>
        %add3A_359 = arith.addf %get3A_354, %get3A_358 : vector<16xf32>
        %swap3A_360 = arith.index_cast %scan3A_254 : i32 to index
        %swap3A_361 = arith.constant 112 : index
        %swap3A_362 = tpu.vector_load %arg18[%swap3A_360, %swap3A_361] {strides = array<i32>} : memref<80x128xf32, #tpu.memory_space<vmem>>, vector<1x16xf32>,
        %swap3A_363 = vector.shape_cast %swap3A_362 : vector<1x16xf32> to vector<16xf32>
        %swap3A_364 = vector.shape_cast %add3A_359 : vector<16xf32> to vector<1x16xf32>
        tpu.vector_store %arg18[%swap3A_360, %swap3A_361], %swap3A_364 {strides = array<i32>} : memref<80x128xf32, #tpu.memory_space<vmem>>, vector<1x16xf32>,
      }
      %scan3A_152 = arith.constant 80 : i32
      %dma_start3A_153 = arith.constant 0 : i32
      %dma_start3A_154 = tpu.memref_slice %arg6[%add3A_140, %dma_start3A_153] : memref<320000x128xf32, #tpu.memory_space<hbm>> -> memref<80x128xf32, #tpu.memory_space<hbm>>
      %dma_start3A_155 = arith.constant 0 : i32
      %dma_start3A_156 = tpu.memref_slice %arg6[%add3A_140, %dma_start3A_155] : memref<320000x128xf32, #tpu.memory_space<hbm>> -> memref<80x128xf32, #tpu.memory_space<hbm>>
      tpu.enqueue_dma source(%arg18 : memref<80x128xf32, #tpu.memory_space<vmem>>) target(%dma_start3A_156 : memref<80x128xf32, #tpu.memory_space<hbm>>) target_semaphore(%arg38 : memref<!tpu.dma_semaphore, #tpu.memory_space<semaphore_mem>>)
      %add3A_157 = arith.constant 5 : i32
      %add3A_158 = arith.addi %add3A_137, %add3A_157 : i32
      %lt3A_159 = arith.constant 125 : i32
      %lt3A_160 = arith.cmpi slt, %add3A_158, %lt3A_159 : i32
      %convert_element_type3A_161 = arith.extui %lt3A_160 : i1 to i32
      %cond3A_162 = arith.constant 0 : i32
      %cond3A_163 = arith.cmpi ne, %convert_element_type3A_161, %cond3A_162 : i32
      scf.if %cond3A_163 {
        %add3A_254 = arith.constant 5 : i32
        %add3A_255 = arith.addi %add3A_137, %add3A_254 : i32
        %mul3A_256 = arith.constant 80 : i32
        %mul3A_257 = arith.muli %add3A_255, %mul3A_256 : i32
        %add3A_258 = arith.addi %mul3A_2, %mul3A_257 : i32
        %dma_start3A_259 = tpu.memref_slice %arg4[%add3A_258] : memref<320000xi32, #tpu.memory_space<hbm>> -> memref<80xi32, #tpu.memory_space<hbm>>
        %dma_start3A_260 = tpu.memref_slice %arg4[%add3A_258] : memref<320000xi32, #tpu.memory_space<hbm>> -> memref<80xi32, #tpu.memory_space<hbm>>
        tpu.enqueue_dma source(%dma_start3A_260 : memref<80xi32, #tpu.memory_space<hbm>>) target(%arg8 : memref<80xi32, #tpu.memory_space<vmem>>) target_semaphore(%arg43 : memref<!tpu.dma_semaphore, #tpu.memory_space<semaphore_mem>>)
        %dma_start3A_261 = tpu.memref_slice %arg5[%add3A_258] : memref<320000xi32, #tpu.memory_space<hbm>> -> memref<80xi32, #tpu.memory_space<hbm>>
        %dma_start3A_262 = tpu.memref_slice %arg5[%add3A_258] : memref<320000xi32, #tpu.memory_space<hbm>> -> memref<80xi32, #tpu.memory_space<hbm>>
        tpu.enqueue_dma source(%dma_start3A_262 : memref<80xi32, #tpu.memory_space<hbm>>) target(%arg13 : memref<80xi32, #tpu.memory_space<vmem>>) target_semaphore(%arg48 : memref<!tpu.dma_semaphore, #tpu.memory_space<semaphore_mem>>)
        %dma_wait3A_263 = arith.constant 0 : i32
        %dma_wait3A_264 = tpu.memref_slice %arg6[%mul3A_2, %dma_wait3A_263] : memref<320000x128xf32, #tpu.memory_space<hbm>> -> memref<80x128xf32, #tpu.memory_space<hbm>>
        %dma_wait3A_265 = arith.constant 0 : i32
        %dma_wait3A_266 = tpu.memref_slice %arg6[%mul3A_2, %dma_wait3A_265] : memref<320000x128xf32, #tpu.memory_space<hbm>> -> memref<80x128xf32, #tpu.memory_space<hbm>>
        tpu.wait_dma2 semaphore(%arg38 : memref<!tpu.dma_semaphore, #tpu.memory_space<semaphore_mem>>) src(%arg18 : memref<80x128xf32, #tpu.memory_space<vmem>>) dst(%dma_wait3A_266 : memref<80x128xf32, #tpu.memory_space<hbm>>)
        %dma_wait3A_267 = tpu.memref_slice %arg4[%mul3A_2] : memref<320000xi32, #tpu.memory_space<hbm>> -> memref<80xi32, #tpu.memory_space<hbm>>
        %dma_wait3A_268 = tpu.memref_slice %arg4[%mul3A_2] : memref<320000xi32, #tpu.memory_space<hbm>> -> memref<80xi32, #tpu.memory_space<hbm>>
        tpu.wait_dma2 semaphore(%arg43 : memref<!tpu.dma_semaphore, #tpu.memory_space<semaphore_mem>>) src(%dma_wait3A_268 : memref<80xi32, #tpu.memory_space<hbm>>) dst(%arg8 : memref<80xi32, #tpu.memory_space<vmem>>)
        %dma_wait3A_269 = tpu.memref_slice %arg5[%mul3A_2] : memref<320000xi32, #tpu.memory_space<hbm>> -> memref<80xi32, #tpu.memory_space<hbm>>
        %dma_wait3A_270 = tpu.memref_slice %arg5[%mul3A_2] : memref<320000xi32, #tpu.memory_space<hbm>> -> memref<80xi32, #tpu.memory_space<hbm>>
        tpu.wait_dma2 semaphore(%arg48 : memref<!tpu.dma_semaphore, #tpu.memory_space<semaphore_mem>>) src(%dma_wait3A_270 : memref<80xi32, #tpu.memory_space<hbm>>) dst(%arg13 : memref<80xi32, #tpu.memory_space<vmem>>)
        %dma_start3A_271 = arith.constant 0 : i32
        %dma_start3A_272 = arith.constant 0 : i32
        %dma_start3A_273 = tpu.memref_slice %arg2[%dma_start3A_271, %dma_start3A_272] : memref<10000x128xf32, #tpu.memory_space<hbm>> -> memref<10000x128xf32, #tpu.memory_space<hbm>>
        tpu.enqueue_indirect_dma source(%dma_start3A_273 : memref<10000x128xf32, #tpu.memory_space<hbm>>) target(%arg18 : memref<80x128xf32, #tpu.memory_space<vmem>>) offsets(%arg8 : memref<80xi32, #tpu.memory_space<vmem>>) semaphore(%arg28 : memref<!tpu.dma_semaphore, #tpu.memory_space<semaphore_mem>>)
        %dma_start3A_274 = arith.constant 0 : i32
        %dma_start3A_275 = arith.constant 0 : i32
        %dma_start3A_276 = tpu.memref_slice %arg3[%dma_start3A_274, %dma_start3A_275] : memref<10000x128xf32, #tpu.memory_space<hbm>> -> memref<10000x128xf32, #tpu.memory_space<hbm>>
        tpu.enqueue_indirect_dma source(%dma_start3A_276 : memref<10000x128xf32, #tpu.memory_space<hbm>>) target(%arg23 : memref<80x128xf32, #tpu.memory_space<vmem>>) offsets(%arg13 : memref<80xi32, #tpu.memory_space<vmem>>) semaphore(%arg33 : memref<!tpu.dma_semaphore, #tpu.memory_space<semaphore_mem>>)
      } else {
      }
      %mul3A_164 = arith.constant 5 : i32
      %mul3A_165 = arith.muli %scan3A_106, %mul3A_164 : i32
      %add3A_166 = arith.constant 2 : i32
      %add3A_167 = arith.addi %mul3A_165, %add3A_166 : i32
      %mul3A_168 = arith.constant 80 : i32
      %mul3A_169 = arith.muli %add3A_167, %mul3A_168 : i32
      %add3A_170 = arith.addi %mul3A_2, %mul3A_169 : i32
      %dma_wait3A_171 = arith.constant 0 : i32
      %dma_wait3A_172 = arith.constant 0 : i32
      %dma_wait3A_173 = tpu.memref_slice %arg2[%dma_wait3A_171, %dma_wait3A_172] : memref<10000x128xf32, #tpu.memory_space<hbm>> -> memref<10000x128xf32, #tpu.memory_space<hbm>>
      tpu.wait_indirect_dma semaphore(%arg29 : memref<!tpu.dma_semaphore, #tpu.memory_space<semaphore_mem>>) src(%dma_wait3A_173 : memref<10000x128xf32, #tpu.memory_space<hbm>>) dst(%arg19 : memref<80x128xf32, #tpu.memory_space<vmem>>)
      %dma_wait3A_174 = arith.constant 0 : i32
      %dma_wait3A_175 = arith.constant 0 : i32
      %dma_wait3A_176 = tpu.memref_slice %arg3[%dma_wait3A_174, %dma_wait3A_175] : memref<10000x128xf32, #tpu.memory_space<hbm>> -> memref<10000x128xf32, #tpu.memory_space<hbm>>
      tpu.wait_indirect_dma semaphore(%arg34 : memref<!tpu.dma_semaphore, #tpu.memory_space<semaphore_mem>>) src(%dma_wait3A_176 : memref<10000x128xf32, #tpu.memory_space<hbm>>) dst(%arg24 : memref<80x128xf32, #tpu.memory_space<vmem>>)
      %scan3A_177 = arith.constant 0 : i32
      %scan3A_178 = arith.constant 0 : i32
      %scan3A_179 = arith.constant 80 : i32
      %scan3A_180 = arith.addi %scan3A_178, %scan3A_179 : i32
      %scan3A_181 = arith.constant 1 : i32
      scf.for %scan3A_254 = %scan3A_178 to %scan3A_180 step %scan3A_181  : i32 {
        %get3A = arith.index_cast %scan3A_254 : i32 to index
        %get3A_255 = arith.constant 0 : index
        %get3A_256 = tpu.vector_load %arg19[%get3A, %get3A_255] {strides = array<i32>} : memref<80x128xf32, #tpu.memory_space<vmem>>, vector<1x16xf32>,
        %get3A_257 = vector.shape_cast %get3A_256 : vector<1x16xf32> to vector<16xf32>
        %get3A_258 = arith.index_cast %scan3A_254 : i32 to index
        %get3A_259 = arith.constant 0 : index
        %get3A_260 = tpu.vector_load %arg24[%get3A_258, %get3A_259] {strides = array<i32>} : memref<80x128xf32, #tpu.memory_space<vmem>>, vector<1x16xf32>,
        %get3A_261 = vector.shape_cast %get3A_260 : vector<1x16xf32> to vector<16xf32>
        %add3A_262 = arith.addf %get3A_257, %get3A_261 : vector<16xf32>
        %swap3A = arith.index_cast %scan3A_254 : i32 to index
        %swap3A_263 = arith.constant 0 : index
        %swap3A_264 = tpu.vector_load %arg19[%swap3A, %swap3A_263] {strides = array<i32>} : memref<80x128xf32, #tpu.memory_space<vmem>>, vector<1x16xf32>,
        %swap3A_265 = vector.shape_cast %swap3A_264 : vector<1x16xf32> to vector<16xf32>
        %swap3A_266 = vector.shape_cast %add3A_262 : vector<16xf32> to vector<1x16xf32>
        tpu.vector_store %arg19[%swap3A, %swap3A_263], %swap3A_266 {strides = array<i32>} : memref<80x128xf32, #tpu.memory_space<vmem>>, vector<1x16xf32>,
        %get3A_267 = arith.index_cast %scan3A_254 : i32 to index
        %get3A_268 = arith.constant 16 : index
        %get3A_269 = tpu.vector_load %arg19[%get3A_267, %get3A_268] {strides = array<i32>} : memref<80x128xf32, #tpu.memory_space<vmem>>, vector<1x16xf32>,
        %get3A_270 = vector.shape_cast %get3A_269 : vector<1x16xf32> to vector<16xf32>
        %get3A_271 = arith.index_cast %scan3A_254 : i32 to index
        %get3A_272 = arith.constant 16 : index
        %get3A_273 = tpu.vector_load %arg24[%get3A_271, %get3A_272] {strides = array<i32>} : memref<80x128xf32, #tpu.memory_space<vmem>>, vector<1x16xf32>,
        %get3A_274 = vector.shape_cast %get3A_273 : vector<1x16xf32> to vector<16xf32>
        %add3A_275 = arith.addf %get3A_270, %get3A_274 : vector<16xf32>
        %swap3A_276 = arith.index_cast %scan3A_254 : i32 to index
        %swap3A_277 = arith.constant 16 : index
        %swap3A_278 = tpu.vector_load %arg19[%swap3A_276, %swap3A_277] {strides = array<i32>} : memref<80x128xf32, #tpu.memory_space<vmem>>, vector<1x16xf32>,
        %swap3A_279 = vector.shape_cast %swap3A_278 : vector<1x16xf32> to vector<16xf32>
        %swap3A_280 = vector.shape_cast %add3A_275 : vector<16xf32> to vector<1x16xf32>
        tpu.vector_store %arg19[%swap3A_276, %swap3A_277], %swap3A_280 {strides = array<i32>} : memref<80x128xf32, #tpu.memory_space<vmem>>, vector<1x16xf32>,
        %get3A_281 = arith.index_cast %scan3A_254 : i32 to index
        %get3A_282 = arith.constant 32 : index
        %get3A_283 = tpu.vector_load %arg19[%get3A_281, %get3A_282] {strides = array<i32>} : memref<80x128xf32, #tpu.memory_space<vmem>>, vector<1x16xf32>,
        %get3A_284 = vector.shape_cast %get3A_283 : vector<1x16xf32> to vector<16xf32>
        %get3A_285 = arith.index_cast %scan3A_254 : i32 to index
        %get3A_286 = arith.constant 32 : index
        %get3A_287 = tpu.vector_load %arg24[%get3A_285, %get3A_286] {strides = array<i32>} : memref<80x128xf32, #tpu.memory_space<vmem>>, vector<1x16xf32>,
        %get3A_288 = vector.shape_cast %get3A_287 : vector<1x16xf32> to vector<16xf32>
        %add3A_289 = arith.addf %get3A_284, %get3A_288 : vector<16xf32>
        %swap3A_290 = arith.index_cast %scan3A_254 : i32 to index
        %swap3A_291 = arith.constant 32 : index
        %swap3A_292 = tpu.vector_load %arg19[%swap3A_290, %swap3A_291] {strides = array<i32>} : memref<80x128xf32, #tpu.memory_space<vmem>>, vector<1x16xf32>,
        %swap3A_293 = vector.shape_cast %swap3A_292 : vector<1x16xf32> to vector<16xf32>
        %swap3A_294 = vector.shape_cast %add3A_289 : vector<16xf32> to vector<1x16xf32>
        tpu.vector_store %arg19[%swap3A_290, %swap3A_291], %swap3A_294 {strides = array<i32>} : memref<80x128xf32, #tpu.memory_space<vmem>>, vector<1x16xf32>,
        %get3A_295 = arith.index_cast %scan3A_254 : i32 to index
        %get3A_296 = arith.constant 48 : index
        %get3A_297 = tpu.vector_load %arg19[%get3A_295, %get3A_296] {strides = array<i32>} : memref<80x128xf32, #tpu.memory_space<vmem>>, vector<1x16xf32>,
        %get3A_298 = vector.shape_cast %get3A_297 : vector<1x16xf32> to vector<16xf32>
        %get3A_299 = arith.index_cast %scan3A_254 : i32 to index
        %get3A_300 = arith.constant 48 : index
        %get3A_301 = tpu.vector_load %arg24[%get3A_299, %get3A_300] {strides = array<i32>} : memref<80x128xf32, #tpu.memory_space<vmem>>, vector<1x16xf32>,
        %get3A_302 = vector.shape_cast %get3A_301 : vector<1x16xf32> to vector<16xf32>
        %add3A_303 = arith.addf %get3A_298, %get3A_302 : vector<16xf32>
        %swap3A_304 = arith.index_cast %scan3A_254 : i32 to index
        %swap3A_305 = arith.constant 48 : index
        %swap3A_306 = tpu.vector_load %arg19[%swap3A_304, %swap3A_305] {strides = array<i32>} : memref<80x128xf32, #tpu.memory_space<vmem>>, vector<1x16xf32>,
        %swap3A_307 = vector.shape_cast %swap3A_306 : vector<1x16xf32> to vector<16xf32>
        %swap3A_308 = vector.shape_cast %add3A_303 : vector<16xf32> to vector<1x16xf32>
        tpu.vector_store %arg19[%swap3A_304, %swap3A_305], %swap3A_308 {strides = array<i32>} : memref<80x128xf32, #tpu.memory_space<vmem>>, vector<1x16xf32>,
        %get3A_309 = arith.index_cast %scan3A_254 : i32 to index
        %get3A_310 = arith.constant 64 : index
        %get3A_311 = tpu.vector_load %arg19[%get3A_309, %get3A_310] {strides = array<i32>} : memref<80x128xf32, #tpu.memory_space<vmem>>, vector<1x16xf32>,
        %get3A_312 = vector.shape_cast %get3A_311 : vector<1x16xf32> to vector<16xf32>
        %get3A_313 = arith.index_cast %scan3A_254 : i32 to index
        %get3A_314 = arith.constant 64 : index
        %get3A_315 = tpu.vector_load %arg24[%get3A_313, %get3A_314] {strides = array<i32>} : memref<80x128xf32, #tpu.memory_space<vmem>>, vector<1x16xf32>,
        %get3A_316 = vector.shape_cast %get3A_315 : vector<1x16xf32> to vector<16xf32>
        %add3A_317 = arith.addf %get3A_312, %get3A_316 : vector<16xf32>
        %swap3A_318 = arith.index_cast %scan3A_254 : i32 to index
        %swap3A_319 = arith.constant 64 : index
        %swap3A_320 = tpu.vector_load %arg19[%swap3A_318, %swap3A_319] {strides = array<i32>} : memref<80x128xf32, #tpu.memory_space<vmem>>, vector<1x16xf32>,
        %swap3A_321 = vector.shape_cast %swap3A_320 : vector<1x16xf32> to vector<16xf32>
        %swap3A_322 = vector.shape_cast %add3A_317 : vector<16xf32> to vector<1x16xf32>
        tpu.vector_store %arg19[%swap3A_318, %swap3A_319], %swap3A_322 {strides = array<i32>} : memref<80x128xf32, #tpu.memory_space<vmem>>, vector<1x16xf32>,
        %get3A_323 = arith.index_cast %scan3A_254 : i32 to index
        %get3A_324 = arith.constant 80 : index
        %get3A_325 = tpu.vector_load %arg19[%get3A_323, %get3A_324] {strides = array<i32>} : memref<80x128xf32, #tpu.memory_space<vmem>>, vector<1x16xf32>,
        %get3A_326 = vector.shape_cast %get3A_325 : vector<1x16xf32> to vector<16xf32>
        %get3A_327 = arith.index_cast %scan3A_254 : i32 to index
        %get3A_328 = arith.constant 80 : index
        %get3A_329 = tpu.vector_load %arg24[%get3A_327, %get3A_328] {strides = array<i32>} : memref<80x128xf32, #tpu.memory_space<vmem>>, vector<1x16xf32>,
        %get3A_330 = vector.shape_cast %get3A_329 : vector<1x16xf32> to vector<16xf32>
        %add3A_331 = arith.addf %get3A_326, %get3A_330 : vector<16xf32>
        %swap3A_332 = arith.index_cast %scan3A_254 : i32 to index
        %swap3A_333 = arith.constant 80 : index
        %swap3A_334 = tpu.vector_load %arg19[%swap3A_332, %swap3A_333] {strides = array<i32>} : memref<80x128xf32, #tpu.memory_space<vmem>>, vector<1x16xf32>,
        %swap3A_335 = vector.shape_cast %swap3A_334 : vector<1x16xf32> to vector<16xf32>
        %swap3A_336 = vector.shape_cast %add3A_331 : vector<16xf32> to vector<1x16xf32>
        tpu.vector_store %arg19[%swap3A_332, %swap3A_333], %swap3A_336 {strides = array<i32>} : memref<80x128xf32, #tpu.memory_space<vmem>>, vector<1x16xf32>,
        %get3A_337 = arith.index_cast %scan3A_254 : i32 to index
        %get3A_338 = arith.constant 96 : index
        %get3A_339 = tpu.vector_load %arg19[%get3A_337, %get3A_338] {strides = array<i32>} : memref<80x128xf32, #tpu.memory_space<vmem>>, vector<1x16xf32>,
        %get3A_340 = vector.shape_cast %get3A_339 : vector<1x16xf32> to vector<16xf32>
        %get3A_341 = arith.index_cast %scan3A_254 : i32 to index
        %get3A_342 = arith.constant 96 : index
        %get3A_343 = tpu.vector_load %arg24[%get3A_341, %get3A_342] {strides = array<i32>} : memref<80x128xf32, #tpu.memory_space<vmem>>, vector<1x16xf32>,
        %get3A_344 = vector.shape_cast %get3A_343 : vector<1x16xf32> to vector<16xf32>
        %add3A_345 = arith.addf %get3A_340, %get3A_344 : vector<16xf32>
        %swap3A_346 = arith.index_cast %scan3A_254 : i32 to index
        %swap3A_347 = arith.constant 96 : index
        %swap3A_348 = tpu.vector_load %arg19[%swap3A_346, %swap3A_347] {strides = array<i32>} : memref<80x128xf32, #tpu.memory_space<vmem>>, vector<1x16xf32>,
        %swap3A_349 = vector.shape_cast %swap3A_348 : vector<1x16xf32> to vector<16xf32>
        %swap3A_350 = vector.shape_cast %add3A_345 : vector<16xf32> to vector<1x16xf32>
        tpu.vector_store %arg19[%swap3A_346, %swap3A_347], %swap3A_350 {strides = array<i32>} : memref<80x128xf32, #tpu.memory_space<vmem>>, vector<1x16xf32>,
        %get3A_351 = arith.index_cast %scan3A_254 : i32 to index
        %get3A_352 = arith.constant 112 : index
        %get3A_353 = tpu.vector_load %arg19[%get3A_351, %get3A_352] {strides = array<i32>} : memref<80x128xf32, #tpu.memory_space<vmem>>, vector<1x16xf32>,
        %get3A_354 = vector.shape_cast %get3A_353 : vector<1x16xf32> to vector<16xf32>
        %get3A_355 = arith.index_cast %scan3A_254 : i32 to index
        %get3A_356 = arith.constant 112 : index
        %get3A_357 = tpu.vector_load %arg24[%get3A_355, %get3A_356] {strides = array<i32>} : memref<80x128xf32, #tpu.memory_space<vmem>>, vector<1x16xf32>,
        %get3A_358 = vector.shape_cast %get3A_357 : vector<1x16xf32> to vector<16xf32>
        %add3A_359 = arith.addf %get3A_354, %get3A_358 : vector<16xf32>
        %swap3A_360 = arith.index_cast %scan3A_254 : i32 to index
        %swap3A_361 = arith.constant 112 : index
        %swap3A_362 = tpu.vector_load %arg19[%swap3A_360, %swap3A_361] {strides = array<i32>} : memref<80x128xf32, #tpu.memory_space<vmem>>, vector<1x16xf32>,
        %swap3A_363 = vector.shape_cast %swap3A_362 : vector<1x16xf32> to vector<16xf32>
        %swap3A_364 = vector.shape_cast %add3A_359 : vector<16xf32> to vector<1x16xf32>
        tpu.vector_store %arg19[%swap3A_360, %swap3A_361], %swap3A_364 {strides = array<i32>} : memref<80x128xf32, #tpu.memory_space<vmem>>, vector<1x16xf32>,
      }
      %scan3A_182 = arith.constant 80 : i32
      %dma_start3A_183 = arith.constant 0 : i32
      %dma_start3A_184 = tpu.memref_slice %arg6[%add3A_170, %dma_start3A_183] : memref<320000x128xf32, #tpu.memory_space<hbm>> -> memref<80x128xf32, #tpu.memory_space<hbm>>
      %dma_start3A_185 = arith.constant 0 : i32
      %dma_start3A_186 = tpu.memref_slice %arg6[%add3A_170, %dma_start3A_185] : memref<320000x128xf32, #tpu.memory_space<hbm>> -> memref<80x128xf32, #tpu.memory_space<hbm>>
      tpu.enqueue_dma source(%arg19 : memref<80x128xf32, #tpu.memory_space<vmem>>) target(%dma_start3A_186 : memref<80x128xf32, #tpu.memory_space<hbm>>) target_semaphore(%arg39 : memref<!tpu.dma_semaphore, #tpu.memory_space<semaphore_mem>>)
      %add3A_187 = arith.constant 5 : i32
      %add3A_188 = arith.addi %add3A_167, %add3A_187 : i32
      %lt3A_189 = arith.constant 125 : i32
      %lt3A_190 = arith.cmpi slt, %add3A_188, %lt3A_189 : i32
      %convert_element_type3A_191 = arith.extui %lt3A_190 : i1 to i32
      %cond3A_192 = arith.constant 0 : i32
      %cond3A_193 = arith.cmpi ne, %convert_element_type3A_191, %cond3A_192 : i32
      scf.if %cond3A_193 {
        %add3A_254 = arith.constant 5 : i32
        %add3A_255 = arith.addi %add3A_167, %add3A_254 : i32
        %mul3A_256 = arith.constant 80 : i32
        %mul3A_257 = arith.muli %add3A_255, %mul3A_256 : i32
        %add3A_258 = arith.addi %mul3A_2, %mul3A_257 : i32
        %dma_start3A_259 = tpu.memref_slice %arg4[%add3A_258] : memref<320000xi32, #tpu.memory_space<hbm>> -> memref<80xi32, #tpu.memory_space<hbm>>
        %dma_start3A_260 = tpu.memref_slice %arg4[%add3A_258] : memref<320000xi32, #tpu.memory_space<hbm>> -> memref<80xi32, #tpu.memory_space<hbm>>
        tpu.enqueue_dma source(%dma_start3A_260 : memref<80xi32, #tpu.memory_space<hbm>>) target(%arg9 : memref<80xi32, #tpu.memory_space<vmem>>) target_semaphore(%arg44 : memref<!tpu.dma_semaphore, #tpu.memory_space<semaphore_mem>>)
        %dma_start3A_261 = tpu.memref_slice %arg5[%add3A_258] : memref<320000xi32, #tpu.memory_space<hbm>> -> memref<80xi32, #tpu.memory_space<hbm>>
        %dma_start3A_262 = tpu.memref_slice %arg5[%add3A_258] : memref<320000xi32, #tpu.memory_space<hbm>> -> memref<80xi32, #tpu.memory_space<hbm>>
        tpu.enqueue_dma source(%dma_start3A_262 : memref<80xi32, #tpu.memory_space<hbm>>) target(%arg14 : memref<80xi32, #tpu.memory_space<vmem>>) target_semaphore(%arg49 : memref<!tpu.dma_semaphore, #tpu.memory_space<semaphore_mem>>)
        %dma_wait3A_263 = arith.constant 0 : i32
        %dma_wait3A_264 = tpu.memref_slice %arg6[%mul3A_2, %dma_wait3A_263] : memref<320000x128xf32, #tpu.memory_space<hbm>> -> memref<80x128xf32, #tpu.memory_space<hbm>>
        %dma_wait3A_265 = arith.constant 0 : i32
        %dma_wait3A_266 = tpu.memref_slice %arg6[%mul3A_2, %dma_wait3A_265] : memref<320000x128xf32, #tpu.memory_space<hbm>> -> memref<80x128xf32, #tpu.memory_space<hbm>>
        tpu.wait_dma2 semaphore(%arg39 : memref<!tpu.dma_semaphore, #tpu.memory_space<semaphore_mem>>) src(%arg19 : memref<80x128xf32, #tpu.memory_space<vmem>>) dst(%dma_wait3A_266 : memref<80x128xf32, #tpu.memory_space<hbm>>)
        %dma_wait3A_267 = tpu.memref_slice %arg4[%mul3A_2] : memref<320000xi32, #tpu.memory_space<hbm>> -> memref<80xi32, #tpu.memory_space<hbm>>
        %dma_wait3A_268 = tpu.memref_slice %arg4[%mul3A_2] : memref<320000xi32, #tpu.memory_space<hbm>> -> memref<80xi32, #tpu.memory_space<hbm>>
        tpu.wait_dma2 semaphore(%arg44 : memref<!tpu.dma_semaphore, #tpu.memory_space<semaphore_mem>>) src(%dma_wait3A_268 : memref<80xi32, #tpu.memory_space<hbm>>) dst(%arg9 : memref<80xi32, #tpu.memory_space<vmem>>)
        %dma_wait3A_269 = tpu.memref_slice %arg5[%mul3A_2] : memref<320000xi32, #tpu.memory_space<hbm>> -> memref<80xi32, #tpu.memory_space<hbm>>
        %dma_wait3A_270 = tpu.memref_slice %arg5[%mul3A_2] : memref<320000xi32, #tpu.memory_space<hbm>> -> memref<80xi32, #tpu.memory_space<hbm>>
        tpu.wait_dma2 semaphore(%arg49 : memref<!tpu.dma_semaphore, #tpu.memory_space<semaphore_mem>>) src(%dma_wait3A_270 : memref<80xi32, #tpu.memory_space<hbm>>) dst(%arg14 : memref<80xi32, #tpu.memory_space<vmem>>)
        %dma_start3A_271 = arith.constant 0 : i32
        %dma_start3A_272 = arith.constant 0 : i32
        %dma_start3A_273 = tpu.memref_slice %arg2[%dma_start3A_271, %dma_start3A_272] : memref<10000x128xf32, #tpu.memory_space<hbm>> -> memref<10000x128xf32, #tpu.memory_space<hbm>>
        tpu.enqueue_indirect_dma source(%dma_start3A_273 : memref<10000x128xf32, #tpu.memory_space<hbm>>) target(%arg19 : memref<80x128xf32, #tpu.memory_space<vmem>>) offsets(%arg9 : memref<80xi32, #tpu.memory_space<vmem>>) semaphore(%arg29 : memref<!tpu.dma_semaphore, #tpu.memory_space<semaphore_mem>>)
        %dma_start3A_274 = arith.constant 0 : i32
        %dma_start3A_275 = arith.constant 0 : i32
        %dma_start3A_276 = tpu.memref_slice %arg3[%dma_start3A_274, %dma_start3A_275] : memref<10000x128xf32, #tpu.memory_space<hbm>> -> memref<10000x128xf32, #tpu.memory_space<hbm>>
        tpu.enqueue_indirect_dma source(%dma_start3A_276 : memref<10000x128xf32, #tpu.memory_space<hbm>>) target(%arg24 : memref<80x128xf32, #tpu.memory_space<vmem>>) offsets(%arg14 : memref<80xi32, #tpu.memory_space<vmem>>) semaphore(%arg34 : memref<!tpu.dma_semaphore, #tpu.memory_space<semaphore_mem>>)
      } else {
      }
      %mul3A_194 = arith.constant 5 : i32
      %mul3A_195 = arith.muli %scan3A_106, %mul3A_194 : i32
      %add3A_196 = arith.constant 3 : i32
      %add3A_197 = arith.addi %mul3A_195, %add3A_196 : i32
      %mul3A_198 = arith.constant 80 : i32
      %mul3A_199 = arith.muli %add3A_197, %mul3A_198 : i32
      %add3A_200 = arith.addi %mul3A_2, %mul3A_199 : i32
      %dma_wait3A_201 = arith.constant 0 : i32
      %dma_wait3A_202 = arith.constant 0 : i32
      %dma_wait3A_203 = tpu.memref_slice %arg2[%dma_wait3A_201, %dma_wait3A_202] : memref<10000x128xf32, #tpu.memory_space<hbm>> -> memref<10000x128xf32, #tpu.memory_space<hbm>>
      tpu.wait_indirect_dma semaphore(%arg30 : memref<!tpu.dma_semaphore, #tpu.memory_space<semaphore_mem>>) src(%dma_wait3A_203 : memref<10000x128xf32, #tpu.memory_space<hbm>>) dst(%arg20 : memref<80x128xf32, #tpu.memory_space<vmem>>)
      %dma_wait3A_204 = arith.constant 0 : i32
      %dma_wait3A_205 = arith.constant 0 : i32
      %dma_wait3A_206 = tpu.memref_slice %arg3[%dma_wait3A_204, %dma_wait3A_205] : memref<10000x128xf32, #tpu.memory_space<hbm>> -> memref<10000x128xf32, #tpu.memory_space<hbm>>
      tpu.wait_indirect_dma semaphore(%arg35 : memref<!tpu.dma_semaphore, #tpu.memory_space<semaphore_mem>>) src(%dma_wait3A_206 : memref<10000x128xf32, #tpu.memory_space<hbm>>) dst(%arg25 : memref<80x128xf32, #tpu.memory_space<vmem>>)
      %scan3A_207 = arith.constant 0 : i32
      %scan3A_208 = arith.constant 0 : i32
      %scan3A_209 = arith.constant 80 : i32
      %scan3A_210 = arith.addi %scan3A_208, %scan3A_209 : i32
      %scan3A_211 = arith.constant 1 : i32
      scf.for %scan3A_254 = %scan3A_208 to %scan3A_210 step %scan3A_211  : i32 {
        %get3A = arith.index_cast %scan3A_254 : i32 to index
        %get3A_255 = arith.constant 0 : index
        %get3A_256 = tpu.vector_load %arg20[%get3A, %get3A_255] {strides = array<i32>} : memref<80x128xf32, #tpu.memory_space<vmem>>, vector<1x16xf32>,
        %get3A_257 = vector.shape_cast %get3A_256 : vector<1x16xf32> to vector<16xf32>
        %get3A_258 = arith.index_cast %scan3A_254 : i32 to index
        %get3A_259 = arith.constant 0 : index
        %get3A_260 = tpu.vector_load %arg25[%get3A_258, %get3A_259] {strides = array<i32>} : memref<80x128xf32, #tpu.memory_space<vmem>>, vector<1x16xf32>,
        %get3A_261 = vector.shape_cast %get3A_260 : vector<1x16xf32> to vector<16xf32>
        %add3A_262 = arith.addf %get3A_257, %get3A_261 : vector<16xf32>
        %swap3A = arith.index_cast %scan3A_254 : i32 to index
        %swap3A_263 = arith.constant 0 : index
        %swap3A_264 = tpu.vector_load %arg20[%swap3A, %swap3A_263] {strides = array<i32>} : memref<80x128xf32, #tpu.memory_space<vmem>>, vector<1x16xf32>,
        %swap3A_265 = vector.shape_cast %swap3A_264 : vector<1x16xf32> to vector<16xf32>
        %swap3A_266 = vector.shape_cast %add3A_262 : vector<16xf32> to vector<1x16xf32>
        tpu.vector_store %arg20[%swap3A, %swap3A_263], %swap3A_266 {strides = array<i32>} : memref<80x128xf32, #tpu.memory_space<vmem>>, vector<1x16xf32>,
        %get3A_267 = arith.index_cast %scan3A_254 : i32 to index
        %get3A_268 = arith.constant 16 : index
        %get3A_269 = tpu.vector_load %arg20[%get3A_267, %get3A_268] {strides = array<i32>} : memref<80x128xf32, #tpu.memory_space<vmem>>, vector<1x16xf32>,
        %get3A_270 = vector.shape_cast %get3A_269 : vector<1x16xf32> to vector<16xf32>
        %get3A_271 = arith.index_cast %scan3A_254 : i32 to index
        %get3A_272 = arith.constant 16 : index
        %get3A_273 = tpu.vector_load %arg25[%get3A_271, %get3A_272] {strides = array<i32>} : memref<80x128xf32, #tpu.memory_space<vmem>>, vector<1x16xf32>,
        %get3A_274 = vector.shape_cast %get3A_273 : vector<1x16xf32> to vector<16xf32>
        %add3A_275 = arith.addf %get3A_270, %get3A_274 : vector<16xf32>
        %swap3A_276 = arith.index_cast %scan3A_254 : i32 to index
        %swap3A_277 = arith.constant 16 : index
        %swap3A_278 = tpu.vector_load %arg20[%swap3A_276, %swap3A_277] {strides = array<i32>} : memref<80x128xf32, #tpu.memory_space<vmem>>, vector<1x16xf32>,
        %swap3A_279 = vector.shape_cast %swap3A_278 : vector<1x16xf32> to vector<16xf32>
        %swap3A_280 = vector.shape_cast %add3A_275 : vector<16xf32> to vector<1x16xf32>
        tpu.vector_store %arg20[%swap3A_276, %swap3A_277], %swap3A_280 {strides = array<i32>} : memref<80x128xf32, #tpu.memory_space<vmem>>, vector<1x16xf32>,
        %get3A_281 = arith.index_cast %scan3A_254 : i32 to index
        %get3A_282 = arith.constant 32 : index
        %get3A_283 = tpu.vector_load %arg20[%get3A_281, %get3A_282] {strides = array<i32>} : memref<80x128xf32, #tpu.memory_space<vmem>>, vector<1x16xf32>,
        %get3A_284 = vector.shape_cast %get3A_283 : vector<1x16xf32> to vector<16xf32>
        %get3A_285 = arith.index_cast %scan3A_254 : i32 to index
        %get3A_286 = arith.constant 32 : index
        %get3A_287 = tpu.vector_load %arg25[%get3A_285, %get3A_286] {strides = array<i32>} : memref<80x128xf32, #tpu.memory_space<vmem>>, vector<1x16xf32>,
        %get3A_288 = vector.shape_cast %get3A_287 : vector<1x16xf32> to vector<16xf32>
        %add3A_289 = arith.addf %get3A_284, %get3A_288 : vector<16xf32>
        %swap3A_290 = arith.index_cast %scan3A_254 : i32 to index
        %swap3A_291 = arith.constant 32 : index
        %swap3A_292 = tpu.vector_load %arg20[%swap3A_290, %swap3A_291] {strides = array<i32>} : memref<80x128xf32, #tpu.memory_space<vmem>>, vector<1x16xf32>,
        %swap3A_293 = vector.shape_cast %swap3A_292 : vector<1x16xf32> to vector<16xf32>
        %swap3A_294 = vector.shape_cast %add3A_289 : vector<16xf32> to vector<1x16xf32>
        tpu.vector_store %arg20[%swap3A_290, %swap3A_291], %swap3A_294 {strides = array<i32>} : memref<80x128xf32, #tpu.memory_space<vmem>>, vector<1x16xf32>,
        %get3A_295 = arith.index_cast %scan3A_254 : i32 to index
        %get3A_296 = arith.constant 48 : index
        %get3A_297 = tpu.vector_load %arg20[%get3A_295, %get3A_296] {strides = array<i32>} : memref<80x128xf32, #tpu.memory_space<vmem>>, vector<1x16xf32>,
        %get3A_298 = vector.shape_cast %get3A_297 : vector<1x16xf32> to vector<16xf32>
        %get3A_299 = arith.index_cast %scan3A_254 : i32 to index
        %get3A_300 = arith.constant 48 : index
        %get3A_301 = tpu.vector_load %arg25[%get3A_299, %get3A_300] {strides = array<i32>} : memref<80x128xf32, #tpu.memory_space<vmem>>, vector<1x16xf32>,
        %get3A_302 = vector.shape_cast %get3A_301 : vector<1x16xf32> to vector<16xf32>
        %add3A_303 = arith.addf %get3A_298, %get3A_302 : vector<16xf32>
        %swap3A_304 = arith.index_cast %scan3A_254 : i32 to index
        %swap3A_305 = arith.constant 48 : index
        %swap3A_306 = tpu.vector_load %arg20[%swap3A_304, %swap3A_305] {strides = array<i32>} : memref<80x128xf32, #tpu.memory_space<vmem>>, vector<1x16xf32>,
        %swap3A_307 = vector.shape_cast %swap3A_306 : vector<1x16xf32> to vector<16xf32>
        %swap3A_308 = vector.shape_cast %add3A_303 : vector<16xf32> to vector<1x16xf32>
        tpu.vector_store %arg20[%swap3A_304, %swap3A_305], %swap3A_308 {strides = array<i32>} : memref<80x128xf32, #tpu.memory_space<vmem>>, vector<1x16xf32>,
        %get3A_309 = arith.index_cast %scan3A_254 : i32 to index
        %get3A_310 = arith.constant 64 : index
        %get3A_311 = tpu.vector_load %arg20[%get3A_309, %get3A_310] {strides = array<i32>} : memref<80x128xf32, #tpu.memory_space<vmem>>, vector<1x16xf32>,
        %get3A_312 = vector.shape_cast %get3A_311 : vector<1x16xf32> to vector<16xf32>
        %get3A_313 = arith.index_cast %scan3A_254 : i32 to index
        %get3A_314 = arith.constant 64 : index
        %get3A_315 = tpu.vector_load %arg25[%get3A_313, %get3A_314] {strides = array<i32>} : memref<80x128xf32, #tpu.memory_space<vmem>>, vector<1x16xf32>,
        %get3A_316 = vector.shape_cast %get3A_315 : vector<1x16xf32> to vector<16xf32>
        %add3A_317 = arith.addf %get3A_312, %get3A_316 : vector<16xf32>
        %swap3A_318 = arith.index_cast %scan3A_254 : i32 to index
        %swap3A_319 = arith.constant 64 : index
        %swap3A_320 = tpu.vector_load %arg20[%swap3A_318, %swap3A_319] {strides = array<i32>} : memref<80x128xf32, #tpu.memory_space<vmem>>, vector<1x16xf32>,
        %swap3A_321 = vector.shape_cast %swap3A_320 : vector<1x16xf32> to vector<16xf32>
        %swap3A_322 = vector.shape_cast %add3A_317 : vector<16xf32> to vector<1x16xf32>
        tpu.vector_store %arg20[%swap3A_318, %swap3A_319], %swap3A_322 {strides = array<i32>} : memref<80x128xf32, #tpu.memory_space<vmem>>, vector<1x16xf32>,
        %get3A_323 = arith.index_cast %scan3A_254 : i32 to index
        %get3A_324 = arith.constant 80 : index
        %get3A_325 = tpu.vector_load %arg20[%get3A_323, %get3A_324] {strides = array<i32>} : memref<80x128xf32, #tpu.memory_space<vmem>>, vector<1x16xf32>,
        %get3A_326 = vector.shape_cast %get3A_325 : vector<1x16xf32> to vector<16xf32>
        %get3A_327 = arith.index_cast %scan3A_254 : i32 to index
        %get3A_328 = arith.constant 80 : index
        %get3A_329 = tpu.vector_load %arg25[%get3A_327, %get3A_328] {strides = array<i32>} : memref<80x128xf32, #tpu.memory_space<vmem>>, vector<1x16xf32>,
        %get3A_330 = vector.shape_cast %get3A_329 : vector<1x16xf32> to vector<16xf32>
        %add3A_331 = arith.addf %get3A_326, %get3A_330 : vector<16xf32>
        %swap3A_332 = arith.index_cast %scan3A_254 : i32 to index
        %swap3A_333 = arith.constant 80 : index
        %swap3A_334 = tpu.vector_load %arg20[%swap3A_332, %swap3A_333] {strides = array<i32>} : memref<80x128xf32, #tpu.memory_space<vmem>>, vector<1x16xf32>,
        %swap3A_335 = vector.shape_cast %swap3A_334 : vector<1x16xf32> to vector<16xf32>
        %swap3A_336 = vector.shape_cast %add3A_331 : vector<16xf32> to vector<1x16xf32>
        tpu.vector_store %arg20[%swap3A_332, %swap3A_333], %swap3A_336 {strides = array<i32>} : memref<80x128xf32, #tpu.memory_space<vmem>>, vector<1x16xf32>,
        %get3A_337 = arith.index_cast %scan3A_254 : i32 to index
        %get3A_338 = arith.constant 96 : index
        %get3A_339 = tpu.vector_load %arg20[%get3A_337, %get3A_338] {strides = array<i32>} : memref<80x128xf32, #tpu.memory_space<vmem>>, vector<1x16xf32>,
        %get3A_340 = vector.shape_cast %get3A_339 : vector<1x16xf32> to vector<16xf32>
        %get3A_341 = arith.index_cast %scan3A_254 : i32 to index
        %get3A_342 = arith.constant 96 : index
        %get3A_343 = tpu.vector_load %arg25[%get3A_341, %get3A_342] {strides = array<i32>} : memref<80x128xf32, #tpu.memory_space<vmem>>, vector<1x16xf32>,
        %get3A_344 = vector.shape_cast %get3A_343 : vector<1x16xf32> to vector<16xf32>
        %add3A_345 = arith.addf %get3A_340, %get3A_344 : vector<16xf32>
        %swap3A_346 = arith.index_cast %scan3A_254 : i32 to index
        %swap3A_347 = arith.constant 96 : index
        %swap3A_348 = tpu.vector_load %arg20[%swap3A_346, %swap3A_347] {strides = array<i32>} : memref<80x128xf32, #tpu.memory_space<vmem>>, vector<1x16xf32>,
        %swap3A_349 = vector.shape_cast %swap3A_348 : vector<1x16xf32> to vector<16xf32>
        %swap3A_350 = vector.shape_cast %add3A_345 : vector<16xf32> to vector<1x16xf32>
        tpu.vector_store %arg20[%swap3A_346, %swap3A_347], %swap3A_350 {strides = array<i32>} : memref<80x128xf32, #tpu.memory_space<vmem>>, vector<1x16xf32>,
        %get3A_351 = arith.index_cast %scan3A_254 : i32 to index
        %get3A_352 = arith.constant 112 : index
        %get3A_353 = tpu.vector_load %arg20[%get3A_351, %get3A_352] {strides = array<i32>} : memref<80x128xf32, #tpu.memory_space<vmem>>, vector<1x16xf32>,
        %get3A_354 = vector.shape_cast %get3A_353 : vector<1x16xf32> to vector<16xf32>
        %get3A_355 = arith.index_cast %scan3A_254 : i32 to index
        %get3A_356 = arith.constant 112 : index
        %get3A_357 = tpu.vector_load %arg25[%get3A_355, %get3A_356] {strides = array<i32>} : memref<80x128xf32, #tpu.memory_space<vmem>>, vector<1x16xf32>,
        %get3A_358 = vector.shape_cast %get3A_357 : vector<1x16xf32> to vector<16xf32>
        %add3A_359 = arith.addf %get3A_354, %get3A_358 : vector<16xf32>
        %swap3A_360 = arith.index_cast %scan3A_254 : i32 to index
        %swap3A_361 = arith.constant 112 : index
        %swap3A_362 = tpu.vector_load %arg20[%swap3A_360, %swap3A_361] {strides = array<i32>} : memref<80x128xf32, #tpu.memory_space<vmem>>, vector<1x16xf32>,
        %swap3A_363 = vector.shape_cast %swap3A_362 : vector<1x16xf32> to vector<16xf32>
        %swap3A_364 = vector.shape_cast %add3A_359 : vector<16xf32> to vector<1x16xf32>
        tpu.vector_store %arg20[%swap3A_360, %swap3A_361], %swap3A_364 {strides = array<i32>} : memref<80x128xf32, #tpu.memory_space<vmem>>, vector<1x16xf32>,
      }
      %scan3A_212 = arith.constant 80 : i32
      %dma_start3A_213 = arith.constant 0 : i32
      %dma_start3A_214 = tpu.memref_slice %arg6[%add3A_200, %dma_start3A_213] : memref<320000x128xf32, #tpu.memory_space<hbm>> -> memref<80x128xf32, #tpu.memory_space<hbm>>
      %dma_start3A_215 = arith.constant 0 : i32
      %dma_start3A_216 = tpu.memref_slice %arg6[%add3A_200, %dma_start3A_215] : memref<320000x128xf32, #tpu.memory_space<hbm>> -> memref<80x128xf32, #tpu.memory_space<hbm>>
      tpu.enqueue_dma source(%arg20 : memref<80x128xf32, #tpu.memory_space<vmem>>) target(%dma_start3A_216 : memref<80x128xf32, #tpu.memory_space<hbm>>) target_semaphore(%arg40 : memref<!tpu.dma_semaphore, #tpu.memory_space<semaphore_mem>>)
      %add3A_217 = arith.constant 5 : i32
      %add3A_218 = arith.addi %add3A_197, %add3A_217 : i32
      %lt3A_219 = arith.constant 125 : i32
      %lt3A_220 = arith.cmpi slt, %add3A_218, %lt3A_219 : i32
      %convert_element_type3A_221 = arith.extui %lt3A_220 : i1 to i32
      %cond3A_222 = arith.constant 0 : i32
      %cond3A_223 = arith.cmpi ne, %convert_element_type3A_221, %cond3A_222 : i32
      scf.if %cond3A_223 {
        %add3A_254 = arith.constant 5 : i32
        %add3A_255 = arith.addi %add3A_197, %add3A_254 : i32
        %mul3A_256 = arith.constant 80 : i32
        %mul3A_257 = arith.muli %add3A_255, %mul3A_256 : i32
        %add3A_258 = arith.addi %mul3A_2, %mul3A_257 : i32
        %dma_start3A_259 = tpu.memref_slice %arg4[%add3A_258] : memref<320000xi32, #tpu.memory_space<hbm>> -> memref<80xi32, #tpu.memory_space<hbm>>
        %dma_start3A_260 = tpu.memref_slice %arg4[%add3A_258] : memref<320000xi32, #tpu.memory_space<hbm>> -> memref<80xi32, #tpu.memory_space<hbm>>
        tpu.enqueue_dma source(%dma_start3A_260 : memref<80xi32, #tpu.memory_space<hbm>>) target(%arg10 : memref<80xi32, #tpu.memory_space<vmem>>) target_semaphore(%arg45 : memref<!tpu.dma_semaphore, #tpu.memory_space<semaphore_mem>>)
        %dma_start3A_261 = tpu.memref_slice %arg5[%add3A_258] : memref<320000xi32, #tpu.memory_space<hbm>> -> memref<80xi32, #tpu.memory_space<hbm>>
        %dma_start3A_262 = tpu.memref_slice %arg5[%add3A_258] : memref<320000xi32, #tpu.memory_space<hbm>> -> memref<80xi32, #tpu.memory_space<hbm>>
        tpu.enqueue_dma source(%dma_start3A_262 : memref<80xi32, #tpu.memory_space<hbm>>) target(%arg15 : memref<80xi32, #tpu.memory_space<vmem>>) target_semaphore(%arg50 : memref<!tpu.dma_semaphore, #tpu.memory_space<semaphore_mem>>)
        %dma_wait3A_263 = arith.constant 0 : i32
        %dma_wait3A_264 = tpu.memref_slice %arg6[%mul3A_2, %dma_wait3A_263] : memref<320000x128xf32, #tpu.memory_space<hbm>> -> memref<80x128xf32, #tpu.memory_space<hbm>>
        %dma_wait3A_265 = arith.constant 0 : i32
        %dma_wait3A_266 = tpu.memref_slice %arg6[%mul3A_2, %dma_wait3A_265] : memref<320000x128xf32, #tpu.memory_space<hbm>> -> memref<80x128xf32, #tpu.memory_space<hbm>>
        tpu.wait_dma2 semaphore(%arg40 : memref<!tpu.dma_semaphore, #tpu.memory_space<semaphore_mem>>) src(%arg20 : memref<80x128xf32, #tpu.memory_space<vmem>>) dst(%dma_wait3A_266 : memref<80x128xf32, #tpu.memory_space<hbm>>)
        %dma_wait3A_267 = tpu.memref_slice %arg4[%mul3A_2] : memref<320000xi32, #tpu.memory_space<hbm>> -> memref<80xi32, #tpu.memory_space<hbm>>
        %dma_wait3A_268 = tpu.memref_slice %arg4[%mul3A_2] : memref<320000xi32, #tpu.memory_space<hbm>> -> memref<80xi32, #tpu.memory_space<hbm>>
        tpu.wait_dma2 semaphore(%arg45 : memref<!tpu.dma_semaphore, #tpu.memory_space<semaphore_mem>>) src(%dma_wait3A_268 : memref<80xi32, #tpu.memory_space<hbm>>) dst(%arg10 : memref<80xi32, #tpu.memory_space<vmem>>)
        %dma_wait3A_269 = tpu.memref_slice %arg5[%mul3A_2] : memref<320000xi32, #tpu.memory_space<hbm>> -> memref<80xi32, #tpu.memory_space<hbm>>
        %dma_wait3A_270 = tpu.memref_slice %arg5[%mul3A_2] : memref<320000xi32, #tpu.memory_space<hbm>> -> memref<80xi32, #tpu.memory_space<hbm>>
        tpu.wait_dma2 semaphore(%arg50 : memref<!tpu.dma_semaphore, #tpu.memory_space<semaphore_mem>>) src(%dma_wait3A_270 : memref<80xi32, #tpu.memory_space<hbm>>) dst(%arg15 : memref<80xi32, #tpu.memory_space<vmem>>)
        %dma_start3A_271 = arith.constant 0 : i32
        %dma_start3A_272 = arith.constant 0 : i32
        %dma_start3A_273 = tpu.memref_slice %arg2[%dma_start3A_271, %dma_start3A_272] : memref<10000x128xf32, #tpu.memory_space<hbm>> -> memref<10000x128xf32, #tpu.memory_space<hbm>>
        tpu.enqueue_indirect_dma source(%dma_start3A_273 : memref<10000x128xf32, #tpu.memory_space<hbm>>) target(%arg20 : memref<80x128xf32, #tpu.memory_space<vmem>>) offsets(%arg10 : memref<80xi32, #tpu.memory_space<vmem>>) semaphore(%arg30 : memref<!tpu.dma_semaphore, #tpu.memory_space<semaphore_mem>>)
        %dma_start3A_274 = arith.constant 0 : i32
        %dma_start3A_275 = arith.constant 0 : i32
        %dma_start3A_276 = tpu.memref_slice %arg3[%dma_start3A_274, %dma_start3A_275] : memref<10000x128xf32, #tpu.memory_space<hbm>> -> memref<10000x128xf32, #tpu.memory_space<hbm>>
        tpu.enqueue_indirect_dma source(%dma_start3A_276 : memref<10000x128xf32, #tpu.memory_space<hbm>>) target(%arg25 : memref<80x128xf32, #tpu.memory_space<vmem>>) offsets(%arg15 : memref<80xi32, #tpu.memory_space<vmem>>) semaphore(%arg35 : memref<!tpu.dma_semaphore, #tpu.memory_space<semaphore_mem>>)
      } else {
      }
      %mul3A_224 = arith.constant 5 : i32
      %mul3A_225 = arith.muli %scan3A_106, %mul3A_224 : i32
      %add3A_226 = arith.constant 4 : i32
      %add3A_227 = arith.addi %mul3A_225, %add3A_226 : i32
      %mul3A_228 = arith.constant 80 : i32
      %mul3A_229 = arith.muli %add3A_227, %mul3A_228 : i32
      %add3A_230 = arith.addi %mul3A_2, %mul3A_229 : i32
      %dma_wait3A_231 = arith.constant 0 : i32
      %dma_wait3A_232 = arith.constant 0 : i32
      %dma_wait3A_233 = tpu.memref_slice %arg2[%dma_wait3A_231, %dma_wait3A_232] : memref<10000x128xf32, #tpu.memory_space<hbm>> -> memref<10000x128xf32, #tpu.memory_space<hbm>>
      tpu.wait_indirect_dma semaphore(%arg31 : memref<!tpu.dma_semaphore, #tpu.memory_space<semaphore_mem>>) src(%dma_wait3A_233 : memref<10000x128xf32, #tpu.memory_space<hbm>>) dst(%arg21 : memref<80x128xf32, #tpu.memory_space<vmem>>)
      %dma_wait3A_234 = arith.constant 0 : i32
      %dma_wait3A_235 = arith.constant 0 : i32
      %dma_wait3A_236 = tpu.memref_slice %arg3[%dma_wait3A_234, %dma_wait3A_235] : memref<10000x128xf32, #tpu.memory_space<hbm>> -> memref<10000x128xf32, #tpu.memory_space<hbm>>
      tpu.wait_indirect_dma semaphore(%arg36 : memref<!tpu.dma_semaphore, #tpu.memory_space<semaphore_mem>>) src(%dma_wait3A_236 : memref<10000x128xf32, #tpu.memory_space<hbm>>) dst(%arg26 : memref<80x128xf32, #tpu.memory_space<vmem>>)
      %scan3A_237 = arith.constant 0 : i32
      %scan3A_238 = arith.constant 0 : i32
      %scan3A_239 = arith.constant 80 : i32
      %scan3A_240 = arith.addi %scan3A_238, %scan3A_239 : i32
      %scan3A_241 = arith.constant 1 : i32
      scf.for %scan3A_254 = %scan3A_238 to %scan3A_240 step %scan3A_241  : i32 {
        %get3A = arith.index_cast %scan3A_254 : i32 to index
        %get3A_255 = arith.constant 0 : index
        %get3A_256 = tpu.vector_load %arg21[%get3A, %get3A_255] {strides = array<i32>} : memref<80x128xf32, #tpu.memory_space<vmem>>, vector<1x16xf32>,
        %get3A_257 = vector.shape_cast %get3A_256 : vector<1x16xf32> to vector<16xf32>
        %get3A_258 = arith.index_cast %scan3A_254 : i32 to index
        %get3A_259 = arith.constant 0 : index
        %get3A_260 = tpu.vector_load %arg26[%get3A_258, %get3A_259] {strides = array<i32>} : memref<80x128xf32, #tpu.memory_space<vmem>>, vector<1x16xf32>,
        %get3A_261 = vector.shape_cast %get3A_260 : vector<1x16xf32> to vector<16xf32>
        %add3A_262 = arith.addf %get3A_257, %get3A_261 : vector<16xf32>
        %swap3A = arith.index_cast %scan3A_254 : i32 to index
        %swap3A_263 = arith.constant 0 : index
        %swap3A_264 = tpu.vector_load %arg21[%swap3A, %swap3A_263] {strides = array<i32>} : memref<80x128xf32, #tpu.memory_space<vmem>>, vector<1x16xf32>,
        %swap3A_265 = vector.shape_cast %swap3A_264 : vector<1x16xf32> to vector<16xf32>
        %swap3A_266 = vector.shape_cast %add3A_262 : vector<16xf32> to vector<1x16xf32>
        tpu.vector_store %arg21[%swap3A, %swap3A_263], %swap3A_266 {strides = array<i32>} : memref<80x128xf32, #tpu.memory_space<vmem>>, vector<1x16xf32>,
        %get3A_267 = arith.index_cast %scan3A_254 : i32 to index
        %get3A_268 = arith.constant 16 : index
        %get3A_269 = tpu.vector_load %arg21[%get3A_267, %get3A_268] {strides = array<i32>} : memref<80x128xf32, #tpu.memory_space<vmem>>, vector<1x16xf32>,
        %get3A_270 = vector.shape_cast %get3A_269 : vector<1x16xf32> to vector<16xf32>
        %get3A_271 = arith.index_cast %scan3A_254 : i32 to index
        %get3A_272 = arith.constant 16 : index
        %get3A_273 = tpu.vector_load %arg26[%get3A_271, %get3A_272] {strides = array<i32>} : memref<80x128xf32, #tpu.memory_space<vmem>>, vector<1x16xf32>,
        %get3A_274 = vector.shape_cast %get3A_273 : vector<1x16xf32> to vector<16xf32>
        %add3A_275 = arith.addf %get3A_270, %get3A_274 : vector<16xf32>
        %swap3A_276 = arith.index_cast %scan3A_254 : i32 to index
        %swap3A_277 = arith.constant 16 : index
        %swap3A_278 = tpu.vector_load %arg21[%swap3A_276, %swap3A_277] {strides = array<i32>} : memref<80x128xf32, #tpu.memory_space<vmem>>, vector<1x16xf32>,
        %swap3A_279 = vector.shape_cast %swap3A_278 : vector<1x16xf32> to vector<16xf32>
        %swap3A_280 = vector.shape_cast %add3A_275 : vector<16xf32> to vector<1x16xf32>
        tpu.vector_store %arg21[%swap3A_276, %swap3A_277], %swap3A_280 {strides = array<i32>} : memref<80x128xf32, #tpu.memory_space<vmem>>, vector<1x16xf32>,
        %get3A_281 = arith.index_cast %scan3A_254 : i32 to index
        %get3A_282 = arith.constant 32 : index
        %get3A_283 = tpu.vector_load %arg21[%get3A_281, %get3A_282] {strides = array<i32>} : memref<80x128xf32, #tpu.memory_space<vmem>>, vector<1x16xf32>,
        %get3A_284 = vector.shape_cast %get3A_283 : vector<1x16xf32> to vector<16xf32>
        %get3A_285 = arith.index_cast %scan3A_254 : i32 to index
        %get3A_286 = arith.constant 32 : index
        %get3A_287 = tpu.vector_load %arg26[%get3A_285, %get3A_286] {strides = array<i32>} : memref<80x128xf32, #tpu.memory_space<vmem>>, vector<1x16xf32>,
        %get3A_288 = vector.shape_cast %get3A_287 : vector<1x16xf32> to vector<16xf32>
        %add3A_289 = arith.addf %get3A_284, %get3A_288 : vector<16xf32>
        %swap3A_290 = arith.index_cast %scan3A_254 : i32 to index
        %swap3A_291 = arith.constant 32 : index
        %swap3A_292 = tpu.vector_load %arg21[%swap3A_290, %swap3A_291] {strides = array<i32>} : memref<80x128xf32, #tpu.memory_space<vmem>>, vector<1x16xf32>,
        %swap3A_293 = vector.shape_cast %swap3A_292 : vector<1x16xf32> to vector<16xf32>
        %swap3A_294 = vector.shape_cast %add3A_289 : vector<16xf32> to vector<1x16xf32>
        tpu.vector_store %arg21[%swap3A_290, %swap3A_291], %swap3A_294 {strides = array<i32>} : memref<80x128xf32, #tpu.memory_space<vmem>>, vector<1x16xf32>,
        %get3A_295 = arith.index_cast %scan3A_254 : i32 to index
        %get3A_296 = arith.constant 48 : index
        %get3A_297 = tpu.vector_load %arg21[%get3A_295, %get3A_296] {strides = array<i32>} : memref<80x128xf32, #tpu.memory_space<vmem>>, vector<1x16xf32>,
        %get3A_298 = vector.shape_cast %get3A_297 : vector<1x16xf32> to vector<16xf32>
        %get3A_299 = arith.index_cast %scan3A_254 : i32 to index
        %get3A_300 = arith.constant 48 : index
        %get3A_301 = tpu.vector_load %arg26[%get3A_299, %get3A_300] {strides = array<i32>} : memref<80x128xf32, #tpu.memory_space<vmem>>, vector<1x16xf32>,
        %get3A_302 = vector.shape_cast %get3A_301 : vector<1x16xf32> to vector<16xf32>
        %add3A_303 = arith.addf %get3A_298, %get3A_302 : vector<16xf32>
        %swap3A_304 = arith.index_cast %scan3A_254 : i32 to index
        %swap3A_305 = arith.constant 48 : index
        %swap3A_306 = tpu.vector_load %arg21[%swap3A_304, %swap3A_305] {strides = array<i32>} : memref<80x128xf32, #tpu.memory_space<vmem>>, vector<1x16xf32>,
        %swap3A_307 = vector.shape_cast %swap3A_306 : vector<1x16xf32> to vector<16xf32>
        %swap3A_308 = vector.shape_cast %add3A_303 : vector<16xf32> to vector<1x16xf32>
        tpu.vector_store %arg21[%swap3A_304, %swap3A_305], %swap3A_308 {strides = array<i32>} : memref<80x128xf32, #tpu.memory_space<vmem>>, vector<1x16xf32>,
        %get3A_309 = arith.index_cast %scan3A_254 : i32 to index
        %get3A_310 = arith.constant 64 : index
        %get3A_311 = tpu.vector_load %arg21[%get3A_309, %get3A_310] {strides = array<i32>} : memref<80x128xf32, #tpu.memory_space<vmem>>, vector<1x16xf32>,
        %get3A_312 = vector.shape_cast %get3A_311 : vector<1x16xf32> to vector<16xf32>
        %get3A_313 = arith.index_cast %scan3A_254 : i32 to index
        %get3A_314 = arith.constant 64 : index
        %get3A_315 = tpu.vector_load %arg26[%get3A_313, %get3A_314] {strides = array<i32>} : memref<80x128xf32, #tpu.memory_space<vmem>>, vector<1x16xf32>,
        %get3A_316 = vector.shape_cast %get3A_315 : vector<1x16xf32> to vector<16xf32>
        %add3A_317 = arith.addf %get3A_312, %get3A_316 : vector<16xf32>
        %swap3A_318 = arith.index_cast %scan3A_254 : i32 to index
        %swap3A_319 = arith.constant 64 : index
        %swap3A_320 = tpu.vector_load %arg21[%swap3A_318, %swap3A_319] {strides = array<i32>} : memref<80x128xf32, #tpu.memory_space<vmem>>, vector<1x16xf32>,
        %swap3A_321 = vector.shape_cast %swap3A_320 : vector<1x16xf32> to vector<16xf32>
        %swap3A_322 = vector.shape_cast %add3A_317 : vector<16xf32> to vector<1x16xf32>
        tpu.vector_store %arg21[%swap3A_318, %swap3A_319], %swap3A_322 {strides = array<i32>} : memref<80x128xf32, #tpu.memory_space<vmem>>, vector<1x16xf32>,
        %get3A_323 = arith.index_cast %scan3A_254 : i32 to index
        %get3A_324 = arith.constant 80 : index
        %get3A_325 = tpu.vector_load %arg21[%get3A_323, %get3A_324] {strides = array<i32>} : memref<80x128xf32, #tpu.memory_space<vmem>>, vector<1x16xf32>,
        %get3A_326 = vector.shape_cast %get3A_325 : vector<1x16xf32> to vector<16xf32>
        %get3A_327 = arith.index_cast %scan3A_254 : i32 to index
        %get3A_328 = arith.constant 80 : index
        %get3A_329 = tpu.vector_load %arg26[%get3A_327, %get3A_328] {strides = array<i32>} : memref<80x128xf32, #tpu.memory_space<vmem>>, vector<1x16xf32>,
        %get3A_330 = vector.shape_cast %get3A_329 : vector<1x16xf32> to vector<16xf32>
        %add3A_331 = arith.addf %get3A_326, %get3A_330 : vector<16xf32>
        %swap3A_332 = arith.index_cast %scan3A_254 : i32 to index
        %swap3A_333 = arith.constant 80 : index
        %swap3A_334 = tpu.vector_load %arg21[%swap3A_332, %swap3A_333] {strides = array<i32>} : memref<80x128xf32, #tpu.memory_space<vmem>>, vector<1x16xf32>,
        %swap3A_335 = vector.shape_cast %swap3A_334 : vector<1x16xf32> to vector<16xf32>
        %swap3A_336 = vector.shape_cast %add3A_331 : vector<16xf32> to vector<1x16xf32>
        tpu.vector_store %arg21[%swap3A_332, %swap3A_333], %swap3A_336 {strides = array<i32>} : memref<80x128xf32, #tpu.memory_space<vmem>>, vector<1x16xf32>,
        %get3A_337 = arith.index_cast %scan3A_254 : i32 to index
        %get3A_338 = arith.constant 96 : index
        %get3A_339 = tpu.vector_load %arg21[%get3A_337, %get3A_338] {strides = array<i32>} : memref<80x128xf32, #tpu.memory_space<vmem>>, vector<1x16xf32>,
        %get3A_340 = vector.shape_cast %get3A_339 : vector<1x16xf32> to vector<16xf32>
        %get3A_341 = arith.index_cast %scan3A_254 : i32 to index
        %get3A_342 = arith.constant 96 : index
        %get3A_343 = tpu.vector_load %arg26[%get3A_341, %get3A_342] {strides = array<i32>} : memref<80x128xf32, #tpu.memory_space<vmem>>, vector<1x16xf32>,
        %get3A_344 = vector.shape_cast %get3A_343 : vector<1x16xf32> to vector<16xf32>
        %add3A_345 = arith.addf %get3A_340, %get3A_344 : vector<16xf32>
        %swap3A_346 = arith.index_cast %scan3A_254 : i32 to index
        %swap3A_347 = arith.constant 96 : index
        %swap3A_348 = tpu.vector_load %arg21[%swap3A_346, %swap3A_347] {strides = array<i32>} : memref<80x128xf32, #tpu.memory_space<vmem>>, vector<1x16xf32>,
        %swap3A_349 = vector.shape_cast %swap3A_348 : vector<1x16xf32> to vector<16xf32>
        %swap3A_350 = vector.shape_cast %add3A_345 : vector<16xf32> to vector<1x16xf32>
        tpu.vector_store %arg21[%swap3A_346, %swap3A_347], %swap3A_350 {strides = array<i32>} : memref<80x128xf32, #tpu.memory_space<vmem>>, vector<1x16xf32>,
        %get3A_351 = arith.index_cast %scan3A_254 : i32 to index
        %get3A_352 = arith.constant 112 : index
        %get3A_353 = tpu.vector_load %arg21[%get3A_351, %get3A_352] {strides = array<i32>} : memref<80x128xf32, #tpu.memory_space<vmem>>, vector<1x16xf32>,
        %get3A_354 = vector.shape_cast %get3A_353 : vector<1x16xf32> to vector<16xf32>
        %get3A_355 = arith.index_cast %scan3A_254 : i32 to index
        %get3A_356 = arith.constant 112 : index
        %get3A_357 = tpu.vector_load %arg26[%get3A_355, %get3A_356] {strides = array<i32>} : memref<80x128xf32, #tpu.memory_space<vmem>>, vector<1x16xf32>,
        %get3A_358 = vector.shape_cast %get3A_357 : vector<1x16xf32> to vector<16xf32>
        %add3A_359 = arith.addf %get3A_354, %get3A_358 : vector<16xf32>
        %swap3A_360 = arith.index_cast %scan3A_254 : i32 to index
        %swap3A_361 = arith.constant 112 : index
        %swap3A_362 = tpu.vector_load %arg21[%swap3A_360, %swap3A_361] {strides = array<i32>} : memref<80x128xf32, #tpu.memory_space<vmem>>, vector<1x16xf32>,
        %swap3A_363 = vector.shape_cast %swap3A_362 : vector<1x16xf32> to vector<16xf32>
        %swap3A_364 = vector.shape_cast %add3A_359 : vector<16xf32> to vector<1x16xf32>
        tpu.vector_store %arg21[%swap3A_360, %swap3A_361], %swap3A_364 {strides = array<i32>} : memref<80x128xf32, #tpu.memory_space<vmem>>, vector<1x16xf32>,
      }
      %scan3A_242 = arith.constant 80 : i32
      %dma_start3A_243 = arith.constant 0 : i32
      %dma_start3A_244 = tpu.memref_slice %arg6[%add3A_230, %dma_start3A_243] : memref<320000x128xf32, #tpu.memory_space<hbm>> -> memref<80x128xf32, #tpu.memory_space<hbm>>
      %dma_start3A_245 = arith.constant 0 : i32
      %dma_start3A_246 = tpu.memref_slice %arg6[%add3A_230, %dma_start3A_245] : memref<320000x128xf32, #tpu.memory_space<hbm>> -> memref<80x128xf32, #tpu.memory_space<hbm>>
      tpu.enqueue_dma source(%arg21 : memref<80x128xf32, #tpu.memory_space<vmem>>) target(%dma_start3A_246 : memref<80x128xf32, #tpu.memory_space<hbm>>) target_semaphore(%arg41 : memref<!tpu.dma_semaphore, #tpu.memory_space<semaphore_mem>>)
      %add3A_247 = arith.constant 5 : i32
      %add3A_248 = arith.addi %add3A_227, %add3A_247 : i32
      %lt3A_249 = arith.constant 125 : i32
      %lt3A_250 = arith.cmpi slt, %add3A_248, %lt3A_249 : i32
      %convert_element_type3A_251 = arith.extui %lt3A_250 : i1 to i32
      %cond3A_252 = arith.constant 0 : i32
      %cond3A_253 = arith.cmpi ne, %convert_element_type3A_251, %cond3A_252 : i32
      scf.if %cond3A_253 {
        %add3A_254 = arith.constant 5 : i32
        %add3A_255 = arith.addi %add3A_227, %add3A_254 : i32
        %mul3A_256 = arith.constant 80 : i32
        %mul3A_257 = arith.muli %add3A_255, %mul3A_256 : i32
        %add3A_258 = arith.addi %mul3A_2, %mul3A_257 : i32
        %dma_start3A_259 = tpu.memref_slice %arg4[%add3A_258] : memref<320000xi32, #tpu.memory_space<hbm>> -> memref<80xi32, #tpu.memory_space<hbm>>
        %dma_start3A_260 = tpu.memref_slice %arg4[%add3A_258] : memref<320000xi32, #tpu.memory_space<hbm>> -> memref<80xi32, #tpu.memory_space<hbm>>
        tpu.enqueue_dma source(%dma_start3A_260 : memref<80xi32, #tpu.memory_space<hbm>>) target(%arg11 : memref<80xi32, #tpu.memory_space<vmem>>) target_semaphore(%arg46 : memref<!tpu.dma_semaphore, #tpu.memory_space<semaphore_mem>>)
        %dma_start3A_261 = tpu.memref_slice %arg5[%add3A_258] : memref<320000xi32, #tpu.memory_space<hbm>> -> memref<80xi32, #tpu.memory_space<hbm>>
        %dma_start3A_262 = tpu.memref_slice %arg5[%add3A_258] : memref<320000xi32, #tpu.memory_space<hbm>> -> memref<80xi32, #tpu.memory_space<hbm>>
        tpu.enqueue_dma source(%dma_start3A_262 : memref<80xi32, #tpu.memory_space<hbm>>) target(%arg16 : memref<80xi32, #tpu.memory_space<vmem>>) target_semaphore(%arg51 : memref<!tpu.dma_semaphore, #tpu.memory_space<semaphore_mem>>)
        %dma_wait3A_263 = arith.constant 0 : i32
        %dma_wait3A_264 = tpu.memref_slice %arg6[%mul3A_2, %dma_wait3A_263] : memref<320000x128xf32, #tpu.memory_space<hbm>> -> memref<80x128xf32, #tpu.memory_space<hbm>>
        %dma_wait3A_265 = arith.constant 0 : i32
        %dma_wait3A_266 = tpu.memref_slice %arg6[%mul3A_2, %dma_wait3A_265] : memref<320000x128xf32, #tpu.memory_space<hbm>> -> memref<80x128xf32, #tpu.memory_space<hbm>>
        tpu.wait_dma2 semaphore(%arg41 : memref<!tpu.dma_semaphore, #tpu.memory_space<semaphore_mem>>) src(%arg21 : memref<80x128xf32, #tpu.memory_space<vmem>>) dst(%dma_wait3A_266 : memref<80x128xf32, #tpu.memory_space<hbm>>)
        %dma_wait3A_267 = tpu.memref_slice %arg4[%mul3A_2] : memref<320000xi32, #tpu.memory_space<hbm>> -> memref<80xi32, #tpu.memory_space<hbm>>
        %dma_wait3A_268 = tpu.memref_slice %arg4[%mul3A_2] : memref<320000xi32, #tpu.memory_space<hbm>> -> memref<80xi32, #tpu.memory_space<hbm>>
        tpu.wait_dma2 semaphore(%arg46 : memref<!tpu.dma_semaphore, #tpu.memory_space<semaphore_mem>>) src(%dma_wait3A_268 : memref<80xi32, #tpu.memory_space<hbm>>) dst(%arg11 : memref<80xi32, #tpu.memory_space<vmem>>)
        %dma_wait3A_269 = tpu.memref_slice %arg5[%mul3A_2] : memref<320000xi32, #tpu.memory_space<hbm>> -> memref<80xi32, #tpu.memory_space<hbm>>
        %dma_wait3A_270 = tpu.memref_slice %arg5[%mul3A_2] : memref<320000xi32, #tpu.memory_space<hbm>> -> memref<80xi32, #tpu.memory_space<hbm>>
        tpu.wait_dma2 semaphore(%arg51 : memref<!tpu.dma_semaphore, #tpu.memory_space<semaphore_mem>>) src(%dma_wait3A_270 : memref<80xi32, #tpu.memory_space<hbm>>) dst(%arg16 : memref<80xi32, #tpu.memory_space<vmem>>)
        %dma_start3A_271 = arith.constant 0 : i32
        %dma_start3A_272 = arith.constant 0 : i32
        %dma_start3A_273 = tpu.memref_slice %arg2[%dma_start3A_271, %dma_start3A_272] : memref<10000x128xf32, #tpu.memory_space<hbm>> -> memref<10000x128xf32, #tpu.memory_space<hbm>>
        tpu.enqueue_indirect_dma source(%dma_start3A_273 : memref<10000x128xf32, #tpu.memory_space<hbm>>) target(%arg21 : memref<80x128xf32, #tpu.memory_space<vmem>>) offsets(%arg11 : memref<80xi32, #tpu.memory_space<vmem>>) semaphore(%arg31 : memref<!tpu.dma_semaphore, #tpu.memory_space<semaphore_mem>>)
        %dma_start3A_274 = arith.constant 0 : i32
        %dma_start3A_275 = arith.constant 0 : i32
        %dma_start3A_276 = tpu.memref_slice %arg3[%dma_start3A_274, %dma_start3A_275] : memref<10000x128xf32, #tpu.memory_space<hbm>> -> memref<10000x128xf32, #tpu.memory_space<hbm>>
        tpu.enqueue_indirect_dma source(%dma_start3A_276 : memref<10000x128xf32, #tpu.memory_space<hbm>>) target(%arg26 : memref<80x128xf32, #tpu.memory_space<vmem>>) offsets(%arg16 : memref<80xi32, #tpu.memory_space<vmem>>) semaphore(%arg36 : memref<!tpu.dma_semaphore, #tpu.memory_space<semaphore_mem>>)
      } else {
      }
    }
    %scan3A_85 = arith.constant 25 : i32
    %dma_wait3A_86 = arith.constant 0 : i32
    %dma_wait3A_87 = tpu.memref_slice %arg6[%mul3A_2, %dma_wait3A_86] : memref<320000x128xf32, #tpu.memory_space<hbm>> -> memref<80x128xf32, #tpu.memory_space<hbm>>
    %dma_wait3A_88 = arith.constant 0 : i32
    %dma_wait3A_89 = tpu.memref_slice %arg6[%mul3A_2, %dma_wait3A_88] : memref<320000x128xf32, #tpu.memory_space<hbm>> -> memref<80x128xf32, #tpu.memory_space<hbm>>
    tpu.wait_dma2 semaphore(%arg37 : memref<!tpu.dma_semaphore, #tpu.memory_space<semaphore_mem>>) src(%arg17 : memref<80x128xf32, #tpu.memory_space<vmem>>) dst(%dma_wait3A_89 : memref<80x128xf32, #tpu.memory_space<hbm>>)
    %dma_wait3A_90 = arith.constant 0 : i32
    %dma_wait3A_91 = tpu.memref_slice %arg6[%mul3A_2, %dma_wait3A_90] : memref<320000x128xf32, #tpu.memory_space<hbm>> -> memref<80x128xf32, #tpu.memory_space<hbm>>
    %dma_wait3A_92 = arith.constant 0 : i32
    %dma_wait3A_93 = tpu.memref_slice %arg6[%mul3A_2, %dma_wait3A_92] : memref<320000x128xf32, #tpu.memory_space<hbm>> -> memref<80x128xf32, #tpu.memory_space<hbm>>
    tpu.wait_dma2 semaphore(%arg38 : memref<!tpu.dma_semaphore, #tpu.memory_space<semaphore_mem>>) src(%arg18 : memref<80x128xf32, #tpu.memory_space<vmem>>) dst(%dma_wait3A_93 : memref<80x128xf32, #tpu.memory_space<hbm>>)
    %dma_wait3A_94 = arith.constant 0 : i32
    %dma_wait3A_95 = tpu.memref_slice %arg6[%mul3A_2, %dma_wait3A_94] : memref<320000x128xf32, #tpu.memory_space<hbm>> -> memref<80x128xf32, #tpu.memory_space<hbm>>
    %dma_wait3A_96 = arith.constant 0 : i32
    %dma_wait3A_97 = tpu.memref_slice %arg6[%mul3A_2, %dma_wait3A_96] : memref<320000x128xf32, #tpu.memory_space<hbm>> -> memref<80x128xf32, #tpu.memory_space<hbm>>
    tpu.wait_dma2 semaphore(%arg39 : memref<!tpu.dma_semaphore, #tpu.memory_space<semaphore_mem>>) src(%arg19 : memref<80x128xf32, #tpu.memory_space<vmem>>) dst(%dma_wait3A_97 : memref<80x128xf32, #tpu.memory_space<hbm>>)
    %dma_wait3A_98 = arith.constant 0 : i32
    %dma_wait3A_99 = tpu.memref_slice %arg6[%mul3A_2, %dma_wait3A_98] : memref<320000x128xf32, #tpu.memory_space<hbm>> -> memref<80x128xf32, #tpu.memory_space<hbm>>
    %dma_wait3A_100 = arith.constant 0 : i32
    %dma_wait3A_101 = tpu.memref_slice %arg6[%mul3A_2, %dma_wait3A_100] : memref<320000x128xf32, #tpu.memory_space<hbm>> -> memref<80x128xf32, #tpu.memory_space<hbm>>
    tpu.wait_dma2 semaphore(%arg40 : memref<!tpu.dma_semaphore, #tpu.memory_space<semaphore_mem>>) src(%arg20 : memref<80x128xf32, #tpu.memory_space<vmem>>) dst(%dma_wait3A_101 : memref<80x128xf32, #tpu.memory_space<hbm>>)
    %dma_wait3A_102 = arith.constant 0 : i32
    %dma_wait3A_103 = tpu.memref_slice %arg6[%mul3A_2, %dma_wait3A_102] : memref<320000x128xf32, #tpu.memory_space<hbm>> -> memref<80x128xf32, #tpu.memory_space<hbm>>
    %dma_wait3A_104 = arith.constant 0 : i32
    %dma_wait3A_105 = tpu.memref_slice %arg6[%mul3A_2, %dma_wait3A_104] : memref<320000x128xf32, #tpu.memory_space<hbm>> -> memref<80x128xf32, #tpu.memory_space<hbm>>
    tpu.wait_dma2 semaphore(%arg41 : memref<!tpu.dma_semaphore, #tpu.memory_space<semaphore_mem>>) src(%arg21 : memref<80x128xf32, #tpu.memory_space<vmem>>) dst(%dma_wait3A_105 : memref<80x128xf32, #tpu.memory_space<hbm>>)
    return
  }
}

module attributes {stable_mosaic.version = 14 : i64} {
  func.func @_prep_body(%arg0: i32, %arg1: memref<1000x128xf32, #tpu.memory_space<vmem>>, %arg2: memref<128x128xf32, #tpu.memory_space<vmem>>, %arg3: memref<128x128xf32, #tpu.memory_space<vmem>>, %arg4: memref<1000x128xf32, #tpu.memory_space<vmem>>, %arg5: memref<1000x128xf32, #tpu.memory_space<vmem>>) attributes {dimension_semantics = [#tpu.dimension_semantics<arbitrary>], iteration_bounds = array<i64: 10>, scalar_prefetch = 0 : i64, scratch_operands = 0 : i64, tpu.core_type = #tpu.core_type<tc>, window_params = [{transform_indices = @transform_0, window_bounds = array<i64: 1000, 128>}, {pipeline_mode = #tpu.pipeline_mode<synchronous>, transform_indices = @transform_1, window_bounds = array<i64: 128, 128>}, {pipeline_mode = #tpu.pipeline_mode<synchronous>, transform_indices = @transform_2, window_bounds = array<i64: 128, 128>}, {transform_indices = @transform_3, window_bounds = array<i64: 1000, 128>}, {transform_indices = @transform_4, window_bounds = array<i64: 1000, 128>}]} {
    %get3A = arith.constant 0 : index
    %get3A_0 = arith.constant 0 : index
    %get3A_1 = vector.load %arg1[%get3A, %get3A_0] : memref<1000x128xf32, #tpu.memory_space<vmem>>, vector<1000x128xf32>
    %get3A_2 = arith.constant 0 : index
    %get3A_3 = arith.constant 0 : index
    %get3A_4 = vector.load %arg2[%get3A_2, %get3A_3] : memref<128x128xf32, #tpu.memory_space<vmem>>, vector<128x128xf32>
    %dot_general3A = arith.constant dense<0.000000e+00> : vector<1000x128xf32>
    %dot_general3A_5 = tpu.matmul %get3A_1, %get3A_4, %dot_general3A {dimension_numbers = #tpu.dot_dimension_numbers<[1], [0], [0], [1], [0, 0, 1, 1], [], []>, transpose_lhs_hint = false} : vector<1000x128xf32>, vector<128x128xf32>, vector<1000x128xf32> -> vector<1000x128xf32>
    %swap3A = arith.constant 0 : index
    %swap3A_6 = arith.constant 0 : index
    %swap3A_7 = vector.load %arg4[%swap3A, %swap3A_6] : memref<1000x128xf32, #tpu.memory_space<vmem>>, vector<1000x128xf32>
    tpu.vector_store %arg4[%swap3A, %swap3A_6], %dot_general3A_5 {strides = array<i32>} : memref<1000x128xf32, #tpu.memory_space<vmem>>, vector<1000x128xf32>,
    %get3A_8 = arith.constant 0 : index
    %get3A_9 = arith.constant 0 : index
    %get3A_10 = vector.load %arg3[%get3A_8, %get3A_9] : memref<128x128xf32, #tpu.memory_space<vmem>>, vector<128x128xf32>
    %dot_general3A_11 = arith.constant dense<0.000000e+00> : vector<1000x128xf32>
    %dot_general3A_12 = tpu.matmul %get3A_1, %get3A_10, %dot_general3A_11 {dimension_numbers = #tpu.dot_dimension_numbers<[1], [0], [0], [1], [0, 0, 1, 1], [], []>, transpose_lhs_hint = false} : vector<1000x128xf32>, vector<128x128xf32>, vector<1000x128xf32> -> vector<1000x128xf32>
    %swap3A_13 = arith.constant 0 : index
    %swap3A_14 = arith.constant 0 : index
    %swap3A_15 = vector.load %arg5[%swap3A_13, %swap3A_14] : memref<1000x128xf32, #tpu.memory_space<vmem>>, vector<1000x128xf32>
    tpu.vector_store %arg5[%swap3A_13, %swap3A_14], %dot_general3A_12 {strides = array<i32>} : memref<1000x128xf32, #tpu.memory_space<vmem>>, vector<1000x128xf32>,
    return
  }
  func.func @transform_0(%arg0: i32) -> (i32, i32) {
    %c0_i32 = arith.constant 0 : i32
    %c0_i32_0 = arith.constant 0 : i32
    return %arg0, %c0_i32 : i32, i32
  }
  func.func @transform_1(%arg0: i32) -> (i32, i32) {
    %c0_i32 = arith.constant 0 : i32
    %c0_i32_0 = arith.constant 0 : i32
    %c0_i32_1 = arith.constant 0 : i32
    return %c0_i32, %c0_i32_0 : i32, i32
  }
  func.func @transform_2(%arg0: i32) -> (i32, i32) {
    %c0_i32 = arith.constant 0 : i32
    %c0_i32_0 = arith.constant 0 : i32
    %c0_i32_1 = arith.constant 0 : i32
    return %c0_i32, %c0_i32_0 : i32, i32
  }
  func.func @transform_3(%arg0: i32) -> (i32, i32) {
    %c0_i32 = arith.constant 0 : i32
    %c0_i32_0 = arith.constant 0 : i32
    return %arg0, %c0_i32 : i32, i32
  }
  func.func @transform_4(%arg0: i32) -> (i32, i32) {
    %c0_i32 = arith.constant 0 : i32
    %c0_i32_0 = arith.constant 0 : i32
    return %arg0, %c0_i32 : i32, i32
  }
}

module attributes {stable_mosaic.version = 14 : i64} {
  func.func @_edge_body(%arg0: i32, %arg1: memref<2000x128xf32, #tpu.memory_space<vmem>>, %arg2: memref<2000x128xf32, #tpu.memory_space<vmem>>, %arg3: memref<128x128xf32, #tpu.memory_space<vmem>>, %arg4: memref<1x128xf32, #tpu.memory_space<vmem>>, %arg5: memref<128x128xf32, #tpu.memory_space<vmem>>, %arg6: memref<1x128xf32, #tpu.memory_space<vmem>>, %arg7: memref<128x128xf32, #tpu.memory_space<vmem>>, %arg8: memref<1x128xf32, #tpu.memory_space<vmem>>, %arg9: memref<1x128xf32, #tpu.memory_space<vmem>>, %arg10: memref<1x128xf32, #tpu.memory_space<vmem>>, %arg11: memref<2000x128xf32, #tpu.memory_space<vmem>>) attributes {dimension_semantics = [#tpu.dimension_semantics<arbitrary>], iteration_bounds = array<i64: 160>, scalar_prefetch = 0 : i64, scratch_operands = 0 : i64, tpu.core_type = #tpu.core_type<tc>, window_params = [{transform_indices = @transform_0, window_bounds = array<i64: 2000, 128>}, {transform_indices = @transform_1, window_bounds = array<i64: 2000, 128>}, {pipeline_mode = #tpu.pipeline_mode<synchronous>, transform_indices = @transform_2, window_bounds = array<i64: 128, 128>}, {pipeline_mode = #tpu.pipeline_mode<synchronous>, transform_indices = @transform_3, window_bounds = array<i64: 1, 128>}, {pipeline_mode = #tpu.pipeline_mode<synchronous>, transform_indices = @transform_4, window_bounds = array<i64: 128, 128>}, {pipeline_mode = #tpu.pipeline_mode<synchronous>, transform_indices = @transform_5, window_bounds = array<i64: 1, 128>}, {pipeline_mode = #tpu.pipeline_mode<synchronous>, transform_indices = @transform_6, window_bounds = array<i64: 128, 128>}, {pipeline_mode = #tpu.pipeline_mode<synchronous>, transform_indices = @transform_7, window_bounds = array<i64: 1, 128>}, {pipeline_mode = #tpu.pipeline_mode<synchronous>, transform_indices = @transform_8, window_bounds = array<i64: 1, 128>}, {pipeline_mode = #tpu.pipeline_mode<synchronous>, transform_indices = @transform_9, window_bounds = array<i64: 1, 128>}, {transform_indices = @transform_10, window_bounds = array<i64: 2000, 128>}]} {
    %get3A = arith.constant 0 : index
    %get3A_0 = arith.constant 0 : index
    %get3A_1 = vector.load %arg1[%get3A, %get3A_0] : memref<2000x128xf32, #tpu.memory_space<vmem>>, vector<2000x128xf32>
    %get3A_2 = arith.constant 0 : index
    %get3A_3 = arith.constant 0 : index
    %get3A_4 = vector.load %arg4[%get3A_2, %get3A_3] : memref<1x128xf32, #tpu.memory_space<vmem>>, vector<1x128xf32>
    %add3A = vector.broadcast %get3A_4 : vector<1x128xf32> to vector<2000x128xf32>
    %add3A_5 = arith.addf %get3A_1, %add3A : vector<2000x128xf32>
    %get3A_6 = arith.constant 0 : index
    %get3A_7 = arith.constant 0 : index
    %get3A_8 = vector.load %arg2[%get3A_6, %get3A_7] : memref<2000x128xf32, #tpu.memory_space<vmem>>, vector<2000x128xf32>
    %get3A_9 = arith.constant 0 : index
    %get3A_10 = arith.constant 0 : index
    %get3A_11 = vector.load %arg3[%get3A_9, %get3A_10] : memref<128x128xf32, #tpu.memory_space<vmem>>, vector<128x128xf32>
    %dot_general3A = arith.constant dense<0.000000e+00> : vector<2000x128xf32>
    %dot_general3A_12 = tpu.matmul %get3A_8, %get3A_11, %dot_general3A {dimension_numbers = #tpu.dot_dimension_numbers<[1], [0], [0], [1], [0, 0, 1, 1], [], []>, transpose_lhs_hint = false} : vector<2000x128xf32>, vector<128x128xf32>, vector<2000x128xf32> -> vector<2000x128xf32>
    %add3A_13 = arith.addf %add3A_5, %dot_general3A_12 : vector<2000x128xf32>
    %max3A = arith.constant 0.000000e+00 : f32
    %max3A_14 = vector.broadcast %max3A : f32 to vector<2000x128xf32>
    %max3A_15 = arith.maximumf %add3A_13, %max3A_14 : vector<2000x128xf32>
    %get3A_16 = arith.constant 0 : index
    %get3A_17 = arith.constant 0 : index
    %get3A_18 = vector.load %arg5[%get3A_16, %get3A_17] : memref<128x128xf32, #tpu.memory_space<vmem>>, vector<128x128xf32>
    %dot_general3A_19 = arith.constant dense<0.000000e+00> : vector<2000x128xf32>
    %dot_general3A_20 = tpu.matmul %max3A_15, %get3A_18, %dot_general3A_19 {dimension_numbers = #tpu.dot_dimension_numbers<[1], [0], [0], [1], [0, 0, 1, 1], [], []>, transpose_lhs_hint = false} : vector<2000x128xf32>, vector<128x128xf32>, vector<2000x128xf32> -> vector<2000x128xf32>
    %get3A_21 = arith.constant 0 : index
    %get3A_22 = arith.constant 0 : index
    %get3A_23 = vector.load %arg6[%get3A_21, %get3A_22] : memref<1x128xf32, #tpu.memory_space<vmem>>, vector<1x128xf32>
    %add3A_24 = vector.broadcast %get3A_23 : vector<1x128xf32> to vector<2000x128xf32>
    %add3A_25 = arith.addf %dot_general3A_20, %add3A_24 : vector<2000x128xf32>
    %max3A_26 = arith.constant 0.000000e+00 : f32
    %max3A_27 = vector.broadcast %max3A_26 : f32 to vector<2000x128xf32>
    %max3A_28 = arith.maximumf %add3A_25, %max3A_27 : vector<2000x128xf32>
    %get3A_29 = arith.constant 0 : index
    %get3A_30 = arith.constant 0 : index
    %get3A_31 = vector.load %arg7[%get3A_29, %get3A_30] : memref<128x128xf32, #tpu.memory_space<vmem>>, vector<128x128xf32>
    %dot_general3A_32 = arith.constant dense<0.000000e+00> : vector<2000x128xf32>
    %dot_general3A_33 = tpu.matmul %max3A_28, %get3A_31, %dot_general3A_32 {dimension_numbers = #tpu.dot_dimension_numbers<[1], [0], [0], [1], [0, 0, 1, 1], [], []>, transpose_lhs_hint = false} : vector<2000x128xf32>, vector<128x128xf32>, vector<2000x128xf32> -> vector<2000x128xf32>
    %get3A_34 = arith.constant 0 : index
    %get3A_35 = arith.constant 0 : index
    %get3A_36 = vector.load %arg8[%get3A_34, %get3A_35] : memref<1x128xf32, #tpu.memory_space<vmem>>, vector<1x128xf32>
    %add3A_37 = vector.broadcast %get3A_36 : vector<1x128xf32> to vector<2000x128xf32>
    %add3A_38 = arith.addf %dot_general3A_33, %add3A_37 : vector<2000x128xf32>
    %get3A_39 = arith.constant 0 : index
    %get3A_40 = arith.constant 0 : index
    %get3A_41 = vector.load %arg9[%get3A_39, %get3A_40] : memref<1x128xf32, #tpu.memory_space<vmem>>, vector<1x128xf32>
    %get3A_42 = arith.constant 0 : index
    %get3A_43 = arith.constant 0 : index
    %get3A_44 = vector.load %arg10[%get3A_42, %get3A_43] : memref<1x128xf32, #tpu.memory_space<vmem>>, vector<1x128xf32>
    %reduce_sum3A = arith.constant dense<0.000000e+00> : vector<2000xf32>
    %reduce_sum3A_45 = vector.multi_reduction <add>, %add3A_38, %reduce_sum3A [1] : vector<2000x128xf32> to vector<2000xf32>
    %broadcast_in_dim3A = vector.shape_cast %reduce_sum3A_45 : vector<2000xf32> to vector<2000x1xf32>
    %div3A = arith.constant 1.280000e+02 : f32
    %div3A_46 = vector.broadcast %div3A : f32 to vector<2000x1xf32>
    %div3A_47 = arith.divf %broadcast_in_dim3A, %div3A_46 : vector<2000x1xf32>
    %sub3A = vector.broadcast %div3A_47 : vector<2000x1xf32> to vector<2000x128xf32>
    %sub3A_48 = arith.subf %add3A_38, %sub3A : vector<2000x128xf32>
    %integer_pow3A = arith.mulf %sub3A_48, %sub3A_48 : vector<2000x128xf32>
    %reduce_sum3A_49 = arith.constant dense<0.000000e+00> : vector<2000xf32>
    %reduce_sum3A_50 = vector.multi_reduction <add>, %integer_pow3A, %reduce_sum3A_49 [1] : vector<2000x128xf32> to vector<2000xf32>
    %broadcast_in_dim3A_51 = vector.shape_cast %reduce_sum3A_50 : vector<2000xf32> to vector<2000x1xf32>
    %div3A_52 = arith.constant 1.280000e+02 : f32
    %div3A_53 = vector.broadcast %div3A_52 : f32 to vector<2000x1xf32>
    %div3A_54 = arith.divf %broadcast_in_dim3A_51, %div3A_53 : vector<2000x1xf32>
    %sub3A_55 = vector.broadcast %div3A_47 : vector<2000x1xf32> to vector<2000x128xf32>
    %sub3A_56 = arith.subf %add3A_38, %sub3A_55 : vector<2000x128xf32>
    %add3A_57 = arith.constant 9.99999974E-6 : f32
    %add3A_58 = vector.broadcast %add3A_57 : f32 to vector<2000x1xf32>
    %add3A_59 = arith.addf %div3A_54, %add3A_58 : vector<2000x1xf32>
    %rsqrt3A = math.rsqrt %add3A_59 : vector<2000x1xf32>
    %mul3A = vector.broadcast %rsqrt3A : vector<2000x1xf32> to vector<2000x128xf32>
    %mul3A_60 = arith.mulf %sub3A_56, %mul3A : vector<2000x128xf32>
    %mul3A_61 = vector.broadcast %get3A_41 : vector<1x128xf32> to vector<2000x128xf32>
    %mul3A_62 = arith.mulf %mul3A_60, %mul3A_61 : vector<2000x128xf32>
    %add3A_63 = vector.broadcast %get3A_44 : vector<1x128xf32> to vector<2000x128xf32>
    %add3A_64 = arith.addf %mul3A_62, %add3A_63 : vector<2000x128xf32>
    %swap3A = arith.constant 0 : index
    %swap3A_65 = arith.constant 0 : index
    %swap3A_66 = vector.load %arg11[%swap3A, %swap3A_65] : memref<2000x128xf32, #tpu.memory_space<vmem>>, vector<2000x128xf32>
    tpu.vector_store %arg11[%swap3A, %swap3A_65], %add3A_64 {strides = array<i32>} : memref<2000x128xf32, #tpu.memory_space<vmem>>, vector<2000x128xf32>,
    return
  }
  func.func @transform_0(%arg0: i32) -> (i32, i32) {
    %c0_i32 = arith.constant 0 : i32
    %c0_i32_0 = arith.constant 0 : i32
    return %arg0, %c0_i32 : i32, i32
  }
  func.func @transform_1(%arg0: i32) -> (i32, i32) {
    %c0_i32 = arith.constant 0 : i32
    %c0_i32_0 = arith.constant 0 : i32
    return %arg0, %c0_i32 : i32, i32
  }
  func.func @transform_2(%arg0: i32) -> (i32, i32) {
    %c0_i32 = arith.constant 0 : i32
    %c0_i32_0 = arith.constant 0 : i32
    %c0_i32_1 = arith.constant 0 : i32
    return %c0_i32, %c0_i32_0 : i32, i32
  }
  func.func @transform_3(%arg0: i32) -> (i32, i32) {
    %c0_i32 = arith.constant 0 : i32
    %c0_i32_0 = arith.constant 0 : i32
    %c0_i32_1 = arith.constant 0 : i32
    return %c0_i32, %c0_i32_0 : i32, i32
  }
  func.func @transform_4(%arg0: i32) -> (i32, i32) {
    %c0_i32 = arith.constant 0 : i32
    %c0_i32_0 = arith.constant 0 : i32
    %c0_i32_1 = arith.constant 0 : i32
    return %c0_i32, %c0_i32_0 : i32, i32
  }
  func.func @transform_5(%arg0: i32) -> (i32, i32) {
    %c0_i32 = arith.constant 0 : i32
    %c0_i32_0 = arith.constant 0 : i32
    %c0_i32_1 = arith.constant 0 : i32
    return %c0_i32, %c0_i32_0 : i32, i32
  }
  func.func @transform_6(%arg0: i32) -> (i32, i32) {
    %c0_i32 = arith.constant 0 : i32
    %c0_i32_0 = arith.constant 0 : i32
    %c0_i32_1 = arith.constant 0 : i32
    return %c0_i32, %c0_i32_0 : i32, i32
  }
  func.func @transform_7(%arg0: i32) -> (i32, i32) {
    %c0_i32 = arith.constant 0 : i32
    %c0_i32_0 = arith.constant 0 : i32
    %c0_i32_1 = arith.constant 0 : i32
    return %c0_i32, %c0_i32_0 : i32, i32
  }
  func.func @transform_8(%arg0: i32) -> (i32, i32) {
    %c0_i32 = arith.constant 0 : i32
    %c0_i32_0 = arith.constant 0 : i32
    %c0_i32_1 = arith.constant 0 : i32
    return %c0_i32, %c0_i32_0 : i32, i32
  }
  func.func @transform_9(%arg0: i32) -> (i32, i32) {
    %c0_i32 = arith.constant 0 : i32
    %c0_i32_0 = arith.constant 0 : i32
    %c0_i32_1 = arith.constant 0 : i32
    return %c0_i32, %c0_i32_0 : i32, i32
  }
  func.func @transform_10(%arg0: i32) -> (i32, i32) {
    %c0_i32 = arith.constant 0 : i32
    %c0_i32_0 = arith.constant 0 : i32
    return %arg0, %c0_i32 : i32, i32
  }
}

module attributes {stable_mosaic.version = 14 : i64} {
  func.func @_node_body(%arg0: i32, %arg1: memref<1000x128xf32, #tpu.memory_space<vmem>>, %arg2: memref<1000x128xf32, #tpu.memory_space<vmem>>, %arg3: memref<1000x128xf32, #tpu.memory_space<vmem>>, %arg4: memref<128x128xf32, #tpu.memory_space<vmem>>, %arg5: memref<128x128xf32, #tpu.memory_space<vmem>>, %arg6: memref<1x128xf32, #tpu.memory_space<vmem>>, %arg7: memref<128x128xf32, #tpu.memory_space<vmem>>, %arg8: memref<1x128xf32, #tpu.memory_space<vmem>>, %arg9: memref<128x128xf32, #tpu.memory_space<vmem>>, %arg10: memref<1x128xf32, #tpu.memory_space<vmem>>, %arg11: memref<1x128xf32, #tpu.memory_space<vmem>>, %arg12: memref<1x128xf32, #tpu.memory_space<vmem>>, %arg13: memref<1000x128xf32, #tpu.memory_space<vmem>>) attributes {dimension_semantics = [#tpu.dimension_semantics<arbitrary>], iteration_bounds = array<i64: 10>, scalar_prefetch = 0 : i64, scratch_operands = 0 : i64, tpu.core_type = #tpu.core_type<tc>, window_params = [{transform_indices = @transform_0, window_bounds = array<i64: 1000, 128>}, {transform_indices = @transform_1, window_bounds = array<i64: 1000, 128>}, {transform_indices = @transform_2, window_bounds = array<i64: 1000, 128>}, {pipeline_mode = #tpu.pipeline_mode<synchronous>, transform_indices = @transform_3, window_bounds = array<i64: 128, 128>}, {pipeline_mode = #tpu.pipeline_mode<synchronous>, transform_indices = @transform_4, window_bounds = array<i64: 128, 128>}, {pipeline_mode = #tpu.pipeline_mode<synchronous>, transform_indices = @transform_5, window_bounds = array<i64: 1, 128>}, {pipeline_mode = #tpu.pipeline_mode<synchronous>, transform_indices = @transform_6, window_bounds = array<i64: 128, 128>}, {pipeline_mode = #tpu.pipeline_mode<synchronous>, transform_indices = @transform_7, window_bounds = array<i64: 1, 128>}, {pipeline_mode = #tpu.pipeline_mode<synchronous>, transform_indices = @transform_8, window_bounds = array<i64: 128, 128>}, {pipeline_mode = #tpu.pipeline_mode<synchronous>, transform_indices = @transform_9, window_bounds = array<i64: 1, 128>}, {pipeline_mode = #tpu.pipeline_mode<synchronous>, transform_indices = @transform_10, window_bounds = array<i64: 1, 128>}, {pipeline_mode = #tpu.pipeline_mode<synchronous>, transform_indices = @transform_11, window_bounds = array<i64: 1, 128>}, {transform_indices = @transform_12, window_bounds = array<i64: 1000, 128>}]} {
    %get3A = arith.constant 0 : index
    %get3A_0 = arith.constant 0 : index
    %get3A_1 = vector.load %arg2[%get3A, %get3A_0] : memref<1000x128xf32, #tpu.memory_space<vmem>>, vector<1000x128xf32>
    %get3A_2 = arith.constant 0 : index
    %get3A_3 = arith.constant 0 : index
    %get3A_4 = vector.load %arg3[%get3A_2, %get3A_3] : memref<1000x128xf32, #tpu.memory_space<vmem>>, vector<1000x128xf32>
    %add3A = arith.addf %get3A_1, %get3A_4 : vector<1000x128xf32>
    %get3A_5 = arith.constant 0 : index
    %get3A_6 = arith.constant 0 : index
    %get3A_7 = vector.load %arg1[%get3A_5, %get3A_6] : memref<1000x128xf32, #tpu.memory_space<vmem>>, vector<1000x128xf32>
    %get3A_8 = arith.constant 0 : index
    %get3A_9 = arith.constant 0 : index
    %get3A_10 = vector.load %arg4[%get3A_8, %get3A_9] : memref<128x128xf32, #tpu.memory_space<vmem>>, vector<128x128xf32>
    %dot_general3A = arith.constant dense<0.000000e+00> : vector<1000x128xf32>
    %dot_general3A_11 = tpu.matmul %get3A_7, %get3A_10, %dot_general3A {dimension_numbers = #tpu.dot_dimension_numbers<[1], [0], [0], [1], [0, 0, 1, 1], [], []>, transpose_lhs_hint = false} : vector<1000x128xf32>, vector<128x128xf32>, vector<1000x128xf32> -> vector<1000x128xf32>
    %get3A_12 = arith.constant 0 : index
    %get3A_13 = arith.constant 0 : index
    %get3A_14 = vector.load %arg5[%get3A_12, %get3A_13] : memref<128x128xf32, #tpu.memory_space<vmem>>, vector<128x128xf32>
    %dot_general3A_15 = arith.constant dense<0.000000e+00> : vector<1000x128xf32>
    %dot_general3A_16 = tpu.matmul %add3A, %get3A_14, %dot_general3A_15 {dimension_numbers = #tpu.dot_dimension_numbers<[1], [0], [0], [1], [0, 0, 1, 1], [], []>, transpose_lhs_hint = false} : vector<1000x128xf32>, vector<128x128xf32>, vector<1000x128xf32> -> vector<1000x128xf32>
    %add3A_17 = arith.addf %dot_general3A_11, %dot_general3A_16 : vector<1000x128xf32>
    %get3A_18 = arith.constant 0 : index
    %get3A_19 = arith.constant 0 : index
    %get3A_20 = vector.load %arg6[%get3A_18, %get3A_19] : memref<1x128xf32, #tpu.memory_space<vmem>>, vector<1x128xf32>
    %add3A_21 = vector.broadcast %get3A_20 : vector<1x128xf32> to vector<1000x128xf32>
    %add3A_22 = arith.addf %add3A_17, %add3A_21 : vector<1000x128xf32>
    %max3A = arith.constant 0.000000e+00 : f32
    %max3A_23 = vector.broadcast %max3A : f32 to vector<1000x128xf32>
    %max3A_24 = arith.maximumf %add3A_22, %max3A_23 : vector<1000x128xf32>
    %get3A_25 = arith.constant 0 : index
    %get3A_26 = arith.constant 0 : index
    %get3A_27 = vector.load %arg7[%get3A_25, %get3A_26] : memref<128x128xf32, #tpu.memory_space<vmem>>, vector<128x128xf32>
    %dot_general3A_28 = arith.constant dense<0.000000e+00> : vector<1000x128xf32>
    %dot_general3A_29 = tpu.matmul %max3A_24, %get3A_27, %dot_general3A_28 {dimension_numbers = #tpu.dot_dimension_numbers<[1], [0], [0], [1], [0, 0, 1, 1], [], []>, transpose_lhs_hint = false} : vector<1000x128xf32>, vector<128x128xf32>, vector<1000x128xf32> -> vector<1000x128xf32>
    %get3A_30 = arith.constant 0 : index
    %get3A_31 = arith.constant 0 : index
    %get3A_32 = vector.load %arg8[%get3A_30, %get3A_31] : memref<1x128xf32, #tpu.memory_space<vmem>>, vector<1x128xf32>
    %add3A_33 = vector.broadcast %get3A_32 : vector<1x128xf32> to vector<1000x128xf32>
    %add3A_34 = arith.addf %dot_general3A_29, %add3A_33 : vector<1000x128xf32>
    %max3A_35 = arith.constant 0.000000e+00 : f32
    %max3A_36 = vector.broadcast %max3A_35 : f32 to vector<1000x128xf32>
    %max3A_37 = arith.maximumf %add3A_34, %max3A_36 : vector<1000x128xf32>
    %get3A_38 = arith.constant 0 : index
    %get3A_39 = arith.constant 0 : index
    %get3A_40 = vector.load %arg9[%get3A_38, %get3A_39] : memref<128x128xf32, #tpu.memory_space<vmem>>, vector<128x128xf32>
    %dot_general3A_41 = arith.constant dense<0.000000e+00> : vector<1000x128xf32>
    %dot_general3A_42 = tpu.matmul %max3A_37, %get3A_40, %dot_general3A_41 {dimension_numbers = #tpu.dot_dimension_numbers<[1], [0], [0], [1], [0, 0, 1, 1], [], []>, transpose_lhs_hint = false} : vector<1000x128xf32>, vector<128x128xf32>, vector<1000x128xf32> -> vector<1000x128xf32>
    %get3A_43 = arith.constant 0 : index
    %get3A_44 = arith.constant 0 : index
    %get3A_45 = vector.load %arg10[%get3A_43, %get3A_44] : memref<1x128xf32, #tpu.memory_space<vmem>>, vector<1x128xf32>
    %add3A_46 = vector.broadcast %get3A_45 : vector<1x128xf32> to vector<1000x128xf32>
    %add3A_47 = arith.addf %dot_general3A_42, %add3A_46 : vector<1000x128xf32>
    %get3A_48 = arith.constant 0 : index
    %get3A_49 = arith.constant 0 : index
    %get3A_50 = vector.load %arg11[%get3A_48, %get3A_49] : memref<1x128xf32, #tpu.memory_space<vmem>>, vector<1x128xf32>
    %get3A_51 = arith.constant 0 : index
    %get3A_52 = arith.constant 0 : index
    %get3A_53 = vector.load %arg12[%get3A_51, %get3A_52] : memref<1x128xf32, #tpu.memory_space<vmem>>, vector<1x128xf32>
    %reduce_sum3A = arith.constant dense<0.000000e+00> : vector<1000xf32>
    %reduce_sum3A_54 = vector.multi_reduction <add>, %add3A_47, %reduce_sum3A [1] : vector<1000x128xf32> to vector<1000xf32>
    %broadcast_in_dim3A = vector.shape_cast %reduce_sum3A_54 : vector<1000xf32> to vector<1000x1xf32>
    %div3A = arith.constant 1.280000e+02 : f32
    %div3A_55 = vector.broadcast %div3A : f32 to vector<1000x1xf32>
    %div3A_56 = arith.divf %broadcast_in_dim3A, %div3A_55 : vector<1000x1xf32>
    %sub3A = vector.broadcast %div3A_56 : vector<1000x1xf32> to vector<1000x128xf32>
    %sub3A_57 = arith.subf %add3A_47, %sub3A : vector<1000x128xf32>
    %integer_pow3A = arith.mulf %sub3A_57, %sub3A_57 : vector<1000x128xf32>
    %reduce_sum3A_58 = arith.constant dense<0.000000e+00> : vector<1000xf32>
    %reduce_sum3A_59 = vector.multi_reduction <add>, %integer_pow3A, %reduce_sum3A_58 [1] : vector<1000x128xf32> to vector<1000xf32>
    %broadcast_in_dim3A_60 = vector.shape_cast %reduce_sum3A_59 : vector<1000xf32> to vector<1000x1xf32>
    %div3A_61 = arith.constant 1.280000e+02 : f32
    %div3A_62 = vector.broadcast %div3A_61 : f32 to vector<1000x1xf32>
    %div3A_63 = arith.divf %broadcast_in_dim3A_60, %div3A_62 : vector<1000x1xf32>
    %sub3A_64 = vector.broadcast %div3A_56 : vector<1000x1xf32> to vector<1000x128xf32>
    %sub3A_65 = arith.subf %add3A_47, %sub3A_64 : vector<1000x128xf32>
    %add3A_66 = arith.constant 9.99999974E-6 : f32
    %add3A_67 = vector.broadcast %add3A_66 : f32 to vector<1000x1xf32>
    %add3A_68 = arith.addf %div3A_63, %add3A_67 : vector<1000x1xf32>
    %rsqrt3A = math.rsqrt %add3A_68 : vector<1000x1xf32>
    %mul3A = vector.broadcast %rsqrt3A : vector<1000x1xf32> to vector<1000x128xf32>
    %mul3A_69 = arith.mulf %sub3A_65, %mul3A : vector<1000x128xf32>
    %mul3A_70 = vector.broadcast %get3A_50 : vector<1x128xf32> to vector<1000x128xf32>
    %mul3A_71 = arith.mulf %mul3A_69, %mul3A_70 : vector<1000x128xf32>
    %add3A_72 = vector.broadcast %get3A_53 : vector<1x128xf32> to vector<1000x128xf32>
    %add3A_73 = arith.addf %mul3A_71, %add3A_72 : vector<1000x128xf32>
    %swap3A = arith.constant 0 : index
    %swap3A_74 = arith.constant 0 : index
    %swap3A_75 = vector.load %arg13[%swap3A, %swap3A_74] : memref<1000x128xf32, #tpu.memory_space<vmem>>, vector<1000x128xf32>
    tpu.vector_store %arg13[%swap3A, %swap3A_74], %add3A_73 {strides = array<i32>} : memref<1000x128xf32, #tpu.memory_space<vmem>>, vector<1000x128xf32>,
    return
  }
  func.func @transform_0(%arg0: i32) -> (i32, i32) {
    %c0_i32 = arith.constant 0 : i32
    %c0_i32_0 = arith.constant 0 : i32
    return %arg0, %c0_i32 : i32, i32
  }
  func.func @transform_1(%arg0: i32) -> (i32, i32) {
    %c0_i32 = arith.constant 0 : i32
    %c0_i32_0 = arith.constant 0 : i32
    return %arg0, %c0_i32 : i32, i32
  }
  func.func @transform_2(%arg0: i32) -> (i32, i32) {
    %c0_i32 = arith.constant 0 : i32
    %c0_i32_0 = arith.constant 0 : i32
    return %arg0, %c0_i32 : i32, i32
  }
  func.func @transform_3(%arg0: i32) -> (i32, i32) {
    %c0_i32 = arith.constant 0 : i32
    %c0_i32_0 = arith.constant 0 : i32
    %c0_i32_1 = arith.constant 0 : i32
    return %c0_i32, %c0_i32_0 : i32, i32
  }
  func.func @transform_4(%arg0: i32) -> (i32, i32) {
    %c0_i32 = arith.constant 0 : i32
    %c0_i32_0 = arith.constant 0 : i32
    %c0_i32_1 = arith.constant 0 : i32
    return %c0_i32, %c0_i32_0 : i32, i32
  }
  func.func @transform_5(%arg0: i32) -> (i32, i32) {
    %c0_i32 = arith.constant 0 : i32
    %c0_i32_0 = arith.constant 0 : i32
    %c0_i32_1 = arith.constant 0 : i32
    return %c0_i32, %c0_i32_0 : i32, i32
  }
  func.func @transform_6(%arg0: i32) -> (i32, i32) {
    %c0_i32 = arith.constant 0 : i32
    %c0_i32_0 = arith.constant 0 : i32
    %c0_i32_1 = arith.constant 0 : i32
    return %c0_i32, %c0_i32_0 : i32, i32
  }
  func.func @transform_7(%arg0: i32) -> (i32, i32) {
    %c0_i32 = arith.constant 0 : i32
    %c0_i32_0 = arith.constant 0 : i32
    %c0_i32_1 = arith.constant 0 : i32
    return %c0_i32, %c0_i32_0 : i32, i32
  }
  func.func @transform_8(%arg0: i32) -> (i32, i32) {
    %c0_i32 = arith.constant 0 : i32
    %c0_i32_0 = arith.constant 0 : i32
    %c0_i32_1 = arith.constant 0 : i32
    return %c0_i32, %c0_i32_0 : i32, i32
  }
  func.func @transform_9(%arg0: i32) -> (i32, i32) {
    %c0_i32 = arith.constant 0 : i32
    %c0_i32_0 = arith.constant 0 : i32
    %c0_i32_1 = arith.constant 0 : i32
    return %c0_i32, %c0_i32_0 : i32, i32
  }
  func.func @transform_10(%arg0: i32) -> (i32, i32) {
    %c0_i32 = arith.constant 0 : i32
    %c0_i32_0 = arith.constant 0 : i32
    %c0_i32_1 = arith.constant 0 : i32
    return %c0_i32, %c0_i32_0 : i32, i32
  }
  func.func @transform_11(%arg0: i32) -> (i32, i32) {
    %c0_i32 = arith.constant 0 : i32
    %c0_i32_0 = arith.constant 0 : i32
    %c0_i32_1 = arith.constant 0 : i32
    return %c0_i32, %c0_i32_0 : i32, i32
  }
  func.func @transform_12(%arg0: i32) -> (i32, i32) {
    %c0_i32 = arith.constant 0 : i32
    %c0_i32_0 = arith.constant 0 : i32
    return %arg0, %c0_i32 : i32, i32
  }
}

module attributes {stable_mosaic.version = 14 : i64} {
  func.func @_node_body(%arg0: i32, %arg1: memref<1000x128xf32, #tpu.memory_space<vmem>>, %arg2: memref<1000x128xf32, #tpu.memory_space<vmem>>, %arg3: memref<1000x128xf32, #tpu.memory_space<vmem>>, %arg4: memref<128x128xf32, #tpu.memory_space<vmem>>, %arg5: memref<128x128xf32, #tpu.memory_space<vmem>>, %arg6: memref<1x128xf32, #tpu.memory_space<vmem>>, %arg7: memref<128x128xf32, #tpu.memory_space<vmem>>, %arg8: memref<1x128xf32, #tpu.memory_space<vmem>>, %arg9: memref<128x128xf32, #tpu.memory_space<vmem>>, %arg10: memref<1x128xf32, #tpu.memory_space<vmem>>, %arg11: memref<1x128xf32, #tpu.memory_space<vmem>>, %arg12: memref<1x128xf32, #tpu.memory_space<vmem>>, %arg13: memref<1000x128xf32, #tpu.memory_space<vmem>>) attributes {dimension_semantics = [#tpu.dimension_semantics<arbitrary>], iteration_bounds = array<i64: 10>, scalar_prefetch = 0 : i64, scratch_operands = 0 : i64, tpu.core_type = #tpu.core_type<tc>, window_params = [{transform_indices = @transform_0, window_bounds = array<i64: 1000, 128>}, {transform_indices = @transform_1, window_bounds = array<i64: 1000, 128>}, {transform_indices = @transform_2, window_bounds = array<i64: 1000, 128>}, {pipeline_mode = #tpu.pipeline_mode<synchronous>, transform_indices = @transform_3, window_bounds = array<i64: 128, 128>}, {pipeline_mode = #tpu.pipeline_mode<synchronous>, transform_indices = @transform_4, window_bounds = array<i64: 128, 128>}, {pipeline_mode = #tpu.pipeline_mode<synchronous>, transform_indices = @transform_5, window_bounds = array<i64: 1, 128>}, {pipeline_mode = #tpu.pipeline_mode<synchronous>, transform_indices = @transform_6, window_bounds = array<i64: 128, 128>}, {pipeline_mode = #tpu.pipeline_mode<synchronous>, transform_indices = @transform_7, window_bounds = array<i64: 1, 128>}, {pipeline_mode = #tpu.pipeline_mode<synchronous>, transform_indices = @transform_8, window_bounds = array<i64: 128, 128>}, {pipeline_mode = #tpu.pipeline_mode<synchronous>, transform_indices = @transform_9, window_bounds = array<i64: 1, 128>}, {pipeline_mode = #tpu.pipeline_mode<synchronous>, transform_indices = @transform_10, window_bounds = array<i64: 1, 128>}, {pipeline_mode = #tpu.pipeline_mode<synchronous>, transform_indices = @transform_11, window_bounds = array<i64: 1, 128>}, {transform_indices = @transform_12, window_bounds = array<i64: 1000, 128>}]} {
    %get3A = arith.constant 0 : index
    %get3A_0 = arith.constant 0 : index
    %get3A_1 = vector.load %arg2[%get3A, %get3A_0] : memref<1000x128xf32, #tpu.memory_space<vmem>>, vector<1000x128xf32>
    %get3A_2 = arith.constant 0 : index
    %get3A_3 = arith.constant 0 : index
    %get3A_4 = vector.load %arg3[%get3A_2, %get3A_3] : memref<1000x128xf32, #tpu.memory_space<vmem>>, vector<1000x128xf32>
    %add3A = arith.addf %get3A_1, %get3A_4 : vector<1000x128xf32>
    %get3A_5 = arith.constant 0 : index
    %get3A_6 = arith.constant 0 : index
    %get3A_7 = vector.load %arg1[%get3A_5, %get3A_6] : memref<1000x128xf32, #tpu.memory_space<vmem>>, vector<1000x128xf32>
    %get3A_8 = arith.constant 0 : index
    %get3A_9 = arith.constant 0 : index
    %get3A_10 = vector.load %arg4[%get3A_8, %get3A_9] : memref<128x128xf32, #tpu.memory_space<vmem>>, vector<128x128xf32>
    %dot_general3A = arith.constant dense<0.000000e+00> : vector<1000x128xf32>
    %dot_general3A_11 = tpu.matmul %get3A_7, %get3A_10, %dot_general3A {dimension_numbers = #tpu.dot_dimension_numbers<[1], [0], [0], [1], [0, 0, 1, 1], [], []>, transpose_lhs_hint = false} : vector<1000x128xf32>, vector<128x128xf32>, vector<1000x128xf32> -> vector<1000x128xf32>
    %get3A_12 = arith.constant 0 : index
    %get3A_13 = arith.constant 0 : index
    %get3A_14 = vector.load %arg5[%get3A_12, %get3A_13] : memref<128x128xf32, #tpu.memory_space<vmem>>, vector<128x128xf32>
    %dot_general3A_15 = arith.constant dense<0.000000e+00> : vector<1000x128xf32>
    %dot_general3A_16 = tpu.matmul %add3A, %get3A_14, %dot_general3A_15 {dimension_numbers = #tpu.dot_dimension_numbers<[1], [0], [0], [1], [0, 0, 1, 1], [], []>, transpose_lhs_hint = false} : vector<1000x128xf32>, vector<128x128xf32>, vector<1000x128xf32> -> vector<1000x128xf32>
    %add3A_17 = arith.addf %dot_general3A_11, %dot_general3A_16 : vector<1000x128xf32>
    %get3A_18 = arith.constant 0 : index
    %get3A_19 = arith.constant 0 : index
    %get3A_20 = vector.load %arg6[%get3A_18, %get3A_19] : memref<1x128xf32, #tpu.memory_space<vmem>>, vector<1x128xf32>
    %add3A_21 = vector.broadcast %get3A_20 : vector<1x128xf32> to vector<1000x128xf32>
    %add3A_22 = arith.addf %add3A_17, %add3A_21 : vector<1000x128xf32>
    %max3A = arith.constant 0.000000e+00 : f32
    %max3A_23 = vector.broadcast %max3A : f32 to vector<1000x128xf32>
    %max3A_24 = arith.maximumf %add3A_22, %max3A_23 : vector<1000x128xf32>
    %get3A_25 = arith.constant 0 : index
    %get3A_26 = arith.constant 0 : index
    %get3A_27 = vector.load %arg7[%get3A_25, %get3A_26] : memref<128x128xf32, #tpu.memory_space<vmem>>, vector<128x128xf32>
    %dot_general3A_28 = arith.constant dense<0.000000e+00> : vector<1000x128xf32>
    %dot_general3A_29 = tpu.matmul %max3A_24, %get3A_27, %dot_general3A_28 {dimension_numbers = #tpu.dot_dimension_numbers<[1], [0], [0], [1], [0, 0, 1, 1], [], []>, transpose_lhs_hint = false} : vector<1000x128xf32>, vector<128x128xf32>, vector<1000x128xf32> -> vector<1000x128xf32>
    %get3A_30 = arith.constant 0 : index
    %get3A_31 = arith.constant 0 : index
    %get3A_32 = vector.load %arg8[%get3A_30, %get3A_31] : memref<1x128xf32, #tpu.memory_space<vmem>>, vector<1x128xf32>
    %add3A_33 = vector.broadcast %get3A_32 : vector<1x128xf32> to vector<1000x128xf32>
    %add3A_34 = arith.addf %dot_general3A_29, %add3A_33 : vector<1000x128xf32>
    %max3A_35 = arith.constant 0.000000e+00 : f32
    %max3A_36 = vector.broadcast %max3A_35 : f32 to vector<1000x128xf32>
    %max3A_37 = arith.maximumf %add3A_34, %max3A_36 : vector<1000x128xf32>
    %get3A_38 = arith.constant 0 : index
    %get3A_39 = arith.constant 0 : index
    %get3A_40 = vector.load %arg9[%get3A_38, %get3A_39] : memref<128x128xf32, #tpu.memory_space<vmem>>, vector<128x128xf32>
    %dot_general3A_41 = arith.constant dense<0.000000e+00> : vector<1000x128xf32>
    %dot_general3A_42 = tpu.matmul %max3A_37, %get3A_40, %dot_general3A_41 {dimension_numbers = #tpu.dot_dimension_numbers<[1], [0], [0], [1], [0, 0, 1, 1], [], []>, transpose_lhs_hint = false} : vector<1000x128xf32>, vector<128x128xf32>, vector<1000x128xf32> -> vector<1000x128xf32>
    %get3A_43 = arith.constant 0 : index
    %get3A_44 = arith.constant 0 : index
    %get3A_45 = vector.load %arg10[%get3A_43, %get3A_44] : memref<1x128xf32, #tpu.memory_space<vmem>>, vector<1x128xf32>
    %add3A_46 = vector.broadcast %get3A_45 : vector<1x128xf32> to vector<1000x128xf32>
    %add3A_47 = arith.addf %dot_general3A_42, %add3A_46 : vector<1000x128xf32>
    %get3A_48 = arith.constant 0 : index
    %get3A_49 = arith.constant 0 : index
    %get3A_50 = vector.load %arg11[%get3A_48, %get3A_49] : memref<1x128xf32, #tpu.memory_space<vmem>>, vector<1x128xf32>
    %get3A_51 = arith.constant 0 : index
    %get3A_52 = arith.constant 0 : index
    %get3A_53 = vector.load %arg12[%get3A_51, %get3A_52] : memref<1x128xf32, #tpu.memory_space<vmem>>, vector<1x128xf32>
    %reduce_sum3A = arith.constant dense<0.000000e+00> : vector<1000xf32>
    %reduce_sum3A_54 = vector.multi_reduction <add>, %add3A_47, %reduce_sum3A [1] : vector<1000x128xf32> to vector<1000xf32>
    %broadcast_in_dim3A = vector.shape_cast %reduce_sum3A_54 : vector<1000xf32> to vector<1000x1xf32>
    %div3A = arith.constant 1.280000e+02 : f32
    %div3A_55 = vector.broadcast %div3A : f32 to vector<1000x1xf32>
    %div3A_56 = arith.divf %broadcast_in_dim3A, %div3A_55 : vector<1000x1xf32>
    %sub3A = vector.broadcast %div3A_56 : vector<1000x1xf32> to vector<1000x128xf32>
    %sub3A_57 = arith.subf %add3A_47, %sub3A : vector<1000x128xf32>
    %integer_pow3A = arith.mulf %sub3A_57, %sub3A_57 : vector<1000x128xf32>
    %reduce_sum3A_58 = arith.constant dense<0.000000e+00> : vector<1000xf32>
    %reduce_sum3A_59 = vector.multi_reduction <add>, %integer_pow3A, %reduce_sum3A_58 [1] : vector<1000x128xf32> to vector<1000xf32>
    %broadcast_in_dim3A_60 = vector.shape_cast %reduce_sum3A_59 : vector<1000xf32> to vector<1000x1xf32>
    %div3A_61 = arith.constant 1.280000e+02 : f32
    %div3A_62 = vector.broadcast %div3A_61 : f32 to vector<1000x1xf32>
    %div3A_63 = arith.divf %broadcast_in_dim3A_60, %div3A_62 : vector<1000x1xf32>
    %sub3A_64 = vector.broadcast %div3A_56 : vector<1000x1xf32> to vector<1000x128xf32>
    %sub3A_65 = arith.subf %add3A_47, %sub3A_64 : vector<1000x128xf32>
    %add3A_66 = arith.constant 9.99999974E-6 : f32
    %add3A_67 = vector.broadcast %add3A_66 : f32 to vector<1000x1xf32>
    %add3A_68 = arith.addf %div3A_63, %add3A_67 : vector<1000x1xf32>
    %rsqrt3A = math.rsqrt %add3A_68 : vector<1000x1xf32>
    %mul3A = vector.broadcast %rsqrt3A : vector<1000x1xf32> to vector<1000x128xf32>
    %mul3A_69 = arith.mulf %sub3A_65, %mul3A : vector<1000x128xf32>
    %mul3A_70 = vector.broadcast %get3A_50 : vector<1x128xf32> to vector<1000x128xf32>
    %mul3A_71 = arith.mulf %mul3A_69, %mul3A_70 : vector<1000x128xf32>
    %add3A_72 = vector.broadcast %get3A_53 : vector<1x128xf32> to vector<1000x128xf32>
    %add3A_73 = arith.addf %mul3A_71, %add3A_72 : vector<1000x128xf32>
    %swap3A = arith.constant 0 : index
    %swap3A_74 = arith.constant 0 : index
    %swap3A_75 = vector.load %arg13[%swap3A, %swap3A_74] : memref<1000x128xf32, #tpu.memory_space<vmem>>, vector<1000x128xf32>
    tpu.vector_store %arg13[%swap3A, %swap3A_74], %add3A_73 {strides = array<i32>} : memref<1000x128xf32, #tpu.memory_space<vmem>>, vector<1000x128xf32>,
    return
  }
  func.func @transform_0(%arg0: i32) -> (i32, i32) {
    %c0_i32 = arith.constant 0 : i32
    %c0_i32_0 = arith.constant 0 : i32
    return %arg0, %c0_i32 : i32, i32
  }
  func.func @transform_1(%arg0: i32) -> (i32, i32) {
    %c0_i32 = arith.constant 0 : i32
    %c0_i32_0 = arith.constant 0 : i32
    return %arg0, %c0_i32 : i32, i32
  }
  func.func @transform_2(%arg0: i32) -> (i32, i32) {
    %c0_i32 = arith.constant 0 : i32
    %c0_i32_0 = arith.constant 0 : i32
    return %arg0, %c0_i32 : i32, i32
  }
  func.func @transform_3(%arg0: i32) -> (i32, i32) {
    %c0_i32 = arith.constant 0 : i32
    %c0_i32_0 = arith.constant 0 : i32
    %c0_i32_1 = arith.constant 0 : i32
    return %c0_i32, %c0_i32_0 : i32, i32
  }
  func.func @transform_4(%arg0: i32) -> (i32, i32) {
    %c0_i32 = arith.constant 0 : i32
    %c0_i32_0 = arith.constant 0 : i32
    %c0_i32_1 = arith.constant 0 : i32
    return %c0_i32, %c0_i32_0 : i32, i32
  }
  func.func @transform_5(%arg0: i32) -> (i32, i32) {
    %c0_i32 = arith.constant 0 : i32
    %c0_i32_0 = arith.constant 0 : i32
    %c0_i32_1 = arith.constant 0 : i32
    return %c0_i32, %c0_i32_0 : i32, i32
  }
  func.func @transform_6(%arg0: i32) -> (i32, i32) {
    %c0_i32 = arith.constant 0 : i32
    %c0_i32_0 = arith.constant 0 : i32
    %c0_i32_1 = arith.constant 0 : i32
    return %c0_i32, %c0_i32_0 : i32, i32
  }
  func.func @transform_7(%arg0: i32) -> (i32, i32) {
    %c0_i32 = arith.constant 0 : i32
    %c0_i32_0 = arith.constant 0 : i32
    %c0_i32_1 = arith.constant 0 : i32
    return %c0_i32, %c0_i32_0 : i32, i32
  }
  func.func @transform_8(%arg0: i32) -> (i32, i32) {
    %c0_i32 = arith.constant 0 : i32
    %c0_i32_0 = arith.constant 0 : i32
    %c0_i32_1 = arith.constant 0 : i32
    return %c0_i32, %c0_i32_0 : i32, i32
  }
  func.func @transform_9(%arg0: i32) -> (i32, i32) {
    %c0_i32 = arith.constant 0 : i32
    %c0_i32_0 = arith.constant 0 : i32
    %c0_i32_1 = arith.constant 0 : i32
    return %c0_i32, %c0_i32_0 : i32, i32
  }
  func.func @transform_10(%arg0: i32) -> (i32, i32) {
    %c0_i32 = arith.constant 0 : i32
    %c0_i32_0 = arith.constant 0 : i32
    %c0_i32_1 = arith.constant 0 : i32
    return %c0_i32, %c0_i32_0 : i32, i32
  }
  func.func @transform_11(%arg0: i32) -> (i32, i32) {
    %c0_i32 = arith.constant 0 : i32
    %c0_i32_0 = arith.constant 0 : i32
    %c0_i32_1 = arith.constant 0 : i32
    return %c0_i32, %c0_i32_0 : i32, i32
  }
  func.func @transform_12(%arg0: i32) -> (i32, i32) {
    %c0_i32 = arith.constant 0 : i32
    %c0_i32_0 = arith.constant 0 : i32
    return %arg0, %c0_i32 : i32, i32
  }
}

</mosaic_0001>

<sc_bundles>
// kernel: kernel.12.cloned.1.call-start
scs
__scs_entry_jumppad:
0x0: {  	(pc) =	sbr.rel $0x88, $3  }
0x1: {  	(tag) =	ssettag $0x0;
	lr =	simm.s32 $0x1  }
0x2: {  	[smem:$0x3F8E] =	sst lr;
	_ =	strace $0xD0000000  }
0x3: {  	_ = 	snop  }
0x4: {  	_ = 	snop  }
0x5: {  	_ = 	snop  }
0x6: {  	_ = 	snop  }
0x7: {  	_ = 	snop  }
__scs_overlays_trampoline_lowered:
0x8: {  	[smem:$0x3F9D] =	sst s0  }
0x9: {  	[smem:$0x3F9E] =	sst s1  }
0xa: {  	[smem:$0x3F9F] =	sst s2  }
0xb: {  	[smem:$0x3FA0] =	sst s3  }
0xc: {  	[smem:$0x3FA1] =	sst s4  }
0xd: {  	[smem:$0x3FA2] =	sst s5  }
0xe: {  	[smem:$0x3FA3] =	sst s6  }
0xf: {  	[smem:$0x3FA4] =	sst s7  }
0x10: {  	[smem:$0x3FA5] =	sst s8  }
0x11: {  	[smem:$0x3FA6] =	sst s9;
	s0 =	simm.s32 @!p0 $0x0  }
0x12: {  	s1 =	sld [smem:$0x3F8C];
	s0 =	simm.s32 @p0 $0x1  }
0x13: {  	[smem:$0x3FA7] =	sst s0;
	s0 =	simm.s32 @!p1 $0x0  }
0x14: {  	s2 =	sld [smem:$0x3F8B];
	s0 =	simm.s32 @p1 $0x1  }
0x15: {  	[smem:$0x3FA8] =	sst s0;
	s0 =	simm.s32 @!p2 $0x0  }
0x16: {  	s3 =	sld [smem:$0x3FDB];
	s0 =	simm.s32 @p2 $0x1  }
0x17: {  	s4 =	simm.s32 $0x1BF5;
	[smem:$0x3FAA] =	sst s0  }
0x18: {  	s0 =	sld [smem:$0x3F8D];
	_ =	swait.ge [sflag:s4], $0x0  }
0x19: {  	s7 =	sld [smem:$0x3F8E]  }
0x1a: {  	s8 =	sadd.s32 $0xFFFFE003, lr  }
0x1b: {  	s9 =	sadd.s32 $0xFFFFFEF7, lr;
	s5 =	simm.s32 $0xFFFFFFFF;
	p2 =	slt.u32 s8, $0xFFFFF086  }
0x1c: {  	p1 =	slt.u32 s9, $0xF7A;
	s5 =	simm.s32 @!p2 $0x0  }
0x1d: {  	s5 =	simm.s32 @p1 $0x1;
	p0 =	seq.s32 s7, s2  }
0x1e: {  	s7 =	smul.u32 @!p0 $0xF7A, s2;
	p2 =	seq.s32 @!p0 s5, $0x0  }
0x1f: {  	s9 =	smul.u32 $0xF7A, s1;
	s8 =	simm.s32 @!p0 $0x1BF5;
	p2 =	por !p2, p0  }
0x20: {  	[sflag:s8] =	ssyncset.s32 @!p0 $0xFFFFF086;
	s6 =	sadd.s32 @!p0 s3, s7;
	s7 =	simm.s32 @!p0 $0x108  }
0x21: {  	s3 =	sadd.s32 s3, s9;
	s6 =	sadd.s32 @!p0 $0x88, s6;
	s7 =	simm.s32 @p2 $0x1082  }
0x22: {  	[simem:s7], [sflag:s8] =	dma.local @!p0 [hbm:s6], $0xF7A  }
0x23: {  	s9 =	sor.u32 $0xD0000000, s2;
	s6 =	simm.s32 $0x108;
	_ =	swait.ge @!p0 [sflag:s8], $0x0  }
0x24: {  	s3 =	sadd.s32 $0x88, s3;
	s6 =	simm.s32 @!p1 $0x1082;
	[sflag:s4] =	ssyncset.s32 $0xFFFFF086  }
0x25: {  	[simem:s6], [sflag:s4] =	dma.local [hbm:s3], $0xF7A  }
0x26: {  	[smem:$0x3F8E] =	sst s1;
	(tag) =	ssettag s2;
	_ =	strace s9  }
0x27: {  	s1 =	sld [smem:$0x3F9E]  }
0x28: {  	s2 =	sld [smem:$0x3F9F]  }
0x29: {  	s4 =	sld [smem:$0x3FA1]  }
0x2a: {  	p0 =	seq.s32 s5, $0x0;
	s5 =	sld [smem:$0x3FA2]  }
0x2b: {  	s6 =	sld [smem:$0x3FA3]  }
0x2c: {  	s7 =	sld [smem:$0x3FA4]  }
0x2d: {  	s3 =	simm.s32 $0x108;
	s8 =	sld [smem:$0x3FA5]  }
0x2e: {  	s3 =	simm.s32 @!p0 $0x1082;
	s9 =	sld [smem:$0x3FA6]  }
0x2f: {  	lr =	sadd.s32 s0, s3;
	s0 =	sld [smem:$0x3F9D]  }
0x30: {  	s3 =	sld [smem:$0x3FA0]  }
0x31: {  	[smem:$0x3FA9] =	sst s10  }
0x32: {  	s10 =	sld [smem:$0x3FA7];
	_ =	sdelay $0x3  }
0x33: {  	p0 =	seq.s32 s10, $0x1;
	s10 =	sld [smem:$0x3FA9];
	_ =	sdelay $0x3  }
0x34: {  	[smem:$0x3FA9] =	sst s10  }
0x35: {  	s10 =	sld [smem:$0x3FA8];
	_ =	sdelay $0x3  }
0x36: {  	p1 =	seq.s32 s10, $0x1;
	s10 =	sld [smem:$0x3FA9];
	_ =	sdelay $0x3  }
0x37: {  	[smem:$0x3FA9] =	sst s10  }
0x38: {  	s10 =	sld [smem:$0x3FAA]  }
0x39: {  	_ = 	snop;
	(pc) =	sbr.ind lr, $3  }
0x3a: {  	_ = 	snop  }
0x3b: {  	_ = 	snop  }
0x3c: {  	p2 =	seq.s32 s10, $0x1;
	s10 =	sld [smem:$0x3FA9]  }
0x3d: {  	_ =	shalt  }
0x3e: {  	_ =	shalt  }
0x3f: {  	_ =	shalt  }
0x40: {  	_ =	shalt  }
0x41: {  	_ =	shalt  }
0x42: {  	_ =	shalt  }
0x43: {  	_ =	shalt  }
0x44: {  	_ =	shalt  }
0x45: {  	_ =	shalt  }
0x46: {  	_ =	shalt  }
0x47: {  	_ =	shalt  }
0x48: {  	_ =	shalt  }
0x49: {  	_ =	shalt  }
0x4a: {  	_ =	shalt  }
0x4b: {  	_ =	shalt  }
0x4c: {  	_ =	shalt  }
0x4d: {  	_ =	shalt  }
0x4e: {  	_ =	shalt  }
0x4f: {  	_ =	shalt  }
0x50: {  	_ =	shalt  }
0x51: {  	_ =	shalt  }
0x52: {  	_ =	shalt  }
0x53: {  	_ =	shalt  }
0x54: {  	_ =	shalt  }
0x55: {  	_ =	shalt  }
0x56: {  	_ =	shalt  }
0x57: {  	_ =	shalt  }
0x58: {  	_ =	shalt  }
0x59: {  	_ =	shalt  }
0x5a: {  	_ =	shalt  }
0x5b: {  	_ =	shalt  }
0x5c: {  	_ =	shalt  }
0x5d: {  	_ =	shalt  }
0x5e: {  	_ =	shalt  }
0x5f: {  	_ =	shalt  }
0x60: {  	_ =	shalt  }
0x61: {  	_ =	shalt  }
0x62: {  	_ =	shalt  }
0x63: {  	_ =	shalt  }
0x64: {  	_ =	shalt  }
0x65: {  	_ =	shalt  }
0x66: {  	_ =	shalt  }
0x67: {  	_ =	shalt  }
0x68: {  	_ =	shalt  }
0x69: {  	_ =	shalt  }
0x6a: {  	_ =	shalt  }
0x6b: {  	_ =	shalt  }
0x6c: {  	_ =	shalt  }
0x6d: {  	_ =	shalt  }
0x6e: {  	_ =	shalt  }
0x6f: {  	_ =	shalt  }
0x70: {  	_ =	shalt  }
0x71: {  	_ =	shalt  }
0x72: {  	_ =	shalt  }
0x73: {  	_ =	shalt  }
0x74: {  	_ =	shalt  }
0x75: {  	_ =	shalt  }
0x76: {  	_ =	shalt  }
0x77: {  	_ =	shalt  }
0x78: {  	_ =	shalt  }
0x79: {  	_ =	shalt  }
0x7a: {  	_ =	shalt  }
0x7b: {  	_ =	shalt  }
0x7c: {  	_ =	shalt  }
0x7d: {  	_ =	shalt  }
0x7e: {  	_ =	shalt  }
0x7f: {  	_ =	shalt  }
0x80: {  	_ =	shalt  }
0x81: {  	_ =	shalt  }
0x82: {  	_ =	shalt  }
0x83: {  	_ =	shalt  }
0x84: {  	_ =	shalt  }
0x85: {  	_ =	shalt  }
0x86: {  	_ =	shalt  }
0x87: {  	_ =	shalt  }
.Lfunc_end0:
.L_simem_size_0:
called_computation_lowered:
.L_overlay_start_0:
0x88: {  	s2 =	sld [smem:$0x3FD9]  }
0x89: {  	s3 =	sld [smem:$0x3FFE];
	_ =	sdelay $0x1  }
0x8a: {  	s1 =	srdreg.scid  }
0x8b: {  	s0 =	sand.u32 $0x1, s1  }
0x8c: {  	s14 =	sshll.u32 s0, $0xA;
	s2 =	sadd.s32 s3, s2  }
0x8d: {  	s2 =	sadd.s32 s2, s14  }
0x8e: {  	[smem:$0x3FB5] =	sst s2  }
0x8f: {  	_ = 	snop  }
0x90: {  	s2 =	sld [smem:$0x3FD0];
	_ =	sdelay $0x2  }
0x91: {  	s15 =	simm.s32 $0xA;
	s4 =	simm.s32 $0x10  }
0x92: {  	[smem:s4], [sflag:s15] =	dma.local [hbm:s2], $0x1  }
0x93: {  	_ =	swait.eq [sflag:s15], $0x1  }
0x94: {  	[sflag:s15] =	ssyncset.done $0x0  }
0x95: {  	s16 =	sld [smem:$0x10];
	[sflag:s15] =	ssyncadd.s32 $0xFFFFFFFF  }
0x96: {  	s17 =	sld [smem:$0x11];
	(tm) =	ssettm $0x1  }
0x97: {  	s18 =	sld [smem:$0x3FFB];
	_ =	sdelay $0x3  }
0x98: {  	_ =	strace s18  }
0x99: {  	s4 =	sld [smem:$0x3FFC];
	_ =	sdelay $0x3  }
0x9a: {  	_ =	strace s4  }
0x9b: {  	s4 =	sld [smem:$0x3FFD];
	_ =	sdelay $0x3  }
0x9c: {  	_ =	strace s4  }
0x9d: {  	_ =	strace $0x8FFFFFFF  }
0x9e: {  	s19 =	sld [smem:$0x3FDB];
	_ =	sdelay $0x1  }
0x9f: {  	s5 =	simm.s32 $_scs_section_size  }
0xa0: {  	s6 =	simm.s32 $_size__tile_overlayer_lowered;
	s7 =	simm.s32 $_tile_overlayer_lowered  }
0xa1: {  	s22 =	simm.s32 $0x1BFF;
	s21 =	sshll.u32 s7, $0x1;
	s4 =	sadd.s32 s5, s19  }
0xa2: {  	s8 =	simm.s32 $0x0;
	s20 =	sshll.u32 s6, $0x1;
	s6 =	sadd.s32 s21, s4  }
0xa3: {  	[timem:s8], [sflag:s22] =	dma.local [hbm:s6], s20  }
0xa4: {  	_ =	swait.ge [sflag:s22], s20  }
0xa5: {  	s5 =	ssub.s32 $0x0, s20;
	[sflag:s22] =	ssyncset.done $0x0  }
0xa6: {  	[sflag:s22] =	ssyncadd.s32 s5;
	_ =	sdelay $0x1  }
0xa7: {  	s23 =	simm.s32 $0x1B8B  }
0xa8: {  	_ =	swait.ge [sflag:s23], $0x1  }
0xa9: {  	[sflag:s23] =	ssyncset.done $0x0  }
0xaa: {  	s25 =	simm.s32 $0x1B8E;
	s24 =	sld [smem:$0x3FFE];
	[sflag:s23] =	ssyncadd.s32 $0xFFFFFFFF  }
0xab: {  	s26 =	simm.s32 $execute0_lowered;
	[smem:$0x3FD2] =	sst s25  }
0xac: {  	s6 =	sshll.u32 s26, $0x1;
	_ =	strace $0x80000046;
	[dreg:$0x1] =	wrdreg $0xFFFFFFFF  }
0xad: {  	s28 =	simm.s32 $_size_execute0_lowered;
	s4 =	sadd.s32 s4, s6;
	[dreg:$0x0] =	wrdreg $0x0  }
0xae: {  	s6 =	sshll.u32 s28, $0x1;
	[dreg:$0x2] =	wrdreg s4  }
0xaf: {  	[dreg:$0x3] =	wrdreg s6  }
0xb0: {  	[dreg:$0x4] =	wrdreg $0xC0  }
0xb1: {  	_ =	task [dreg:s8], $0x5FFFF  }
0xb2: {  	[dreg:$0x1] =	wrdreg $0xFFFFFFFF  }
0xb3: {  	[dreg:$0x0] =	wrdreg $0x60  }
0xb4: {  	[dreg:$0x2] =	wrdreg s16  }
0xb5: {  	[dreg:$0x3] =	wrdreg s24  }
0xb6: {  	[dreg:$0x4] =	wrdreg s17  }
0xb7: {  	[dreg:$0x5] =	wrdreg $0x9  }
0xb8: {  	_ =	task.clear_ibuf [dreg:s8], $0x6FFFF;
	_ =	strace $0x90000046  }
0xb9: {  	s29 =	simm.s32 $0x9;
	_ =	strace $0x80000048  }
0xba: {  	_ =	swait.ge [sflag:s29], $0x1  }
0xbb: {  	[sflag:s29] =	ssyncadd.s32 $0xFFFFFFFF  }
0xbc: {  	_ =	strace $0x90000048  }
0xbd: {  	_ =	sfence  }
0xbe: {  	s30 =	sld [smem:$0x0];
	_ =	sdelay $0x2  }
0xbf: {  	s31 =	sshll.u32 s1, $0xD;
	s1 =	sshrl.u32 s1, $0x2  }
0xc0: {  	s3 =	sand.u32 $0x4000, s31;
	s1 =	sadd.s32 s1, s30  }
0xc1: {  	s0 =	sor.u32 s3, s0;
	s1 =	sshll.u32 s1, $0x11  }
0xc2: {  	s0 =	sor.u32 s1, s0  }
0xc3: {  	s0 =	sadd.s32 $0x8F2B, s0  }
0xc4: {  	[sflag:s0] =	ssyncadd.remote.s32 $0x1  }
0xc5: {  	_ =	sfence.sel $0xFFFF  }
0xc6: {  	[dreg:$0x0] =	wrdreg $0xFFFFFFFF;
	(pc) =	sbr.abs _section_cstart, $3  }
0xc7: {  	[dreg:$0x1] =	wrdreg $0xFFFFFFFF  }
0xc8: {  	_ =	task.clear_ibuf [dreg:s8], $0x2FFFF;
	_ =	strace $0x9FFFFFFF  }
0xc9: {  	(tm) =	ssettm $0x7FFFFFFF  }
tec
execute0_lowered:
.L_overlay_start_1:
0x0: {  	(tag) =	ssettag $0x1  }
0x1: {  	s1 =	rddreg [dreg:$0x0]  }
0x2: {  	s0 =	rddreg [dreg:$0x1]  }
0x3: {  	s3 =	rddreg [dreg:$0x2];
	s4 =	simm.s32 $0x0;
	s2 =	srdreg.scid  }
0x4: {  	s5 =	stileid.u32;
	s30 =	simm.s32 $0x19;
	s31 =	simm.s32 $0x8  }
0x5: {  	s29 =	simm.s32 $0xA;
	s2 =	sand.u32 $0x1, s2;
	s5 =	sshll.u32 s5, $0x1  }
0x6: {  	[smem:$0x7FF] =	sst s4;
	s7 =	sadd.s32 $0xA000, s0;
	s6 =	sor.u32 s2, s5  }
0x7: {  	s8 =	sadd.s32 $0x13E00, s0;
	s2 =	ssub.s32 $0x2, s2;
	s9 =	smul.u32 $0x2710, s6  }
0x8: {  	_ =	strace $0x80000047;
	s5 =	sadd.s32 $0x1DC00, s0;
	s10 =	sshrl.u32 s2, $0x1  }
0x9: {  	s0 =	ssub.s32 s2, s10;
	s11 =	sshrl.u32 s9, $0x3;
	s6 =	sadd.s32 $0x50, s9  }
0xa: {  	s12 =	sadd.s32 $0xA0, s9;
	s16 =	sadd.s32 $0xF0, s9;
	[dreg:$0x4] =	wrdreg s6  }
0xb: {  	s18 =	sadd.s32 $0x140, s9;
	s21 =	sadd.s32 $0x190, s9;
	[dreg:$0x6] =	wrdreg s12  }
0xc: {  	s22 =	sadd.s32 $0x1E0, s9;
	s0 =	smax.u32 s0, $0x1;
	[dreg:$0xb] =	wrdreg s16  }
0xd: {  	s23 =	sadd.s32 $0x230, s9;
	s24 =	sadd.s32 $0x280, s9;
	[dreg:$0x11] =	wrdreg s21  }
0xe: {  	s26 =	smov.u32 s9;
	s25 =	sadd.s32 $0x2D0, s9;
	[dreg:$0x12] =	wrdreg s22  }
0xf: {  	s9 =	simm.s32 $0xF;
	s10 =	sadd.s32 s7, s11;
	[dreg:$0x13] =	wrdreg s0  }
0x10: {  	s6 =	sshrl.u32 s6, $0x3;
	s2 =	sadd.s32 s8, s11;
	[dreg:$0x14] =	wrdreg s23  }
0x11: {  	s14 =	sshrl.u32 s12, $0x3;
	s17 =	sshrl.u32 s16, $0x3;
	[dreg:$0x15] =	wrdreg s24  }
0x12: {  	s28 =	smov.u32 s18;
	s20 =	sshrl.u32 s18, $0x3;
	[dreg:$0x16] =	wrdreg s25  }
0x13: {  	s21 =	simm.s32 $0x1;
	s12 =	simm.s32 $0x2;
	[dreg:$0x5] =	wrdreg s10  }
0x14: {  	s0 =	simm.s32 $0x3;
	[dreg:$0x7] =	wrdreg s2;
	s13 =	sadd.s32 s7, s6  }
0x15: {  	s22 =	simm.s32 $0x9;
	s6 =	sadd.s32 s8, s6;
	[dreg:$0x8] =	wrdreg s13  }
0x16: {  	s25 =	simm.s32 $0x5;
	s15 =	sadd.s32 s7, s14;
	[dreg:$0x9] =	wrdreg s6  }
0x17: {  	s11 =	simm.s32 $0x0;
	s2 =	sadd.s32 s8, s14;
	[dreg:$0xa] =	wrdreg s15  }
0x18: {  	s19 =	sadd.s32 s7, s17;
	s14 =	simm.s32 $0x200;
	[dreg:$0xc] =	wrdreg s2  }
.Ltmp0:
0x19: {  	s10 =	simm.s32 $0x6;
	[dreg:$0xd] =	wrdreg s19;
	(pc) =	sbr.rel .LBB2_1-.Ltmp0, $4  }
0x1a: {  	s2 =	sadd.s32 s8, s17;
	s6 =	sadd.s32 s7, s20;
	s15 =	simm.s32 $0x480  }
0x1b: {  	s19 =	simm.s32 $0x50;
	s17 =	simm.s32 $0x14;
	[dreg:$0xe] =	wrdreg s2  }
0x1c: {  	s13 =	simm.s32 $0x7;
	[dreg:$0xf] =	wrdreg s6;
	s2 =	sadd.s32 s8, s20  }
0x1d: {  	s20 =	simm.s32 $0xA500;
	[dreg:$0x10] =	wrdreg s2;
	s2 =	simm.s32 $0x4  }
.LBB2_14:
0x1e: {  	s6 =	simm.s32 $0xB  }
0x1f: {  	_ =	swait.ge [sflag:s6], $0x2800  }
0x20: {  	[sflag:s6] =	ssyncset.done $0x0  }
0x21: {  	s16 =	simm.s32 $0xC;
	[sflag:s6] =	ssyncadd.s32 $0xFFFFD800  }
0x22: {  	_ =	swait.ge [sflag:s16], $0x2800  }
0x23: {  	[sflag:s16] =	ssyncset.done $0x0  }
0x24: {  	s18 =	simm.s32 $0xD;
	[sflag:s16] =	ssyncadd.s32 $0xFFFFD800  }
0x25: {  	_ =	swait.ge [sflag:s18], $0x2800  }
0x26: {  	[sflag:s18] =	ssyncset.done $0x0  }
0x27: {  	s23 =	simm.s32 $0xE;
	[sflag:s18] =	ssyncadd.s32 $0xFFFFD800  }
0x28: {  	_ =	swait.ge [sflag:s23], $0x2800  }
0x29: {  	[sflag:s23] =	ssyncset.done $0x0  }
0x2a: {  	[sflag:s23] =	ssyncadd.s32 $0xFFFFD800  }
0x2b: {  	_ =	swait.ge [sflag:s9], $0x2800  }
0x2c: {  	s11 =	rddreg [dreg:$0x17]  }
0x2d: {  	s24 =	rddreg [dreg:$0x13];
	s11 =	sadd.s32 $0x1, s11  }
0x2e: {  	p0 =	sne.s32 s11, s24  }
.Ltmp1:
0x2f: {  	_ = 	snop;
	(pc) =	sbr.rel @!p0 .LBB2_15-.Ltmp1, $3  }
0x30: {  	_ =	sdelay $0x1  }
0x31: {  	[sflag:s9] =	ssyncset.done $0x0  }
0x32: {  	[sflag:s9] =	ssyncadd.s32 $0xFFFFD800  }
.LBB2_1:
0x33: {  	[dreg:$0x17] =	wrdreg s11  }
0x34: {  	s6 =	rddreg [dreg:$0x5]  }
0x35: {  	[tilespmem:s4], [sflag:$0x10] =	stream.linear.gather [hbm4b:s6+s4], $0x50, $0x38;
	[tilespmem:$0x19500] =	vst v63  }
0x36: {  	s16 =	rddreg [dreg:$0x7];
	s11 =	simm.s32 $0x280  }
0x37: {  	[tilespmem:s11], [sflag:$0x15] =	stream.linear.gather [hbm4b:s16+s4], $0x50, $0x38;
	[tilespmem:$0x19500] =	vst v63  }
0x38: {  	s18 =	rddreg [dreg:$0x8];
	s16 =	simm.s32 $0x80  }
0x39: {  	[tilespmem:s16], [sflag:$0x11] =	stream.linear.gather [hbm4b:s18+s4], $0x50, $0x38;
	[tilespmem:$0x19500] =	vst v63  }
0x3a: {  	s23 =	rddreg [dreg:$0x9];
	s18 =	simm.s32 $0x300  }
0x3b: {  	[tilespmem:s18], [sflag:$0x16] =	stream.linear.gather [hbm4b:s23+s4], $0x50, $0x38;
	[tilespmem:$0x19500] =	vst v63  }
0x3c: {  	s24 =	rddreg [dreg:$0xa];
	s23 =	simm.s32 $0x100  }
0x3d: {  	[tilespmem:s23], [sflag:$0x12] =	stream.linear.gather [hbm4b:s24+s4], $0x50, $0x38;
	[tilespmem:$0x19500] =	vst v63  }
0x3e: {  	s23 =	rddreg [dreg:$0xc];
	s24 =	simm.s32 $0x380  }
0x3f: {  	[tilespmem:s24], [sflag:$0x17] =	stream.linear.gather [hbm4b:s23+s4], $0x50, $0x38;
	[tilespmem:$0x19500] =	vst v63  }
0x40: {  	s6 =	rddreg [dreg:$0xd];
	s23 =	simm.s32 $0x180  }
0x41: {  	[tilespmem:s23], [sflag:$0x13] =	stream.linear.gather [hbm4b:s6+s4], $0x50, $0x38;
	[tilespmem:$0x19500] =	vst v63  }
0x42: {  	s6 =	rddreg [dreg:$0xe];
	s23 =	simm.s32 $0x400  }
0x43: {  	[tilespmem:s23], [sflag:$0x18] =	stream.linear.gather [hbm4b:s6+s4], $0x50, $0x38;
	[tilespmem:$0x19500] =	vst v63  }
0x44: {  	s6 =	rddreg [dreg:$0xf]  }
0x45: {  	[tilespmem:s14], [sflag:$0x14] =	stream.linear.gather [hbm4b:s6+s4], $0x50, $0x38;
	[tilespmem:$0x19500] =	vst v63  }
0x46: {  	s6 =	rddreg [dreg:$0x10]  }
0x47: {  	[tilespmem:s15], [sflag:$0x19] =	stream.linear.gather [hbm4b:s6+s4], $0x50, $0x38;
	[tilespmem:$0x19500] =	vst v63  }
0x48: {  	s6 =	simm.s32 $0x10  }
0x49: {  	_ =	swait.ge [sflag:s6], $0x50  }
0x4a: {  	[sflag:s6] =	ssyncset.done $0x0  }
0x4b: {  	[sflag:s6] =	ssyncadd.s32 $0xFFFFFFB0;
	s6 =	simm.s32 $0x15  }
0x4c: {  	_ =	swait.ge [sflag:s6], $0x50  }
0x4d: {  	[sflag:s6] =	ssyncset.done $0x0  }
0x4e: {  	[sflag:s6] =	ssyncadd.s32 $0xFFFFFFB0;
	s6 =	simm.s32 $0x500  }
0x4f: {  	[tilespmem:s6], [sflag:$0x1] =	stream.indirect.gather [hbm4b:s1+s19], $0x80, s4, s19, $0xb8;
	[tilespmem:$0x19500] =	vst v63  }
0x50: {  	s6 =	simm.s32 $0xCD00  }
0x51: {  	[tilespmem:s6], [sflag:$0x6] =	stream.indirect.gather [hbm4b:s5+s19], $0x80, s11, s19, $0xb8;
	[tilespmem:$0x19500] =	vst v63  }
0x52: {  	s11 =	simm.s32 $0x11  }
0x53: {  	_ =	swait.ge [sflag:s11], $0x50  }
0x54: {  	[sflag:s11] =	ssyncset.done $0x0  }
0x55: {  	[sflag:s11] =	ssyncadd.s32 $0xFFFFFFB0;
	s11 =	simm.s32 $0x16  }
0x56: {  	_ =	swait.ge [sflag:s11], $0x50  }
0x57: {  	[sflag:s11] =	ssyncset.done $0x0  }
0x58: {  	[sflag:s11] =	ssyncadd.s32 $0xFFFFFFB0;
	s11 =	simm.s32 $0x2D00  }
0x59: {  	[tilespmem:s11], [sflag:$0x2] =	stream.indirect.gather [hbm4b:s1+s19], $0x80, s16, s19, $0xb8;
	[tilespmem:$0x19500] =	vst v63  }
0x5a: {  	s16 =	simm.s32 $0xF500  }
0x5b: {  	[tilespmem:s16], [sflag:$0x7] =	stream.indirect.gather [hbm4b:s5+s19], $0x80, s18, s19, $0xb8;
	[tilespmem:$0x19500] =	vst v63  }
0x5c: {  	s18 =	simm.s32 $0x12  }
0x5d: {  	_ =	swait.ge [sflag:s18], $0x50  }
0x5e: {  	[sflag:s18] =	ssyncset.done $0x0  }
0x5f: {  	s11 =	simm.s32 $0x17;
	[sflag:s18] =	ssyncadd.s32 $0xFFFFFFB0  }
0x60: {  	_ =	swait.ge [sflag:s11], $0x50  }
0x61: {  	[sflag:s11] =	ssyncset.done $0x0  }
0x62: {  	s16 =	simm.s32 $0x5500;
	s18 =	simm.s32 $0x100;
	[sflag:s11] =	ssyncadd.s32 $0xFFFFFFB0  }
0x63: {  	[tilespmem:s16], [sflag:$0x3] =	stream.indirect.gather [hbm4b:s1+s19], $0x80, s18, s19, $0xb8;
	[tilespmem:$0x19500] =	vst v63  }
0x64: {  	s16 =	simm.s32 $0x11D00;
	s18 =	simm.s32 $0x13  }
0x65: {  	[tilespmem:s16], [sflag:$0x8] =	stream.indirect.gather [hbm4b:s5+s19], $0x80, s24, s19, $0xb8;
	[tilespmem:$0x19500] =	vst v63  }
0x66: {  	_ =	swait.ge [sflag:s18], $0x50  }
0x67: {  	[sflag:s18] =	ssyncset.done $0x0  }
0x68: {  	s24 =	simm.s32 $0x18;
	[sflag:s18] =	ssyncadd.s32 $0xFFFFFFB0  }
0x69: {  	_ =	swait.ge [sflag:s24], $0x50  }
0x6a: {  	[sflag:s24] =	ssyncset.done $0x0  }
0x6b: {  	s11 =	simm.s32 $0x7D00;
	s16 =	simm.s32 $0x180;
	[sflag:s24] =	ssyncadd.s32 $0xFFFFFFB0  }
0x6c: {  	[tilespmem:s11], [sflag:$0x4] =	stream.indirect.gather [hbm4b:s1+s19], $0x80, s16, s19, $0xb8;
	[tilespmem:$0x19500] =	vst v63  }
0x6d: {  	s23 =	simm.s32 $0x400;
	s18 =	simm.s32 $0x14500  }
0x6e: {  	[tilespmem:s18], [sflag:$0x9] =	stream.indirect.gather [hbm4b:s5+s19], $0x80, s23, s19, $0xb8;
	[tilespmem:$0x19500] =	vst v63  }
0x6f: {  	_ =	swait.ge [sflag:s17], $0x50  }
0x70: {  	[sflag:s17] =	ssyncset.done $0x0  }
0x71: {  	[sflag:s17] =	ssyncadd.s32 $0xFFFFFFB0  }
0x72: {  	_ =	swait.ge [sflag:s30], $0x50  }
0x73: {  	[sflag:s30] =	ssyncset.done $0x0  }
0x74: {  	[sflag:s30] =	ssyncadd.s32 $0xFFFFFFB0  }
0x75: {  	[tilespmem:s20], [sflag:$0x5] =	stream.indirect.gather [hbm4b:s1+s19], $0x80, s14, s19, $0xb8;
	[tilespmem:$0x19500] =	vst v63  }
0x76: {  	s6 =	simm.s32 $0x0;
	s24 =	simm.s32 $0x16D00  }
0x77: {  	[tilespmem:s24], [sflag:$0xA] =	stream.indirect.gather [hbm4b:s5+s19], $0x80, s15, s19, $0xb8;
	[tilespmem:$0x19500] =	vst v63  }
.LBB2_2:
0x78: {  	_ =	swait.ge [sflag:s21], $0x2800  }
0x79: {  	[sflag:s21] =	ssyncset.done $0x0  }
0x7a: {  	[sflag:s21] =	ssyncadd.s32 $0xFFFFD800  }
0x7b: {  	_ =	swait.ge [sflag:s10], $0x2800  }
0x7c: {  	[sflag:s10] =	ssyncset.done $0x0  }
0x7d: {  	s16 =	simm.s32 $0x0;
	[sflag:s10] =	ssyncadd.s32 $0xFFFFD800  }
0x7e: {  	v6 =	vld [tilespmem:s16+$0xCD00]  }
0x7f: {  	v11 =	vld [tilespmem:s16+$0xCD10]  }
0x80: {  	v5 =	vld [tilespmem:s16+$0xCD20]  }
0x81: {  	v4 =	vld [tilespmem:s16+$0xCD30]  }
0x82: {  	v3 =	vld [tilespmem:s16+$0xCD40]  }
0x83: {  	v2 =	vld [tilespmem:s16+$0xCD50]  }
0x84: {  	v1 =	vld [tilespmem:s16+$0xCD60]  }
0x85: {  	v0 =	vld [tilespmem:s16+$0xCD70]  }
0x86: {  	v12 =	vld [tilespmem:s16+$0x500]  }
0x87: {  	v13 =	vld [tilespmem:s16+$0x510]  }
0x88: {  	v10 =	vld [tilespmem:s16+$0x520]  }
0x89: {  	v9 =	vld [tilespmem:s16+$0x530]  }
0x8a: {  	v8 =	vld [tilespmem:s16+$0x540]  }
0x8b: {  	v7 =	vld [tilespmem:s16+$0x550];
	v12 =	vadd.f32 v6, v12  }
0x8c: {  	s11 =	simm.s32 $0x200;
	v11 =	vadd.f32 v11, v13;
	v6 =	vld [tilespmem:s16+$0x560]  }
.LBB2_3:
0x8d: {  	s18 =	sshra.s32 s11, $0x2;
	p0 =	sne.s32 s11, $0x9E00;
	[tilespmem:s16+$0x500] =	vst v12;
	v5 =	vadd.f32 v5, v10;
	v10 =	vld [tilespmem:s16+$0x570]  }
0x8e: {  	v12 =	vld [tilespmem:s18+$0xCD00];
	[tilespmem:s16+$0x510] =	vst v11;
	v4 =	vadd.f32 v4, v9  }
0x8f: {  	v11 =	vld [tilespmem:s18+$0xCD10];
	[tilespmem:s16+$0x520] =	vst v5;
	v3 =	vadd.f32 v3, v8  }
0x90: {  	v5 =	vld [tilespmem:s18+$0xCD20];
	[tilespmem:s16+$0x530] =	vst v4;
	v2 =	vadd.f32 v2, v7  }
0x91: {  	v4 =	vld [tilespmem:s18+$0xCD30];
	[tilespmem:s16+$0x540] =	vst v3;
	v1 =	vadd.f32 v1, v6  }
0x92: {  	v3 =	vld [tilespmem:s18+$0xCD40];
	[tilespmem:s16+$0x550] =	vst v2;
	v0 =	vadd.f32 v0, v10  }
0x93: {  	v2 =	vld [tilespmem:s18+$0xCD50];
	[tilespmem:s16+$0x560] =	vst v1  }
0x94: {  	v1 =	vld [tilespmem:s18+$0xCD60];
	[tilespmem:s16+$0x570] =	vst v0;
	s16 =	smov.u32 s18  }
0x95: {  	v0 =	vld [tilespmem:s16+$0xCD70]  }
0x96: {  	v6 =	vld [tilespmem:s16+$0x500]  }
0x97: {  	v13 =	vld [tilespmem:s16+$0x510]  }
.Ltmp2:
0x98: {  	v10 =	vld [tilespmem:s16+$0x520];
	(pc) =	sbr.rel @p0 .LBB2_3-.Ltmp2, $4  }
0x99: {  	v9 =	vld [tilespmem:s16+$0x530]  }
0x9a: {  	v8 =	vld [tilespmem:s16+$0x540]  }
0x9b: {  	v12 =	vadd.f32 v12, v6;
	v7 =	vld [tilespmem:s16+$0x550]  }
0x9c: {  	s11 =	sadd.s32 $0x200, s11;
	v11 =	vadd.f32 v11, v13;
	v6 =	vld [tilespmem:s16+$0x560]  }
0x9d: {  	[tilespmem:s16+$0x500] =	vst v12;
	v5 =	vadd.f32 v5, v10;
	v10 =	vld [tilespmem:s16+$0x570]  }
0x9e: {  	[tilespmem:s16+$0x510] =	vst v11;
	v4 =	vadd.f32 v4, v9  }
0x9f: {  	[tilespmem:s16+$0x520] =	vst v5;
	v3 =	vadd.f32 v3, v8  }
0xa0: {  	s11 =	smul.u32 $0x190, s6;
	[tilespmem:s16+$0x530] =	vst v4;
	v2 =	vadd.f32 v2, v7  }
0xa1: {  	[tilespmem:s16+$0x540] =	vst v3;
	v1 =	vadd.f32 v1, v6  }
0xa2: {  	s18 =	sadd.s32 s26, s11;
	[tilespmem:s16+$0x550] =	vst v2;
	v0 =	vadd.f32 v0, v10  }
0xa3: {  	s24 =	simm.s32 $0x500;
	s18 =	sshll.u32 s18, $0x4;
	[tilespmem:s16+$0x560] =	vst v1  }
0xa4: {  	p0 =	seq.s32 s6, $0x18;
	s23 =	sadd.s32 s3, s18;
	[tilespmem:s16+$0x570] =	vst v0;
	s16 =	rddreg [dreg:$0x11]  }
0xa5: {  	[hbm4b:s23+s4] =	stream.linear.scatter [tilespmem:s24], [sflag:$0xB], $0x2800, $0x38;
	[tilespmem:$0x19500] =	vst v63  }
0xa6: {  	s16 =	sadd.s32 @!p0 s11, s16  }
0xa7: {  	s16 =	sshrl.u32 @!p0 s16, $0x3  }
0xa8: {  	s23 =	simm.s32 @!p0 $0x0;
	s18 =	sadd.s32 @!p0 s7, s16  }
0xa9: {  	[tilespmem:s23], [sflag:$0x10] =	stream.linear.gather @!p0 [hbm4b:s18+s23], $0x50, $0x38;
	[tilespmem:$0x19500] =	vst v63  }
0xaa: {  	s16 =	sadd.s32 @!p0 s8, s16;
	s18 =	simm.s32 @!p0 $0x280  }
0xab: {  	[tilespmem:s18], [sflag:$0x15] =	stream.linear.gather @!p0 [hbm4b:s16+s23], $0x50, $0x38;
	[tilespmem:$0x19500] =	vst v63  }
0xac: {  	s16 =	simm.s32 @!p0 $0xB  }
0xad: {  	_ =	swait.ge @!p0 [sflag:s16], $0x2800  }
0xae: {  	[sflag:s16] =	ssyncset.done @!p0 $0x0  }
0xaf: {  	[sflag:s16] =	ssyncadd.s32 @!p0 $0xFFFFD800;
	s16 =	simm.s32 @!p0 $0x10  }
0xb0: {  	_ =	swait.ge @!p0 [sflag:s16], $0x50  }
0xb1: {  	[sflag:s16] =	ssyncset.done @!p0 $0x0  }
0xb2: {  	[sflag:s16] =	ssyncadd.s32 @!p0 $0xFFFFFFB0;
	s16 =	simm.s32 @!p0 $0x15  }
0xb3: {  	_ =	swait.ge @!p0 [sflag:s16], $0x50  }
0xb4: {  	[sflag:s16] =	ssyncset.done @!p0 $0x0  }
0xb5: {  	s24 =	simm.s32 @!p0 $0x500;
	[sflag:s16] =	ssyncadd.s32 @!p0 $0xFFFFFFB0;
	s16 =	simm.s32 @!p0 $0x50  }
0xb6: {  	[tilespmem:s24], [sflag:$0x1] =	stream.indirect.gather @!p0 [hbm4b:s1+s16], $0x80, s23, s16, $0xb8;
	[tilespmem:$0x19500] =	vst v63  }
0xb7: {  	s23 =	simm.s32 @!p0 $0xCD00  }
0xb8: {  	[tilespmem:s23], [sflag:$0x6] =	stream.indirect.gather @!p0 [hbm4b:s5+s16], $0x80, s18, s16, $0xb8;
	[tilespmem:$0x19500] =	vst v63  }
0xb9: {  	_ =	swait.ge [sflag:s12], $0x2800  }
0xba: {  	[sflag:s12] =	ssyncset.done $0x0  }
0xbb: {  	[sflag:s12] =	ssyncadd.s32 $0xFFFFD800  }
0xbc: {  	_ =	swait.ge [sflag:s13], $0x2800  }
0xbd: {  	[sflag:s13] =	ssyncset.done $0x0  }
0xbe: {  	s16 =	simm.s32 $0x0;
	[sflag:s13] =	ssyncadd.s32 $0xFFFFD800  }
0xbf: {  	v7 =	vld [tilespmem:s16+$0xF500]  }
0xc0: {  	v11 =	vld [tilespmem:s16+$0xF510]  }
0xc1: {  	v5 =	vld [tilespmem:s16+$0xF520]  }
0xc2: {  	v4 =	vld [tilespmem:s16+$0xF530]  }
0xc3: {  	v3 =	vld [tilespmem:s16+$0xF540]  }
0xc4: {  	v2 =	vld [tilespmem:s16+$0xF550]  }
0xc5: {  	v1 =	vld [tilespmem:s16+$0xF560]  }
0xc6: {  	v0 =	vld [tilespmem:s16+$0xF570]  }
0xc7: {  	v12 =	vld [tilespmem:s16+$0x2D00]  }
0xc8: {  	v13 =	vld [tilespmem:s16+$0x2D10]  }
0xc9: {  	v10 =	vld [tilespmem:s16+$0x2D20]  }
0xca: {  	v9 =	vld [tilespmem:s16+$0x2D30]  }
0xcb: {  	v8 =	vld [tilespmem:s16+$0x2D40]  }
0xcc: {  	v6 =	vld [tilespmem:s16+$0x2D50];
	v12 =	vadd.f32 v7, v12  }
0xcd: {  	s18 =	simm.s32 $0x200;
	v11 =	vadd.f32 v11, v13;
	v7 =	vld [tilespmem:s16+$0x2D60]  }
.LBB2_5:
0xce: {  	s23 =	sshra.s32 s18, $0x2;
	p1 =	sne.s32 s18, $0x9E00;
	[tilespmem:s16+$0x2D00] =	vst v12;
	v5 =	vadd.f32 v5, v10;
	v10 =	vld [tilespmem:s16+$0x2D70]  }
0xcf: {  	v12 =	vld [tilespmem:s23+$0xF500];
	[tilespmem:s16+$0x2D10] =	vst v11;
	v4 =	vadd.f32 v4, v9  }
0xd0: {  	v11 =	vld [tilespmem:s23+$0xF510];
	[tilespmem:s16+$0x2D20] =	vst v5;
	v3 =	vadd.f32 v3, v8  }
0xd1: {  	v5 =	vld [tilespmem:s23+$0xF520];
	[tilespmem:s16+$0x2D30] =	vst v4;
	v2 =	vadd.f32 v2, v6  }
0xd2: {  	v4 =	vld [tilespmem:s23+$0xF530];
	[tilespmem:s16+$0x2D40] =	vst v3;
	v1 =	vadd.f32 v1, v7  }
0xd3: {  	v3 =	vld [tilespmem:s23+$0xF540];
	[tilespmem:s16+$0x2D50] =	vst v2;
	v0 =	vadd.f32 v0, v10  }
0xd4: {  	v2 =	vld [tilespmem:s23+$0xF550];
	[tilespmem:s16+$0x2D60] =	vst v1  }
0xd5: {  	v1 =	vld [tilespmem:s23+$0xF560];
	[tilespmem:s16+$0x2D70] =	vst v0;
	s16 =	smov.u32 s23  }
0xd6: {  	v0 =	vld [tilespmem:s16+$0xF570]  }
0xd7: {  	v6 =	vld [tilespmem:s16+$0x2D00]  }
0xd8: {  	v7 =	vld [tilespmem:s16+$0x2D10]  }
.Ltmp3:
0xd9: {  	v10 =	vld [tilespmem:s16+$0x2D20];
	(pc) =	sbr.rel @p1 .LBB2_5-.Ltmp3, $4  }
0xda: {  	v9 =	vld [tilespmem:s16+$0x2D30]  }
0xdb: {  	v8 =	vld [tilespmem:s16+$0x2D40]  }
0xdc: {  	v12 =	vadd.f32 v12, v6;
	v6 =	vld [tilespmem:s16+$0x2D50]  }
0xdd: {  	s18 =	sadd.s32 $0x200, s18;
	v11 =	vadd.f32 v11, v7;
	v7 =	vld [tilespmem:s16+$0x2D60]  }
0xde: {  	[tilespmem:s16+$0x2D00] =	vst v12;
	v5 =	vadd.f32 v5, v10;
	v10 =	vld [tilespmem:s16+$0x2D70]  }
0xdf: {  	[tilespmem:s16+$0x2D10] =	vst v11;
	v4 =	vadd.f32 v4, v9  }
0xe0: {  	[tilespmem:s16+$0x2D20] =	vst v5;
	v3 =	vadd.f32 v3, v8  }
0xe1: {  	[tilespmem:s16+$0x2D30] =	vst v4;
	v2 =	vadd.f32 v2, v6  }
0xe2: {  	s18 =	rddreg [dreg:$0x4];
	[tilespmem:s16+$0x2D40] =	vst v3;
	v1 =	vadd.f32 v1, v7  }
0xe3: {  	s18 =	sadd.s32 s11, s18;
	[tilespmem:s16+$0x2D50] =	vst v2;
	v0 =	vadd.f32 v0, v10  }
0xe4: {  	s18 =	sshll.u32 s18, $0x4;
	[tilespmem:s16+$0x2D60] =	vst v1  }
0xe5: {  	s24 =	simm.s32 $0x2D00;
	s23 =	sadd.s32 s3, s18;
	[tilespmem:s16+$0x2D70] =	vst v0;
	s16 =	rddreg [dreg:$0x12]  }
0xe6: {  	[hbm4b:s23+s4] =	stream.linear.scatter [tilespmem:s24], [sflag:$0xC], $0x2800, $0x38;
	[tilespmem:$0x19500] =	vst v63  }
0xe7: {  	s16 =	sadd.s32 @!p0 s11, s16  }
0xe8: {  	s16 =	sshrl.u32 @!p0 s16, $0x3  }
0xe9: {  	s23 =	simm.s32 @!p0 $0x0;
	s24 =	simm.s32 @!p0 $0x80;
	s18 =	sadd.s32 @!p0 s7, s16  }
0xea: {  	[tilespmem:s24], [sflag:$0x11] =	stream.linear.gather @!p0 [hbm4b:s18+s23], $0x50, $0x38;
	[tilespmem:$0x19500] =	vst v63  }
0xeb: {  	s16 =	sadd.s32 @!p0 s8, s16;
	s18 =	simm.s32 @!p0 $0x300  }
0xec: {  	[tilespmem:s18], [sflag:$0x16] =	stream.linear.gather @!p0 [hbm4b:s16+s23], $0x50, $0x38;
	[tilespmem:$0x19500] =	vst v63  }
0xed: {  	s16 =	simm.s32 @!p0 $0xC  }
0xee: {  	_ =	swait.ge @!p0 [sflag:s16], $0x2800  }
0xef: {  	[sflag:s16] =	ssyncset.done @!p0 $0x0  }
0xf0: {  	[sflag:s16] =	ssyncadd.s32 @!p0 $0xFFFFD800;
	s16 =	simm.s32 @!p0 $0x11  }
0xf1: {  	_ =	swait.ge @!p0 [sflag:s16], $0x50  }
0xf2: {  	[sflag:s16] =	ssyncset.done @!p0 $0x0  }
0xf3: {  	[sflag:s16] =	ssyncadd.s32 @!p0 $0xFFFFFFB0;
	s16 =	simm.s32 @!p0 $0x16  }
0xf4: {  	_ =	swait.ge @!p0 [sflag:s16], $0x50  }
0xf5: {  	[sflag:s16] =	ssyncset.done @!p0 $0x0  }
0xf6: {  	s23 =	simm.s32 @!p0 $0x2D00;
	[sflag:s16] =	ssyncadd.s32 @!p0 $0xFFFFFFB0;
	s16 =	simm.s32 @!p0 $0x50  }
0xf7: {  	[tilespmem:s23], [sflag:$0x2] =	stream.indirect.gather @!p0 [hbm4b:s1+s16], $0x80, s24, s16, $0xb8;
	[tilespmem:$0x19500] =	vst v63  }
0xf8: {  	s23 =	simm.s32 @!p0 $0xF500  }
0xf9: {  	[tilespmem:s23], [sflag:$0x7] =	stream.indirect.gather @!p0 [hbm4b:s5+s16], $0x80, s18, s16, $0xb8;
	[tilespmem:$0x19500] =	vst v63  }
0xfa: {  	_ =	swait.ge [sflag:s0], $0x2800  }
0xfb: {  	[sflag:s0] =	ssyncset.done $0x0  }
0xfc: {  	[sflag:s0] =	ssyncadd.s32 $0xFFFFD800  }
0xfd: {  	_ =	swait.ge [sflag:s31], $0x2800  }
0xfe: {  	[sflag:s31] =	ssyncset.done $0x0  }
0xff: {  	s16 =	simm.s32 $0x0;
	[sflag:s31] =	ssyncadd.s32 $0xFFFFD800  }
0x100: {  	v7 =	vld [tilespmem:s16+$0x11D00]  }
0x101: {  	v11 =	vld [tilespmem:s16+$0x11D10]  }
0x102: {  	v5 =	vld [tilespmem:s16+$0x11D20]  }
0x103: {  	v4 =	vld [tilespmem:s16+$0x11D30]  }
0x104: {  	v3 =	vld [tilespmem:s16+$0x11D40]  }
0x105: {  	v2 =	vld [tilespmem:s16+$0x11D50]  }
0x106: {  	v1 =	vld [tilespmem:s16+$0x11D60]  }
0x107: {  	v0 =	vld [tilespmem:s16+$0x11D70]  }
0x108: {  	v12 =	vld [tilespmem:s16+$0x5500]  }
0x109: {  	v13 =	vld [tilespmem:s16+$0x5510]  }
0x10a: {  	v10 =	vld [tilespmem:s16+$0x5520]  }
0x10b: {  	v9 =	vld [tilespmem:s16+$0x5530]  }
0x10c: {  	v8 =	vld [tilespmem:s16+$0x5540]  }
0x10d: {  	v6 =	vld [tilespmem:s16+$0x5550];
	v12 =	vadd.f32 v7, v12  }
0x10e: {  	s18 =	simm.s32 $0x200;
	v11 =	vadd.f32 v11, v13;
	v7 =	vld [tilespmem:s16+$0x5560]  }
.LBB2_7:
0x10f: {  	s23 =	sshra.s32 s18, $0x2;
	p1 =	sne.s32 s18, $0x9E00;
	[tilespmem:s16+$0x5500] =	vst v12;
	v5 =	vadd.f32 v5, v10;
	v10 =	vld [tilespmem:s16+$0x5570]  }
0x110: {  	v12 =	vld [tilespmem:s23+$0x11D00];
	[tilespmem:s16+$0x5510] =	vst v11;
	v4 =	vadd.f32 v4, v9  }
0x111: {  	v11 =	vld [tilespmem:s23+$0x11D10];
	[tilespmem:s16+$0x5520] =	vst v5;
	v3 =	vadd.f32 v3, v8  }
0x112: {  	v5 =	vld [tilespmem:s23+$0x11D20];
	[tilespmem:s16+$0x5530] =	vst v4;
	v2 =	vadd.f32 v2, v6  }
0x113: {  	v4 =	vld [tilespmem:s23+$0x11D30];
	[tilespmem:s16+$0x5540] =	vst v3;
	v1 =	vadd.f32 v1, v7  }
0x114: {  	v3 =	vld [tilespmem:s23+$0x11D40];
	[tilespmem:s16+$0x5550] =	vst v2;
	v0 =	vadd.f32 v0, v10  }
0x115: {  	v2 =	vld [tilespmem:s23+$0x11D50];
	[tilespmem:s16+$0x5560] =	vst v1  }
0x116: {  	v1 =	vld [tilespmem:s23+$0x11D60];
	[tilespmem:s16+$0x5570] =	vst v0;
	s16 =	smov.u32 s23  }
0x117: {  	v0 =	vld [tilespmem:s16+$0x11D70]  }
0x118: {  	v6 =	vld [tilespmem:s16+$0x5500]  }
0x119: {  	v7 =	vld [tilespmem:s16+$0x5510]  }
.Ltmp4:
0x11a: {  	v10 =	vld [tilespmem:s16+$0x5520];
	(pc) =	sbr.rel @p1 .LBB2_7-.Ltmp4, $4  }
0x11b: {  	v9 =	vld [tilespmem:s16+$0x5530]  }
0x11c: {  	v8 =	vld [tilespmem:s16+$0x5540]  }
0x11d: {  	v12 =	vadd.f32 v12, v6;
	v6 =	vld [tilespmem:s16+$0x5550]  }
0x11e: {  	s18 =	sadd.s32 $0x200, s18;
	v11 =	vadd.f32 v11, v7;
	v7 =	vld [tilespmem:s16+$0x5560]  }
0x11f: {  	[tilespmem:s16+$0x5500] =	vst v12;
	v5 =	vadd.f32 v5, v10;
	v10 =	vld [tilespmem:s16+$0x5570]  }
0x120: {  	[tilespmem:s16+$0x5510] =	vst v11;
	v4 =	vadd.f32 v4, v9  }
0x121: {  	[tilespmem:s16+$0x5520] =	vst v5;
	v3 =	vadd.f32 v3, v8  }
0x122: {  	[tilespmem:s16+$0x5530] =	vst v4;
	v2 =	vadd.f32 v2, v6  }
0x123: {  	s18 =	rddreg [dreg:$0x6];
	[tilespmem:s16+$0x5540] =	vst v3;
	v1 =	vadd.f32 v1, v7  }
0x124: {  	s18 =	sadd.s32 s11, s18;
	[tilespmem:s16+$0x5550] =	vst v2;
	v0 =	vadd.f32 v0, v10  }
0x125: {  	s18 =	sshll.u32 s18, $0x4;
	[tilespmem:s16+$0x5560] =	vst v1  }
0x126: {  	s24 =	simm.s32 $0x5500;
	s23 =	sadd.s32 s3, s18;
	[tilespmem:s16+$0x5570] =	vst v0;
	s16 =	rddreg [dreg:$0x14]  }
0x127: {  	[hbm4b:s23+s4] =	stream.linear.scatter [tilespmem:s24], [sflag:$0xD], $0x2800, $0x38;
	[tilespmem:$0x19500] =	vst v63  }
0x128: {  	s16 =	sadd.s32 @!p0 s11, s16  }
0x129: {  	s16 =	sshrl.u32 @!p0 s16, $0x3  }
0x12a: {  	s23 =	simm.s32 @!p0 $0x0;
	s24 =	simm.s32 @!p0 $0x100;
	s18 =	sadd.s32 @!p0 s7, s16  }
0x12b: {  	[tilespmem:s24], [sflag:$0x12] =	stream.linear.gather @!p0 [hbm4b:s18+s23], $0x50, $0x38;
	[tilespmem:$0x19500] =	vst v63  }
0x12c: {  	s16 =	sadd.s32 @!p0 s8, s16;
	s18 =	simm.s32 @!p0 $0x380  }
0x12d: {  	[tilespmem:s18], [sflag:$0x17] =	stream.linear.gather @!p0 [hbm4b:s16+s23], $0x50, $0x38;
	[tilespmem:$0x19500] =	vst v63  }
0x12e: {  	s16 =	simm.s32 @!p0 $0xD  }
0x12f: {  	_ =	swait.ge @!p0 [sflag:s16], $0x2800  }
0x130: {  	[sflag:s16] =	ssyncset.done @!p0 $0x0  }
0x131: {  	[sflag:s16] =	ssyncadd.s32 @!p0 $0xFFFFD800;
	s16 =	simm.s32 @!p0 $0x12  }
0x132: {  	_ =	swait.ge @!p0 [sflag:s16], $0x50  }
0x133: {  	[sflag:s16] =	ssyncset.done @!p0 $0x0  }
0x134: {  	[sflag:s16] =	ssyncadd.s32 @!p0 $0xFFFFFFB0;
	s16 =	simm.s32 @!p0 $0x17  }
0x135: {  	_ =	swait.ge @!p0 [sflag:s16], $0x50  }
0x136: {  	[sflag:s16] =	ssyncset.done @!p0 $0x0  }
0x137: {  	s23 =	simm.s32 @!p0 $0x5500;
	[sflag:s16] =	ssyncadd.s32 @!p0 $0xFFFFFFB0;
	s16 =	simm.s32 @!p0 $0x50  }
0x138: {  	[tilespmem:s23], [sflag:$0x3] =	stream.indirect.gather @!p0 [hbm4b:s1+s16], $0x80, s24, s16, $0xb8;
	[tilespmem:$0x19500] =	vst v63  }
0x139: {  	s23 =	simm.s32 @!p0 $0x11D00  }
0x13a: {  	[tilespmem:s23], [sflag:$0x8] =	stream.indirect.gather @!p0 [hbm4b:s5+s16], $0x80, s18, s16, $0xb8;
	[tilespmem:$0x19500] =	vst v63  }
0x13b: {  	_ =	swait.ge [sflag:s2], $0x2800  }
0x13c: {  	[sflag:s2] =	ssyncset.done $0x0  }
0x13d: {  	[sflag:s2] =	ssyncadd.s32 $0xFFFFD800  }
0x13e: {  	_ =	swait.ge [sflag:s22], $0x2800  }
0x13f: {  	[sflag:s22] =	ssyncset.done $0x0  }
0x140: {  	s16 =	simm.s32 $0x0;
	[sflag:s22] =	ssyncadd.s32 $0xFFFFD800  }
0x141: {  	v7 =	vld [tilespmem:s16+$0x14500]  }
0x142: {  	v11 =	vld [tilespmem:s16+$0x14510]  }
0x143: {  	v5 =	vld [tilespmem:s16+$0x14520]  }
0x144: {  	v4 =	vld [tilespmem:s16+$0x14530]  }
0x145: {  	v3 =	vld [tilespmem:s16+$0x14540]  }
0x146: {  	v2 =	vld [tilespmem:s16+$0x14550]  }
0x147: {  	v1 =	vld [tilespmem:s16+$0x14560]  }
0x148: {  	v0 =	vld [tilespmem:s16+$0x14570]  }
0x149: {  	v12 =	vld [tilespmem:s16+$0x7D00]  }
0x14a: {  	v13 =	vld [tilespmem:s16+$0x7D10]  }
0x14b: {  	v10 =	vld [tilespmem:s16+$0x7D20]  }
0x14c: {  	v9 =	vld [tilespmem:s16+$0x7D30]  }
0x14d: {  	v8 =	vld [tilespmem:s16+$0x7D40]  }
0x14e: {  	v6 =	vld [tilespmem:s16+$0x7D50];
	v12 =	vadd.f32 v7, v12  }
0x14f: {  	s18 =	simm.s32 $0x200;
	v11 =	vadd.f32 v11, v13;
	v7 =	vld [tilespmem:s16+$0x7D60]  }
.LBB2_9:
0x150: {  	s23 =	sshra.s32 s18, $0x2;
	p1 =	sne.s32 s18, $0x9E00;
	[tilespmem:s16+$0x7D00] =	vst v12;
	v5 =	vadd.f32 v5, v10;
	v10 =	vld [tilespmem:s16+$0x7D70]  }
0x151: {  	v12 =	vld [tilespmem:s23+$0x14500];
	[tilespmem:s16+$0x7D10] =	vst v11;
	v4 =	vadd.f32 v4, v9  }
0x152: {  	v11 =	vld [tilespmem:s23+$0x14510];
	[tilespmem:s16+$0x7D20] =	vst v5;
	v3 =	vadd.f32 v3, v8  }
0x153: {  	v5 =	vld [tilespmem:s23+$0x14520];
	[tilespmem:s16+$0x7D30] =	vst v4;
	v2 =	vadd.f32 v2, v6  }
0x154: {  	v4 =	vld [tilespmem:s23+$0x14530];
	[tilespmem:s16+$0x7D40] =	vst v3;
	v1 =	vadd.f32 v1, v7  }
0x155: {  	v3 =	vld [tilespmem:s23+$0x14540];
	[tilespmem:s16+$0x7D50] =	vst v2;
	v0 =	vadd.f32 v0, v10  }
0x156: {  	v2 =	vld [tilespmem:s23+$0x14550];
	[tilespmem:s16+$0x7D60] =	vst v1  }
0x157: {  	v1 =	vld [tilespmem:s23+$0x14560];
	[tilespmem:s16+$0x7D70] =	vst v0;
	s16 =	smov.u32 s23  }
0x158: {  	v0 =	vld [tilespmem:s16+$0x14570]  }
0x159: {  	v6 =	vld [tilespmem:s16+$0x7D00]  }
0x15a: {  	v7 =	vld [tilespmem:s16+$0x7D10]  }
.Ltmp5:
0x15b: {  	v10 =	vld [tilespmem:s16+$0x7D20];
	(pc) =	sbr.rel @p1 .LBB2_9-.Ltmp5, $4  }
0x15c: {  	v9 =	vld [tilespmem:s16+$0x7D30]  }
0x15d: {  	v8 =	vld [tilespmem:s16+$0x7D40]  }
0x15e: {  	v12 =	vadd.f32 v12, v6;
	v6 =	vld [tilespmem:s16+$0x7D50]  }
0x15f: {  	s18 =	sadd.s32 $0x200, s18;
	v11 =	vadd.f32 v11, v7;
	v7 =	vld [tilespmem:s16+$0x7D60]  }
0x160: {  	[tilespmem:s16+$0x7D00] =	vst v12;
	v5 =	vadd.f32 v5, v10;
	v10 =	vld [tilespmem:s16+$0x7D70]  }
0x161: {  	[tilespmem:s16+$0x7D10] =	vst v11;
	v4 =	vadd.f32 v4, v9  }
0x162: {  	[tilespmem:s16+$0x7D20] =	vst v5;
	v3 =	vadd.f32 v3, v8  }
0x163: {  	[tilespmem:s16+$0x7D30] =	vst v4;
	v2 =	vadd.f32 v2, v6  }
0x164: {  	s18 =	rddreg [dreg:$0xb];
	[tilespmem:s16+$0x7D40] =	vst v3;
	v1 =	vadd.f32 v1, v7  }
0x165: {  	s18 =	sadd.s32 s11, s18;
	[tilespmem:s16+$0x7D50] =	vst v2;
	v0 =	vadd.f32 v0, v10  }
0x166: {  	s18 =	sshll.u32 s18, $0x4;
	[tilespmem:s16+$0x7D60] =	vst v1  }
0x167: {  	s24 =	simm.s32 $0x7D00;
	s23 =	sadd.s32 s3, s18;
	[tilespmem:s16+$0x7D70] =	vst v0;
	s16 =	rddreg [dreg:$0x15]  }
0x168: {  	[hbm4b:s23+s4] =	stream.linear.scatter [tilespmem:s24], [sflag:$0xE], $0x2800, $0x38;
	[tilespmem:$0x19500] =	vst v63  }
0x169: {  	s16 =	sadd.s32 @!p0 s11, s16  }
0x16a: {  	s16 =	sshrl.u32 @!p0 s16, $0x3  }
0x16b: {  	s23 =	simm.s32 @!p0 $0x0;
	s24 =	simm.s32 @!p0 $0x180;
	s18 =	sadd.s32 @!p0 s7, s16  }
0x16c: {  	[tilespmem:s24], [sflag:$0x13] =	stream.linear.gather @!p0 [hbm4b:s18+s23], $0x50, $0x38;
	[tilespmem:$0x19500] =	vst v63  }
0x16d: {  	s16 =	sadd.s32 @!p0 s8, s16;
	s18 =	simm.s32 @!p0 $0x400  }
0x16e: {  	[tilespmem:s18], [sflag:$0x18] =	stream.linear.gather @!p0 [hbm4b:s16+s23], $0x50, $0x38;
	[tilespmem:$0x19500] =	vst v63  }
0x16f: {  	s16 =	simm.s32 @!p0 $0xE  }
0x170: {  	_ =	swait.ge @!p0 [sflag:s16], $0x2800  }
0x171: {  	[sflag:s16] =	ssyncset.done @!p0 $0x0  }
0x172: {  	[sflag:s16] =	ssyncadd.s32 @!p0 $0xFFFFD800;
	s16 =	simm.s32 @!p0 $0x13  }
0x173: {  	_ =	swait.ge @!p0 [sflag:s16], $0x50  }
0x174: {  	[sflag:s16] =	ssyncset.done @!p0 $0x0  }
0x175: {  	[sflag:s16] =	ssyncadd.s32 @!p0 $0xFFFFFFB0;
	s16 =	simm.s32 @!p0 $0x18  }
0x176: {  	_ =	swait.ge @!p0 [sflag:s16], $0x50  }
0x177: {  	[sflag:s16] =	ssyncset.done @!p0 $0x0  }
0x178: {  	s23 =	simm.s32 @!p0 $0x7D00;
	[sflag:s16] =	ssyncadd.s32 @!p0 $0xFFFFFFB0;
	s16 =	simm.s32 @!p0 $0x50  }
0x179: {  	[tilespmem:s23], [sflag:$0x4] =	stream.indirect.gather @!p0 [hbm4b:s1+s16], $0x80, s24, s16, $0xb8;
	[tilespmem:$0x19500] =	vst v63  }
0x17a: {  	s23 =	simm.s32 @!p0 $0x14500  }
0x17b: {  	[tilespmem:s23], [sflag:$0x9] =	stream.indirect.gather @!p0 [hbm4b:s5+s16], $0x80, s18, s16, $0xb8;
	[tilespmem:$0x19500] =	vst v63  }
0x17c: {  	_ =	swait.ge [sflag:s25], $0x2800  }
0x17d: {  	[sflag:s25] =	ssyncset.done $0x0  }
0x17e: {  	[sflag:s25] =	ssyncadd.s32 $0xFFFFD800  }
0x17f: {  	_ =	swait.ge [sflag:s29], $0x2800  }
0x180: {  	[sflag:s29] =	ssyncset.done $0x0  }
0x181: {  	s16 =	simm.s32 $0x0;
	[sflag:s29] =	ssyncadd.s32 $0xFFFFD800  }
0x182: {  	v7 =	vld [tilespmem:s16+$0x16D00]  }
0x183: {  	v11 =	vld [tilespmem:s16+$0x16D10]  }
0x184: {  	v5 =	vld [tilespmem:s16+$0x16D20]  }
0x185: {  	v4 =	vld [tilespmem:s16+$0x16D30]  }
0x186: {  	v3 =	vld [tilespmem:s16+$0x16D40]  }
0x187: {  	v2 =	vld [tilespmem:s16+$0x16D50]  }
0x188: {  	v1 =	vld [tilespmem:s16+$0x16D60]  }
0x189: {  	v0 =	vld [tilespmem:s16+$0x16D70]  }
0x18a: {  	v12 =	vld [tilespmem:s16+$0xA500]  }
0x18b: {  	v13 =	vld [tilespmem:s16+$0xA510]  }
0x18c: {  	v10 =	vld [tilespmem:s16+$0xA520]  }
0x18d: {  	v9 =	vld [tilespmem:s16+$0xA530]  }
0x18e: {  	v8 =	vld [tilespmem:s16+$0xA540]  }
0x18f: {  	v6 =	vld [tilespmem:s16+$0xA550];
	v12 =	vadd.f32 v7, v12  }
0x190: {  	s18 =	simm.s32 $0x200;
	v11 =	vadd.f32 v11, v13;
	v7 =	vld [tilespmem:s16+$0xA560]  }
.LBB2_11:
0x191: {  	s23 =	sshra.s32 s18, $0x2;
	p1 =	sne.s32 s18, $0x9E00;
	[tilespmem:s16+$0xA500] =	vst v12;
	v5 =	vadd.f32 v5, v10;
	v10 =	vld [tilespmem:s16+$0xA570]  }
0x192: {  	v12 =	vld [tilespmem:s23+$0x16D00];
	[tilespmem:s16+$0xA510] =	vst v11;
	v4 =	vadd.f32 v4, v9  }
0x193: {  	v11 =	vld [tilespmem:s23+$0x16D10];
	[tilespmem:s16+$0xA520] =	vst v5;
	v3 =	vadd.f32 v3, v8  }
0x194: {  	v5 =	vld [tilespmem:s23+$0x16D20];
	[tilespmem:s16+$0xA530] =	vst v4;
	v2 =	vadd.f32 v2, v6  }
0x195: {  	v4 =	vld [tilespmem:s23+$0x16D30];
	[tilespmem:s16+$0xA540] =	vst v3;
	v1 =	vadd.f32 v1, v7  }
0x196: {  	v3 =	vld [tilespmem:s23+$0x16D40];
	[tilespmem:s16+$0xA550] =	vst v2;
	v0 =	vadd.f32 v0, v10  }
0x197: {  	v2 =	vld [tilespmem:s23+$0x16D50];
	[tilespmem:s16+$0xA560] =	vst v1  }
0x198: {  	v1 =	vld [tilespmem:s23+$0x16D60];
	[tilespmem:s16+$0xA570] =	vst v0;
	s16 =	smov.u32 s23  }
0x199: {  	v0 =	vld [tilespmem:s16+$0x16D70]  }
0x19a: {  	v6 =	vld [tilespmem:s16+$0xA500]  }
0x19b: {  	v7 =	vld [tilespmem:s16+$0xA510]  }
.Ltmp6:
0x19c: {  	v10 =	vld [tilespmem:s16+$0xA520];
	(pc) =	sbr.rel @p1 .LBB2_11-.Ltmp6, $4  }
0x19d: {  	v9 =	vld [tilespmem:s16+$0xA530]  }
0x19e: {  	v8 =	vld [tilespmem:s16+$0xA540]  }
0x19f: {  	v12 =	vadd.f32 v12, v6;
	v6 =	vld [tilespmem:s16+$0xA550]  }
0x1a0: {  	s18 =	sadd.s32 $0x200, s18;
	v11 =	vadd.f32 v11, v7;
	v7 =	vld [tilespmem:s16+$0xA560]  }
0x1a1: {  	[tilespmem:s16+$0xA500] =	vst v12;
	v5 =	vadd.f32 v5, v10;
	v63 =	vld [tilespmem:s16+$0xA570]  }
0x1a2: {  	[tilespmem:s16+$0xA510] =	vst v11;
	v4 =	vadd.f32 v4, v9  }
0x1a3: {  	[tilespmem:s16+$0xA520] =	vst v5;
	v3 =	vadd.f32 v3, v8  }
0x1a4: {  	[tilespmem:s16+$0xA530] =	vst v4;
	v2 =	vadd.f32 v2, v6  }
.Ltmp7:
0x1a5: {  	[tilespmem:s16+$0xA540] =	vst v3;
	v1 =	vadd.f32 v1, v7;
	(pc) =	sbr.rel @p0 .LBB2_14-.Ltmp7, $4  }
0x1a6: {  	s18 =	sadd.s32 s11, s28;
	[tilespmem:s16+$0xA550] =	vst v2;
	v0 =	vadd.f32 v0, v63  }
0x1a7: {  	s18 =	sshll.u32 s18, $0x4;
	[tilespmem:s16+$0xA560] =	vst v1  }
0x1a8: {  	s24 =	sadd.s32 s3, s18;
	[tilespmem:s16+$0xA570] =	vst v0  }
0x1a9: {  	[hbm4b:s24+s4] =	stream.linear.scatter [tilespmem:s20], [sflag:$0xF], $0x2800, $0x38;
	[tilespmem:$0x19500] =	vst v63  }
0x1aa: {  	s16 =	rddreg [dreg:$0x16]  }
0x1ab: {  	s11 =	sadd.s32 s11, s16  }
0x1ac: {  	s11 =	sshrl.u32 s11, $0x3  }
0x1ad: {  	s23 =	sadd.s32 s7, s11  }
0x1ae: {  	[tilespmem:s14], [sflag:$0x14] =	stream.linear.gather [hbm4b:s23+s4], $0x50, $0x38;
	[tilespmem:$0x19500] =	vst v63  }
0x1af: {  	s11 =	sadd.s32 s8, s11  }
0x1b0: {  	[tilespmem:s15], [sflag:$0x19] =	stream.linear.gather [hbm4b:s11+s4], $0x50, $0x38;
	[tilespmem:$0x19500] =	vst v63  }
0x1b1: {  	_ =	swait.ge [sflag:s9], $0x2800  }
0x1b2: {  	[sflag:s9] =	ssyncset.done $0x0  }
0x1b3: {  	[sflag:s9] =	ssyncadd.s32 $0xFFFFD800  }
0x1b4: {  	_ =	swait.ge [sflag:s17], $0x50  }
0x1b5: {  	[sflag:s17] =	ssyncset.done $0x0  }
0x1b6: {  	[sflag:s17] =	ssyncadd.s32 $0xFFFFFFB0  }
0x1b7: {  	_ =	swait.ge [sflag:s30], $0x50  }
.Ltmp8:
0x1b8: {  	[sflag:s30] =	ssyncset.done $0x0;
	(pc) =	sbr.rel .LBB2_2-.Ltmp8, $4  }
0x1b9: {  	[sflag:s30] =	ssyncadd.s32 $0xFFFFFFB0  }
0x1ba: {  	[tilespmem:s20], [sflag:$0x5] =	stream.indirect.gather [hbm4b:s1+s19], $0x80, s14, s19, $0xb8;
	[tilespmem:$0x19500] =	vst v63  }
0x1bb: {  	s24 =	simm.s32 $0x16D00;
	s6 =	sadd.s32 $0x1, s6  }
0x1bc: {  	[tilespmem:s24], [sflag:$0xA] =	stream.indirect.gather [hbm4b:s5+s19], $0x80, s15, s19, $0xb8;
	[tilespmem:$0x19500] =	vst v63  }
.LBB2_15:
0x1bd: {  	_ =	sfence.sel $0x180000  }
0x1be: {  	[bflag:$0x0] =	sbarrier.arrive $0xFFFF  }
0x1bf: {  	_ =	strace $0x90000047  }
0x1c0: {  	s0 =	stileid.u32;
	[bflag:$0x2] =	sbarrier.arrive $0xFFFF  }
0x1c1: {  	p0 =	sne.s32 s0, $0x0;
	s0 =	rddreg [dreg:$0x3]  }
0x1c2: {  	s0 =	sadd.s32 @!p0 $0x100000, s0  }
0x1c3: {  	[sflag:s0] =	ssyncadd.tile.s32 @!p0 $0x1;
	_ =	shalt  }
.Lfunc_end2:
_tile_overlayer_lowered:
.L_overlay_start_2:
0x1c4: {  	(tag) =	ssettag $0x2  }
0x1c5: {  	s0 =	rddreg [dreg:$0x0];
	s2 =	stileid.u32  }
0x1c6: {  	s1 =	rddreg [dreg:$0x1];
	p0 =	sne.s32 s2, $0x0  }
0x1c7: {  	s3 =	rddreg [dreg:$0x2];
	[bflag:$0x3] =	sbarrier.arrive $0xFFFF;
	s2 =	simm.s32 @!p0 $0x1C1A  }
0x1c8: {  	[timem:s3], [sflag:s2] =	dma.local @!p0 [hbm:s0], s1  }
0x1c9: {  	s0 =	simm.s32 @!p0 $0x1A  }
0x1ca: {  	_ =	swait.ge @!p0 [sflag:s0], s1  }
0x1cb: {  	s1 =	ssub.s32 @!p0 $0x0, s1;
	[sflag:s0] =	ssyncset.done @!p0 $0x0  }
0x1cc: {  	[sflag:s0] =	ssyncadd.s32 @!p0 s1  }
0x1cd: {  	[bflag:$0x3] =	sbarrier.arrive $0xFFFF  }
0x1ce: {  	_ =	shalt  }

// kernel: kernel.15.cloned.1.call-start
scs
__scs_entry_jumppad:
0x0: {  	(pc) =	sbr.rel $0x88, $3  }
0x1: {  	(tag) =	ssettag $0x0;
	lr =	simm.s32 $0x1  }
0x2: {  	[smem:$0x3F8E] =	sst lr;
	_ =	strace $0xD0000000  }
0x3: {  	_ = 	snop  }
0x4: {  	_ = 	snop  }
0x5: {  	_ = 	snop  }
0x6: {  	_ = 	snop  }
0x7: {  	_ = 	snop  }
__scs_overlays_trampoline_lowered:
0x8: {  	[smem:$0x3F9D] =	sst s0  }
0x9: {  	[smem:$0x3F9E] =	sst s1  }
0xa: {  	[smem:$0x3F9F] =	sst s2  }
0xb: {  	[smem:$0x3FA0] =	sst s3  }
0xc: {  	[smem:$0x3FA1] =	sst s4  }
0xd: {  	[smem:$0x3FA2] =	sst s5  }
0xe: {  	[smem:$0x3FA3] =	sst s6  }
0xf: {  	[smem:$0x3FA4] =	sst s7  }
0x10: {  	[smem:$0x3FA5] =	sst s8  }
0x11: {  	[smem:$0x3FA6] =	sst s9;
	s0 =	simm.s32 @!p0 $0x0  }
0x12: {  	s1 =	sld [smem:$0x3F8C];
	s0 =	simm.s32 @p0 $0x1  }
0x13: {  	[smem:$0x3FA7] =	sst s0;
	s0 =	simm.s32 @!p1 $0x0  }
0x14: {  	s2 =	sld [smem:$0x3F8B];
	s0 =	simm.s32 @p1 $0x1  }
0x15: {  	[smem:$0x3FA8] =	sst s0;
	s0 =	simm.s32 @!p2 $0x0  }
0x16: {  	s3 =	sld [smem:$0x3FDB];
	s0 =	simm.s32 @p2 $0x1  }
0x17: {  	s4 =	simm.s32 $0x1BF5;
	[smem:$0x3FAA] =	sst s0  }
0x18: {  	s0 =	sld [smem:$0x3F8D];
	_ =	swait.ge [sflag:s4], $0x0  }
0x19: {  	s7 =	sld [smem:$0x3F8E]  }
0x1a: {  	s8 =	sadd.s32 $0xFFFFE003, lr  }
0x1b: {  	s9 =	sadd.s32 $0xFFFFFEF7, lr;
	s5 =	simm.s32 $0xFFFFFFFF;
	p2 =	slt.u32 s8, $0xFFFFF086  }
0x1c: {  	p1 =	slt.u32 s9, $0xF7A;
	s5 =	simm.s32 @!p2 $0x0  }
0x1d: {  	s5 =	simm.s32 @p1 $0x1;
	p0 =	seq.s32 s7, s2  }
0x1e: {  	s7 =	smul.u32 @!p0 $0xF7A, s2;
	p2 =	seq.s32 @!p0 s5, $0x0  }
0x1f: {  	s9 =	smul.u32 $0xF7A, s1;
	s8 =	simm.s32 @!p0 $0x1BF5;
	p2 =	por !p2, p0  }
0x20: {  	[sflag:s8] =	ssyncset.s32 @!p0 $0xFFFFF086;
	s6 =	sadd.s32 @!p0 s3, s7;
	s7 =	simm.s32 @!p0 $0x108  }
0x21: {  	s3 =	sadd.s32 s3, s9;
	s6 =	sadd.s32 @!p0 $0x88, s6;
	s7 =	simm.s32 @p2 $0x1082  }
0x22: {  	[simem:s7], [sflag:s8] =	dma.local @!p0 [hbm:s6], $0xF7A  }
0x23: {  	s9 =	sor.u32 $0xD0000000, s2;
	s6 =	simm.s32 $0x108;
	_ =	swait.ge @!p0 [sflag:s8], $0x0  }
0x24: {  	s3 =	sadd.s32 $0x88, s3;
	s6 =	simm.s32 @!p1 $0x1082;
	[sflag:s4] =	ssyncset.s32 $0xFFFFF086  }
0x25: {  	[simem:s6], [sflag:s4] =	dma.local [hbm:s3], $0xF7A  }
0x26: {  	[smem:$0x3F8E] =	sst s1;
	(tag) =	ssettag s2;
	_ =	strace s9  }
0x27: {  	s1 =	sld [smem:$0x3F9E]  }
0x28: {  	s2 =	sld [smem:$0x3F9F]  }
0x29: {  	s4 =	sld [smem:$0x3FA1]  }
0x2a: {  	p0 =	seq.s32 s5, $0x0;
	s5 =	sld [smem:$0x3FA2]  }
0x2b: {  	s6 =	sld [smem:$0x3FA3]  }
0x2c: {  	s7 =	sld [smem:$0x3FA4]  }
0x2d: {  	s3 =	simm.s32 $0x108;
	s8 =	sld [smem:$0x3FA5]  }
0x2e: {  	s3 =	simm.s32 @!p0 $0x1082;
	s9 =	sld [smem:$0x3FA6]  }
0x2f: {  	lr =	sadd.s32 s0, s3;
	s0 =	sld [smem:$0x3F9D]  }
0x30: {  	s3 =	sld [smem:$0x3FA0]  }
0x31: {  	[smem:$0x3FA9] =	sst s10  }
0x32: {  	s10 =	sld [smem:$0x3FA7];
	_ =	sdelay $0x3  }
0x33: {  	p0 =	seq.s32 s10, $0x1;
	s10 =	sld [smem:$0x3FA9];
	_ =	sdelay $0x3  }
0x34: {  	[smem:$0x3FA9] =	sst s10  }
0x35: {  	s10 =	sld [smem:$0x3FA8];
	_ =	sdelay $0x3  }
0x36: {  	p1 =	seq.s32 s10, $0x1;
	s10 =	sld [smem:$0x3FA9];
	_ =	sdelay $0x3  }
0x37: {  	[smem:$0x3FA9] =	sst s10  }
0x38: {  	s10 =	sld [smem:$0x3FAA]  }
0x39: {  	_ = 	snop;
	(pc) =	sbr.ind lr, $3  }
0x3a: {  	_ = 	snop  }
0x3b: {  	_ = 	snop  }
0x3c: {  	p2 =	seq.s32 s10, $0x1;
	s10 =	sld [smem:$0x3FA9]  }
0x3d: {  	_ =	shalt  }
0x3e: {  	_ =	shalt  }
0x3f: {  	_ =	shalt  }
0x40: {  	_ =	shalt  }
0x41: {  	_ =	shalt  }
0x42: {  	_ =	shalt  }
0x43: {  	_ =	shalt  }
0x44: {  	_ =	shalt  }
0x45: {  	_ =	shalt  }
0x46: {  	_ =	shalt  }
0x47: {  	_ =	shalt  }
0x48: {  	_ =	shalt  }
0x49: {  	_ =	shalt  }
0x4a: {  	_ =	shalt  }
0x4b: {  	_ =	shalt  }
0x4c: {  	_ =	shalt  }
0x4d: {  	_ =	shalt  }
0x4e: {  	_ =	shalt  }
0x4f: {  	_ =	shalt  }
0x50: {  	_ =	shalt  }
0x51: {  	_ =	shalt  }
0x52: {  	_ =	shalt  }
0x53: {  	_ =	shalt  }
0x54: {  	_ =	shalt  }
0x55: {  	_ =	shalt  }
0x56: {  	_ =	shalt  }
0x57: {  	_ =	shalt  }
0x58: {  	_ =	shalt  }
0x59: {  	_ =	shalt  }
0x5a: {  	_ =	shalt  }
0x5b: {  	_ =	shalt  }
0x5c: {  	_ =	shalt  }
0x5d: {  	_ =	shalt  }
0x5e: {  	_ =	shalt  }
0x5f: {  	_ =	shalt  }
0x60: {  	_ =	shalt  }
0x61: {  	_ =	shalt  }
0x62: {  	_ =	shalt  }
0x63: {  	_ =	shalt  }
0x64: {  	_ =	shalt  }
0x65: {  	_ =	shalt  }
0x66: {  	_ =	shalt  }
0x67: {  	_ =	shalt  }
0x68: {  	_ =	shalt  }
0x69: {  	_ =	shalt  }
0x6a: {  	_ =	shalt  }
0x6b: {  	_ =	shalt  }
0x6c: {  	_ =	shalt  }
0x6d: {  	_ =	shalt  }
0x6e: {  	_ =	shalt  }
0x6f: {  	_ =	shalt  }
0x70: {  	_ =	shalt  }
0x71: {  	_ =	shalt  }
0x72: {  	_ =	shalt  }
0x73: {  	_ =	shalt  }
0x74: {  	_ =	shalt  }
0x75: {  	_ =	shalt  }
0x76: {  	_ =	shalt  }
0x77: {  	_ =	shalt  }
0x78: {  	_ =	shalt  }
0x79: {  	_ =	shalt  }
0x7a: {  	_ =	shalt  }
0x7b: {  	_ =	shalt  }
0x7c: {  	_ =	shalt  }
0x7d: {  	_ =	shalt  }
0x7e: {  	_ =	shalt  }
0x7f: {  	_ =	shalt  }
0x80: {  	_ =	shalt  }
0x81: {  	_ =	shalt  }
0x82: {  	_ =	shalt  }
0x83: {  	_ =	shalt  }
0x84: {  	_ =	shalt  }
0x85: {  	_ =	shalt  }
0x86: {  	_ =	shalt  }
0x87: {  	_ =	shalt  }
.Lfunc_end0:
.L_simem_size_0:
called_computation.1_lowered:
.L_overlay_start_0:
0x88: {  	s2 =	sld [smem:$0x3FD9]  }
0x89: {  	s3 =	sld [smem:$0x3FFE];
	_ =	sdelay $0x1  }
0x8a: {  	s1 =	srdreg.scid  }
0x8b: {  	s0 =	sand.u32 $0x1, s1  }
0x8c: {  	s14 =	sshll.u32 s0, $0xA;
	s2 =	sadd.s32 s3, s2  }
0x8d: {  	s2 =	sadd.s32 s2, s14  }
0x8e: {  	[smem:$0x3FB5] =	sst s2  }
0x8f: {  	_ = 	snop  }
0x90: {  	s2 =	sld [smem:$0x3FD0];
	_ =	sdelay $0x2  }
0x91: {  	s15 =	simm.s32 $0xA;
	s4 =	simm.s32 $0x10  }
0x92: {  	[smem:s4], [sflag:s15] =	dma.local [hbm:s2], $0x1  }
0x93: {  	_ =	swait.eq [sflag:s15], $0x1  }
0x94: {  	[sflag:s15] =	ssyncset.done $0x0  }
0x95: {  	[sflag:s15] =	ssyncadd.s32 $0xFFFFFFFF  }
0x96: {  	s16 =	sld [smem:$0x11];
	(tm) =	ssettm $0x1  }
0x97: {  	s17 =	sld [smem:$0x3FFB];
	_ =	sdelay $0x3  }
0x98: {  	_ =	strace s17  }
0x99: {  	s3 =	sld [smem:$0x3FFC];
	_ =	sdelay $0x3  }
0x9a: {  	_ =	strace s3  }
0x9b: {  	s3 =	sld [smem:$0x3FFD];
	_ =	sdelay $0x3  }
0x9c: {  	_ =	strace s3  }
0x9d: {  	_ =	strace $0x8FFFFFFF  }
0x9e: {  	s18 =	sld [smem:$0x3FDB];
	_ =	sdelay $0x1  }
0x9f: {  	s19 =	simm.s32 $_scs_section_size  }
0xa0: {  	s5 =	simm.s32 $_size__tile_overlayer_lowered;
	s6 =	simm.s32 $_tile_overlayer_lowered  }
0xa1: {  	s22 =	simm.s32 $0x1BFF;
	s21 =	sshll.u32 s6, $0x1;
	s3 =	sadd.s32 s19, s18  }
0xa2: {  	s7 =	simm.s32 $0x0;
	s20 =	sshll.u32 s5, $0x1;
	s5 =	sadd.s32 s21, s3  }
0xa3: {  	[timem:s7], [sflag:s22] =	dma.local [hbm:s5], s20  }
0xa4: {  	_ =	swait.ge [sflag:s22], s20  }
0xa5: {  	s4 =	ssub.s32 $0x0, s20;
	[sflag:s22] =	ssyncset.done $0x0  }
0xa6: {  	[sflag:s22] =	ssyncadd.s32 s4;
	_ =	sdelay $0x1  }
0xa7: {  	s23 =	simm.s32 $0x1B8B  }
0xa8: {  	_ =	swait.ge [sflag:s23], $0x1  }
0xa9: {  	[sflag:s23] =	ssyncset.done $0x0  }
0xaa: {  	s25 =	simm.s32 $0x1B8E;
	s24 =	sld [smem:$0x3FFE];
	[sflag:s23] =	ssyncadd.s32 $0xFFFFFFFF  }
0xab: {  	s26 =	simm.s32 $execute0_lowered;
	[smem:$0x3FD2] =	sst s25  }
0xac: {  	s5 =	sshll.u32 s26, $0x1;
	_ =	strace $0x80000049;
	[dreg:$0x1] =	wrdreg $0xFFFFFFFF  }
0xad: {  	s28 =	simm.s32 $_size_execute0_lowered;
	s3 =	sadd.s32 s3, s5;
	[dreg:$0x0] =	wrdreg $0x0  }
0xae: {  	s5 =	sshll.u32 s28, $0x1;
	[dreg:$0x2] =	wrdreg s3  }
0xaf: {  	[dreg:$0x3] =	wrdreg s5  }
0xb0: {  	[dreg:$0x4] =	wrdreg $0xC0  }
0xb1: {  	_ =	task [dreg:s7], $0x5FFFF  }
0xb2: {  	[dreg:$0x1] =	wrdreg $0xFFFFFFFF  }
0xb3: {  	[dreg:$0x0] =	wrdreg $0x60  }
0xb4: {  	[dreg:$0x2] =	wrdreg s24  }
0xb5: {  	[dreg:$0x3] =	wrdreg s16  }
0xb6: {  	[dreg:$0x4] =	wrdreg $0x0  }
0xb7: {  	[dreg:$0x5] =	wrdreg $0x9  }
0xb8: {  	_ =	task.clear_ibuf [dreg:s7], $0x6FFFF;
	_ =	strace $0x90000049  }
0xb9: {  	s29 =	simm.s32 $0x9;
	_ =	strace $0x8000004B  }
0xba: {  	_ =	swait.ge [sflag:s29], $0x1  }
0xbb: {  	[sflag:s29] =	ssyncadd.s32 $0xFFFFFFFF  }
0xbc: {  	_ =	strace $0x9000004B  }
0xbd: {  	_ =	sfence  }
0xbe: {  	s30 =	sld [smem:$0x0];
	_ =	sdelay $0x2  }
0xbf: {  	s31 =	sshll.u32 s1, $0xD;
	s1 =	sshrl.u32 s1, $0x2  }
0xc0: {  	s3 =	sand.u32 $0x4000, s31;
	s1 =	sadd.s32 s1, s30  }
0xc1: {  	s0 =	sor.u32 s3, s0;
	s1 =	sshll.u32 s1, $0x11  }
0xc2: {  	s0 =	sor.u32 s1, s0  }
0xc3: {  	s0 =	sadd.s32 $0x8F2B, s0  }
0xc4: {  	[sflag:s0] =	ssyncadd.remote.s32 $0x1  }
0xc5: {  	_ =	sfence.sel $0xFFFF  }
0xc6: {  	[dreg:$0x0] =	wrdreg $0xFFFFFFFF;
	(pc) =	sbr.abs _section_cstart, $3  }
0xc7: {  	[dreg:$0x1] =	wrdreg $0xFFFFFFFF  }
0xc8: {  	_ =	task.clear_ibuf [dreg:s7], $0x2FFFF;
	_ =	strace $0x9FFFFFFF  }
0xc9: {  	(tm) =	ssettm $0x7FFFFFFF  }
tec
execute0_lowered:
.L_overlay_start_1:
0x0: {  	(tag) =	ssettag $0x1  }
0x1: {  	s0 =	rddreg [dreg:$0x0]  }
0x2: {  	s2 =	rddreg [dreg:$0x1]  }
0x3: {  	s1 =	rddreg [dreg:$0x2];
	s3 =	simm.s32 $0x0;
	s14 =	stileid.u32  }
0x4: {  	s7 =	srdreg.scid;
	s28 =	simm.s32 $0x14000;
	s29 =	simm.s32 $0x14280  }
0x5: {  	s30 =	simm.s32 $0x14200;
	s31 =	simm.s32 $0x19280;
	[smem:$0x7FF] =	sst s3  }
0x6: {  	s5 =	sadd.s32 $0x46800, s0;
	s6 =	smul.u32 $0x2800, s14;
	s4 =	sadd.s32 $0x13E00, s0  }
0x7: {  	s7 =	sand.u32 $0x1, s7;
	s8 =	smul.u32 $0x50000, s14;
	s10 =	sshll.u32 s14, $0x1  }
0x8: {  	s23 =	sshll.u32 s14, $0x6;
	_ =	strace $0x8000004A;
	s9 =	ssub.s32 $0x2, s7  }
0x9: {  	s10 =	sor.u32 s7, s10;
	s15 =	sor.u32 $0x1C10, s23;
	s0 =	sadd.s32 s6, s0  }
0xa: {  	s11 =	sshrl.u32 s9, $0x1;
	s8 =	sshrl.u32 s8, $0x2;
	s24 =	smul.u32 $0x27100, s10  }
0xb: {  	[dreg:$0x6] =	wrdreg s15;
	s9 =	ssub.s32 s9, s11;
	s8 =	sadd.s32 s8, s1  }
0xc: {  	s11 =	smul.u32 $0x2710, s10;
	s0 =	sadd.s32 $0x528800, s0;
	[dreg:$0x4] =	wrdreg s8  }
0xd: {  	s22 =	smul.u32 $0x28000, s7;
	[dreg:$0x5] =	wrdreg s0;
	s8 =	sadd.s32 s5, s24  }
0xe: {  	s25 =	sshrl.u32 s11, $0x3;
	s26 =	sadd.s32 $0x28, s11;
	[dreg:$0x8] =	wrdreg s8  }
0xf: {  	s16 =	sadd.s32 $0x50, s11;
	s18 =	sadd.s32 $0x78, s11;
	s24 =	sadd.s32 $0xA0, s11  }
0x10: {  	s11 =	simm.s32 $0x5;
	s0 =	sadd.s32 s4, s25;
	s12 =	sshrl.u32 s26, $0x3  }
0x11: {  	s13 =	sshll.u32 s26, $0x4;
	s17 =	sshrl.u32 s16, $0x3;
	s19 =	sshll.u32 s16, $0x4  }
0x12: {  	s20 =	sshrl.u32 s18, $0x3;
	s23 =	sshll.u32 s18, $0x4;
	s25 =	smul.u32 $0x4E20, s14  }
0x13: {  	s10 =	sshll.u32 s24, $0x4;
	[dreg:$0x7] =	wrdreg s0;
	s0 =	sadd.s32 s4, s12  }
0x14: {  	s21 =	sadd.s32 s4, s20;
	s12 =	sshrl.u32 s24, $0x3;
	[dreg:$0x9] =	wrdreg s0  }
0x15: {  	s8 =	sadd.s32 s5, s23;
	s10 =	sadd.s32 s5, s10;
	[dreg:$0xd] =	wrdreg s21  }
0x16: {  	s0 =	sadd.s32 s5, s13;
	s13 =	smul.u32 $0x2710, s7;
	[dreg:$0xe] =	wrdreg s8  }
0x17: {  	s26 =	sadd.s32 s4, s12;
	[dreg:$0x10] =	wrdreg s10;
	s12 =	smul.u32 $0x4E200, s14  }
0x18: {  	s14 =	smul.u32 $0x27100, s7;
	s8 =	simm.s32 $0x28;
	[dreg:$0xa] =	wrdreg s0  }
0x19: {  	s10 =	simm.s32 $0x8;
	s0 =	sadd.s32 s4, s17;
	[dreg:$0xf] =	wrdreg s26  }
0x1a: {  	s17 =	smax.u32 s9, $0x1;
	s9 =	simm.s32 $0x3;
	[dreg:$0xb] =	wrdreg s0  }
0x1b: {  	s0 =	sadd.s32 s5, s19;
	s13 =	sadd.s32 s13, s25;
	[dreg:$0x12] =	wrdreg s17  }
0x1c: {  	s5 =	sadd.s32 s12, s5;
	s12 =	simm.s32 $0xA;
	s17 =	simm.s32 $0xF  }
0x1d: {  	[dreg:$0xc] =	wrdreg s0;
	s0 =	sadd.s32 s6, s22;
	s16 =	sadd.s32 $0x168, s13  }
0x1e: {  	s20 =	sadd.s32 s14, s5;
	s19 =	sadd.s32 $0x140, s13;
	s21 =	sadd.s32 $0x118, s13  }
0x1f: {  	s22 =	sadd.s32 $0xF0, s13;
	s26 =	sadd.s32 $0xC8, s13;
	s13 =	simm.s32 $0x10  }
0x20: {  	s5 =	simm.s32 $0x1;
	s6 =	simm.s32 $0x6;
	s0 =	sadd.s32 s2, s0  }
0x21: {  	s2 =	sshrl.u32 s16, $0x3;
	s24 =	sshrl.u32 s22, $0x3;
	[dreg:$0x17] =	wrdreg s26  }
.Ltmp0:
0x22: {  	[dreg:$0x11] =	wrdreg s0;
	s18 =	sadd.s32 s2, s4;
	(pc) =	sbr.rel .LBB2_1-.Ltmp0, $4  }
0x23: {  	s0 =	sshrl.u32 s19, $0x3;
	s25 =	sadd.s32 s24, s4;
	[dreg:$0x13] =	wrdreg s18  }
0x24: {  	s23 =	sshrl.u32 s21, $0x3;
	s0 =	sadd.s32 s0, s4;
	[dreg:$0x16] =	wrdreg s25  }
0x25: {  	s14 =	simm.s32 $0x0;
	[dreg:$0x14] =	wrdreg s0;
	s0 =	sadd.s32 s23, s4  }
0x26: {  	s2 =	simm.s32 $0x16A80;
	[dreg:$0x15] =	wrdreg s0;
	s0 =	simm.s32 $0x14100  }
.LBB2_4:
0x27: {  	s7 =	simm.s32 $0xB  }
0x28: {  	_ =	swait.ge [sflag:s7], $0x1400  }
0x29: {  	[sflag:s7] =	ssyncset.done $0x0  }
0x2a: {  	s22 =	simm.s32 $0xC;
	[sflag:s7] =	ssyncadd.s32 $0xFFFFEC00  }
0x2b: {  	_ =	swait.ge [sflag:s22], $0x1400  }
0x2c: {  	[sflag:s22] =	ssyncset.done $0x0  }
0x2d: {  	s23 =	simm.s32 $0xD;
	[sflag:s22] =	ssyncadd.s32 $0xFFFFEC00  }
0x2e: {  	_ =	swait.ge [sflag:s23], $0x1400  }
0x2f: {  	[sflag:s23] =	ssyncset.done $0x0  }
0x30: {  	s24 =	simm.s32 $0xE;
	[sflag:s23] =	ssyncadd.s32 $0xFFFFEC00  }
0x31: {  	_ =	swait.ge [sflag:s24], $0x1400  }
0x32: {  	[sflag:s24] =	ssyncset.done $0x0  }
0x33: {  	[sflag:s24] =	ssyncadd.s32 $0xFFFFEC00  }
0x34: {  	_ =	swait.ge [sflag:s17], $0x1400  }
0x35: {  	[sflag:s17] =	ssyncset.done $0x0  }
0x36: {  	[sflag:s17] =	ssyncadd.s32 $0xFFFFEC00  }
0x37: {  	[bflag:$0x0] =	sbarrier.arrive $0xFFFF  }
0x38: {  	s15 =	rddreg [dreg:$0x6]  }
0x39: {  	s25 =	rddreg [dreg:$0x11]  }
0x3a: {  	s13 =	rddreg [dreg:$0x19]  }
0x3b: {  	[hbm:s25], [sflag:s15] =	dma.local [spmem:s13], $0x2800  }
0x3c: {  	s13 =	simm.s32 $0x10  }
0x3d: {  	_ =	swait.ge [sflag:s13], $0x2800  }
0x3e: {  	s14 =	rddreg [dreg:$0x18]  }
0x3f: {  	s26 =	rddreg [dreg:$0x12];
	s14 =	sadd.s32 $0x1, s14  }
0x40: {  	p0 =	sne.s32 s14, s26  }
.Ltmp1:
0x41: {  	_ = 	snop;
	(pc) =	sbr.rel @!p0 .LBB2_5-.Ltmp1, $3  }
0x42: {  	_ =	sdelay $0x1  }
0x43: {  	[sflag:s13] =	ssyncset.done $0x0  }
0x44: {  	[sflag:s13] =	ssyncadd.s32 $0xFFFFD800  }
.LBB2_1:
0x45: {  	[dreg:$0x18] =	wrdreg s14  }
0x46: {  	s7 =	rddreg [dreg:$0x4]  }
0x47: {  	s24 =	rddreg [dreg:$0x5];
	s23 =	sshrl.u32 s7, $0x3  }
0x48: {  	[dreg:$0x19] =	wrdreg s23  }
0x49: {  	[spmem:s23], [sflag:s15] =	dma.local [hbm:s24], $0x2800  }
0x4a: {  	_ =	swait.ge [sflag:s13], $0x2800  }
0x4b: {  	[sflag:s13] =	ssyncset.done $0x0  }
0x4c: {  	[sflag:s13] =	ssyncadd.s32 $0xFFFFD800  }
0x4d: {  	[bflag:$0x0] =	sbarrier.arrive $0xFFFF  }
0x4e: {  	s25 =	rddreg [dreg:$0x7]  }
0x4f: {  	s26 =	rddreg [dreg:$0x8]  }
0x50: {  	s13 =	rddreg [dreg:$0x9]  }
0x51: {  	s15 =	rddreg [dreg:$0xa]  }
0x52: {  	[tilespmem:s28], [sflag:$0x1] =	stream.linear.gather [hbm4b:s25+s3], $0x28, $0x38;
	[tilespmem:$0x1A680] =	vst v63  }
0x53: {  	s18 =	rddreg [dreg:$0xb]  }
0x54: {  	[tilespmem:s29], [sflag:$0x6] =	stream.linear.gather [hbm4b:s26+s3], $0x1400, $0x38;
	[tilespmem:$0x1A680] =	vst v63  }
0x55: {  	s14 =	simm.s32 $0x14080;
	s19 =	rddreg [dreg:$0xc]  }
0x56: {  	[tilespmem:s14], [sflag:$0x2] =	stream.linear.gather [hbm4b:s13+s3], $0x28, $0x38;
	[tilespmem:$0x1A680] =	vst v63  }
0x57: {  	s16 =	simm.s32 $0x15680;
	s21 =	rddreg [dreg:$0xd]  }
0x58: {  	[tilespmem:s16], [sflag:$0x7] =	stream.linear.gather [hbm4b:s15+s3], $0x1400, $0x38;
	[tilespmem:$0x1A680] =	vst v63  }
0x59: {  	s23 =	rddreg [dreg:$0xe]  }
0x5a: {  	[tilespmem:s0], [sflag:$0x3] =	stream.linear.gather [hbm4b:s18+s3], $0x28, $0x38;
	[tilespmem:$0x1A680] =	vst v63  }
0x5b: {  	s25 =	rddreg [dreg:$0xf]  }
0x5c: {  	[tilespmem:s2], [sflag:$0x8] =	stream.linear.gather [hbm4b:s19+s3], $0x1400, $0x38;
	[tilespmem:$0x1A680] =	vst v63  }
0x5d: {  	s22 =	simm.s32 $0x14180;
	s26 =	rddreg [dreg:$0x10]  }
0x5e: {  	[tilespmem:s22], [sflag:$0x4] =	stream.linear.gather [hbm4b:s21+s3], $0x28, $0x38;
	[tilespmem:$0x1A680] =	vst v63  }
0x5f: {  	s22 =	rddreg [dreg:$0x14]  }
0x60: {  	s24 =	simm.s32 $0x17E80;
	s21 =	rddreg [dreg:$0x13]  }
0x61: {  	[tilespmem:s24], [sflag:$0x9] =	stream.linear.gather [hbm4b:s23+s3], $0x1400, $0x38;
	[tilespmem:$0x1A680] =	vst v63  }
0x62: {  	s24 =	rddreg [dreg:$0x16]  }
0x63: {  	s23 =	rddreg [dreg:$0x15]  }
0x64: {  	[tilespmem:s30], [sflag:$0x5] =	stream.linear.gather [hbm4b:s25+s3], $0x28, $0x38;
	[tilespmem:$0x1A680] =	vst v63  }
0x65: {  	s13 =	simm.s32 $0x0;
	s25 =	rddreg [dreg:$0x17]  }
0x66: {  	[tilespmem:s31], [sflag:$0xA] =	stream.linear.gather [hbm4b:s26+s3], $0x1400, $0x38;
	[tilespmem:$0x1A680] =	vst v63  }
.LBB2_2:
0x67: {  	_ =	swait.ge [sflag:s5], $0x28  }
0x68: {  	[sflag:s5] =	ssyncset.done $0x0  }
0x69: {  	[sflag:s5] =	ssyncadd.s32 $0xFFFFFFD8  }
0x6a: {  	_ =	swait.ge [sflag:s6], $0x1400  }
0x6b: {  	p0 =	seq.s32 s13, $0x26480;
	[sflag:s6] =	ssyncset.done $0x0  }
0x6c: {  	s7 =	simm.s32 @p0 $0x2;
	[sflag:s6] =	ssyncadd.s32 $0xFFFFEC00  }
0x6d: {  	[spmem:s1] =	stream.indirect.scatter.add.f32 [tilespmem:s29], [sflag:$0xB], $0x80, s28, s8, $0xb8;
	[tilespmem:$0x1A680] =	vst v63  }
0x6e: {  	_ =	swait.ge @p0 [sflag:s7], $0x28  }
0x6f: {  	[sflag:s7] =	ssyncset.done @p0 $0x0  }
0x70: {  	[sflag:s7] =	ssyncadd.s32 @p0 $0xFFFFFFD8;
	s7 =	simm.s32 @p0 $0x7  }
0x71: {  	_ =	swait.ge @p0 [sflag:s7], $0x1400  }
0x72: {  	s15 =	simm.s32 @p0 $0x28;
	[sflag:s7] =	ssyncset.done @p0 $0x0  }
0x73: {  	s14 =	simm.s32 @p0 $0x15680;
	[sflag:s7] =	ssyncadd.s32 @p0 $0xFFFFEC00;
	s7 =	simm.s32 @p0 $0x14080  }
0x74: {  	[spmem:s1] =	stream.indirect.scatter.add.f32 @p0 [tilespmem:s14], [sflag:$0xC], $0x80, s7, s15, $0xb8;
	[tilespmem:$0x1A680] =	vst v63  }
0x75: {  	s7 =	simm.s32 @!p0 $0xB  }
0x76: {  	_ =	swait.ge @!p0 [sflag:s7], $0x1400  }
0x77: {  	[sflag:s7] =	ssyncset.done @!p0 $0x0  }
0x78: {  	[sflag:s7] =	ssyncadd.s32 @!p0 $0xFFFFEC00;
	s7 =	sshrl.u32 @!p0 s25, $0x3  }
0x79: {  	s16 =	simm.s32 @!p0 $0x14000;
	s14 =	simm.s32 @!p0 $0x0;
	s7 =	sadd.s32 @!p0 s4, s7  }
0x7a: {  	[tilespmem:s16], [sflag:$0x1] =	stream.linear.gather @!p0 [hbm4b:s7+s14], $0x28, $0x38;
	[tilespmem:$0x1A680] =	vst v63  }
0x7b: {  	s7 =	sadd.s32 @!p0 s13, s20  }
0x7c: {  	s26 =	simm.s32 @!p0 $0x14280;
	s16 =	sadd.s32 @!p0 $0xC80, s7  }
0x7d: {  	[tilespmem:s26], [sflag:$0x6] =	stream.linear.gather @!p0 [hbm4b:s16+s14], $0x1400, $0x38;
	[tilespmem:$0x1A680] =	vst v63  }
0x7e: {  	s16 =	simm.s32 @!p0 $0x2  }
0x7f: {  	_ =	swait.ge @!p0 [sflag:s16], $0x28  }
0x80: {  	[sflag:s16] =	ssyncset.done @!p0 $0x0  }
0x81: {  	[sflag:s16] =	ssyncadd.s32 @!p0 $0xFFFFFFD8;
	s16 =	simm.s32 @!p0 $0x7  }
0x82: {  	_ =	swait.ge @!p0 [sflag:s16], $0x1400  }
0x83: {  	s19 =	simm.s32 @!p0 $0x15680;
	s18 =	simm.s32 @!p0 $0xC;
	[sflag:s16] =	ssyncset.done @!p0 $0x0  }
0x84: {  	s26 =	simm.s32 @!p0 $0x14080;
	[sflag:s16] =	ssyncadd.s32 @!p0 $0xFFFFEC00;
	s16 =	simm.s32 @!p0 $0x28  }
0x85: {  	[spmem:s1] =	stream.indirect.scatter.add.f32 @!p0 [tilespmem:s19], [sflag:$0xC], $0x80, s26, s16, $0xb8;
	[tilespmem:$0x1A680] =	vst v63  }
0x86: {  	_ =	swait.ge @!p0 [sflag:s18], $0x1400  }
0x87: {  	[sflag:s18] =	ssyncset.done @!p0 $0x0  }
0x88: {  	[sflag:s18] =	ssyncadd.s32 @!p0 $0xFFFFEC00  }
0x89: {  	[tilespmem:s26], [sflag:$0x2] =	stream.linear.gather @!p0 [hbm4b:s24+s14], $0x28, $0x38;
	[tilespmem:$0x1A680] =	vst v63  }
0x8a: {  	s18 =	sadd.s32 @!p0 $0xF00, s7  }
0x8b: {  	[tilespmem:s19], [sflag:$0x7] =	stream.linear.gather @!p0 [hbm4b:s18+s14], $0x1400, $0x38;
	[tilespmem:$0x1A680] =	vst v63  }
0x8c: {  	_ =	swait.ge [sflag:s9], $0x28  }
0x8d: {  	[sflag:s9] =	ssyncset.done $0x0  }
0x8e: {  	[sflag:s9] =	ssyncadd.s32 $0xFFFFFFD8  }
0x8f: {  	_ =	swait.ge [sflag:s10], $0x1400  }
0x90: {  	[sflag:s10] =	ssyncset.done $0x0  }
0x91: {  	s18 =	simm.s32 @p0 $0x4;
	[sflag:s10] =	ssyncadd.s32 $0xFFFFEC00  }
0x92: {  	[spmem:s1] =	stream.indirect.scatter.add.f32 [tilespmem:s2], [sflag:$0xD], $0x80, s0, s8, $0xb8;
	[tilespmem:$0x1A680] =	vst v63  }
0x93: {  	_ =	swait.ge @p0 [sflag:s18], $0x28  }
0x94: {  	[sflag:s18] =	ssyncset.done @p0 $0x0  }
0x95: {  	[sflag:s18] =	ssyncadd.s32 @p0 $0xFFFFFFD8;
	s18 =	simm.s32 @p0 $0x9  }
0x96: {  	_ =	swait.ge @p0 [sflag:s18], $0x1400  }
0x97: {  	[sflag:s18] =	ssyncset.done @p0 $0x0  }
0x98: {  	s19 =	simm.s32 @p0 $0x17E80;
	[sflag:s18] =	ssyncadd.s32 @p0 $0xFFFFEC00;
	s18 =	simm.s32 @p0 $0x14180  }
0x99: {  	[spmem:s1] =	stream.indirect.scatter.add.f32 @p0 [tilespmem:s19], [sflag:$0xE], $0x80, s18, s15, $0xb8;
	[tilespmem:$0x1A680] =	vst v63  }
0x9a: {  	s15 =	simm.s32 @!p0 $0xD  }
0x9b: {  	_ =	swait.ge @!p0 [sflag:s15], $0x1400  }
0x9c: {  	[sflag:s15] =	ssyncset.done @!p0 $0x0  }
0x9d: {  	[sflag:s15] =	ssyncadd.s32 @!p0 $0xFFFFEC00;
	s15 =	simm.s32 @!p0 $0x14100  }
0x9e: {  	[tilespmem:s15], [sflag:$0x3] =	stream.linear.gather @!p0 [hbm4b:s23+s14], $0x28, $0x38;
	[tilespmem:$0x1A680] =	vst v63  }
0x9f: {  	s18 =	simm.s32 @!p0 $0x16A80;
	s15 =	sadd.s32 @!p0 $0x1180, s7  }
0xa0: {  	[tilespmem:s18], [sflag:$0x8] =	stream.linear.gather @!p0 [hbm4b:s15+s14], $0x1400, $0x38;
	[tilespmem:$0x1A680] =	vst v63  }
0xa1: {  	s15 =	simm.s32 @!p0 $0x4  }
0xa2: {  	_ =	swait.ge @!p0 [sflag:s15], $0x28  }
0xa3: {  	[sflag:s15] =	ssyncset.done @!p0 $0x0  }
0xa4: {  	[sflag:s15] =	ssyncadd.s32 @!p0 $0xFFFFFFD8;
	s15 =	simm.s32 @!p0 $0x9  }
0xa5: {  	_ =	swait.ge @!p0 [sflag:s15], $0x1400  }
0xa6: {  	[sflag:s15] =	ssyncset.done @!p0 $0x0  }
0xa7: {  	s18 =	simm.s32 @!p0 $0x17E80;
	[sflag:s15] =	ssyncadd.s32 @!p0 $0xFFFFEC00;
	s15 =	simm.s32 @!p0 $0x14180  }
0xa8: {  	[spmem:s1] =	stream.indirect.scatter.add.f32 @!p0 [tilespmem:s18], [sflag:$0xE], $0x80, s15, s16, $0xb8;
	[tilespmem:$0x1A680] =	vst v63  }
0xa9: {  	s16 =	simm.s32 @!p0 $0xE  }
0xaa: {  	_ =	swait.ge @!p0 [sflag:s16], $0x1400  }
0xab: {  	[sflag:s16] =	ssyncset.done @!p0 $0x0  }
0xac: {  	[sflag:s16] =	ssyncadd.s32 @!p0 $0xFFFFEC00  }
0xad: {  	[tilespmem:s15], [sflag:$0x4] =	stream.linear.gather @!p0 [hbm4b:s22+s14], $0x28, $0x38;
	[tilespmem:$0x1A680] =	vst v63  }
0xae: {  	s7 =	sadd.s32 @!p0 $0x1400, s7  }
0xaf: {  	[tilespmem:s18], [sflag:$0x9] =	stream.linear.gather @!p0 [hbm4b:s7+s14], $0x1400, $0x38;
	[tilespmem:$0x1A680] =	vst v63  }
0xb0: {  	_ =	swait.ge [sflag:s11], $0x28  }
0xb1: {  	[sflag:s11] =	ssyncset.done $0x0  }
.Ltmp2:
0xb2: {  	[sflag:s11] =	ssyncadd.s32 $0xFFFFFFD8;
	(pc) =	sbr.rel @p0 .LBB2_4-.Ltmp2, $4  }
0xb3: {  	_ =	swait.ge [sflag:s12], $0x1400  }
0xb4: {  	[sflag:s12] =	ssyncset.done $0x0  }
0xb5: {  	[sflag:s12] =	ssyncadd.s32 $0xFFFFEC00  }
0xb6: {  	[spmem:s1] =	stream.indirect.scatter.add.f32 [tilespmem:s31], [sflag:$0xF], $0x80, s30, s8, $0xb8;
	[tilespmem:$0x1A680] =	vst v63  }
0xb7: {  	_ =	swait.ge [sflag:s17], $0x1400;
	s7 =	sadd.s32 s13, s20;
	s13 =	sadd.s32 $0xC80, s13  }
.Ltmp3:
0xb8: {  	s22 =	sadd.s32 $0x19, s22;
	[sflag:s17] =	ssyncset.done $0x0;
	(pc) =	sbr.rel .LBB2_2-.Ltmp3, $4  }
0xb9: {  	s23 =	sadd.s32 $0x19, s23;
	s24 =	sadd.s32 $0x19, s24;
	[sflag:s17] =	ssyncadd.s32 $0xFFFFEC00  }
0xba: {  	[tilespmem:s30], [sflag:$0x5] =	stream.linear.gather [hbm4b:s21+s3], $0x28, $0x38;
	[tilespmem:$0x1A680] =	vst v63  }
0xbb: {  	s25 =	sadd.s32 $0xC8, s25;
	s7 =	sadd.s32 $0x1680, s7;
	s21 =	sadd.s32 $0x19, s21  }
0xbc: {  	[tilespmem:s31], [sflag:$0xA] =	stream.linear.gather [hbm4b:s7+s3], $0x1400, $0x38;
	[tilespmem:$0x1A680] =	vst v63  }
.LBB2_5:
0xbd: {  	_ =	sfence.sel $0x180000  }
0xbe: {  	[bflag:$0x0] =	sbarrier.arrive $0xFFFF  }
0xbf: {  	_ =	strace $0x9000004A  }
0xc0: {  	s0 =	stileid.u32;
	[bflag:$0x2] =	sbarrier.arrive $0xFFFF  }
0xc1: {  	p0 =	sne.s32 s0, $0x0;
	s0 =	rddreg [dreg:$0x3]  }
0xc2: {  	s0 =	sadd.s32 @!p0 $0x100000, s0  }
0xc3: {  	[sflag:s0] =	ssyncadd.tile.s32 @!p0 $0x1;
	_ =	shalt  }
.Lfunc_end2:
_tile_overlayer_lowered:
.L_overlay_start_2:
0xc4: {  	(tag) =	ssettag $0x2  }
0xc5: {  	s0 =	rddreg [dreg:$0x0];
	s2 =	stileid.u32  }
0xc6: {  	s1 =	rddreg [dreg:$0x1];
	p0 =	sne.s32 s2, $0x0  }
0xc7: {  	s3 =	rddreg [dreg:$0x2];
	[bflag:$0x3] =	sbarrier.arrive $0xFFFF;
	s2 =	simm.s32 @!p0 $0x1C10  }
0xc8: {  	[timem:s3], [sflag:s2] =	dma.local @!p0 [hbm:s0], s1  }
0xc9: {  	s0 =	simm.s32 @!p0 $0x10  }
0xca: {  	_ =	swait.ge @!p0 [sflag:s0], s1  }
0xcb: {  	s1 =	ssub.s32 @!p0 $0x0, s1;
	[sflag:s0] =	ssyncset.done @!p0 $0x0  }
0xcc: {  	[sflag:s0] =	ssyncadd.s32 @!p0 s1  }
0xcd: {  	[bflag:$0x3] =	sbarrier.arrive $0xFFFF  }
0xce: {  	_ =	shalt  }

// kernel: kernel.18.cloned.1.call-start
scs
__scs_entry_jumppad:
0x0: {  	(pc) =	sbr.rel $0x88, $3  }
0x1: {  	(tag) =	ssettag $0x0;
	lr =	simm.s32 $0x1  }
0x2: {  	[smem:$0x3F8E] =	sst lr;
	_ =	strace $0xD0000000  }
0x3: {  	_ = 	snop  }
0x4: {  	_ = 	snop  }
0x5: {  	_ = 	snop  }
0x6: {  	_ = 	snop  }
0x7: {  	_ = 	snop  }
__scs_overlays_trampoline_lowered:
0x8: {  	[smem:$0x3F9D] =	sst s0  }
0x9: {  	[smem:$0x3F9E] =	sst s1  }
0xa: {  	[smem:$0x3F9F] =	sst s2  }
0xb: {  	[smem:$0x3FA0] =	sst s3  }
0xc: {  	[smem:$0x3FA1] =	sst s4  }
0xd: {  	[smem:$0x3FA2] =	sst s5  }
0xe: {  	[smem:$0x3FA3] =	sst s6  }
0xf: {  	[smem:$0x3FA4] =	sst s7  }
0x10: {  	[smem:$0x3FA5] =	sst s8  }
0x11: {  	[smem:$0x3FA6] =	sst s9;
	s0 =	simm.s32 @!p0 $0x0  }
0x12: {  	s1 =	sld [smem:$0x3F8C];
	s0 =	simm.s32 @p0 $0x1  }
0x13: {  	[smem:$0x3FA7] =	sst s0;
	s0 =	simm.s32 @!p1 $0x0  }
0x14: {  	s2 =	sld [smem:$0x3F8B];
	s0 =	simm.s32 @p1 $0x1  }
0x15: {  	[smem:$0x3FA8] =	sst s0;
	s0 =	simm.s32 @!p2 $0x0  }
0x16: {  	s3 =	sld [smem:$0x3FDB];
	s0 =	simm.s32 @p2 $0x1  }
0x17: {  	s4 =	simm.s32 $0x1BF5;
	[smem:$0x3FAA] =	sst s0  }
0x18: {  	s0 =	sld [smem:$0x3F8D];
	_ =	swait.ge [sflag:s4], $0x0  }
0x19: {  	s7 =	sld [smem:$0x3F8E]  }
0x1a: {  	s8 =	sadd.s32 $0xFFFFE003, lr  }
0x1b: {  	s9 =	sadd.s32 $0xFFFFFEF7, lr;
	s5 =	simm.s32 $0xFFFFFFFF;
	p2 =	slt.u32 s8, $0xFFFFF086  }
0x1c: {  	p1 =	slt.u32 s9, $0xF7A;
	s5 =	simm.s32 @!p2 $0x0  }
0x1d: {  	s5 =	simm.s32 @p1 $0x1;
	p0 =	seq.s32 s7, s2  }
0x1e: {  	s7 =	smul.u32 @!p0 $0xF7A, s2;
	p2 =	seq.s32 @!p0 s5, $0x0  }
0x1f: {  	s9 =	smul.u32 $0xF7A, s1;
	s8 =	simm.s32 @!p0 $0x1BF5;
	p2 =	por !p2, p0  }
0x20: {  	[sflag:s8] =	ssyncset.s32 @!p0 $0xFFFFF086;
	s6 =	sadd.s32 @!p0 s3, s7;
	s7 =	simm.s32 @!p0 $0x108  }
0x21: {  	s3 =	sadd.s32 s3, s9;
	s6 =	sadd.s32 @!p0 $0x88, s6;
	s7 =	simm.s32 @p2 $0x1082  }
0x22: {  	[simem:s7], [sflag:s8] =	dma.local @!p0 [hbm:s6], $0xF7A  }
0x23: {  	s9 =	sor.u32 $0xD0000000, s2;
	s6 =	simm.s32 $0x108;
	_ =	swait.ge @!p0 [sflag:s8], $0x0  }
0x24: {  	s3 =	sadd.s32 $0x88, s3;
	s6 =	simm.s32 @!p1 $0x1082;
	[sflag:s4] =	ssyncset.s32 $0xFFFFF086  }
0x25: {  	[simem:s6], [sflag:s4] =	dma.local [hbm:s3], $0xF7A  }
0x26: {  	[smem:$0x3F8E] =	sst s1;
	(tag) =	ssettag s2;
	_ =	strace s9  }
0x27: {  	s1 =	sld [smem:$0x3F9E]  }
0x28: {  	s2 =	sld [smem:$0x3F9F]  }
0x29: {  	s4 =	sld [smem:$0x3FA1]  }
0x2a: {  	p0 =	seq.s32 s5, $0x0;
	s5 =	sld [smem:$0x3FA2]  }
0x2b: {  	s6 =	sld [smem:$0x3FA3]  }
0x2c: {  	s7 =	sld [smem:$0x3FA4]  }
0x2d: {  	s3 =	simm.s32 $0x108;
	s8 =	sld [smem:$0x3FA5]  }
0x2e: {  	s3 =	simm.s32 @!p0 $0x1082;
	s9 =	sld [smem:$0x3FA6]  }
0x2f: {  	lr =	sadd.s32 s0, s3;
	s0 =	sld [smem:$0x3F9D]  }
0x30: {  	s3 =	sld [smem:$0x3FA0]  }
0x31: {  	[smem:$0x3FA9] =	sst s10  }
0x32: {  	s10 =	sld [smem:$0x3FA7];
	_ =	sdelay $0x3  }
0x33: {  	p0 =	seq.s32 s10, $0x1;
	s10 =	sld [smem:$0x3FA9];
	_ =	sdelay $0x3  }
0x34: {  	[smem:$0x3FA9] =	sst s10  }
0x35: {  	s10 =	sld [smem:$0x3FA8];
	_ =	sdelay $0x3  }
0x36: {  	p1 =	seq.s32 s10, $0x1;
	s10 =	sld [smem:$0x3FA9];
	_ =	sdelay $0x3  }
0x37: {  	[smem:$0x3FA9] =	sst s10  }
0x38: {  	s10 =	sld [smem:$0x3FAA]  }
0x39: {  	_ = 	snop;
	(pc) =	sbr.ind lr, $3  }
0x3a: {  	_ = 	snop  }
0x3b: {  	_ = 	snop  }
0x3c: {  	p2 =	seq.s32 s10, $0x1;
	s10 =	sld [smem:$0x3FA9]  }
0x3d: {  	_ =	shalt  }
0x3e: {  	_ =	shalt  }
0x3f: {  	_ =	shalt  }
0x40: {  	_ =	shalt  }
0x41: {  	_ =	shalt  }
0x42: {  	_ =	shalt  }
0x43: {  	_ =	shalt  }
0x44: {  	_ =	shalt  }
0x45: {  	_ =	shalt  }
0x46: {  	_ =	shalt  }
0x47: {  	_ =	shalt  }
0x48: {  	_ =	shalt  }
0x49: {  	_ =	shalt  }
0x4a: {  	_ =	shalt  }
0x4b: {  	_ =	shalt  }
0x4c: {  	_ =	shalt  }
0x4d: {  	_ =	shalt  }
0x4e: {  	_ =	shalt  }
0x4f: {  	_ =	shalt  }
0x50: {  	_ =	shalt  }
0x51: {  	_ =	shalt  }
0x52: {  	_ =	shalt  }
0x53: {  	_ =	shalt  }
0x54: {  	_ =	shalt  }
0x55: {  	_ =	shalt  }
0x56: {  	_ =	shalt  }
0x57: {  	_ =	shalt  }
0x58: {  	_ =	shalt  }
0x59: {  	_ =	shalt  }
0x5a: {  	_ =	shalt  }
0x5b: {  	_ =	shalt  }
0x5c: {  	_ =	shalt  }
0x5d: {  	_ =	shalt  }
0x5e: {  	_ =	shalt  }
0x5f: {  	_ =	shalt  }
0x60: {  	_ =	shalt  }
0x61: {  	_ =	shalt  }
0x62: {  	_ =	shalt  }
0x63: {  	_ =	shalt  }
0x64: {  	_ =	shalt  }
0x65: {  	_ =	shalt  }
0x66: {  	_ =	shalt  }
0x67: {  	_ =	shalt  }
0x68: {  	_ =	shalt  }
0x69: {  	_ =	shalt  }
0x6a: {  	_ =	shalt  }
0x6b: {  	_ =	shalt  }
0x6c: {  	_ =	shalt  }
0x6d: {  	_ =	shalt  }
0x6e: {  	_ =	shalt  }
0x6f: {  	_ =	shalt  }
0x70: {  	_ =	shalt  }
0x71: {  	_ =	shalt  }
0x72: {  	_ =	shalt  }
0x73: {  	_ =	shalt  }
0x74: {  	_ =	shalt  }
0x75: {  	_ =	shalt  }
0x76: {  	_ =	shalt  }
0x77: {  	_ =	shalt  }
0x78: {  	_ =	shalt  }
0x79: {  	_ =	shalt  }
0x7a: {  	_ =	shalt  }
0x7b: {  	_ =	shalt  }
0x7c: {  	_ =	shalt  }
0x7d: {  	_ =	shalt  }
0x7e: {  	_ =	shalt  }
0x7f: {  	_ =	shalt  }
0x80: {  	_ =	shalt  }
0x81: {  	_ =	shalt  }
0x82: {  	_ =	shalt  }
0x83: {  	_ =	shalt  }
0x84: {  	_ =	shalt  }
0x85: {  	_ =	shalt  }
0x86: {  	_ =	shalt  }
0x87: {  	_ =	shalt  }
.Lfunc_end0:
.L_simem_size_0:
called_computation.2_lowered:
.L_overlay_start_0:
0x88: {  	s2 =	sld [smem:$0x3FD9]  }
0x89: {  	s3 =	sld [smem:$0x3FFE];
	_ =	sdelay $0x1  }
0x8a: {  	s1 =	srdreg.scid  }
0x8b: {  	s0 =	sand.u32 $0x1, s1  }
0x8c: {  	s14 =	sshll.u32 s0, $0xA;
	s2 =	sadd.s32 s3, s2  }
0x8d: {  	s2 =	sadd.s32 s2, s14  }
0x8e: {  	[smem:$0x3FB5] =	sst s2  }
0x8f: {  	_ = 	snop  }
0x90: {  	s2 =	sld [smem:$0x3FD0];
	_ =	sdelay $0x2  }
0x91: {  	s15 =	simm.s32 $0xA;
	s4 =	simm.s32 $0x10  }
0x92: {  	[smem:s4], [sflag:s15] =	dma.local [hbm:s2], $0x1  }
0x93: {  	_ =	swait.eq [sflag:s15], $0x1  }
0x94: {  	[sflag:s15] =	ssyncset.done $0x0  }
0x95: {  	[sflag:s15] =	ssyncadd.s32 $0xFFFFFFFF  }
0x96: {  	s16 =	sld [smem:$0x11];
	(tm) =	ssettm $0x1  }
0x97: {  	s17 =	sld [smem:$0x3FFB];
	_ =	sdelay $0x3  }
0x98: {  	_ =	strace s17  }
0x99: {  	s3 =	sld [smem:$0x3FFC];
	_ =	sdelay $0x3  }
0x9a: {  	_ =	strace s3  }
0x9b: {  	s3 =	sld [smem:$0x3FFD];
	_ =	sdelay $0x3  }
0x9c: {  	_ =	strace s3  }
0x9d: {  	_ =	strace $0x8FFFFFFF  }
0x9e: {  	s18 =	sld [smem:$0x3FDB];
	_ =	sdelay $0x1  }
0x9f: {  	s19 =	simm.s32 $_scs_section_size  }
0xa0: {  	s5 =	simm.s32 $_size__tile_overlayer_lowered;
	s6 =	simm.s32 $_tile_overlayer_lowered  }
0xa1: {  	s22 =	simm.s32 $0x1BFF;
	s21 =	sshll.u32 s6, $0x1;
	s3 =	sadd.s32 s19, s18  }
0xa2: {  	s7 =	simm.s32 $0x0;
	s20 =	sshll.u32 s5, $0x1;
	s5 =	sadd.s32 s21, s3  }
0xa3: {  	[timem:s7], [sflag:s22] =	dma.local [hbm:s5], s20  }
0xa4: {  	_ =	swait.ge [sflag:s22], s20  }
0xa5: {  	s4 =	ssub.s32 $0x0, s20;
	[sflag:s22] =	ssyncset.done $0x0  }
0xa6: {  	[sflag:s22] =	ssyncadd.s32 s4;
	_ =	sdelay $0x1  }
0xa7: {  	s23 =	simm.s32 $0x1B8B  }
0xa8: {  	_ =	swait.ge [sflag:s23], $0x1  }
0xa9: {  	[sflag:s23] =	ssyncset.done $0x0  }
0xaa: {  	s25 =	simm.s32 $0x1B8E;
	s24 =	sld [smem:$0x3FFE];
	[sflag:s23] =	ssyncadd.s32 $0xFFFFFFFF  }
0xab: {  	s26 =	simm.s32 $execute0_lowered;
	[smem:$0x3FD2] =	sst s25  }
0xac: {  	s5 =	sshll.u32 s26, $0x1;
	_ =	strace $0x8000004C;
	[dreg:$0x1] =	wrdreg $0xFFFFFFFF  }
0xad: {  	s28 =	simm.s32 $_size_execute0_lowered;
	s3 =	sadd.s32 s3, s5;
	[dreg:$0x0] =	wrdreg $0x0  }
0xae: {  	s5 =	sshll.u32 s28, $0x1;
	[dreg:$0x2] =	wrdreg s3  }
0xaf: {  	[dreg:$0x3] =	wrdreg s5  }
0xb0: {  	[dreg:$0x4] =	wrdreg $0xC0  }
0xb1: {  	_ =	task [dreg:s7], $0x5FFFF  }
0xb2: {  	[dreg:$0x1] =	wrdreg $0xFFFFFFFF  }
0xb3: {  	[dreg:$0x0] =	wrdreg $0x60  }
0xb4: {  	[dreg:$0x2] =	wrdreg s16  }
0xb5: {  	[dreg:$0x3] =	wrdreg s24  }
0xb6: {  	[dreg:$0x4] =	wrdreg $0x9  }
0xb7: {  	_ =	task.clear_ibuf [dreg:s7], $0x5FFFF;
	_ =	strace $0x9000004C  }
0xb8: {  	s29 =	simm.s32 $0x9;
	_ =	strace $0x8000004E  }
0xb9: {  	_ =	swait.ge [sflag:s29], $0x1  }
0xba: {  	[sflag:s29] =	ssyncadd.s32 $0xFFFFFFFF  }
0xbb: {  	_ =	strace $0x9000004E  }
0xbc: {  	_ =	sfence  }
0xbd: {  	s30 =	sld [smem:$0x0];
	_ =	sdelay $0x2  }
0xbe: {  	s31 =	sshll.u32 s1, $0xD;
	s1 =	sshrl.u32 s1, $0x2  }
0xbf: {  	s3 =	sand.u32 $0x4000, s31;
	s1 =	sadd.s32 s1, s30  }
0xc0: {  	s0 =	sor.u32 s3, s0;
	s1 =	sshll.u32 s1, $0x11  }
0xc1: {  	s0 =	sor.u32 s1, s0  }
0xc2: {  	s0 =	sadd.s32 $0x8F2B, s0  }
0xc3: {  	[sflag:s0] =	ssyncadd.remote.s32 $0x1  }
0xc4: {  	_ =	sfence.sel $0xFFFF  }
0xc5: {  	[dreg:$0x0] =	wrdreg $0xFFFFFFFF;
	(pc) =	sbr.abs _section_cstart, $3  }
0xc6: {  	[dreg:$0x1] =	wrdreg $0xFFFFFFFF  }
0xc7: {  	_ =	task.clear_ibuf [dreg:s7], $0x2FFFF;
	_ =	strace $0x9FFFFFFF  }
0xc8: {  	(tm) =	ssettm $0x7FFFFFFF  }
0xc9: {  	_ =	shalt  }
tec
execute0_lowered:
.L_overlay_start_1:
0x0: {  	(tag) =	ssettag $0x1  }
0x1: {  	s1 =	rddreg [dreg:$0x0]  }
0x2: {  	s0 =	rddreg [dreg:$0x1]  }
0x3: {  	s3 =	simm.s32 $0x0;
	s2 =	srdreg.scid;
	s4 =	stileid.u32  }
0x4: {  	s30 =	simm.s32 $0x19;
	s31 =	simm.s32 $0x8;
	s29 =	simm.s32 $0xA  }
0x5: {  	[smem:$0x7FF] =	sst s3;
	s2 =	sand.u32 $0x1, s2;
	s5 =	sshll.u32 s4, $0x1  }
0x6: {  	s4 =	sadd.s32 $0x550800, s0;
	s7 =	sadd.s32 $0x13E00, s0;
	s6 =	sor.u32 s2, s5  }
0x7: {  	s8 =	sadd.s32 $0x577A00, s0;
	s2 =	ssub.s32 $0x2, s2;
	s9 =	smul.u32 $0x2710, s6  }
0x8: {  	_ =	strace $0x8000004D;
	s5 =	sadd.s32 $0xA000, s0;
	s10 =	sshrl.u32 s2, $0x1  }
0x9: {  	s0 =	ssub.s32 s2, s10;
	s11 =	sshrl.u32 s9, $0x3;
	s6 =	sadd.s32 $0x50, s9  }
0xa: {  	s12 =	sadd.s32 $0xA0, s9;
	s16 =	sadd.s32 $0xF0, s9;
	[dreg:$0x3] =	wrdreg s6  }
0xb: {  	s18 =	sadd.s32 $0x140, s9;
	s21 =	sadd.s32 $0x190, s9;
	[dreg:$0x5] =	wrdreg s12  }
0xc: {  	s22 =	sadd.s32 $0x1E0, s9;
	s0 =	smax.u32 s0, $0x1;
	[dreg:$0xa] =	wrdreg s16  }
0xd: {  	s23 =	sadd.s32 $0x230, s9;
	s24 =	sadd.s32 $0x280, s9;
	[dreg:$0x10] =	wrdreg s21  }
0xe: {  	s26 =	smov.u32 s9;
	s25 =	sadd.s32 $0x2D0, s9;
	[dreg:$0x11] =	wrdreg s22  }
0xf: {  	s9 =	simm.s32 $0xF;
	s10 =	sadd.s32 s5, s11;
	[dreg:$0x12] =	wrdreg s0  }
0x10: {  	s6 =	sshrl.u32 s6, $0x3;
	s2 =	sadd.s32 s7, s11;
	[dreg:$0x13] =	wrdreg s23  }
0x11: {  	s14 =	sshrl.u32 s12, $0x3;
	s17 =	sshrl.u32 s16, $0x3;
	[dreg:$0x14] =	wrdreg s24  }
0x12: {  	s28 =	smov.u32 s18;
	s20 =	sshrl.u32 s18, $0x3;
	[dreg:$0x15] =	wrdreg s25  }
0x13: {  	s21 =	simm.s32 $0x1;
	s12 =	simm.s32 $0x2;
	[dreg:$0x4] =	wrdreg s10  }
0x14: {  	s0 =	simm.s32 $0x3;
	[dreg:$0x6] =	wrdreg s2;
	s13 =	sadd.s32 s5, s6  }
0x15: {  	s22 =	simm.s32 $0x9;
	s6 =	sadd.s32 s7, s6;
	[dreg:$0x7] =	wrdreg s13  }
0x16: {  	s25 =	simm.s32 $0x5;
	s15 =	sadd.s32 s5, s14;
	[dreg:$0x8] =	wrdreg s6  }
0x17: {  	s11 =	simm.s32 $0x0;
	s2 =	sadd.s32 s7, s14;
	[dreg:$0x9] =	wrdreg s15  }
0x18: {  	s19 =	sadd.s32 s5, s17;
	s14 =	simm.s32 $0x200;
	[dreg:$0xb] =	wrdreg s2  }
.Ltmp0:
0x19: {  	s10 =	simm.s32 $0x6;
	[dreg:$0xc] =	wrdreg s19;
	(pc) =	sbr.rel .LBB2_1-.Ltmp0, $4  }
0x1a: {  	s2 =	sadd.s32 s7, s17;
	s6 =	sadd.s32 s5, s20;
	s15 =	simm.s32 $0x480  }
0x1b: {  	s19 =	simm.s32 $0x50;
	s17 =	simm.s32 $0x14;
	[dreg:$0xd] =	wrdreg s2  }
0x1c: {  	s13 =	simm.s32 $0x7;
	[dreg:$0xe] =	wrdreg s6;
	s2 =	sadd.s32 s7, s20  }
0x1d: {  	s20 =	simm.s32 $0xA500;
	[dreg:$0xf] =	wrdreg s2;
	s2 =	simm.s32 $0x4  }
.LBB2_14:
0x1e: {  	s6 =	simm.s32 $0xB  }
0x1f: {  	_ =	swait.ge [sflag:s6], $0x2800  }
0x20: {  	[sflag:s6] =	ssyncset.done $0x0  }
0x21: {  	s16 =	simm.s32 $0xC;
	[sflag:s6] =	ssyncadd.s32 $0xFFFFD800  }
0x22: {  	_ =	swait.ge [sflag:s16], $0x2800  }
0x23: {  	[sflag:s16] =	ssyncset.done $0x0  }
0x24: {  	s18 =	simm.s32 $0xD;
	[sflag:s16] =	ssyncadd.s32 $0xFFFFD800  }
0x25: {  	_ =	swait.ge [sflag:s18], $0x2800  }
0x26: {  	[sflag:s18] =	ssyncset.done $0x0  }
0x27: {  	s23 =	simm.s32 $0xE;
	[sflag:s18] =	ssyncadd.s32 $0xFFFFD800  }
0x28: {  	_ =	swait.ge [sflag:s23], $0x2800  }
0x29: {  	[sflag:s23] =	ssyncset.done $0x0  }
0x2a: {  	[sflag:s23] =	ssyncadd.s32 $0xFFFFD800  }
0x2b: {  	_ =	swait.ge [sflag:s9], $0x2800  }
0x2c: {  	s11 =	rddreg [dreg:$0x16]  }
0x2d: {  	s24 =	rddreg [dreg:$0x12];
	s11 =	sadd.s32 $0x1, s11  }
0x2e: {  	p0 =	sne.s32 s11, s24  }
.Ltmp1:
0x2f: {  	_ = 	snop;
	(pc) =	sbr.rel @!p0 .LBB2_15-.Ltmp1, $3  }
0x30: {  	_ =	sdelay $0x1  }
0x31: {  	[sflag:s9] =	ssyncset.done $0x0  }
0x32: {  	[sflag:s9] =	ssyncadd.s32 $0xFFFFD800  }
.LBB2_1:
0x33: {  	[dreg:$0x16] =	wrdreg s11  }
0x34: {  	s6 =	rddreg [dreg:$0x4]  }
0x35: {  	[tilespmem:s3], [sflag:$0x10] =	stream.linear.gather [hbm4b:s6+s3], $0x50, $0x38;
	[tilespmem:$0x19500] =	vst v63  }
0x36: {  	s16 =	rddreg [dreg:$0x6];
	s11 =	simm.s32 $0x280  }
0x37: {  	[tilespmem:s11], [sflag:$0x15] =	stream.linear.gather [hbm4b:s16+s3], $0x50, $0x38;
	[tilespmem:$0x19500] =	vst v63  }
0x38: {  	s18 =	rddreg [dreg:$0x7];
	s16 =	simm.s32 $0x80  }
0x39: {  	[tilespmem:s16], [sflag:$0x11] =	stream.linear.gather [hbm4b:s18+s3], $0x50, $0x38;
	[tilespmem:$0x19500] =	vst v63  }
0x3a: {  	s23 =	rddreg [dreg:$0x8];
	s18 =	simm.s32 $0x300  }
0x3b: {  	[tilespmem:s18], [sflag:$0x16] =	stream.linear.gather [hbm4b:s23+s3], $0x50, $0x38;
	[tilespmem:$0x19500] =	vst v63  }
0x3c: {  	s24 =	rddreg [dreg:$0x9];
	s23 =	simm.s32 $0x100  }
0x3d: {  	[tilespmem:s23], [sflag:$0x12] =	stream.linear.gather [hbm4b:s24+s3], $0x50, $0x38;
	[tilespmem:$0x19500] =	vst v63  }
0x3e: {  	s23 =	rddreg [dreg:$0xb];
	s24 =	simm.s32 $0x380  }
0x3f: {  	[tilespmem:s24], [sflag:$0x17] =	stream.linear.gather [hbm4b:s23+s3], $0x50, $0x38;
	[tilespmem:$0x19500] =	vst v63  }
0x40: {  	s6 =	rddreg [dreg:$0xc];
	s23 =	simm.s32 $0x180  }
0x41: {  	[tilespmem:s23], [sflag:$0x13] =	stream.linear.gather [hbm4b:s6+s3], $0x50, $0x38;
	[tilespmem:$0x19500] =	vst v63  }
0x42: {  	s6 =	rddreg [dreg:$0xd];
	s23 =	simm.s32 $0x400  }
0x43: {  	[tilespmem:s23], [sflag:$0x18] =	stream.linear.gather [hbm4b:s6+s3], $0x50, $0x38;
	[tilespmem:$0x19500] =	vst v63  }
0x44: {  	s6 =	rddreg [dreg:$0xe]  }
0x45: {  	[tilespmem:s14], [sflag:$0x14] =	stream.linear.gather [hbm4b:s6+s3], $0x50, $0x38;
	[tilespmem:$0x19500] =	vst v63  }
0x46: {  	s6 =	rddreg [dreg:$0xf]  }
0x47: {  	[tilespmem:s15], [sflag:$0x19] =	stream.linear.gather [hbm4b:s6+s3], $0x50, $0x38;
	[tilespmem:$0x19500] =	vst v63  }
0x48: {  	s6 =	simm.s32 $0x10  }
0x49: {  	_ =	swait.ge [sflag:s6], $0x50  }
0x4a: {  	[sflag:s6] =	ssyncset.done $0x0  }
0x4b: {  	[sflag:s6] =	ssyncadd.s32 $0xFFFFFFB0;
	s6 =	simm.s32 $0x15  }
0x4c: {  	_ =	swait.ge [sflag:s6], $0x50  }
0x4d: {  	[sflag:s6] =	ssyncset.done $0x0  }
0x4e: {  	[sflag:s6] =	ssyncadd.s32 $0xFFFFFFB0;
	s6 =	simm.s32 $0x500  }
0x4f: {  	[tilespmem:s6], [sflag:$0x1] =	stream.indirect.gather [hbm4b:s1+s19], $0x80, s3, s19, $0xb8;
	[tilespmem:$0x19500] =	vst v63  }
0x50: {  	s6 =	simm.s32 $0xCD00  }
0x51: {  	[tilespmem:s6], [sflag:$0x6] =	stream.indirect.gather [hbm4b:s4+s19], $0x80, s11, s19, $0xb8;
	[tilespmem:$0x19500] =	vst v63  }
0x52: {  	s11 =	simm.s32 $0x11  }
0x53: {  	_ =	swait.ge [sflag:s11], $0x50  }
0x54: {  	[sflag:s11] =	ssyncset.done $0x0  }
0x55: {  	[sflag:s11] =	ssyncadd.s32 $0xFFFFFFB0;
	s11 =	simm.s32 $0x16  }
0x56: {  	_ =	swait.ge [sflag:s11], $0x50  }
0x57: {  	[sflag:s11] =	ssyncset.done $0x0  }
0x58: {  	[sflag:s11] =	ssyncadd.s32 $0xFFFFFFB0;
	s11 =	simm.s32 $0x2D00  }
0x59: {  	[tilespmem:s11], [sflag:$0x2] =	stream.indirect.gather [hbm4b:s1+s19], $0x80, s16, s19, $0xb8;
	[tilespmem:$0x19500] =	vst v63  }
0x5a: {  	s16 =	simm.s32 $0xF500  }
0x5b: {  	[tilespmem:s16], [sflag:$0x7] =	stream.indirect.gather [hbm4b:s4+s19], $0x80, s18, s19, $0xb8;
	[tilespmem:$0x19500] =	vst v63  }
0x5c: {  	s18 =	simm.s32 $0x12  }
0x5d: {  	_ =	swait.ge [sflag:s18], $0x50  }
0x5e: {  	[sflag:s18] =	ssyncset.done $0x0  }
0x5f: {  	s11 =	simm.s32 $0x17;
	[sflag:s18] =	ssyncadd.s32 $0xFFFFFFB0  }
0x60: {  	_ =	swait.ge [sflag:s11], $0x50  }
0x61: {  	[sflag:s11] =	ssyncset.done $0x0  }
0x62: {  	s16 =	simm.s32 $0x5500;
	s18 =	simm.s32 $0x100;
	[sflag:s11] =	ssyncadd.s32 $0xFFFFFFB0  }
0x63: {  	[tilespmem:s16], [sflag:$0x3] =	stream.indirect.gather [hbm4b:s1+s19], $0x80, s18, s19, $0xb8;
	[tilespmem:$0x19500] =	vst v63  }
0x64: {  	s16 =	simm.s32 $0x11D00;
	s18 =	simm.s32 $0x13  }
0x65: {  	[tilespmem:s16], [sflag:$0x8] =	stream.indirect.gather [hbm4b:s4+s19], $0x80, s24, s19, $0xb8;
	[tilespmem:$0x19500] =	vst v63  }
0x66: {  	_ =	swait.ge [sflag:s18], $0x50  }
0x67: {  	[sflag:s18] =	ssyncset.done $0x0  }
0x68: {  	s24 =	simm.s32 $0x18;
	[sflag:s18] =	ssyncadd.s32 $0xFFFFFFB0  }
0x69: {  	_ =	swait.ge [sflag:s24], $0x50  }
0x6a: {  	[sflag:s24] =	ssyncset.done $0x0  }
0x6b: {  	s11 =	simm.s32 $0x7D00;
	s16 =	simm.s32 $0x180;
	[sflag:s24] =	ssyncadd.s32 $0xFFFFFFB0  }
0x6c: {  	[tilespmem:s11], [sflag:$0x4] =	stream.indirect.gather [hbm4b:s1+s19], $0x80, s16, s19, $0xb8;
	[tilespmem:$0x19500] =	vst v63  }
0x6d: {  	s23 =	simm.s32 $0x400;
	s18 =	simm.s32 $0x14500  }
0x6e: {  	[tilespmem:s18], [sflag:$0x9] =	stream.indirect.gather [hbm4b:s4+s19], $0x80, s23, s19, $0xb8;
	[tilespmem:$0x19500] =	vst v63  }
0x6f: {  	_ =	swait.ge [sflag:s17], $0x50  }
0x70: {  	[sflag:s17] =	ssyncset.done $0x0  }
0x71: {  	[sflag:s17] =	ssyncadd.s32 $0xFFFFFFB0  }
0x72: {  	_ =	swait.ge [sflag:s30], $0x50  }
0x73: {  	[sflag:s30] =	ssyncset.done $0x0  }
0x74: {  	[sflag:s30] =	ssyncadd.s32 $0xFFFFFFB0  }
0x75: {  	[tilespmem:s20], [sflag:$0x5] =	stream.indirect.gather [hbm4b:s1+s19], $0x80, s14, s19, $0xb8;
	[tilespmem:$0x19500] =	vst v63  }
0x76: {  	s6 =	simm.s32 $0x0;
	s24 =	simm.s32 $0x16D00  }
0x77: {  	[tilespmem:s24], [sflag:$0xA] =	stream.indirect.gather [hbm4b:s4+s19], $0x80, s15, s19, $0xb8;
	[tilespmem:$0x19500] =	vst v63  }
.LBB2_2:
0x78: {  	_ =	swait.ge [sflag:s21], $0x2800  }
0x79: {  	[sflag:s21] =	ssyncset.done $0x0  }
0x7a: {  	[sflag:s21] =	ssyncadd.s32 $0xFFFFD800  }
0x7b: {  	_ =	swait.ge [sflag:s10], $0x2800  }
0x7c: {  	[sflag:s10] =	ssyncset.done $0x0  }
0x7d: {  	s16 =	simm.s32 $0x0;
	[sflag:s10] =	ssyncadd.s32 $0xFFFFD800  }
0x7e: {  	v6 =	vld [tilespmem:s16+$0xCD00]  }
0x7f: {  	v11 =	vld [tilespmem:s16+$0xCD10]  }
0x80: {  	v5 =	vld [tilespmem:s16+$0xCD20]  }
0x81: {  	v4 =	vld [tilespmem:s16+$0xCD30]  }
0x82: {  	v3 =	vld [tilespmem:s16+$0xCD40]  }
0x83: {  	v2 =	vld [tilespmem:s16+$0xCD50]  }
0x84: {  	v1 =	vld [tilespmem:s16+$0xCD60]  }
0x85: {  	v0 =	vld [tilespmem:s16+$0xCD70]  }
0x86: {  	v12 =	vld [tilespmem:s16+$0x500]  }
0x87: {  	v13 =	vld [tilespmem:s16+$0x510]  }
0x88: {  	v10 =	vld [tilespmem:s16+$0x520]  }
0x89: {  	v9 =	vld [tilespmem:s16+$0x530]  }
0x8a: {  	v8 =	vld [tilespmem:s16+$0x540]  }
0x8b: {  	v7 =	vld [tilespmem:s16+$0x550];
	v12 =	vadd.f32 v6, v12  }
0x8c: {  	s11 =	simm.s32 $0x200;
	v11 =	vadd.f32 v11, v13;
	v6 =	vld [tilespmem:s16+$0x560]  }
.LBB2_3:
0x8d: {  	s18 =	sshra.s32 s11, $0x2;
	p0 =	sne.s32 s11, $0x9E00;
	[tilespmem:s16+$0x500] =	vst v12;
	v5 =	vadd.f32 v5, v10;
	v10 =	vld [tilespmem:s16+$0x570]  }
0x8e: {  	v12 =	vld [tilespmem:s18+$0xCD00];
	[tilespmem:s16+$0x510] =	vst v11;
	v4 =	vadd.f32 v4, v9  }
0x8f: {  	v11 =	vld [tilespmem:s18+$0xCD10];
	[tilespmem:s16+$0x520] =	vst v5;
	v3 =	vadd.f32 v3, v8  }
0x90: {  	v5 =	vld [tilespmem:s18+$0xCD20];
	[tilespmem:s16+$0x530] =	vst v4;
	v2 =	vadd.f32 v2, v7  }
0x91: {  	v4 =	vld [tilespmem:s18+$0xCD30];
	[tilespmem:s16+$0x540] =	vst v3;
	v1 =	vadd.f32 v1, v6  }
0x92: {  	v3 =	vld [tilespmem:s18+$0xCD40];
	[tilespmem:s16+$0x550] =	vst v2;
	v0 =	vadd.f32 v0, v10  }
0x93: {  	v2 =	vld [tilespmem:s18+$0xCD50];
	[tilespmem:s16+$0x560] =	vst v1  }
0x94: {  	v1 =	vld [tilespmem:s18+$0xCD60];
	[tilespmem:s16+$0x570] =	vst v0;
	s16 =	smov.u32 s18  }
0x95: {  	v0 =	vld [tilespmem:s16+$0xCD70]  }
0x96: {  	v6 =	vld [tilespmem:s16+$0x500]  }
0x97: {  	v13 =	vld [tilespmem:s16+$0x510]  }
.Ltmp2:
0x98: {  	v10 =	vld [tilespmem:s16+$0x520];
	(pc) =	sbr.rel @p0 .LBB2_3-.Ltmp2, $4  }
0x99: {  	v9 =	vld [tilespmem:s16+$0x530]  }
0x9a: {  	v8 =	vld [tilespmem:s16+$0x540]  }
0x9b: {  	v12 =	vadd.f32 v12, v6;
	v7 =	vld [tilespmem:s16+$0x550]  }
0x9c: {  	s11 =	sadd.s32 $0x200, s11;
	v11 =	vadd.f32 v11, v13;
	v6 =	vld [tilespmem:s16+$0x560]  }
0x9d: {  	[tilespmem:s16+$0x500] =	vst v12;
	v5 =	vadd.f32 v5, v10;
	v10 =	vld [tilespmem:s16+$0x570]  }
0x9e: {  	[tilespmem:s16+$0x510] =	vst v11;
	v4 =	vadd.f32 v4, v9  }
0x9f: {  	[tilespmem:s16+$0x520] =	vst v5;
	v3 =	vadd.f32 v3, v8  }
0xa0: {  	s11 =	smul.u32 $0x190, s6;
	[tilespmem:s16+$0x530] =	vst v4;
	v2 =	vadd.f32 v2, v7  }
0xa1: {  	[tilespmem:s16+$0x540] =	vst v3;
	v1 =	vadd.f32 v1, v6  }
0xa2: {  	s18 =	sadd.s32 s26, s11;
	[tilespmem:s16+$0x550] =	vst v2;
	v0 =	vadd.f32 v0, v10  }
0xa3: {  	s24 =	simm.s32 $0x500;
	s18 =	sshll.u32 s18, $0x4;
	[tilespmem:s16+$0x560] =	vst v1  }
0xa4: {  	p0 =	seq.s32 s6, $0x18;
	s23 =	sadd.s32 s8, s18;
	[tilespmem:s16+$0x570] =	vst v0;
	s16 =	rddreg [dreg:$0x10]  }
0xa5: {  	[hbm4b:s23+s3] =	stream.linear.scatter [tilespmem:s24], [sflag:$0xB], $0x2800, $0x38;
	[tilespmem:$0x19500] =	vst v63  }
0xa6: {  	s16 =	sadd.s32 @!p0 s11, s16  }
0xa7: {  	s16 =	sshrl.u32 @!p0 s16, $0x3  }
0xa8: {  	s23 =	simm.s32 @!p0 $0x0;
	s18 =	sadd.s32 @!p0 s5, s16  }
0xa9: {  	[tilespmem:s23], [sflag:$0x10] =	stream.linear.gather @!p0 [hbm4b:s18+s23], $0x50, $0x38;
	[tilespmem:$0x19500] =	vst v63  }
0xaa: {  	s16 =	sadd.s32 @!p0 s7, s16;
	s18 =	simm.s32 @!p0 $0x280  }
0xab: {  	[tilespmem:s18], [sflag:$0x15] =	stream.linear.gather @!p0 [hbm4b:s16+s23], $0x50, $0x38;
	[tilespmem:$0x19500] =	vst v63  }
0xac: {  	s16 =	simm.s32 @!p0 $0xB  }
0xad: {  	_ =	swait.ge @!p0 [sflag:s16], $0x2800  }
0xae: {  	[sflag:s16] =	ssyncset.done @!p0 $0x0  }
0xaf: {  	[sflag:s16] =	ssyncadd.s32 @!p0 $0xFFFFD800;
	s16 =	simm.s32 @!p0 $0x10  }
0xb0: {  	_ =	swait.ge @!p0 [sflag:s16], $0x50  }
0xb1: {  	[sflag:s16] =	ssyncset.done @!p0 $0x0  }
0xb2: {  	[sflag:s16] =	ssyncadd.s32 @!p0 $0xFFFFFFB0;
	s16 =	simm.s32 @!p0 $0x15  }
0xb3: {  	_ =	swait.ge @!p0 [sflag:s16], $0x50  }
0xb4: {  	[sflag:s16] =	ssyncset.done @!p0 $0x0  }
0xb5: {  	s24 =	simm.s32 @!p0 $0x500;
	[sflag:s16] =	ssyncadd.s32 @!p0 $0xFFFFFFB0;
	s16 =	simm.s32 @!p0 $0x50  }
0xb6: {  	[tilespmem:s24], [sflag:$0x1] =	stream.indirect.gather @!p0 [hbm4b:s1+s16], $0x80, s23, s16, $0xb8;
	[tilespmem:$0x19500] =	vst v63  }
0xb7: {  	s23 =	simm.s32 @!p0 $0xCD00  }
0xb8: {  	[tilespmem:s23], [sflag:$0x6] =	stream.indirect.gather @!p0 [hbm4b:s4+s16], $0x80, s18, s16, $0xb8;
	[tilespmem:$0x19500] =	vst v63  }
0xb9: {  	_ =	swait.ge [sflag:s12], $0x2800  }
0xba: {  	[sflag:s12] =	ssyncset.done $0x0  }
0xbb: {  	[sflag:s12] =	ssyncadd.s32 $0xFFFFD800  }
0xbc: {  	_ =	swait.ge [sflag:s13], $0x2800  }
0xbd: {  	[sflag:s13] =	ssyncset.done $0x0  }
0xbe: {  	s16 =	simm.s32 $0x0;
	[sflag:s13] =	ssyncadd.s32 $0xFFFFD800  }
0xbf: {  	v7 =	vld [tilespmem:s16+$0xF500]  }
0xc0: {  	v11 =	vld [tilespmem:s16+$0xF510]  }
0xc1: {  	v5 =	vld [tilespmem:s16+$0xF520]  }
0xc2: {  	v4 =	vld [tilespmem:s16+$0xF530]  }
0xc3: {  	v3 =	vld [tilespmem:s16+$0xF540]  }
0xc4: {  	v2 =	vld [tilespmem:s16+$0xF550]  }
0xc5: {  	v1 =	vld [tilespmem:s16+$0xF560]  }
0xc6: {  	v0 =	vld [tilespmem:s16+$0xF570]  }
0xc7: {  	v12 =	vld [tilespmem:s16+$0x2D00]  }
0xc8: {  	v13 =	vld [tilespmem:s16+$0x2D10]  }
0xc9: {  	v10 =	vld [tilespmem:s16+$0x2D20]  }
0xca: {  	v9 =	vld [tilespmem:s16+$0x2D30]  }
0xcb: {  	v8 =	vld [tilespmem:s16+$0x2D40]  }
0xcc: {  	v6 =	vld [tilespmem:s16+$0x2D50];
	v12 =	vadd.f32 v7, v12  }
0xcd: {  	s18 =	simm.s32 $0x200;
	v11 =	vadd.f32 v11, v13;
	v7 =	vld [tilespmem:s16+$0x2D60]  }
.LBB2_5:
0xce: {  	s23 =	sshra.s32 s18, $0x2;
	p1 =	sne.s32 s18, $0x9E00;
	[tilespmem:s16+$0x2D00] =	vst v12;
	v5 =	vadd.f32 v5, v10;
	v10 =	vld [tilespmem:s16+$0x2D70]  }
0xcf: {  	v12 =	vld [tilespmem:s23+$0xF500];
	[tilespmem:s16+$0x2D10] =	vst v11;
	v4 =	vadd.f32 v4, v9  }
0xd0: {  	v11 =	vld [tilespmem:s23+$0xF510];
	[tilespmem:s16+$0x2D20] =	vst v5;
	v3 =	vadd.f32 v3, v8  }
0xd1: {  	v5 =	vld [tilespmem:s23+$0xF520];
	[tilespmem:s16+$0x2D30] =	vst v4;
	v2 =	vadd.f32 v2, v6  }
0xd2: {  	v4 =	vld [tilespmem:s23+$0xF530];
	[tilespmem:s16+$0x2D40] =	vst v3;
	v1 =	vadd.f32 v1, v7  }
0xd3: {  	v3 =	vld [tilespmem:s23+$0xF540];
	[tilespmem:s16+$0x2D50] =	vst v2;
	v0 =	vadd.f32 v0, v10  }
0xd4: {  	v2 =	vld [tilespmem:s23+$0xF550];
	[tilespmem:s16+$0x2D60] =	vst v1  }
0xd5: {  	v1 =	vld [tilespmem:s23+$0xF560];
	[tilespmem:s16+$0x2D70] =	vst v0;
	s16 =	smov.u32 s23  }
0xd6: {  	v0 =	vld [tilespmem:s16+$0xF570]  }
0xd7: {  	v6 =	vld [tilespmem:s16+$0x2D00]  }
0xd8: {  	v7 =	vld [tilespmem:s16+$0x2D10]  }
.Ltmp3:
0xd9: {  	v10 =	vld [tilespmem:s16+$0x2D20];
	(pc) =	sbr.rel @p1 .LBB2_5-.Ltmp3, $4  }
0xda: {  	v9 =	vld [tilespmem:s16+$0x2D30]  }
0xdb: {  	v8 =	vld [tilespmem:s16+$0x2D40]  }
0xdc: {  	v12 =	vadd.f32 v12, v6;
	v6 =	vld [tilespmem:s16+$0x2D50]  }
0xdd: {  	s18 =	sadd.s32 $0x200, s18;
	v11 =	vadd.f32 v11, v7;
	v7 =	vld [tilespmem:s16+$0x2D60]  }
0xde: {  	[tilespmem:s16+$0x2D00] =	vst v12;
	v5 =	vadd.f32 v5, v10;
	v10 =	vld [tilespmem:s16+$0x2D70]  }
0xdf: {  	[tilespmem:s16+$0x2D10] =	vst v11;
	v4 =	vadd.f32 v4, v9  }
0xe0: {  	[tilespmem:s16+$0x2D20] =	vst v5;
	v3 =	vadd.f32 v3, v8  }
0xe1: {  	[tilespmem:s16+$0x2D30] =	vst v4;
	v2 =	vadd.f32 v2, v6  }
0xe2: {  	s18 =	rddreg [dreg:$0x3];
	[tilespmem:s16+$0x2D40] =	vst v3;
	v1 =	vadd.f32 v1, v7  }
0xe3: {  	s18 =	sadd.s32 s11, s18;
	[tilespmem:s16+$0x2D50] =	vst v2;
	v0 =	vadd.f32 v0, v10  }
0xe4: {  	s18 =	sshll.u32 s18, $0x4;
	[tilespmem:s16+$0x2D60] =	vst v1  }
0xe5: {  	s24 =	simm.s32 $0x2D00;
	s23 =	sadd.s32 s8, s18;
	[tilespmem:s16+$0x2D70] =	vst v0;
	s16 =	rddreg [dreg:$0x11]  }
0xe6: {  	[hbm4b:s23+s3] =	stream.linear.scatter [tilespmem:s24], [sflag:$0xC], $0x2800, $0x38;
	[tilespmem:$0x19500] =	vst v63  }
0xe7: {  	s16 =	sadd.s32 @!p0 s11, s16  }
0xe8: {  	s16 =	sshrl.u32 @!p0 s16, $0x3  }
0xe9: {  	s23 =	simm.s32 @!p0 $0x0;
	s24 =	simm.s32 @!p0 $0x80;
	s18 =	sadd.s32 @!p0 s5, s16  }
0xea: {  	[tilespmem:s24], [sflag:$0x11] =	stream.linear.gather @!p0 [hbm4b:s18+s23], $0x50, $0x38;
	[tilespmem:$0x19500] =	vst v63  }
0xeb: {  	s16 =	sadd.s32 @!p0 s7, s16;
	s18 =	simm.s32 @!p0 $0x300  }
0xec: {  	[tilespmem:s18], [sflag:$0x16] =	stream.linear.gather @!p0 [hbm4b:s16+s23], $0x50, $0x38;
	[tilespmem:$0x19500] =	vst v63  }
0xed: {  	s16 =	simm.s32 @!p0 $0xC  }
0xee: {  	_ =	swait.ge @!p0 [sflag:s16], $0x2800  }
0xef: {  	[sflag:s16] =	ssyncset.done @!p0 $0x0  }
0xf0: {  	[sflag:s16] =	ssyncadd.s32 @!p0 $0xFFFFD800;
	s16 =	simm.s32 @!p0 $0x11  }
0xf1: {  	_ =	swait.ge @!p0 [sflag:s16], $0x50  }
0xf2: {  	[sflag:s16] =	ssyncset.done @!p0 $0x0  }
0xf3: {  	[sflag:s16] =	ssyncadd.s32 @!p0 $0xFFFFFFB0;
	s16 =	simm.s32 @!p0 $0x16  }
0xf4: {  	_ =	swait.ge @!p0 [sflag:s16], $0x50  }
0xf5: {  	[sflag:s16] =	ssyncset.done @!p0 $0x0  }
0xf6: {  	s23 =	simm.s32 @!p0 $0x2D00;
	[sflag:s16] =	ssyncadd.s32 @!p0 $0xFFFFFFB0;
	s16 =	simm.s32 @!p0 $0x50  }
0xf7: {  	[tilespmem:s23], [sflag:$0x2] =	stream.indirect.gather @!p0 [hbm4b:s1+s16], $0x80, s24, s16, $0xb8;
	[tilespmem:$0x19500] =	vst v63  }
0xf8: {  	s23 =	simm.s32 @!p0 $0xF500  }
0xf9: {  	[tilespmem:s23], [sflag:$0x7] =	stream.indirect.gather @!p0 [hbm4b:s4+s16], $0x80, s18, s16, $0xb8;
	[tilespmem:$0x19500] =	vst v63  }
0xfa: {  	_ =	swait.ge [sflag:s0], $0x2800  }
0xfb: {  	[sflag:s0] =	ssyncset.done $0x0  }
0xfc: {  	[sflag:s0] =	ssyncadd.s32 $0xFFFFD800  }
0xfd: {  	_ =	swait.ge [sflag:s31], $0x2800  }
0xfe: {  	[sflag:s31] =	ssyncset.done $0x0  }
0xff: {  	s16 =	simm.s32 $0x0;
	[sflag:s31] =	ssyncadd.s32 $0xFFFFD800  }
0x100: {  	v7 =	vld [tilespmem:s16+$0x11D00]  }
0x101: {  	v11 =	vld [tilespmem:s16+$0x11D10]  }
0x102: {  	v5 =	vld [tilespmem:s16+$0x11D20]  }
0x103: {  	v4 =	vld [tilespmem:s16+$0x11D30]  }
0x104: {  	v3 =	vld [tilespmem:s16+$0x11D40]  }
0x105: {  	v2 =	vld [tilespmem:s16+$0x11D50]  }
0x106: {  	v1 =	vld [tilespmem:s16+$0x11D60]  }
0x107: {  	v0 =	vld [tilespmem:s16+$0x11D70]  }
0x108: {  	v12 =	vld [tilespmem:s16+$0x5500]  }
0x109: {  	v13 =	vld [tilespmem:s16+$0x5510]  }
0x10a: {  	v10 =	vld [tilespmem:s16+$0x5520]  }
0x10b: {  	v9 =	vld [tilespmem:s16+$0x5530]  }
0x10c: {  	v8 =	vld [tilespmem:s16+$0x5540]  }
0x10d: {  	v6 =	vld [tilespmem:s16+$0x5550];
	v12 =	vadd.f32 v7, v12  }
0x10e: {  	s18 =	simm.s32 $0x200;
	v11 =	vadd.f32 v11, v13;
	v7 =	vld [tilespmem:s16+$0x5560]  }
.LBB2_7:
0x10f: {  	s23 =	sshra.s32 s18, $0x2;
	p1 =	sne.s32 s18, $0x9E00;
	[tilespmem:s16+$0x5500] =	vst v12;
	v5 =	vadd.f32 v5, v10;
	v10 =	vld [tilespmem:s16+$0x5570]  }
0x110: {  	v12 =	vld [tilespmem:s23+$0x11D00];
	[tilespmem:s16+$0x5510] =	vst v11;
	v4 =	vadd.f32 v4, v9  }
0x111: {  	v11 =	vld [tilespmem:s23+$0x11D10];
	[tilespmem:s16+$0x5520] =	vst v5;
	v3 =	vadd.f32 v3, v8  }
0x112: {  	v5 =	vld [tilespmem:s23+$0x11D20];
	[tilespmem:s16+$0x5530] =	vst v4;
	v2 =	vadd.f32 v2, v6  }
0x113: {  	v4 =	vld [tilespmem:s23+$0x11D30];
	[tilespmem:s16+$0x5540] =	vst v3;
	v1 =	vadd.f32 v1, v7  }
0x114: {  	v3 =	vld [tilespmem:s23+$0x11D40];
	[tilespmem:s16+$0x5550] =	vst v2;
	v0 =	vadd.f32 v0, v10  }
0x115: {  	v2 =	vld [tilespmem:s23+$0x11D50];
	[tilespmem:s16+$0x5560] =	vst v1  }
0x116: {  	v1 =	vld [tilespmem:s23+$0x11D60];
	[tilespmem:s16+$0x5570] =	vst v0;
	s16 =	smov.u32 s23  }
0x117: {  	v0 =	vld [tilespmem:s16+$0x11D70]  }
0x118: {  	v6 =	vld [tilespmem:s16+$0x5500]  }
0x119: {  	v7 =	vld [tilespmem:s16+$0x5510]  }
.Ltmp4:
0x11a: {  	v10 =	vld [tilespmem:s16+$0x5520];
	(pc) =	sbr.rel @p1 .LBB2_7-.Ltmp4, $4  }
0x11b: {  	v9 =	vld [tilespmem:s16+$0x5530]  }
0x11c: {  	v8 =	vld [tilespmem:s16+$0x5540]  }
0x11d: {  	v12 =	vadd.f32 v12, v6;
	v6 =	vld [tilespmem:s16+$0x5550]  }
0x11e: {  	s18 =	sadd.s32 $0x200, s18;
	v11 =	vadd.f32 v11, v7;
	v7 =	vld [tilespmem:s16+$0x5560]  }
0x11f: {  	[tilespmem:s16+$0x5500] =	vst v12;
	v5 =	vadd.f32 v5, v10;
	v10 =	vld [tilespmem:s16+$0x5570]  }
0x120: {  	[tilespmem:s16+$0x5510] =	vst v11;
	v4 =	vadd.f32 v4, v9  }
0x121: {  	[tilespmem:s16+$0x5520] =	vst v5;
	v3 =	vadd.f32 v3, v8  }
0x122: {  	[tilespmem:s16+$0x5530] =	vst v4;
	v2 =	vadd.f32 v2, v6  }
0x123: {  	s18 =	rddreg [dreg:$0x5];
	[tilespmem:s16+$0x5540] =	vst v3;
	v1 =	vadd.f32 v1, v7  }
0x124: {  	s18 =	sadd.s32 s11, s18;
	[tilespmem:s16+$0x5550] =	vst v2;
	v0 =	vadd.f32 v0, v10  }
0x125: {  	s18 =	sshll.u32 s18, $0x4;
	[tilespmem:s16+$0x5560] =	vst v1  }
0x126: {  	s24 =	simm.s32 $0x5500;
	s23 =	sadd.s32 s8, s18;
	[tilespmem:s16+$0x5570] =	vst v0;
	s16 =	rddreg [dreg:$0x13]  }
0x127: {  	[hbm4b:s23+s3] =	stream.linear.scatter [tilespmem:s24], [sflag:$0xD], $0x2800, $0x38;
	[tilespmem:$0x19500] =	vst v63  }
0x128: {  	s16 =	sadd.s32 @!p0 s11, s16  }
0x129: {  	s16 =	sshrl.u32 @!p0 s16, $0x3  }
0x12a: {  	s23 =	simm.s32 @!p0 $0x0;
	s24 =	simm.s32 @!p0 $0x100;
	s18 =	sadd.s32 @!p0 s5, s16  }
0x12b: {  	[tilespmem:s24], [sflag:$0x12] =	stream.linear.gather @!p0 [hbm4b:s18+s23], $0x50, $0x38;
	[tilespmem:$0x19500] =	vst v63  }
0x12c: {  	s16 =	sadd.s32 @!p0 s7, s16;
	s18 =	simm.s32 @!p0 $0x380  }
0x12d: {  	[tilespmem:s18], [sflag:$0x17] =	stream.linear.gather @!p0 [hbm4b:s16+s23], $0x50, $0x38;
	[tilespmem:$0x19500] =	vst v63  }
0x12e: {  	s16 =	simm.s32 @!p0 $0xD  }
0x12f: {  	_ =	swait.ge @!p0 [sflag:s16], $0x2800  }
0x130: {  	[sflag:s16] =	ssyncset.done @!p0 $0x0  }
0x131: {  	[sflag:s16] =	ssyncadd.s32 @!p0 $0xFFFFD800;
	s16 =	simm.s32 @!p0 $0x12  }
0x132: {  	_ =	swait.ge @!p0 [sflag:s16], $0x50  }
0x133: {  	[sflag:s16] =	ssyncset.done @!p0 $0x0  }
0x134: {  	[sflag:s16] =	ssyncadd.s32 @!p0 $0xFFFFFFB0;
	s16 =	simm.s32 @!p0 $0x17  }
0x135: {  	_ =	swait.ge @!p0 [sflag:s16], $0x50  }
0x136: {  	[sflag:s16] =	ssyncset.done @!p0 $0x0  }
0x137: {  	s23 =	simm.s32 @!p0 $0x5500;
	[sflag:s16] =	ssyncadd.s32 @!p0 $0xFFFFFFB0;
	s16 =	simm.s32 @!p0 $0x50  }
0x138: {  	[tilespmem:s23], [sflag:$0x3] =	stream.indirect.gather @!p0 [hbm4b:s1+s16], $0x80, s24, s16, $0xb8;
	[tilespmem:$0x19500] =	vst v63  }
0x139: {  	s23 =	simm.s32 @!p0 $0x11D00  }
0x13a: {  	[tilespmem:s23], [sflag:$0x8] =	stream.indirect.gather @!p0 [hbm4b:s4+s16], $0x80, s18, s16, $0xb8;
	[tilespmem:$0x19500] =	vst v63  }
0x13b: {  	_ =	swait.ge [sflag:s2], $0x2800  }
0x13c: {  	[sflag:s2] =	ssyncset.done $0x0  }
0x13d: {  	[sflag:s2] =	ssyncadd.s32 $0xFFFFD800  }
0x13e: {  	_ =	swait.ge [sflag:s22], $0x2800  }
0x13f: {  	[sflag:s22] =	ssyncset.done $0x0  }
0x140: {  	s16 =	simm.s32 $0x0;
	[sflag:s22] =	ssyncadd.s32 $0xFFFFD800  }
0x141: {  	v7 =	vld [tilespmem:s16+$0x14500]  }
0x142: {  	v11 =	vld [tilespmem:s16+$0x14510]  }
0x143: {  	v5 =	vld [tilespmem:s16+$0x14520]  }
0x144: {  	v4 =	vld [tilespmem:s16+$0x14530]  }
0x145: {  	v3 =	vld [tilespmem:s16+$0x14540]  }
0x146: {  	v2 =	vld [tilespmem:s16+$0x14550]  }
0x147: {  	v1 =	vld [tilespmem:s16+$0x14560]  }
0x148: {  	v0 =	vld [tilespmem:s16+$0x14570]  }
0x149: {  	v12 =	vld [tilespmem:s16+$0x7D00]  }
0x14a: {  	v13 =	vld [tilespmem:s16+$0x7D10]  }
0x14b: {  	v10 =	vld [tilespmem:s16+$0x7D20]  }
0x14c: {  	v9 =	vld [tilespmem:s16+$0x7D30]  }
0x14d: {  	v8 =	vld [tilespmem:s16+$0x7D40]  }
0x14e: {  	v6 =	vld [tilespmem:s16+$0x7D50];
	v12 =	vadd.f32 v7, v12  }
0x14f: {  	s18 =	simm.s32 $0x200;
	v11 =	vadd.f32 v11, v13;
	v7 =	vld [tilespmem:s16+$0x7D60]  }
.LBB2_9:
0x150: {  	s23 =	sshra.s32 s18, $0x2;
	p1 =	sne.s32 s18, $0x9E00;
	[tilespmem:s16+$0x7D00] =	vst v12;
	v5 =	vadd.f32 v5, v10;
	v10 =	vld [tilespmem:s16+$0x7D70]  }
0x151: {  	v12 =	vld [tilespmem:s23+$0x14500];
	[tilespmem:s16+$0x7D10] =	vst v11;
	v4 =	vadd.f32 v4, v9  }
0x152: {  	v11 =	vld [tilespmem:s23+$0x14510];
	[tilespmem:s16+$0x7D20] =	vst v5;
	v3 =	vadd.f32 v3, v8  }
0x153: {  	v5 =	vld [tilespmem:s23+$0x14520];
	[tilespmem:s16+$0x7D30] =	vst v4;
	v2 =	vadd.f32 v2, v6  }
0x154: {  	v4 =	vld [tilespmem:s23+$0x14530];
	[tilespmem:s16+$0x7D40] =	vst v3;
	v1 =	vadd.f32 v1, v7  }
0x155: {  	v3 =	vld [tilespmem:s23+$0x14540];
	[tilespmem:s16+$0x7D50] =	vst v2;
	v0 =	vadd.f32 v0, v10  }
0x156: {  	v2 =	vld [tilespmem:s23+$0x14550];
	[tilespmem:s16+$0x7D60] =	vst v1  }
0x157: {  	v1 =	vld [tilespmem:s23+$0x14560];
	[tilespmem:s16+$0x7D70] =	vst v0;
	s16 =	smov.u32 s23  }
0x158: {  	v0 =	vld [tilespmem:s16+$0x14570]  }
0x159: {  	v6 =	vld [tilespmem:s16+$0x7D00]  }
0x15a: {  	v7 =	vld [tilespmem:s16+$0x7D10]  }
.Ltmp5:
0x15b: {  	v10 =	vld [tilespmem:s16+$0x7D20];
	(pc) =	sbr.rel @p1 .LBB2_9-.Ltmp5, $4  }
0x15c: {  	v9 =	vld [tilespmem:s16+$0x7D30]  }
0x15d: {  	v8 =	vld [tilespmem:s16+$0x7D40]  }
0x15e: {  	v12 =	vadd.f32 v12, v6;
	v6 =	vld [tilespmem:s16+$0x7D50]  }
0x15f: {  	s18 =	sadd.s32 $0x200, s18;
	v11 =	vadd.f32 v11, v7;
	v7 =	vld [tilespmem:s16+$0x7D60]  }
0x160: {  	[tilespmem:s16+$0x7D00] =	vst v12;
	v5 =	vadd.f32 v5, v10;
	v10 =	vld [tilespmem:s16+$0x7D70]  }
0x161: {  	[tilespmem:s16+$0x7D10] =	vst v11;
	v4 =	vadd.f32 v4, v9  }
0x162: {  	[tilespmem:s16+$0x7D20] =	vst v5;
	v3 =	vadd.f32 v3, v8  }
0x163: {  	[tilespmem:s16+$0x7D30] =	vst v4;
	v2 =	vadd.f32 v2, v6  }
0x164: {  	s18 =	rddreg [dreg:$0xa];
	[tilespmem:s16+$0x7D40] =	vst v3;
	v1 =	vadd.f32 v1, v7  }
0x165: {  	s18 =	sadd.s32 s11, s18;
	[tilespmem:s16+$0x7D50] =	vst v2;
	v0 =	vadd.f32 v0, v10  }
0x166: {  	s18 =	sshll.u32 s18, $0x4;
	[tilespmem:s16+$0x7D60] =	vst v1  }
0x167: {  	s24 =	simm.s32 $0x7D00;
	s23 =	sadd.s32 s8, s18;
	[tilespmem:s16+$0x7D70] =	vst v0;
	s16 =	rddreg [dreg:$0x14]  }
0x168: {  	[hbm4b:s23+s3] =	stream.linear.scatter [tilespmem:s24], [sflag:$0xE], $0x2800, $0x38;
	[tilespmem:$0x19500] =	vst v63  }
0x169: {  	s16 =	sadd.s32 @!p0 s11, s16  }
0x16a: {  	s16 =	sshrl.u32 @!p0 s16, $0x3  }
0x16b: {  	s23 =	simm.s32 @!p0 $0x0;
	s24 =	simm.s32 @!p0 $0x180;
	s18 =	sadd.s32 @!p0 s5, s16  }
0x16c: {  	[tilespmem:s24], [sflag:$0x13] =	stream.linear.gather @!p0 [hbm4b:s18+s23], $0x50, $0x38;
	[tilespmem:$0x19500] =	vst v63  }
0x16d: {  	s16 =	sadd.s32 @!p0 s7, s16;
	s18 =	simm.s32 @!p0 $0x400  }
0x16e: {  	[tilespmem:s18], [sflag:$0x18] =	stream.linear.gather @!p0 [hbm4b:s16+s23], $0x50, $0x38;
	[tilespmem:$0x19500] =	vst v63  }
0x16f: {  	s16 =	simm.s32 @!p0 $0xE  }
0x170: {  	_ =	swait.ge @!p0 [sflag:s16], $0x2800  }
0x171: {  	[sflag:s16] =	ssyncset.done @!p0 $0x0  }
0x172: {  	[sflag:s16] =	ssyncadd.s32 @!p0 $0xFFFFD800;
	s16 =	simm.s32 @!p0 $0x13  }
0x173: {  	_ =	swait.ge @!p0 [sflag:s16], $0x50  }
0x174: {  	[sflag:s16] =	ssyncset.done @!p0 $0x0  }
0x175: {  	[sflag:s16] =	ssyncadd.s32 @!p0 $0xFFFFFFB0;
	s16 =	simm.s32 @!p0 $0x18  }
0x176: {  	_ =	swait.ge @!p0 [sflag:s16], $0x50  }
0x177: {  	[sflag:s16] =	ssyncset.done @!p0 $0x0  }
0x178: {  	s23 =	simm.s32 @!p0 $0x7D00;
	[sflag:s16] =	ssyncadd.s32 @!p0 $0xFFFFFFB0;
	s16 =	simm.s32 @!p0 $0x50  }
0x179: {  	[tilespmem:s23], [sflag:$0x4] =	stream.indirect.gather @!p0 [hbm4b:s1+s16], $0x80, s24, s16, $0xb8;
	[tilespmem:$0x19500] =	vst v63  }
0x17a: {  	s23 =	simm.s32 @!p0 $0x14500  }
0x17b: {  	[tilespmem:s23], [sflag:$0x9] =	stream.indirect.gather @!p0 [hbm4b:s4+s16], $0x80, s18, s16, $0xb8;
	[tilespmem:$0x19500] =	vst v63  }
0x17c: {  	_ =	swait.ge [sflag:s25], $0x2800  }
0x17d: {  	[sflag:s25] =	ssyncset.done $0x0  }
0x17e: {  	[sflag:s25] =	ssyncadd.s32 $0xFFFFD800  }
0x17f: {  	_ =	swait.ge [sflag:s29], $0x2800  }
0x180: {  	[sflag:s29] =	ssyncset.done $0x0  }
0x181: {  	s16 =	simm.s32 $0x0;
	[sflag:s29] =	ssyncadd.s32 $0xFFFFD800  }
0x182: {  	v7 =	vld [tilespmem:s16+$0x16D00]  }
0x183: {  	v11 =	vld [tilespmem:s16+$0x16D10]  }
0x184: {  	v5 =	vld [tilespmem:s16+$0x16D20]  }
0x185: {  	v4 =	vld [tilespmem:s16+$0x16D30]  }
0x186: {  	v3 =	vld [tilespmem:s16+$0x16D40]  }
0x187: {  	v2 =	vld [tilespmem:s16+$0x16D50]  }
0x188: {  	v1 =	vld [tilespmem:s16+$0x16D60]  }
0x189: {  	v0 =	vld [tilespmem:s16+$0x16D70]  }
0x18a: {  	v12 =	vld [tilespmem:s16+$0xA500]  }
0x18b: {  	v13 =	vld [tilespmem:s16+$0xA510]  }
0x18c: {  	v10 =	vld [tilespmem:s16+$0xA520]  }
0x18d: {  	v9 =	vld [tilespmem:s16+$0xA530]  }
0x18e: {  	v8 =	vld [tilespmem:s16+$0xA540]  }
0x18f: {  	v6 =	vld [tilespmem:s16+$0xA550];
	v12 =	vadd.f32 v7, v12  }
0x190: {  	s18 =	simm.s32 $0x200;
	v11 =	vadd.f32 v11, v13;
	v7 =	vld [tilespmem:s16+$0xA560]  }
.LBB2_11:
0x191: {  	s23 =	sshra.s32 s18, $0x2;
	p1 =	sne.s32 s18, $0x9E00;
	[tilespmem:s16+$0xA500] =	vst v12;
	v5 =	vadd.f32 v5, v10;
	v10 =	vld [tilespmem:s16+$0xA570]  }
0x192: {  	v12 =	vld [tilespmem:s23+$0x16D00];
	[tilespmem:s16+$0xA510] =	vst v11;
	v4 =	vadd.f32 v4, v9  }
0x193: {  	v11 =	vld [tilespmem:s23+$0x16D10];
	[tilespmem:s16+$0xA520] =	vst v5;
	v3 =	vadd.f32 v3, v8  }
0x194: {  	v5 =	vld [tilespmem:s23+$0x16D20];
	[tilespmem:s16+$0xA530] =	vst v4;
	v2 =	vadd.f32 v2, v6  }
0x195: {  	v4 =	vld [tilespmem:s23+$0x16D30];
	[tilespmem:s16+$0xA540] =	vst v3;
	v1 =	vadd.f32 v1, v7  }
0x196: {  	v3 =	vld [tilespmem:s23+$0x16D40];
	[tilespmem:s16+$0xA550] =	vst v2;
	v0 =	vadd.f32 v0, v10  }
0x197: {  	v2 =	vld [tilespmem:s23+$0x16D50];
	[tilespmem:s16+$0xA560] =	vst v1  }
0x198: {  	v1 =	vld [tilespmem:s23+$0x16D60];
	[tilespmem:s16+$0xA570] =	vst v0;
	s16 =	smov.u32 s23  }
0x199: {  	v0 =	vld [tilespmem:s16+$0x16D70]  }
0x19a: {  	v6 =	vld [tilespmem:s16+$0xA500]  }
0x19b: {  	v7 =	vld [tilespmem:s16+$0xA510]  }
.Ltmp6:
0x19c: {  	v10 =	vld [tilespmem:s16+$0xA520];
	(pc) =	sbr.rel @p1 .LBB2_11-.Ltmp6, $4  }
0x19d: {  	v9 =	vld [tilespmem:s16+$0xA530]  }
0x19e: {  	v8 =	vld [tilespmem:s16+$0xA540]  }
0x19f: {  	v12 =	vadd.f32 v12, v6;
	v6 =	vld [tilespmem:s16+$0xA550]  }
0x1a0: {  	s18 =	sadd.s32 $0x200, s18;
	v11 =	vadd.f32 v11, v7;
	v7 =	vld [tilespmem:s16+$0xA560]  }
0x1a1: {  	[tilespmem:s16+$0xA500] =	vst v12;
	v5 =	vadd.f32 v5, v10;
	v63 =	vld [tilespmem:s16+$0xA570]  }
0x1a2: {  	[tilespmem:s16+$0xA510] =	vst v11;
	v4 =	vadd.f32 v4, v9  }
0x1a3: {  	[tilespmem:s16+$0xA520] =	vst v5;
	v3 =	vadd.f32 v3, v8  }
0x1a4: {  	[tilespmem:s16+$0xA530] =	vst v4;
	v2 =	vadd.f32 v2, v6  }
.Ltmp7:
0x1a5: {  	[tilespmem:s16+$0xA540] =	vst v3;
	v1 =	vadd.f32 v1, v7;
	(pc) =	sbr.rel @p0 .LBB2_14-.Ltmp7, $4  }
0x1a6: {  	s18 =	sadd.s32 s11, s28;
	[tilespmem:s16+$0xA550] =	vst v2;
	v0 =	vadd.f32 v0, v63  }
0x1a7: {  	s18 =	sshll.u32 s18, $0x4;
	[tilespmem:s16+$0xA560] =	vst v1  }
0x1a8: {  	s24 =	sadd.s32 s8, s18;
	[tilespmem:s16+$0xA570] =	vst v0  }
0x1a9: {  	[hbm4b:s24+s3] =	stream.linear.scatter [tilespmem:s20], [sflag:$0xF], $0x2800, $0x38;
	[tilespmem:$0x19500] =	vst v63  }
0x1aa: {  	s16 =	rddreg [dreg:$0x15]  }
0x1ab: {  	s11 =	sadd.s32 s11, s16  }
0x1ac: {  	s11 =	sshrl.u32 s11, $0x3  }
0x1ad: {  	s23 =	sadd.s32 s5, s11  }
0x1ae: {  	[tilespmem:s14], [sflag:$0x14] =	stream.linear.gather [hbm4b:s23+s3], $0x50, $0x38;
	[tilespmem:$0x19500] =	vst v63  }
0x1af: {  	s11 =	sadd.s32 s7, s11  }
0x1b0: {  	[tilespmem:s15], [sflag:$0x19] =	stream.linear.gather [hbm4b:s11+s3], $0x50, $0x38;
	[tilespmem:$0x19500] =	vst v63  }
0x1b1: {  	_ =	swait.ge [sflag:s9], $0x2800  }
0x1b2: {  	[sflag:s9] =	ssyncset.done $0x0  }
0x1b3: {  	[sflag:s9] =	ssyncadd.s32 $0xFFFFD800  }
0x1b4: {  	_ =	swait.ge [sflag:s17], $0x50  }
0x1b5: {  	[sflag:s17] =	ssyncset.done $0x0  }
0x1b6: {  	[sflag:s17] =	ssyncadd.s32 $0xFFFFFFB0  }
0x1b7: {  	_ =	swait.ge [sflag:s30], $0x50  }
.Ltmp8:
0x1b8: {  	[sflag:s30] =	ssyncset.done $0x0;
	(pc) =	sbr.rel .LBB2_2-.Ltmp8, $4  }
0x1b9: {  	[sflag:s30] =	ssyncadd.s32 $0xFFFFFFB0  }
0x1ba: {  	[tilespmem:s20], [sflag:$0x5] =	stream.indirect.gather [hbm4b:s1+s19], $0x80, s14, s19, $0xb8;
	[tilespmem:$0x19500] =	vst v63  }
0x1bb: {  	s24 =	simm.s32 $0x16D00;
	s6 =	sadd.s32 $0x1, s6  }
0x1bc: {  	[tilespmem:s24], [sflag:$0xA] =	stream.indirect.gather [hbm4b:s4+s19], $0x80, s15, s19, $0xb8;
	[tilespmem:$0x19500] =	vst v63  }
.LBB2_15:
0x1bd: {  	_ =	sfence.sel $0x180000  }
0x1be: {  	[bflag:$0x0] =	sbarrier.arrive $0xFFFF  }
0x1bf: {  	_ =	strace $0x9000004D  }
0x1c0: {  	s0 =	stileid.u32;
	[bflag:$0x2] =	sbarrier.arrive $0xFFFF  }
0x1c1: {  	p0 =	sne.s32 s0, $0x0;
	s0 =	rddreg [dreg:$0x2]  }
0x1c2: {  	s0 =	sadd.s32 @!p0 $0x100000, s0  }
0x1c3: {  	[sflag:s0] =	ssyncadd.tile.s32 @!p0 $0x1;
	_ =	shalt  }
.Lfunc_end2:
_tile_overlayer_lowered:
.L_overlay_start_2:
0x1c4: {  	(tag) =	ssettag $0x2  }
0x1c5: {  	s0 =	rddreg [dreg:$0x0];
	s2 =	stileid.u32  }
0x1c6: {  	s1 =	rddreg [dreg:$0x1];
	p0 =	sne.s32 s2, $0x0  }
0x1c7: {  	s3 =	rddreg [dreg:$0x2];
	[bflag:$0x3] =	sbarrier.arrive $0xFFFF;
	s2 =	simm.s32 @!p0 $0x1C1A  }
0x1c8: {  	[timem:s3], [sflag:s2] =	dma.local @!p0 [hbm:s0], s1  }
0x1c9: {  	s0 =	simm.s32 @!p0 $0x1A  }
0x1ca: {  	_ =	swait.ge @!p0 [sflag:s0], s1  }
0x1cb: {  	s1 =	ssub.s32 @!p0 $0x0, s1;
	[sflag:s0] =	ssyncset.done @!p0 $0x0  }
0x1cc: {  	[sflag:s0] =	ssyncadd.s32 @!p0 s1  }
0x1cd: {  	[bflag:$0x3] =	sbarrier.arrive $0xFFFF  }
0x1ce: {  	_ =	shalt  }

// kernel: kernel.21.cloned.1.call-start
scs
__scs_entry_jumppad:
0x0: {  	(pc) =	sbr.rel $0x88, $3  }
0x1: {  	(tag) =	ssettag $0x0;
	lr =	simm.s32 $0x1  }
0x2: {  	[smem:$0x3F8E] =	sst lr;
	_ =	strace $0xD0000000  }
0x3: {  	_ = 	snop  }
0x4: {  	_ = 	snop  }
0x5: {  	_ = 	snop  }
0x6: {  	_ = 	snop  }
0x7: {  	_ = 	snop  }
__scs_overlays_trampoline_lowered:
0x8: {  	[smem:$0x3F9D] =	sst s0  }
0x9: {  	[smem:$0x3F9E] =	sst s1  }
0xa: {  	[smem:$0x3F9F] =	sst s2  }
0xb: {  	[smem:$0x3FA0] =	sst s3  }
0xc: {  	[smem:$0x3FA1] =	sst s4  }
0xd: {  	[smem:$0x3FA2] =	sst s5  }
0xe: {  	[smem:$0x3FA3] =	sst s6  }
0xf: {  	[smem:$0x3FA4] =	sst s7  }
0x10: {  	[smem:$0x3FA5] =	sst s8  }
0x11: {  	[smem:$0x3FA6] =	sst s9;
	s0 =	simm.s32 @!p0 $0x0  }
0x12: {  	s1 =	sld [smem:$0x3F8C];
	s0 =	simm.s32 @p0 $0x1  }
0x13: {  	[smem:$0x3FA7] =	sst s0;
	s0 =	simm.s32 @!p1 $0x0  }
0x14: {  	s2 =	sld [smem:$0x3F8B];
	s0 =	simm.s32 @p1 $0x1  }
0x15: {  	[smem:$0x3FA8] =	sst s0;
	s0 =	simm.s32 @!p2 $0x0  }
0x16: {  	s3 =	sld [smem:$0x3FDB];
	s0 =	simm.s32 @p2 $0x1  }
0x17: {  	s4 =	simm.s32 $0x1BF5;
	[smem:$0x3FAA] =	sst s0  }
0x18: {  	s0 =	sld [smem:$0x3F8D];
	_ =	swait.ge [sflag:s4], $0x0  }
0x19: {  	s7 =	sld [smem:$0x3F8E]  }
0x1a: {  	s8 =	sadd.s32 $0xFFFFE003, lr  }
0x1b: {  	s9 =	sadd.s32 $0xFFFFFEF7, lr;
	s5 =	simm.s32 $0xFFFFFFFF;
	p2 =	slt.u32 s8, $0xFFFFF086  }
0x1c: {  	p1 =	slt.u32 s9, $0xF7A;
	s5 =	simm.s32 @!p2 $0x0  }
0x1d: {  	s5 =	simm.s32 @p1 $0x1;
	p0 =	seq.s32 s7, s2  }
0x1e: {  	s7 =	smul.u32 @!p0 $0xF7A, s2;
	p2 =	seq.s32 @!p0 s5, $0x0  }
0x1f: {  	s9 =	smul.u32 $0xF7A, s1;
	s8 =	simm.s32 @!p0 $0x1BF5;
	p2 =	por !p2, p0  }
0x20: {  	[sflag:s8] =	ssyncset.s32 @!p0 $0xFFFFF086;
	s6 =	sadd.s32 @!p0 s3, s7;
	s7 =	simm.s32 @!p0 $0x108  }
0x21: {  	s3 =	sadd.s32 s3, s9;
	s6 =	sadd.s32 @!p0 $0x88, s6;
	s7 =	simm.s32 @p2 $0x1082  }
0x22: {  	[simem:s7], [sflag:s8] =	dma.local @!p0 [hbm:s6], $0xF7A  }
0x23: {  	s9 =	sor.u32 $0xD0000000, s2;
	s6 =	simm.s32 $0x108;
	_ =	swait.ge @!p0 [sflag:s8], $0x0  }
0x24: {  	s3 =	sadd.s32 $0x88, s3;
	s6 =	simm.s32 @!p1 $0x1082;
	[sflag:s4] =	ssyncset.s32 $0xFFFFF086  }
0x25: {  	[simem:s6], [sflag:s4] =	dma.local [hbm:s3], $0xF7A  }
0x26: {  	[smem:$0x3F8E] =	sst s1;
	(tag) =	ssettag s2;
	_ =	strace s9  }
0x27: {  	s1 =	sld [smem:$0x3F9E]  }
0x28: {  	s2 =	sld [smem:$0x3F9F]  }
0x29: {  	s4 =	sld [smem:$0x3FA1]  }
0x2a: {  	p0 =	seq.s32 s5, $0x0;
	s5 =	sld [smem:$0x3FA2]  }
0x2b: {  	s6 =	sld [smem:$0x3FA3]  }
0x2c: {  	s7 =	sld [smem:$0x3FA4]  }
0x2d: {  	s3 =	simm.s32 $0x108;
	s8 =	sld [smem:$0x3FA5]  }
0x2e: {  	s3 =	simm.s32 @!p0 $0x1082;
	s9 =	sld [smem:$0x3FA6]  }
0x2f: {  	lr =	sadd.s32 s0, s3;
	s0 =	sld [smem:$0x3F9D]  }
0x30: {  	s3 =	sld [smem:$0x3FA0]  }
0x31: {  	[smem:$0x3FA9] =	sst s10  }
0x32: {  	s10 =	sld [smem:$0x3FA7];
	_ =	sdelay $0x3  }
0x33: {  	p0 =	seq.s32 s10, $0x1;
	s10 =	sld [smem:$0x3FA9];
	_ =	sdelay $0x3  }
0x34: {  	[smem:$0x3FA9] =	sst s10  }
0x35: {  	s10 =	sld [smem:$0x3FA8];
	_ =	sdelay $0x3  }
0x36: {  	p1 =	seq.s32 s10, $0x1;
	s10 =	sld [smem:$0x3FA9];
	_ =	sdelay $0x3  }
0x37: {  	[smem:$0x3FA9] =	sst s10  }
0x38: {  	s10 =	sld [smem:$0x3FAA]  }
0x39: {  	_ = 	snop;
	(pc) =	sbr.ind lr, $3  }
0x3a: {  	_ = 	snop  }
0x3b: {  	_ = 	snop  }
0x3c: {  	p2 =	seq.s32 s10, $0x1;
	s10 =	sld [smem:$0x3FA9]  }
0x3d: {  	_ =	shalt  }
0x3e: {  	_ =	shalt  }
0x3f: {  	_ =	shalt  }
0x40: {  	_ =	shalt  }
0x41: {  	_ =	shalt  }
0x42: {  	_ =	shalt  }
0x43: {  	_ =	shalt  }
0x44: {  	_ =	shalt  }
0x45: {  	_ =	shalt  }
0x46: {  	_ =	shalt  }
0x47: {  	_ =	shalt  }
0x48: {  	_ =	shalt  }
0x49: {  	_ =	shalt  }
0x4a: {  	_ =	shalt  }
0x4b: {  	_ =	shalt  }
0x4c: {  	_ =	shalt  }
0x4d: {  	_ =	shalt  }
0x4e: {  	_ =	shalt  }
0x4f: {  	_ =	shalt  }
0x50: {  	_ =	shalt  }
0x51: {  	_ =	shalt  }
0x52: {  	_ =	shalt  }
0x53: {  	_ =	shalt  }
0x54: {  	_ =	shalt  }
0x55: {  	_ =	shalt  }
0x56: {  	_ =	shalt  }
0x57: {  	_ =	shalt  }
0x58: {  	_ =	shalt  }
0x59: {  	_ =	shalt  }
0x5a: {  	_ =	shalt  }
0x5b: {  	_ =	shalt  }
0x5c: {  	_ =	shalt  }
0x5d: {  	_ =	shalt  }
0x5e: {  	_ =	shalt  }
0x5f: {  	_ =	shalt  }
0x60: {  	_ =	shalt  }
0x61: {  	_ =	shalt  }
0x62: {  	_ =	shalt  }
0x63: {  	_ =	shalt  }
0x64: {  	_ =	shalt  }
0x65: {  	_ =	shalt  }
0x66: {  	_ =	shalt  }
0x67: {  	_ =	shalt  }
0x68: {  	_ =	shalt  }
0x69: {  	_ =	shalt  }
0x6a: {  	_ =	shalt  }
0x6b: {  	_ =	shalt  }
0x6c: {  	_ =	shalt  }
0x6d: {  	_ =	shalt  }
0x6e: {  	_ =	shalt  }
0x6f: {  	_ =	shalt  }
0x70: {  	_ =	shalt  }
0x71: {  	_ =	shalt  }
0x72: {  	_ =	shalt  }
0x73: {  	_ =	shalt  }
0x74: {  	_ =	shalt  }
0x75: {  	_ =	shalt  }
0x76: {  	_ =	shalt  }
0x77: {  	_ =	shalt  }
0x78: {  	_ =	shalt  }
0x79: {  	_ =	shalt  }
0x7a: {  	_ =	shalt  }
0x7b: {  	_ =	shalt  }
0x7c: {  	_ =	shalt  }
0x7d: {  	_ =	shalt  }
0x7e: {  	_ =	shalt  }
0x7f: {  	_ =	shalt  }
0x80: {  	_ =	shalt  }
0x81: {  	_ =	shalt  }
0x82: {  	_ =	shalt  }
0x83: {  	_ =	shalt  }
0x84: {  	_ =	shalt  }
0x85: {  	_ =	shalt  }
0x86: {  	_ =	shalt  }
0x87: {  	_ =	shalt  }
.Lfunc_end0:
.L_simem_size_0:
called_computation.3_lowered:
.L_overlay_start_0:
0x88: {  	s2 =	sld [smem:$0x3FD9]  }
0x89: {  	s3 =	sld [smem:$0x3FFE];
	_ =	sdelay $0x1  }
0x8a: {  	s1 =	srdreg.scid  }
0x8b: {  	s0 =	sand.u32 $0x1, s1  }
0x8c: {  	s14 =	sshll.u32 s0, $0xA;
	s2 =	sadd.s32 s3, s2  }
0x8d: {  	s2 =	sadd.s32 s2, s14  }
0x8e: {  	[smem:$0x3FB5] =	sst s2  }
0x8f: {  	_ = 	snop  }
0x90: {  	s2 =	sld [smem:$0x3FD0];
	_ =	sdelay $0x2  }
0x91: {  	s15 =	simm.s32 $0xA;
	s4 =	simm.s32 $0x10  }
0x92: {  	[smem:s4], [sflag:s15] =	dma.local [hbm:s2], $0x1  }
0x93: {  	_ =	swait.eq [sflag:s15], $0x1  }
0x94: {  	[sflag:s15] =	ssyncset.done $0x0  }
0x95: {  	[sflag:s15] =	ssyncadd.s32 $0xFFFFFFFF  }
0x96: {  	s16 =	sld [smem:$0x11];
	(tm) =	ssettm $0x1  }
0x97: {  	s17 =	sld [smem:$0x3FFB];
	_ =	sdelay $0x3  }
0x98: {  	_ =	strace s17  }
0x99: {  	s3 =	sld [smem:$0x3FFC];
	_ =	sdelay $0x3  }
0x9a: {  	_ =	strace s3  }
0x9b: {  	s3 =	sld [smem:$0x3FFD];
	_ =	sdelay $0x3  }
0x9c: {  	_ =	strace s3  }
0x9d: {  	_ =	strace $0x8FFFFFFF  }
0x9e: {  	s18 =	sld [smem:$0x3FDB];
	_ =	sdelay $0x1  }
0x9f: {  	s19 =	simm.s32 $_scs_section_size  }
0xa0: {  	s5 =	simm.s32 $_size__tile_overlayer_lowered;
	s6 =	simm.s32 $_tile_overlayer_lowered  }
0xa1: {  	s22 =	simm.s32 $0x1BFF;
	s21 =	sshll.u32 s6, $0x1;
	s3 =	sadd.s32 s19, s18  }
0xa2: {  	s7 =	simm.s32 $0x0;
	s20 =	sshll.u32 s5, $0x1;
	s5 =	sadd.s32 s21, s3  }
0xa3: {  	[timem:s7], [sflag:s22] =	dma.local [hbm:s5], s20  }
0xa4: {  	_ =	swait.ge [sflag:s22], s20  }
0xa5: {  	s4 =	ssub.s32 $0x0, s20;
	[sflag:s22] =	ssyncset.done $0x0  }
0xa6: {  	[sflag:s22] =	ssyncadd.s32 s4;
	_ =	sdelay $0x1  }
0xa7: {  	s23 =	simm.s32 $0x1B8B  }
0xa8: {  	_ =	swait.ge [sflag:s23], $0x1  }
0xa9: {  	[sflag:s23] =	ssyncset.done $0x0  }
0xaa: {  	s25 =	simm.s32 $0x1B8E;
	s24 =	sld [smem:$0x3FFE];
	[sflag:s23] =	ssyncadd.s32 $0xFFFFFFFF  }
0xab: {  	s26 =	simm.s32 $execute0_lowered;
	[smem:$0x3FD2] =	sst s25  }
0xac: {  	s5 =	sshll.u32 s26, $0x1;
	_ =	strace $0x8000004F;
	[dreg:$0x1] =	wrdreg $0xFFFFFFFF  }
0xad: {  	s28 =	simm.s32 $_size_execute0_lowered;
	s3 =	sadd.s32 s3, s5;
	[dreg:$0x0] =	wrdreg $0x0  }
0xae: {  	s5 =	sshll.u32 s28, $0x1;
	[dreg:$0x2] =	wrdreg s3  }
0xaf: {  	[dreg:$0x3] =	wrdreg s5  }
0xb0: {  	[dreg:$0x4] =	wrdreg $0xC0  }
0xb1: {  	_ =	task [dreg:s7], $0x5FFFF  }
0xb2: {  	[dreg:$0x1] =	wrdreg $0xFFFFFFFF  }
0xb3: {  	[dreg:$0x0] =	wrdreg $0x60  }
0xb4: {  	[dreg:$0x2] =	wrdreg s16  }
0xb5: {  	[dreg:$0x3] =	wrdreg s24  }
0xb6: {  	[dreg:$0x4] =	wrdreg $0x0  }
0xb7: {  	[dreg:$0x5] =	wrdreg $0x9  }
0xb8: {  	_ =	task.clear_ibuf [dreg:s7], $0x6FFFF;
	_ =	strace $0x9000004F  }
0xb9: {  	s29 =	simm.s32 $0x9;
	_ =	strace $0x80000051  }
0xba: {  	_ =	swait.ge [sflag:s29], $0x1  }
0xbb: {  	[sflag:s29] =	ssyncadd.s32 $0xFFFFFFFF  }
0xbc: {  	_ =	strace $0x90000051  }
0xbd: {  	_ =	sfence  }
0xbe: {  	s30 =	sld [smem:$0x0];
	_ =	sdelay $0x2  }
0xbf: {  	s31 =	sshll.u32 s1, $0xD;
	s1 =	sshrl.u32 s1, $0x2  }
0xc0: {  	s3 =	sand.u32 $0x4000, s31;
	s1 =	sadd.s32 s1, s30  }
0xc1: {  	s0 =	sor.u32 s3, s0;
	s1 =	sshll.u32 s1, $0x11  }
0xc2: {  	s0 =	sor.u32 s1, s0  }
0xc3: {  	s0 =	sadd.s32 $0x8F2B, s0  }
0xc4: {  	[sflag:s0] =	ssyncadd.remote.s32 $0x1  }
0xc5: {  	_ =	sfence.sel $0xFFFF  }
0xc6: {  	[dreg:$0x0] =	wrdreg $0xFFFFFFFF;
	(pc) =	sbr.abs _section_cstart, $3  }
0xc7: {  	[dreg:$0x1] =	wrdreg $0xFFFFFFFF  }
0xc8: {  	_ =	task.clear_ibuf [dreg:s7], $0x2FFFF;
	_ =	strace $0x9FFFFFFF  }
0xc9: {  	(tm) =	ssettm $0x7FFFFFFF  }
tec
execute0_lowered:
.L_overlay_start_1:
0x0: {  	(tag) =	ssettag $0x1  }
0x1: {  	s0 =	rddreg [dreg:$0x0]  }
0x2: {  	s1 =	rddreg [dreg:$0x1]  }
0x3: {  	s2 =	rddreg [dreg:$0x2]  }
0x4: {  	s13 =	stileid.u32;
	s4 =	srdreg.scid  }
0x5: {  	s3 =	simm.s32 $0x0;
	s28 =	simm.s32 $0x14000;
	s29 =	simm.s32 $0x14280  }
0x6: {  	s30 =	simm.s32 $0x14200;
	s31 =	simm.s32 $0x19280;
	s5 =	smul.u32 $0x2800, s13  }
0x7: {  	s6 =	sand.u32 $0x1, s4;
	[smem:$0x7FF] =	sst s3;
	s4 =	sadd.s32 $0x13E00, s1  }
0x8: {  	s22 =	sshll.u32 s13, $0x1;
	s9 =	smul.u32 $0x50000, s13;
	s24 =	sshll.u32 s13, $0x6  }
0x9: {  	s7 =	smul.u32 $0x28000, s6;
	_ =	strace $0x80000050;
	s23 =	ssub.s32 $0x2, s6  }
0xa: {  	s14 =	sor.u32 $0x1C10, s24;
	s8 =	sadd.s32 s5, s1;
	s10 =	sshrl.u32 s23, $0x1  }
0xb: {  	s9 =	sshrl.u32 s9, $0x2;
	[dreg:$0x6] =	wrdreg s14;
	s5 =	sadd.s32 s5, s7  }
0xc: {  	s7 =	sor.u32 s6, s22;
	s9 =	sadd.s32 s9, s2;
	s8 =	sadd.s32 $0x528800, s8  }
0xd: {  	s1 =	sadd.s32 s5, s1;
	s11 =	smul.u32 $0x2710, s7;
	[dreg:$0x4] =	wrdreg s9  }
0xe: {  	s5 =	ssub.s32 s23, s10;
	[dreg:$0x5] =	wrdreg s8;
	s26 =	smul.u32 $0x27100, s7  }
0xf: {  	s1 =	sadd.s32 $0x1FE00, s1;
	s5 =	smax.u32 s5, $0x1;
	s25 =	sshrl.u32 s11, $0x3  }
0x10: {  	s9 =	sadd.s32 $0x28, s11;
	s10 =	sadd.s32 s0, s26;
	s17 =	sadd.s32 $0x50, s11  }
0x11: {  	s19 =	sadd.s32 $0x78, s11;
	s24 =	sadd.s32 $0xA0, s11;
	[dreg:$0x11] =	wrdreg s1  }
0x12: {  	[dreg:$0x12] =	wrdreg s5;
	s1 =	simm.s32 $0x16A80;
	s5 =	simm.s32 $0x1  }
0x13: {  	s8 =	sadd.s32 s4, s25;
	[dreg:$0x8] =	wrdreg s10;
	s12 =	sshrl.u32 s9, $0x3  }
0x14: {  	s18 =	sshrl.u32 s17, $0x3;
	s22 =	sshrl.u32 s19, $0x3;
	s25 =	smul.u32 $0x4E20, s13  }
0x15: {  	s10 =	sshll.u32 s19, $0x4;
	[dreg:$0x7] =	wrdreg s8;
	s15 =	sadd.s32 s4, s12  }
0x16: {  	s11 =	sshrl.u32 s24, $0x3;
	s20 =	sadd.s32 s4, s18;
	[dreg:$0x9] =	wrdreg s15  }
0x17: {  	s13 =	smul.u32 $0x4E200, s13;
	s23 =	sadd.s32 s4, s22;
	[dreg:$0xb] =	wrdreg s20  }
0x18: {  	s8 =	sshll.u32 s9, $0x4;
	s26 =	sadd.s32 s0, s10;
	[dreg:$0xd] =	wrdreg s23  }
0x19: {  	s12 =	smul.u32 $0x2710, s6;
	s10 =	sadd.s32 s4, s11;
	[dreg:$0xe] =	wrdreg s26  }
0x1a: {  	s16 =	sadd.s32 s0, s8;
	s8 =	sshll.u32 s17, $0x4;
	[dreg:$0xf] =	wrdreg s10  }
0x1b: {  	s15 =	smul.u32 $0x27100, s6;
	s6 =	simm.s32 $0x6;
	s10 =	simm.s32 $0x8  }
0x1c: {  	[dreg:$0xa] =	wrdreg s16;
	s21 =	sadd.s32 s0, s8;
	s8 =	sshll.u32 s24, $0x4  }
0x1d: {  	s9 =	sadd.s32 s12, s25;
	s12 =	simm.s32 $0xA;
	[dreg:$0xc] =	wrdreg s21  }
0x1e: {  	s11 =	sadd.s32 s0, s8;
	s16 =	sadd.s32 $0x168, s9;
	s0 =	sadd.s32 s13, s0  }
0x1f: {  	s19 =	sadd.s32 $0x140, s9;
	s21 =	sadd.s32 $0x118, s9;
	s22 =	sadd.s32 $0xF0, s9  }
0x20: {  	s26 =	sadd.s32 $0xC8, s9;
	s13 =	simm.s32 $0x10;
	s8 =	simm.s32 $0x28  }
0x21: {  	s9 =	simm.s32 $0x3;
	[dreg:$0x10] =	wrdreg s11;
	s17 =	sshrl.u32 s16, $0x3  }
0x22: {  	s20 =	sadd.s32 s15, s0;
	s0 =	sshrl.u32 s19, $0x3;
	s23 =	sshrl.u32 s21, $0x3  }
.Ltmp0:
0x23: {  	[dreg:$0x17] =	wrdreg s26;
	s18 =	sadd.s32 s17, s4;
	(pc) =	sbr.rel .LBB2_1-.Ltmp0, $4  }
0x24: {  	s24 =	sshrl.u32 s22, $0x3;
	s0 =	sadd.s32 s0, s4;
	[dreg:$0x13] =	wrdreg s18  }
0x25: {  	s11 =	simm.s32 $0x5;
	s25 =	sadd.s32 s24, s4;
	[dreg:$0x14] =	wrdreg s0  }
0x26: {  	s15 =	simm.s32 $0x0;
	s0 =	sadd.s32 s23, s4;
	[dreg:$0x16] =	wrdreg s25  }
0x27: {  	s17 =	simm.s32 $0xF;
	[dreg:$0x15] =	wrdreg s0;
	s0 =	simm.s32 $0x14100  }
.LBB2_4:
0x28: {  	s7 =	simm.s32 $0xB  }
0x29: {  	_ =	swait.ge [sflag:s7], $0x1400  }
0x2a: {  	[sflag:s7] =	ssyncset.done $0x0  }
0x2b: {  	s22 =	simm.s32 $0xC;
	[sflag:s7] =	ssyncadd.s32 $0xFFFFEC00  }
0x2c: {  	_ =	swait.ge [sflag:s22], $0x1400  }
0x2d: {  	[sflag:s22] =	ssyncset.done $0x0  }
0x2e: {  	s23 =	simm.s32 $0xD;
	[sflag:s22] =	ssyncadd.s32 $0xFFFFEC00  }
0x2f: {  	_ =	swait.ge [sflag:s23], $0x1400  }
0x30: {  	[sflag:s23] =	ssyncset.done $0x0  }
0x31: {  	s24 =	simm.s32 $0xE;
	[sflag:s23] =	ssyncadd.s32 $0xFFFFEC00  }
0x32: {  	_ =	swait.ge [sflag:s24], $0x1400  }
0x33: {  	[sflag:s24] =	ssyncset.done $0x0  }
0x34: {  	[sflag:s24] =	ssyncadd.s32 $0xFFFFEC00  }
0x35: {  	_ =	swait.ge [sflag:s17], $0x1400  }
0x36: {  	[sflag:s17] =	ssyncset.done $0x0  }
0x37: {  	[sflag:s17] =	ssyncadd.s32 $0xFFFFEC00  }
0x38: {  	[bflag:$0x0] =	sbarrier.arrive $0xFFFF  }
0x39: {  	s14 =	rddreg [dreg:$0x6]  }
0x3a: {  	s25 =	rddreg [dreg:$0x11]  }
0x3b: {  	s13 =	rddreg [dreg:$0x19]  }
0x3c: {  	[hbm:s25], [sflag:s14] =	dma.local [spmem:s13], $0x2800  }
0x3d: {  	s13 =	simm.s32 $0x10  }
0x3e: {  	_ =	swait.ge [sflag:s13], $0x2800  }
0x3f: {  	s15 =	rddreg [dreg:$0x18]  }
0x40: {  	s26 =	rddreg [dreg:$0x12];
	s15 =	sadd.s32 $0x1, s15  }
0x41: {  	p0 =	sne.s32 s15, s26  }
.Ltmp1:
0x42: {  	_ = 	snop;
	(pc) =	sbr.rel @!p0 .LBB2_5-.Ltmp1, $3  }
0x43: {  	_ =	sdelay $0x1  }
0x44: {  	[sflag:s13] =	ssyncset.done $0x0  }
0x45: {  	[sflag:s13] =	ssyncadd.s32 $0xFFFFD800  }
.LBB2_1:
0x46: {  	[dreg:$0x18] =	wrdreg s15  }
0x47: {  	s7 =	rddreg [dreg:$0x4]  }
0x48: {  	s24 =	rddreg [dreg:$0x5];
	s23 =	sshrl.u32 s7, $0x3  }
0x49: {  	[dreg:$0x19] =	wrdreg s23  }
0x4a: {  	[spmem:s23], [sflag:s14] =	dma.local [hbm:s24], $0x2800  }
0x4b: {  	_ =	swait.ge [sflag:s13], $0x2800  }
0x4c: {  	[sflag:s13] =	ssyncset.done $0x0  }
0x4d: {  	[sflag:s13] =	ssyncadd.s32 $0xFFFFD800  }
0x4e: {  	[bflag:$0x0] =	sbarrier.arrive $0xFFFF  }
0x4f: {  	s25 =	rddreg [dreg:$0x7]  }
0x50: {  	s26 =	rddreg [dreg:$0x8]  }
0x51: {  	s13 =	rddreg [dreg:$0x9]  }
0x52: {  	s15 =	rddreg [dreg:$0xa]  }
0x53: {  	[tilespmem:s28], [sflag:$0x1] =	stream.linear.gather [hbm4b:s25+s3], $0x28, $0x38;
	[tilespmem:$0x1A680] =	vst v63  }
0x54: {  	s18 =	rddreg [dreg:$0xb]  }
0x55: {  	[tilespmem:s29], [sflag:$0x6] =	stream.linear.gather [hbm4b:s26+s3], $0x1400, $0x38;
	[tilespmem:$0x1A680] =	vst v63  }
0x56: {  	s14 =	simm.s32 $0x14080;
	s19 =	rddreg [dreg:$0xc]  }
0x57: {  	[tilespmem:s14], [sflag:$0x2] =	stream.linear.gather [hbm4b:s13+s3], $0x28, $0x38;
	[tilespmem:$0x1A680] =	vst v63  }
0x58: {  	s16 =	simm.s32 $0x15680;
	s21 =	rddreg [dreg:$0xd]  }
0x59: {  	[tilespmem:s16], [sflag:$0x7] =	stream.linear.gather [hbm4b:s15+s3], $0x1400, $0x38;
	[tilespmem:$0x1A680] =	vst v63  }
0x5a: {  	s23 =	rddreg [dreg:$0xe]  }
0x5b: {  	[tilespmem:s0], [sflag:$0x3] =	stream.linear.gather [hbm4b:s18+s3], $0x28, $0x38;
	[tilespmem:$0x1A680] =	vst v63  }
0x5c: {  	s25 =	rddreg [dreg:$0xf]  }
0x5d: {  	[tilespmem:s1], [sflag:$0x8] =	stream.linear.gather [hbm4b:s19+s3], $0x1400, $0x38;
	[tilespmem:$0x1A680] =	vst v63  }
0x5e: {  	s22 =	simm.s32 $0x14180;
	s26 =	rddreg [dreg:$0x10]  }
0x5f: {  	[tilespmem:s22], [sflag:$0x4] =	stream.linear.gather [hbm4b:s21+s3], $0x28, $0x38;
	[tilespmem:$0x1A680] =	vst v63  }
0x60: {  	s22 =	rddreg [dreg:$0x14]  }
0x61: {  	s24 =	simm.s32 $0x17E80;
	s21 =	rddreg [dreg:$0x13]  }
0x62: {  	[tilespmem:s24], [sflag:$0x9] =	stream.linear.gather [hbm4b:s23+s3], $0x1400, $0x38;
	[tilespmem:$0x1A680] =	vst v63  }
0x63: {  	s24 =	rddreg [dreg:$0x16]  }
0x64: {  	s23 =	rddreg [dreg:$0x15]  }
0x65: {  	[tilespmem:s30], [sflag:$0x5] =	stream.linear.gather [hbm4b:s25+s3], $0x28, $0x38;
	[tilespmem:$0x1A680] =	vst v63  }
0x66: {  	s13 =	simm.s32 $0x0;
	s25 =	rddreg [dreg:$0x17]  }
0x67: {  	[tilespmem:s31], [sflag:$0xA] =	stream.linear.gather [hbm4b:s26+s3], $0x1400, $0x38;
	[tilespmem:$0x1A680] =	vst v63  }
.LBB2_2:
0x68: {  	_ =	swait.ge [sflag:s5], $0x28  }
0x69: {  	[sflag:s5] =	ssyncset.done $0x0  }
0x6a: {  	[sflag:s5] =	ssyncadd.s32 $0xFFFFFFD8  }
0x6b: {  	_ =	swait.ge [sflag:s6], $0x1400  }
0x6c: {  	p0 =	seq.s32 s13, $0x26480;
	[sflag:s6] =	ssyncset.done $0x0  }
0x6d: {  	s14 =	simm.s32 @p0 $0x2;
	[sflag:s6] =	ssyncadd.s32 $0xFFFFEC00  }
0x6e: {  	[spmem:s2] =	stream.indirect.scatter.add.f32 [tilespmem:s29], [sflag:$0xB], $0x80, s28, s8, $0xb8;
	[tilespmem:$0x1A680] =	vst v63  }
0x6f: {  	_ =	swait.ge @p0 [sflag:s14], $0x28  }
0x70: {  	[sflag:s14] =	ssyncset.done @p0 $0x0  }
0x71: {  	[sflag:s14] =	ssyncadd.s32 @p0 $0xFFFFFFD8;
	s14 =	simm.s32 @p0 $0x7  }
0x72: {  	_ =	swait.ge @p0 [sflag:s14], $0x1400  }
0x73: {  	s16 =	simm.s32 @p0 $0x28;
	[sflag:s14] =	ssyncset.done @p0 $0x0  }
0x74: {  	s15 =	simm.s32 @p0 $0x15680;
	[sflag:s14] =	ssyncadd.s32 @p0 $0xFFFFEC00;
	s14 =	simm.s32 @p0 $0x14080  }
0x75: {  	[spmem:s2] =	stream.indirect.scatter.add.f32 @p0 [tilespmem:s15], [sflag:$0xC], $0x80, s14, s16, $0xb8;
	[tilespmem:$0x1A680] =	vst v63  }
0x76: {  	s14 =	simm.s32 @!p0 $0xB  }
0x77: {  	_ =	swait.ge @!p0 [sflag:s14], $0x1400  }
0x78: {  	[sflag:s14] =	ssyncset.done @!p0 $0x0  }
0x79: {  	[sflag:s14] =	ssyncadd.s32 @!p0 $0xFFFFEC00;
	s14 =	sshrl.u32 @!p0 s25, $0x3  }
0x7a: {  	s7 =	simm.s32 @!p0 $0x14000;
	s15 =	sadd.s32 @!p0 s4, s14;
	s14 =	simm.s32 @!p0 $0x0  }
0x7b: {  	[tilespmem:s7], [sflag:$0x1] =	stream.linear.gather @!p0 [hbm4b:s15+s14], $0x28, $0x38;
	[tilespmem:$0x1A680] =	vst v63  }
0x7c: {  	s15 =	sadd.s32 @!p0 s13, s20  }
0x7d: {  	s26 =	simm.s32 @!p0 $0x14280;
	s7 =	sadd.s32 @!p0 $0xC80, s15  }
0x7e: {  	[tilespmem:s26], [sflag:$0x6] =	stream.linear.gather @!p0 [hbm4b:s7+s14], $0x1400, $0x38;
	[tilespmem:$0x1A680] =	vst v63  }
0x7f: {  	s7 =	simm.s32 @!p0 $0x2  }
0x80: {  	_ =	swait.ge @!p0 [sflag:s7], $0x28  }
0x81: {  	[sflag:s7] =	ssyncset.done @!p0 $0x0  }
0x82: {  	[sflag:s7] =	ssyncadd.s32 @!p0 $0xFFFFFFD8;
	s7 =	simm.s32 @!p0 $0x7  }
0x83: {  	_ =	swait.ge @!p0 [sflag:s7], $0x1400  }
0x84: {  	s19 =	simm.s32 @!p0 $0x15680;
	s18 =	simm.s32 @!p0 $0xC;
	[sflag:s7] =	ssyncset.done @!p0 $0x0  }
0x85: {  	s26 =	simm.s32 @!p0 $0x14080;
	[sflag:s7] =	ssyncadd.s32 @!p0 $0xFFFFEC00;
	s7 =	simm.s32 @!p0 $0x28  }
0x86: {  	[spmem:s2] =	stream.indirect.scatter.add.f32 @!p0 [tilespmem:s19], [sflag:$0xC], $0x80, s26, s7, $0xb8;
	[tilespmem:$0x1A680] =	vst v63  }
0x87: {  	_ =	swait.ge @!p0 [sflag:s18], $0x1400  }
0x88: {  	[sflag:s18] =	ssyncset.done @!p0 $0x0  }
0x89: {  	[sflag:s18] =	ssyncadd.s32 @!p0 $0xFFFFEC00  }
0x8a: {  	[tilespmem:s26], [sflag:$0x2] =	stream.linear.gather @!p0 [hbm4b:s24+s14], $0x28, $0x38;
	[tilespmem:$0x1A680] =	vst v63  }
0x8b: {  	s18 =	sadd.s32 @!p0 $0xF00, s15  }
0x8c: {  	[tilespmem:s19], [sflag:$0x7] =	stream.linear.gather @!p0 [hbm4b:s18+s14], $0x1400, $0x38;
	[tilespmem:$0x1A680] =	vst v63  }
0x8d: {  	_ =	swait.ge [sflag:s9], $0x28  }
0x8e: {  	[sflag:s9] =	ssyncset.done $0x0  }
0x8f: {  	[sflag:s9] =	ssyncadd.s32 $0xFFFFFFD8  }
0x90: {  	_ =	swait.ge [sflag:s10], $0x1400  }
0x91: {  	[sflag:s10] =	ssyncset.done $0x0  }
0x92: {  	s18 =	simm.s32 @p0 $0x4;
	[sflag:s10] =	ssyncadd.s32 $0xFFFFEC00  }
0x93: {  	[spmem:s2] =	stream.indirect.scatter.add.f32 [tilespmem:s1], [sflag:$0xD], $0x80, s0, s8, $0xb8;
	[tilespmem:$0x1A680] =	vst v63  }
0x94: {  	_ =	swait.ge @p0 [sflag:s18], $0x28  }
0x95: {  	[sflag:s18] =	ssyncset.done @p0 $0x0  }
0x96: {  	[sflag:s18] =	ssyncadd.s32 @p0 $0xFFFFFFD8;
	s18 =	simm.s32 @p0 $0x9  }
0x97: {  	_ =	swait.ge @p0 [sflag:s18], $0x1400  }
0x98: {  	[sflag:s18] =	ssyncset.done @p0 $0x0  }
0x99: {  	s19 =	simm.s32 @p0 $0x17E80;
	[sflag:s18] =	ssyncadd.s32 @p0 $0xFFFFEC00;
	s18 =	simm.s32 @p0 $0x14180  }
0x9a: {  	[spmem:s2] =	stream.indirect.scatter.add.f32 @p0 [tilespmem:s19], [sflag:$0xE], $0x80, s18, s16, $0xb8;
	[tilespmem:$0x1A680] =	vst v63  }
0x9b: {  	s16 =	simm.s32 @!p0 $0xD  }
0x9c: {  	_ =	swait.ge @!p0 [sflag:s16], $0x1400  }
0x9d: {  	[sflag:s16] =	ssyncset.done @!p0 $0x0  }
0x9e: {  	[sflag:s16] =	ssyncadd.s32 @!p0 $0xFFFFEC00;
	s16 =	simm.s32 @!p0 $0x14100  }
0x9f: {  	[tilespmem:s16], [sflag:$0x3] =	stream.linear.gather @!p0 [hbm4b:s23+s14], $0x28, $0x38;
	[tilespmem:$0x1A680] =	vst v63  }
0xa0: {  	s18 =	simm.s32 @!p0 $0x16A80;
	s16 =	sadd.s32 @!p0 $0x1180, s15  }
0xa1: {  	[tilespmem:s18], [sflag:$0x8] =	stream.linear.gather @!p0 [hbm4b:s16+s14], $0x1400, $0x38;
	[tilespmem:$0x1A680] =	vst v63  }
0xa2: {  	s16 =	simm.s32 @!p0 $0x4  }
0xa3: {  	_ =	swait.ge @!p0 [sflag:s16], $0x28  }
0xa4: {  	[sflag:s16] =	ssyncset.done @!p0 $0x0  }
0xa5: {  	[sflag:s16] =	ssyncadd.s32 @!p0 $0xFFFFFFD8;
	s16 =	simm.s32 @!p0 $0x9  }
0xa6: {  	_ =	swait.ge @!p0 [sflag:s16], $0x1400  }
0xa7: {  	[sflag:s16] =	ssyncset.done @!p0 $0x0  }
0xa8: {  	s18 =	simm.s32 @!p0 $0x17E80;
	[sflag:s16] =	ssyncadd.s32 @!p0 $0xFFFFEC00;
	s16 =	simm.s32 @!p0 $0x14180  }
0xa9: {  	[spmem:s2] =	stream.indirect.scatter.add.f32 @!p0 [tilespmem:s18], [sflag:$0xE], $0x80, s16, s7, $0xb8;
	[tilespmem:$0x1A680] =	vst v63  }
0xaa: {  	s7 =	simm.s32 @!p0 $0xE  }
0xab: {  	_ =	swait.ge @!p0 [sflag:s7], $0x1400  }
0xac: {  	[sflag:s7] =	ssyncset.done @!p0 $0x0  }
0xad: {  	[sflag:s7] =	ssyncadd.s32 @!p0 $0xFFFFEC00  }
0xae: {  	[tilespmem:s16], [sflag:$0x4] =	stream.linear.gather @!p0 [hbm4b:s22+s14], $0x28, $0x38;
	[tilespmem:$0x1A680] =	vst v63  }
0xaf: {  	s7 =	sadd.s32 @!p0 $0x1400, s15  }
0xb0: {  	[tilespmem:s18], [sflag:$0x9] =	stream.linear.gather @!p0 [hbm4b:s7+s14], $0x1400, $0x38;
	[tilespmem:$0x1A680] =	vst v63  }
0xb1: {  	_ =	swait.ge [sflag:s11], $0x28  }
0xb2: {  	[sflag:s11] =	ssyncset.done $0x0  }
.Ltmp2:
0xb3: {  	[sflag:s11] =	ssyncadd.s32 $0xFFFFFFD8;
	(pc) =	sbr.rel @p0 .LBB2_4-.Ltmp2, $4  }
0xb4: {  	_ =	swait.ge [sflag:s12], $0x1400  }
0xb5: {  	[sflag:s12] =	ssyncset.done $0x0  }
0xb6: {  	[sflag:s12] =	ssyncadd.s32 $0xFFFFEC00  }
0xb7: {  	[spmem:s2] =	stream.indirect.scatter.add.f32 [tilespmem:s31], [sflag:$0xF], $0x80, s30, s8, $0xb8;
	[tilespmem:$0x1A680] =	vst v63  }
0xb8: {  	_ =	swait.ge [sflag:s17], $0x1400;
	s7 =	sadd.s32 s13, s20;
	s13 =	sadd.s32 $0xC80, s13  }
.Ltmp3:
0xb9: {  	s22 =	sadd.s32 $0x19, s22;
	[sflag:s17] =	ssyncset.done $0x0;
	(pc) =	sbr.rel .LBB2_2-.Ltmp3, $4  }
0xba: {  	s23 =	sadd.s32 $0x19, s23;
	s24 =	sadd.s32 $0x19, s24;
	[sflag:s17] =	ssyncadd.s32 $0xFFFFEC00  }
0xbb: {  	[tilespmem:s30], [sflag:$0x5] =	stream.linear.gather [hbm4b:s21+s3], $0x28, $0x38;
	[tilespmem:$0x1A680] =	vst v63  }
0xbc: {  	s25 =	sadd.s32 $0xC8, s25;
	s7 =	sadd.s32 $0x1680, s7;
	s21 =	sadd.s32 $0x19, s21  }
0xbd: {  	[tilespmem:s31], [sflag:$0xA] =	stream.linear.gather [hbm4b:s7+s3], $0x1400, $0x38;
	[tilespmem:$0x1A680] =	vst v63  }
.LBB2_5:
0xbe: {  	_ =	sfence.sel $0x180000  }
0xbf: {  	[bflag:$0x0] =	sbarrier.arrive $0xFFFF  }
0xc0: {  	_ =	strace $0x90000050  }
0xc1: {  	s0 =	stileid.u32;
	[bflag:$0x2] =	sbarrier.arrive $0xFFFF  }
0xc2: {  	p0 =	sne.s32 s0, $0x0;
	s0 =	rddreg [dreg:$0x3]  }
0xc3: {  	s0 =	sadd.s32 @!p0 $0x100000, s0  }
0xc4: {  	[sflag:s0] =	ssyncadd.tile.s32 @!p0 $0x1;
	_ =	shalt  }
.Lfunc_end2:
_tile_overlayer_lowered:
.L_overlay_start_2:
0xc5: {  	(tag) =	ssettag $0x2  }
0xc6: {  	s0 =	rddreg [dreg:$0x0];
	s2 =	stileid.u32  }
0xc7: {  	s1 =	rddreg [dreg:$0x1];
	p0 =	sne.s32 s2, $0x0  }
0xc8: {  	s3 =	rddreg [dreg:$0x2];
	[bflag:$0x3] =	sbarrier.arrive $0xFFFF;
	s2 =	simm.s32 @!p0 $0x1C10  }
0xc9: {  	[timem:s3], [sflag:s2] =	dma.local @!p0 [hbm:s0], s1  }
0xca: {  	s0 =	simm.s32 @!p0 $0x10  }
0xcb: {  	_ =	swait.ge @!p0 [sflag:s0], s1  }
0xcc: {  	s1 =	ssub.s32 @!p0 $0x0, s1;
	[sflag:s0] =	ssyncset.done @!p0 $0x0  }
0xcd: {  	[sflag:s0] =	ssyncadd.s32 @!p0 s1  }
0xce: {  	[bflag:$0x3] =	sbarrier.arrive $0xFFFF  }
0xcf: {  	_ =	shalt  }

</sc_bundles>
